<compile_context>
chip_gen: v7x
topology: tpu7x:2x2x1
jax: 0.10.2.dev20260603
libtpu: 0.0.44.dev20260713+nightly
codegen_flags: <defaults>
</compile_context>

<pallas_src>
import functools

import jax
import jax.numpy as jnp
from jax import lax
from jax.experimental import pallas as pl
from jax.experimental.pallas import tpu as pltpu
from jax.experimental.pallas import tpu_sc as plsc

B = 4096
L = 200
D = 64
LANES = 16
NVR = D // LANES
NFULL = L // LANES
LREM = L - NFULL * LANES
NBUF = 4

_info = plsc.get_sparse_core_info()
_NC, _NS = _info.num_cores, _info.num_subcores
NW = _NC * _NS
RPW = B // NW


def _tec_body(idx_hbm, table_hbm, out_hbm, idx_all,
              rows0, rows1, rows2, rows3, t0_v, out_blk,
              sem0, sem1, sem2, sem3):
    bufs = (rows0, rows1, rows2, rows3)
    sems = (sem0, sem1, sem2, sem3)
    wid = lax.axis_index("s") * _NC + lax.axis_index("c")
    row0 = wid * RPW

    pltpu.sync_copy(idx_hbm.at[pl.ds(row0 * L, RPW * L)],
                    idx_all.at[pl.ds(0, RPW * L)])
    pltpu.sync_copy(table_hbm.at[0], t0_v)

    lane = lax.iota(jnp.int32, LANES)
    last_mask = lane < LREM
    zero = jnp.zeros((LANES,), jnp.float32)
    t0 = [t0_v[pl.ds(k * LANES, LANES)] for k in range(NVR)]

    def gather_copies(r, buf, sem):
        off = r * L
        c1 = pltpu.make_async_copy(
            table_hbm.at[idx_all.at[pl.ds(off, 128)]],
            buf.at[pl.ds(0, 128)], sem)
        c2 = pltpu.make_async_copy(
            table_hbm.at[idx_all.at[pl.ds(off + 128, L - 128)]],
            buf.at[pl.ds(128, L - 128)], sem)
        return c1, c2

    def row_step(r, b):
        buf, sem = bufs[b], sems[b]
        off = r * L
        n0v = jnp.zeros((LANES,), jnp.int32)
        for k in range(NFULL):
            v = idx_all[pl.ds(off + k * LANES, LANES)]
            n0v = n0v + plsc.all_reduce_population_count(v == 0)
        v = idx_all[pl.ds(off + NFULL * LANES, LANES)]
        n0v = n0v + plsc.all_reduce_population_count((v == 0) & last_mask)

        c1, c2 = gather_copies(r, buf, sem)
        c1.wait()
        c2.wait()

        def acc_body(j, accs):
            return tuple(accs[k] + buf[j, pl.ds(k * LANES, LANES)]
                         for k in range(NVR))
        accs = lax.fori_loop(0, L, acc_body, (zero, zero, zero, zero),
                             unroll=8)

        rn = jnp.minimum(r + NBUF, RPW - 1)
        f1, f2 = gather_copies(rn, buf, sem)
        f1.start()
        f2.start()

        n0f = n0v.astype(jnp.float32)
        cntv = jnp.float32(L) - n0f
        scalev = jnp.where(cntv > 0.0, 1.0 / jnp.maximum(cntv, 1.0), 0.0)
        for k in range(NVR):
            out_blk[pl.ds(r * D + k * LANES, LANES)] = \
                (accs[k] - n0f * t0[k]) * scalev

    for b in range(NBUF):
        c1, c2 = gather_copies(jnp.int32(b), bufs[b], sems[b])
        c1.start()
        c2.start()

    def body(i, carry):
        for b in range(NBUF):
            row_step(i * NBUF + b, b)
        return carry

    lax.fori_loop(0, RPW // NBUF, body, 0)

    for b in range(NBUF):
        c1, c2 = gather_copies(0, bufs[b], sems[b])
        c1.wait()
        c2.wait()

    pltpu.sync_copy(out_blk, out_hbm.at[pl.ds(row0 * D, RPW * D)])


_sc_call = functools.partial(
    pl.kernel,
    mesh=plsc.VectorSubcoreMesh(core_axis_name="c", subcore_axis_name="s"),
    out_type=jax.ShapeDtypeStruct((B * D,), jnp.float32),
    compiler_params=pltpu.CompilerParams(
        needs_layout_passes=False, use_tc_tiling_on_sc=False),
    scratch_types=[
        pltpu.VMEM((RPW * L + LANES,), jnp.int32),
        pltpu.VMEM((L, D), jnp.float32),
        pltpu.VMEM((L, D), jnp.float32),
        pltpu.VMEM((L, D), jnp.float32),
        pltpu.VMEM((L, D), jnp.float32),
        pltpu.VMEM((D,), jnp.float32),
        pltpu.VMEM((RPW * D,), jnp.float32),
        pltpu.SemaphoreType.DMA,
        pltpu.SemaphoreType.DMA,
        pltpu.SemaphoreType.DMA,
        pltpu.SemaphoreType.DMA,
    ],
)(_tec_body)



V = 1000000
NTFULL = V // 128
VREM = V - NTFULL * 128
GRP = 4
SLOTS = 248

_lane = None


def _transpose_body(t_hbm, rag_hbm, p_hbm, *refs):
    in_bufs = refs[0:GRP]
    out_bufs = refs[GRP:2 * GRP]
    in_sems = refs[2 * GRP:3 * GRP]
    out_sems = refs[3 * GRP:4 * GRP]

    wid = lax.axis_index("s") * _NC + lax.axis_index("c")
    n_w = (NTFULL - 1 - wid) // NW + 1
    lane = lax.iota(jnp.int32, LANES)
    rvs = [(c * LANES + lane) // 2 for c in range(8)]
    cbs = [(c * LANES + lane) % 2 * D for c in range(8)]

    def slot_j(t):
        return wid + NW * jnp.minimum(t, n_w - 1)

    def in_copy(t, b):
        j = slot_j(t)
        return pltpu.make_async_copy(
            t_hbm.at[:, pl.ds(j * 128, 128)], in_bufs[b], in_sems[b])

    def out_copy(t, b):
        j = slot_j(t)
        return pltpu.make_async_copy(
            out_bufs[b].at[:, pl.ds(0, 128)],
            p_hbm.at[pl.ds(j * D, D)], out_sems[b])

    def transpose_block(src, dst, ncols):
        @plsc.parallel_loop(0, D, unroll=8)
        def _(d):
            for c in range(ncols // LANES):
                x = src[d, pl.ds(c * LANES, LANES)]
                plsc.store_scatter(dst, [rvs[c], cbs[c] + d], x)

    for b in range(GRP):
        in_copy(jnp.int32(b), b).start()

    def group_body(q, carry):
        base = q * GRP
        for b in range(GRP):
            t = base + b
            in_copy(t, b).wait()
            transpose_block(in_bufs[b], out_bufs[b], 128)
            in_copy(jnp.minimum(t + GRP, SLOTS - 1), b).start()
            out_copy(t, b).start()
        for b in range(GRP):
            out_copy(base + b, b).wait()
        return carry

    lax.fori_loop(0, SLOTS // GRP, group_body, 0)

    for b in range(GRP):
        in_copy(0, b).wait()

    @pl.when(wid == (NTFULL % NW))
    def _():
        pltpu.sync_copy(rag_hbm, in_bufs[0].at[pl.ds(0, VREM // 2)])
        pltpu.sync_copy(in_bufs[0].at[pl.ds(0, VREM // 2)],
                        p_hbm.at[pl.ds(NTFULL * D, VREM // 2)])


_transpose_call = functools.partial(
    pl.kernel,
    mesh=plsc.VectorSubcoreMesh(core_axis_name="c", subcore_axis_name="s"),
    out_type=jax.ShapeDtypeStruct((V // 2, 2 * D), jnp.float32),
    compiler_params=pltpu.CompilerParams(
        needs_layout_passes=False, use_tc_tiling_on_sc=True),
    scratch_types=(
        [pltpu.VMEM((D, 128), jnp.float32) for _ in range(GRP)] +
        [pltpu.VMEM((D, 129), jnp.float32) for _ in range(GRP)] +
        [pltpu.SemaphoreType.DMA for _ in range(2 * GRP)]
    ),
)(_transpose_body)


def kernel(inputs, table):
    idx_flat = inputs.reshape(-1).astype(jnp.int32)
    rag = table[NTFULL * 128:].reshape(VREM // 2, 2 * D)
    packed = _transpose_call(table.T, rag)
    table_lin = packed.reshape(V, D)
    out_flat = _sc_call(idx_flat, table_lin)
    return out_flat.reshape(B, 1, D)

# --- scband reference (transcript-rebuilt; emitter-appended) ---
"""Pipeline reference for scband-masked-embedding-mean-28355374088888 (READ-ONLY COPY).

The authoritative reference and input builder live on the scoring server;
editing this copy changes nothing except your own understanding.
"""

import jax, jax.numpy as jnp
import numpy as np

HASH_BUCKET_SIZE = 1000000
EMBEDDING_DIM = 64
BATCH = 4096
HIST_LEN = 200

def setup_inputs(seed: int = 0) -> dict:
    key = jax.random.key(seed)
    k_idx, k_tab = jax.random.split(key)
    inputs = jax.random.randint(k_idx, (BATCH, HIST_LEN), 0, HASH_BUCKET_SIZE, dtype=jnp.int64 if jax.config.jax_enable_x64 else jnp.int32)
    # glorot_uniform for Embedding: limit = sqrt(6/(fan_in+fan_out)) with fan_in=vocab, fan_out=dim
    limit = float(np.sqrt(6.0 / (HASH_BUCKET_SIZE + EMBEDDING_DIM)))
    table = jax.random.uniform(k_tab, (HASH_BUCKET_SIZE, EMBEDDING_DIM), minval=-limit, maxval=limit, dtype=jnp.float32)
    return {"inputs": inputs, "table": table}

def reference(inputs, table):
    # embedding lookup
    original_embedding = jnp.take(table, inputs, axis=0)  # [B, L, D]
    mask_tensor = 1.0 - (inputs == 0).astype(jnp.float32)  # [B, L]
    embedding_mask_tensor = jnp.repeat(jnp.expand_dims(mask_tensor, axis=-1), EMBEDDING_DIM, axis=-1)  # [B, L, D]
    num = jnp.sum(original_embedding * embedding_mask_tensor, axis=1)  # [B, D]
    den = jnp.sum(embedding_mask_tensor, axis=1)  # [B, D]
    mean_tensor = jnp.where(den == 0, jnp.zeros_like(num), num / jnp.where(den == 0, jnp.ones_like(den), den))  # divide_no_nan
    return jnp.expand_dims(mean_tensor, axis=1)  # [B, 1, D]

if __name__ == "__main__":
    import jax
    _d = setup_inputs()
    print(jax.jit(kernel)(*tuple(_d.values())))

</pallas_src>

<mosaic_0001>
#map = affine_map<(d0, d1) -> (0, 0)>
module attributes {stable_mosaic.version = 14 : i64} {
  func.func @_transpose_body(%arg0: i32, %arg1: i32, %arg2: memref<64x1000000xf32, #tpu.memory_space<hbm>>, %arg3: memref<32x128xf32, #tpu.memory_space<hbm>>, %arg4: memref<500000x128xf32, #tpu.memory_space<hbm>>, %arg5: memref<64x128xf32, #tpu.memory_space<vmem>>, %arg6: memref<64x128xf32, #tpu.memory_space<vmem>>, %arg7: memref<64x128xf32, #tpu.memory_space<vmem>>, %arg8: memref<64x128xf32, #tpu.memory_space<vmem>>, %arg9: memref<64x129xf32, #tpu.memory_space<vmem>>, %arg10: memref<64x129xf32, #tpu.memory_space<vmem>>, %arg11: memref<64x129xf32, #tpu.memory_space<vmem>>, %arg12: memref<64x129xf32, #tpu.memory_space<vmem>>, %arg13: memref<!tpu.dma_semaphore, #tpu.memory_space<semaphore_mem>>, %arg14: memref<!tpu.dma_semaphore, #tpu.memory_space<semaphore_mem>>, %arg15: memref<!tpu.dma_semaphore, #tpu.memory_space<semaphore_mem>>, %arg16: memref<!tpu.dma_semaphore, #tpu.memory_space<semaphore_mem>>, %arg17: memref<!tpu.dma_semaphore, #tpu.memory_space<semaphore_mem>>, %arg18: memref<!tpu.dma_semaphore, #tpu.memory_space<semaphore_mem>>, %arg19: memref<!tpu.dma_semaphore, #tpu.memory_space<semaphore_mem>>, %arg20: memref<!tpu.dma_semaphore, #tpu.memory_space<semaphore_mem>>) attributes {dimension_semantics = [#tpu.dimension_semantics<core_parallel>, #tpu.dimension_semantics<subcore_parallel>], iteration_bounds = array<i64: 2, 16>, scalar_prefetch = 0 : i64, scratch_operands = 16 : i64, tpu.core_type = #tpu.core_type<sc_vector_subcore>, window_params = [{transform_indices = #map}, {transform_indices = #map}, {transform_indices = #map}]} {
    %mul3A = arith.constant 2 : i32
    %mul3A_0 = arith.muli %arg1, %mul3A : i32
    %add3A = arith.addi %mul3A_0, %arg0 : i32
    %sub3A = arith.constant 7811 : i32
    %sub3A_1 = arith.subi %sub3A, %add3A : i32
    %jit3A = arith.constant 32 : i32
    %div3A = arith.divsi %sub3A_1, %jit3A : i32
    %sign3A = arith.constant 0 : i32
    %sign3A_2 = arith.cmpi sgt, %sub3A_1, %sign3A : i32
    %sign3A_3 = arith.extui %sign3A_2 : i1 to i32
    %sign3A_4 = arith.constant 0 : i32
    %sign3A_5 = arith.cmpi slt, %sub3A_1, %sign3A_4 : i32
    %sign3A_6 = arith.extui %sign3A_5 : i1 to i32
    %sign3A_7 = arith.subi %sign3A_3, %sign3A_6 : i32
    %sign3A_8 = arith.constant 0 : i32
    %sign3A_9 = arith.cmpi sgt, %jit3A, %sign3A_8 : i32
    %sign3A_10 = arith.extui %sign3A_9 : i1 to i32
    %sign3A_11 = arith.constant 0 : i32
    %sign3A_12 = arith.cmpi slt, %jit3A, %sign3A_11 : i32
    %sign3A_13 = arith.extui %sign3A_12 : i1 to i32
    %sign3A_14 = arith.subi %sign3A_10, %sign3A_13 : i32
    %ne3A = arith.cmpi ne, %sign3A_7, %sign3A_14 : i32
    %rem3A = arith.remsi %sub3A_1, %jit3A : i32
    %ne3A_15 = arith.constant 0 : i32
    %ne3A_16 = arith.cmpi ne, %rem3A, %ne3A_15 : i32
    %and3A = arith.andi %ne3A, %ne3A_16 : i1
    %sub3A_17 = arith.constant 1 : i32
    %sub3A_18 = arith.subi %div3A, %sub3A_17 : i32
    %select_n3A = arith.select %and3A, %sub3A_18, %div3A : i32
    %add3A_19 = arith.constant 1 : i32
    %add3A_20 = arith.addi %select_n3A, %add3A_19 : i32
    %iota3A = tpu.iota {dimensions = array<i32: 0>} : vector<16xi32>
    %add3A_21 = arith.constant 0 : i32
    %add3A_22 = vector.broadcast %add3A_21 : i32 to vector<16xi32>
    %add3A_23 = arith.addi %add3A_22, %iota3A : vector<16xi32>
    %jit3A_24 = arith.constant 2 : i32
    %div3A_25 = vector.broadcast %jit3A_24 : i32 to vector<16xi32>
    %div3A_26 = arith.divsi %add3A_23, %div3A_25 : vector<16xi32>
    %sign3A_27 = arith.constant 0 : i32
    %sign3A_28 = vector.broadcast %sign3A_27 : i32 to vector<16xi32>
    %sign3A_29 = arith.cmpi sgt, %add3A_23, %sign3A_28 : vector<16xi32>
    %sign3A_30 = arith.extui %sign3A_29 : vector<16xi1> to vector<16xi32>
    %sign3A_31 = arith.constant 0 : i32
    %sign3A_32 = vector.broadcast %sign3A_31 : i32 to vector<16xi32>
    %sign3A_33 = arith.cmpi slt, %add3A_23, %sign3A_32 : vector<16xi32>
    %sign3A_34 = arith.extui %sign3A_33 : vector<16xi1> to vector<16xi32>
    %sign3A_35 = arith.subi %sign3A_30, %sign3A_34 : vector<16xi32>
    %sign3A_36 = arith.constant 0 : i32
    %sign3A_37 = arith.cmpi sgt, %jit3A_24, %sign3A_36 : i32
    %sign3A_38 = arith.extui %sign3A_37 : i1 to i32
    %sign3A_39 = arith.constant 0 : i32
    %sign3A_40 = arith.cmpi slt, %jit3A_24, %sign3A_39 : i32
    %sign3A_41 = arith.extui %sign3A_40 : i1 to i32
    %sign3A_42 = arith.subi %sign3A_38, %sign3A_41 : i32
    %ne3A_43 = vector.broadcast %sign3A_42 : i32 to vector<16xi32>
    %ne3A_44 = arith.cmpi ne, %sign3A_35, %ne3A_43 : vector<16xi32>
    %rem3A_45 = vector.broadcast %jit3A_24 : i32 to vector<16xi32>
    %rem3A_46 = arith.remsi %add3A_23, %rem3A_45 : vector<16xi32>
    %ne3A_47 = arith.constant 0 : i32
    %ne3A_48 = vector.broadcast %ne3A_47 : i32 to vector<16xi32>
    %ne3A_49 = arith.cmpi ne, %rem3A_46, %ne3A_48 : vector<16xi32>
    %and3A_50 = arith.andi %ne3A_44, %ne3A_49 : vector<16xi1>
    %sub3A_51 = arith.constant 1 : i32
    %sub3A_52 = vector.broadcast %sub3A_51 : i32 to vector<16xi32>
    %sub3A_53 = arith.subi %div3A_26, %sub3A_52 : vector<16xi32>
    %select_n3A_54 = arith.select %and3A_50, %sub3A_53, %div3A_26 : vector<16xi1>, vector<16xi32>
    %add3A_55 = arith.constant 16 : i32
    %add3A_56 = vector.broadcast %add3A_55 : i32 to vector<16xi32>
    %add3A_57 = arith.addi %add3A_56, %iota3A : vector<16xi32>
    %jit3A_58 = arith.constant 2 : i32
    %div3A_59 = vector.broadcast %jit3A_58 : i32 to vector<16xi32>
    %div3A_60 = arith.divsi %add3A_57, %div3A_59 : vector<16xi32>
    %sign3A_61 = arith.constant 0 : i32
    %sign3A_62 = vector.broadcast %sign3A_61 : i32 to vector<16xi32>
    %sign3A_63 = arith.cmpi sgt, %add3A_57, %sign3A_62 : vector<16xi32>
    %sign3A_64 = arith.extui %sign3A_63 : vector<16xi1> to vector<16xi32>
    %sign3A_65 = arith.constant 0 : i32
    %sign3A_66 = vector.broadcast %sign3A_65 : i32 to vector<16xi32>
    %sign3A_67 = arith.cmpi slt, %add3A_57, %sign3A_66 : vector<16xi32>
    %sign3A_68 = arith.extui %sign3A_67 : vector<16xi1> to vector<16xi32>
    %sign3A_69 = arith.subi %sign3A_64, %sign3A_68 : vector<16xi32>
    %sign3A_70 = arith.constant 0 : i32
    %sign3A_71 = arith.cmpi sgt, %jit3A_58, %sign3A_70 : i32
    %sign3A_72 = arith.extui %sign3A_71 : i1 to i32
    %sign3A_73 = arith.constant 0 : i32
    %sign3A_74 = arith.cmpi slt, %jit3A_58, %sign3A_73 : i32
    %sign3A_75 = arith.extui %sign3A_74 : i1 to i32
    %sign3A_76 = arith.subi %sign3A_72, %sign3A_75 : i32
    %ne3A_77 = vector.broadcast %sign3A_76 : i32 to vector<16xi32>
    %ne3A_78 = arith.cmpi ne, %sign3A_69, %ne3A_77 : vector<16xi32>
    %rem3A_79 = vector.broadcast %jit3A_58 : i32 to vector<16xi32>
    %rem3A_80 = arith.remsi %add3A_57, %rem3A_79 : vector<16xi32>
    %ne3A_81 = arith.constant 0 : i32
    %ne3A_82 = vector.broadcast %ne3A_81 : i32 to vector<16xi32>
    %ne3A_83 = arith.cmpi ne, %rem3A_80, %ne3A_82 : vector<16xi32>
    %and3A_84 = arith.andi %ne3A_78, %ne3A_83 : vector<16xi1>
    %sub3A_85 = arith.constant 1 : i32
    %sub3A_86 = vector.broadcast %sub3A_85 : i32 to vector<16xi32>
    %sub3A_87 = arith.subi %div3A_60, %sub3A_86 : vector<16xi32>
    %select_n3A_88 = arith.select %and3A_84, %sub3A_87, %div3A_60 : vector<16xi1>, vector<16xi32>
    %add3A_89 = arith.constant 32 : i32
    %add3A_90 = vector.broadcast %add3A_89 : i32 to vector<16xi32>
    %add3A_91 = arith.addi %add3A_90, %iota3A : vector<16xi32>
    %jit3A_92 = arith.constant 2 : i32
    %div3A_93 = vector.broadcast %jit3A_92 : i32 to vector<16xi32>
    %div3A_94 = arith.divsi %add3A_91, %div3A_93 : vector<16xi32>
    %sign3A_95 = arith.constant 0 : i32
    %sign3A_96 = vector.broadcast %sign3A_95 : i32 to vector<16xi32>
    %sign3A_97 = arith.cmpi sgt, %add3A_91, %sign3A_96 : vector<16xi32>
    %sign3A_98 = arith.extui %sign3A_97 : vector<16xi1> to vector<16xi32>
    %sign3A_99 = arith.constant 0 : i32
    %sign3A_100 = vector.broadcast %sign3A_99 : i32 to vector<16xi32>
    %sign3A_101 = arith.cmpi slt, %add3A_91, %sign3A_100 : vector<16xi32>
    %sign3A_102 = arith.extui %sign3A_101 : vector<16xi1> to vector<16xi32>
    %sign3A_103 = arith.subi %sign3A_98, %sign3A_102 : vector<16xi32>
    %sign3A_104 = arith.constant 0 : i32
    %sign3A_105 = arith.cmpi sgt, %jit3A_92, %sign3A_104 : i32
    %sign3A_106 = arith.extui %sign3A_105 : i1 to i32
    %sign3A_107 = arith.constant 0 : i32
    %sign3A_108 = arith.cmpi slt, %jit3A_92, %sign3A_107 : i32
    %sign3A_109 = arith.extui %sign3A_108 : i1 to i32
    %sign3A_110 = arith.subi %sign3A_106, %sign3A_109 : i32
    %ne3A_111 = vector.broadcast %sign3A_110 : i32 to vector<16xi32>
    %ne3A_112 = arith.cmpi ne, %sign3A_103, %ne3A_111 : vector<16xi32>
    %rem3A_113 = vector.broadcast %jit3A_92 : i32 to vector<16xi32>
    %rem3A_114 = arith.remsi %add3A_91, %rem3A_113 : vector<16xi32>
    %ne3A_115 = arith.constant 0 : i32
    %ne3A_116 = vector.broadcast %ne3A_115 : i32 to vector<16xi32>
    %ne3A_117 = arith.cmpi ne, %rem3A_114, %ne3A_116 : vector<16xi32>
    %and3A_118 = arith.andi %ne3A_112, %ne3A_117 : vector<16xi1>
    %sub3A_119 = arith.constant 1 : i32
    %sub3A_120 = vector.broadcast %sub3A_119 : i32 to vector<16xi32>
    %sub3A_121 = arith.subi %div3A_94, %sub3A_120 : vector<16xi32>
    %select_n3A_122 = arith.select %and3A_118, %sub3A_121, %div3A_94 : vector<16xi1>, vector<16xi32>
    %add3A_123 = arith.constant 48 : i32
    %add3A_124 = vector.broadcast %add3A_123 : i32 to vector<16xi32>
    %add3A_125 = arith.addi %add3A_124, %iota3A : vector<16xi32>
    %jit3A_126 = arith.constant 2 : i32
    %div3A_127 = vector.broadcast %jit3A_126 : i32 to vector<16xi32>
    %div3A_128 = arith.divsi %add3A_125, %div3A_127 : vector<16xi32>
    %sign3A_129 = arith.constant 0 : i32
    %sign3A_130 = vector.broadcast %sign3A_129 : i32 to vector<16xi32>
    %sign3A_131 = arith.cmpi sgt, %add3A_125, %sign3A_130 : vector<16xi32>
    %sign3A_132 = arith.extui %sign3A_131 : vector<16xi1> to vector<16xi32>
    %sign3A_133 = arith.constant 0 : i32
    %sign3A_134 = vector.broadcast %sign3A_133 : i32 to vector<16xi32>
    %sign3A_135 = arith.cmpi slt, %add3A_125, %sign3A_134 : vector<16xi32>
    %sign3A_136 = arith.extui %sign3A_135 : vector<16xi1> to vector<16xi32>
    %sign3A_137 = arith.subi %sign3A_132, %sign3A_136 : vector<16xi32>
    %sign3A_138 = arith.constant 0 : i32
    %sign3A_139 = arith.cmpi sgt, %jit3A_126, %sign3A_138 : i32
    %sign3A_140 = arith.extui %sign3A_139 : i1 to i32
    %sign3A_141 = arith.constant 0 : i32
    %sign3A_142 = arith.cmpi slt, %jit3A_126, %sign3A_141 : i32
    %sign3A_143 = arith.extui %sign3A_142 : i1 to i32
    %sign3A_144 = arith.subi %sign3A_140, %sign3A_143 : i32
    %ne3A_145 = vector.broadcast %sign3A_144 : i32 to vector<16xi32>
    %ne3A_146 = arith.cmpi ne, %sign3A_137, %ne3A_145 : vector<16xi32>
    %rem3A_147 = vector.broadcast %jit3A_126 : i32 to vector<16xi32>
    %rem3A_148 = arith.remsi %add3A_125, %rem3A_147 : vector<16xi32>
    %ne3A_149 = arith.constant 0 : i32
    %ne3A_150 = vector.broadcast %ne3A_149 : i32 to vector<16xi32>
    %ne3A_151 = arith.cmpi ne, %rem3A_148, %ne3A_150 : vector<16xi32>
    %and3A_152 = arith.andi %ne3A_146, %ne3A_151 : vector<16xi1>
    %sub3A_153 = arith.constant 1 : i32
    %sub3A_154 = vector.broadcast %sub3A_153 : i32 to vector<16xi32>
    %sub3A_155 = arith.subi %div3A_128, %sub3A_154 : vector<16xi32>
    %select_n3A_156 = arith.select %and3A_152, %sub3A_155, %div3A_128 : vector<16xi1>, vector<16xi32>
    %add3A_157 = arith.constant 64 : i32
    %add3A_158 = vector.broadcast %add3A_157 : i32 to vector<16xi32>
    %add3A_159 = arith.addi %add3A_158, %iota3A : vector<16xi32>
    %jit3A_160 = arith.constant 2 : i32
    %div3A_161 = vector.broadcast %jit3A_160 : i32 to vector<16xi32>
    %div3A_162 = arith.divsi %add3A_159, %div3A_161 : vector<16xi32>
    %sign3A_163 = arith.constant 0 : i32
    %sign3A_164 = vector.broadcast %sign3A_163 : i32 to vector<16xi32>
    %sign3A_165 = arith.cmpi sgt, %add3A_159, %sign3A_164 : vector<16xi32>
    %sign3A_166 = arith.extui %sign3A_165 : vector<16xi1> to vector<16xi32>
    %sign3A_167 = arith.constant 0 : i32
    %sign3A_168 = vector.broadcast %sign3A_167 : i32 to vector<16xi32>
    %sign3A_169 = arith.cmpi slt, %add3A_159, %sign3A_168 : vector<16xi32>
    %sign3A_170 = arith.extui %sign3A_169 : vector<16xi1> to vector<16xi32>
    %sign3A_171 = arith.subi %sign3A_166, %sign3A_170 : vector<16xi32>
    %sign3A_172 = arith.constant 0 : i32
    %sign3A_173 = arith.cmpi sgt, %jit3A_160, %sign3A_172 : i32
    %sign3A_174 = arith.extui %sign3A_173 : i1 to i32
    %sign3A_175 = arith.constant 0 : i32
    %sign3A_176 = arith.cmpi slt, %jit3A_160, %sign3A_175 : i32
    %sign3A_177 = arith.extui %sign3A_176 : i1 to i32
    %sign3A_178 = arith.subi %sign3A_174, %sign3A_177 : i32
    %ne3A_179 = vector.broadcast %sign3A_178 : i32 to vector<16xi32>
    %ne3A_180 = arith.cmpi ne, %sign3A_171, %ne3A_179 : vector<16xi32>
    %rem3A_181 = vector.broadcast %jit3A_160 : i32 to vector<16xi32>
    %rem3A_182 = arith.remsi %add3A_159, %rem3A_181 : vector<16xi32>
    %ne3A_183 = arith.constant 0 : i32
    %ne3A_184 = vector.broadcast %ne3A_183 : i32 to vector<16xi32>
    %ne3A_185 = arith.cmpi ne, %rem3A_182, %ne3A_184 : vector<16xi32>
    %and3A_186 = arith.andi %ne3A_180, %ne3A_185 : vector<16xi1>
    %sub3A_187 = arith.constant 1 : i32
    %sub3A_188 = vector.broadcast %sub3A_187 : i32 to vector<16xi32>
    %sub3A_189 = arith.subi %div3A_162, %sub3A_188 : vector<16xi32>
    %select_n3A_190 = arith.select %and3A_186, %sub3A_189, %div3A_162 : vector<16xi1>, vector<16xi32>
    %add3A_191 = arith.constant 80 : i32
    %add3A_192 = vector.broadcast %add3A_191 : i32 to vector<16xi32>
    %add3A_193 = arith.addi %add3A_192, %iota3A : vector<16xi32>
    %jit3A_194 = arith.constant 2 : i32
    %div3A_195 = vector.broadcast %jit3A_194 : i32 to vector<16xi32>
    %div3A_196 = arith.divsi %add3A_193, %div3A_195 : vector<16xi32>
    %sign3A_197 = arith.constant 0 : i32
    %sign3A_198 = vector.broadcast %sign3A_197 : i32 to vector<16xi32>
    %sign3A_199 = arith.cmpi sgt, %add3A_193, %sign3A_198 : vector<16xi32>
    %sign3A_200 = arith.extui %sign3A_199 : vector<16xi1> to vector<16xi32>
    %sign3A_201 = arith.constant 0 : i32
    %sign3A_202 = vector.broadcast %sign3A_201 : i32 to vector<16xi32>
    %sign3A_203 = arith.cmpi slt, %add3A_193, %sign3A_202 : vector<16xi32>
    %sign3A_204 = arith.extui %sign3A_203 : vector<16xi1> to vector<16xi32>
    %sign3A_205 = arith.subi %sign3A_200, %sign3A_204 : vector<16xi32>
    %sign3A_206 = arith.constant 0 : i32
    %sign3A_207 = arith.cmpi sgt, %jit3A_194, %sign3A_206 : i32
    %sign3A_208 = arith.extui %sign3A_207 : i1 to i32
    %sign3A_209 = arith.constant 0 : i32
    %sign3A_210 = arith.cmpi slt, %jit3A_194, %sign3A_209 : i32
    %sign3A_211 = arith.extui %sign3A_210 : i1 to i32
    %sign3A_212 = arith.subi %sign3A_208, %sign3A_211 : i32
    %ne3A_213 = vector.broadcast %sign3A_212 : i32 to vector<16xi32>
    %ne3A_214 = arith.cmpi ne, %sign3A_205, %ne3A_213 : vector<16xi32>
    %rem3A_215 = vector.broadcast %jit3A_194 : i32 to vector<16xi32>
    %rem3A_216 = arith.remsi %add3A_193, %rem3A_215 : vector<16xi32>
    %ne3A_217 = arith.constant 0 : i32
    %ne3A_218 = vector.broadcast %ne3A_217 : i32 to vector<16xi32>
    %ne3A_219 = arith.cmpi ne, %rem3A_216, %ne3A_218 : vector<16xi32>
    %and3A_220 = arith.andi %ne3A_214, %ne3A_219 : vector<16xi1>
    %sub3A_221 = arith.constant 1 : i32
    %sub3A_222 = vector.broadcast %sub3A_221 : i32 to vector<16xi32>
    %sub3A_223 = arith.subi %div3A_196, %sub3A_222 : vector<16xi32>
    %select_n3A_224 = arith.select %and3A_220, %sub3A_223, %div3A_196 : vector<16xi1>, vector<16xi32>
    %add3A_225 = arith.constant 96 : i32
    %add3A_226 = vector.broadcast %add3A_225 : i32 to vector<16xi32>
    %add3A_227 = arith.addi %add3A_226, %iota3A : vector<16xi32>
    %jit3A_228 = arith.constant 2 : i32
    %div3A_229 = vector.broadcast %jit3A_228 : i32 to vector<16xi32>
    %div3A_230 = arith.divsi %add3A_227, %div3A_229 : vector<16xi32>
    %sign3A_231 = arith.constant 0 : i32
    %sign3A_232 = vector.broadcast %sign3A_231 : i32 to vector<16xi32>
    %sign3A_233 = arith.cmpi sgt, %add3A_227, %sign3A_232 : vector<16xi32>
    %sign3A_234 = arith.extui %sign3A_233 : vector<16xi1> to vector<16xi32>
    %sign3A_235 = arith.constant 0 : i32
    %sign3A_236 = vector.broadcast %sign3A_235 : i32 to vector<16xi32>
    %sign3A_237 = arith.cmpi slt, %add3A_227, %sign3A_236 : vector<16xi32>
    %sign3A_238 = arith.extui %sign3A_237 : vector<16xi1> to vector<16xi32>
    %sign3A_239 = arith.subi %sign3A_234, %sign3A_238 : vector<16xi32>
    %sign3A_240 = arith.constant 0 : i32
    %sign3A_241 = arith.cmpi sgt, %jit3A_228, %sign3A_240 : i32
    %sign3A_242 = arith.extui %sign3A_241 : i1 to i32
    %sign3A_243 = arith.constant 0 : i32
    %sign3A_244 = arith.cmpi slt, %jit3A_228, %sign3A_243 : i32
    %sign3A_245 = arith.extui %sign3A_244 : i1 to i32
    %sign3A_246 = arith.subi %sign3A_242, %sign3A_245 : i32
    %ne3A_247 = vector.broadcast %sign3A_246 : i32 to vector<16xi32>
    %ne3A_248 = arith.cmpi ne, %sign3A_239, %ne3A_247 : vector<16xi32>
    %rem3A_249 = vector.broadcast %jit3A_228 : i32 to vector<16xi32>
    %rem3A_250 = arith.remsi %add3A_227, %rem3A_249 : vector<16xi32>
    %ne3A_251 = arith.constant 0 : i32
    %ne3A_252 = vector.broadcast %ne3A_251 : i32 to vector<16xi32>
    %ne3A_253 = arith.cmpi ne, %rem3A_250, %ne3A_252 : vector<16xi32>
    %and3A_254 = arith.andi %ne3A_248, %ne3A_253 : vector<16xi1>
    %sub3A_255 = arith.constant 1 : i32
    %sub3A_256 = vector.broadcast %sub3A_255 : i32 to vector<16xi32>
    %sub3A_257 = arith.subi %div3A_230, %sub3A_256 : vector<16xi32>
    %select_n3A_258 = arith.select %and3A_254, %sub3A_257, %div3A_230 : vector<16xi1>, vector<16xi32>
    %add3A_259 = arith.constant 112 : i32
    %add3A_260 = vector.broadcast %add3A_259 : i32 to vector<16xi32>
    %add3A_261 = arith.addi %add3A_260, %iota3A : vector<16xi32>
    %jit3A_262 = arith.constant 2 : i32
    %div3A_263 = vector.broadcast %jit3A_262 : i32 to vector<16xi32>
    %div3A_264 = arith.divsi %add3A_261, %div3A_263 : vector<16xi32>
    %sign3A_265 = arith.constant 0 : i32
    %sign3A_266 = vector.broadcast %sign3A_265 : i32 to vector<16xi32>
    %sign3A_267 = arith.cmpi sgt, %add3A_261, %sign3A_266 : vector<16xi32>
    %sign3A_268 = arith.extui %sign3A_267 : vector<16xi1> to vector<16xi32>
    %sign3A_269 = arith.constant 0 : i32
    %sign3A_270 = vector.broadcast %sign3A_269 : i32 to vector<16xi32>
    %sign3A_271 = arith.cmpi slt, %add3A_261, %sign3A_270 : vector<16xi32>
    %sign3A_272 = arith.extui %sign3A_271 : vector<16xi1> to vector<16xi32>
    %sign3A_273 = arith.subi %sign3A_268, %sign3A_272 : vector<16xi32>
    %sign3A_274 = arith.constant 0 : i32
    %sign3A_275 = arith.cmpi sgt, %jit3A_262, %sign3A_274 : i32
    %sign3A_276 = arith.extui %sign3A_275 : i1 to i32
    %sign3A_277 = arith.constant 0 : i32
    %sign3A_278 = arith.cmpi slt, %jit3A_262, %sign3A_277 : i32
    %sign3A_279 = arith.extui %sign3A_278 : i1 to i32
    %sign3A_280 = arith.subi %sign3A_276, %sign3A_279 : i32
    %ne3A_281 = vector.broadcast %sign3A_280 : i32 to vector<16xi32>
    %ne3A_282 = arith.cmpi ne, %sign3A_273, %ne3A_281 : vector<16xi32>
    %rem3A_283 = vector.broadcast %jit3A_262 : i32 to vector<16xi32>
    %rem3A_284 = arith.remsi %add3A_261, %rem3A_283 : vector<16xi32>
    %ne3A_285 = arith.constant 0 : i32
    %ne3A_286 = vector.broadcast %ne3A_285 : i32 to vector<16xi32>
    %ne3A_287 = arith.cmpi ne, %rem3A_284, %ne3A_286 : vector<16xi32>
    %and3A_288 = arith.andi %ne3A_282, %ne3A_287 : vector<16xi1>
    %sub3A_289 = arith.constant 1 : i32
    %sub3A_290 = vector.broadcast %sub3A_289 : i32 to vector<16xi32>
    %sub3A_291 = arith.subi %div3A_264, %sub3A_290 : vector<16xi32>
    %select_n3A_292 = arith.select %and3A_288, %sub3A_291, %div3A_264 : vector<16xi1>, vector<16xi32>
    %add3A_293 = arith.constant 0 : i32
    %add3A_294 = vector.broadcast %add3A_293 : i32 to vector<16xi32>
    %add3A_295 = arith.addi %add3A_294, %iota3A : vector<16xi32>
    %jit3A_296 = arith.constant 2 : i32
    %eq3A = arith.constant 0 : i32
    %eq3A_297 = arith.cmpi eq, %jit3A_296, %eq3A : i32
    %jit3A_298 = arith.constant 1 : i32
    %select_n3A_299 = arith.select %eq3A_297, %jit3A_298, %jit3A_296 : i32
    %rem3A_300 = vector.broadcast %select_n3A_299 : i32 to vector<16xi32>
    %rem3A_301 = arith.remsi %add3A_295, %rem3A_300 : vector<16xi32>
    %ne3A_302 = arith.constant 0 : i32
    %ne3A_303 = vector.broadcast %ne3A_302 : i32 to vector<16xi32>
    %ne3A_304 = arith.cmpi ne, %rem3A_301, %ne3A_303 : vector<16xi32>
    %lt3A = arith.constant 0 : i32
    %lt3A_305 = vector.broadcast %lt3A : i32 to vector<16xi32>
    %lt3A_306 = arith.cmpi slt, %rem3A_301, %lt3A_305 : vector<16xi32>
    %lt3A_307 = arith.constant 0 : i32
    %lt3A_308 = arith.cmpi slt, %select_n3A_299, %lt3A_307 : i32
    %ne3A_309 = vector.broadcast %lt3A_308 : i1 to vector<16xi1>
    %ne3A_310 = vector.broadcast %ne3A_309 : vector<16xi1> to vector<16xi1>
    %ne3A_311 = arith.xori %lt3A_306, %ne3A_310 : vector<16xi1>
    %and3A_312 = arith.andi %ne3A_311, %ne3A_304 : vector<16xi1>
    %add3A_313 = vector.broadcast %select_n3A_299 : i32 to vector<16xi32>
    %add3A_314 = arith.addi %rem3A_301, %add3A_313 : vector<16xi32>
    %select_n3A_315 = arith.select %and3A_312, %add3A_314, %rem3A_301 : vector<16xi1>, vector<16xi32>
    %mul3A_316 = arith.constant 64 : i32
    %mul3A_317 = vector.broadcast %mul3A_316 : i32 to vector<16xi32>
    %mul3A_318 = arith.muli %select_n3A_315, %mul3A_317 : vector<16xi32>
    %add3A_319 = arith.constant 16 : i32
    %add3A_320 = vector.broadcast %add3A_319 : i32 to vector<16xi32>
    %add3A_321 = arith.addi %add3A_320, %iota3A : vector<16xi32>
    %jit3A_322 = arith.constant 2 : i32
    %eq3A_323 = arith.constant 0 : i32
    %eq3A_324 = arith.cmpi eq, %jit3A_322, %eq3A_323 : i32
    %jit3A_325 = arith.constant 1 : i32
    %select_n3A_326 = arith.select %eq3A_324, %jit3A_325, %jit3A_322 : i32
    %rem3A_327 = vector.broadcast %select_n3A_326 : i32 to vector<16xi32>
    %rem3A_328 = arith.remsi %add3A_321, %rem3A_327 : vector<16xi32>
    %ne3A_329 = arith.constant 0 : i32
    %ne3A_330 = vector.broadcast %ne3A_329 : i32 to vector<16xi32>
    %ne3A_331 = arith.cmpi ne, %rem3A_328, %ne3A_330 : vector<16xi32>
    %lt3A_332 = arith.constant 0 : i32
    %lt3A_333 = vector.broadcast %lt3A_332 : i32 to vector<16xi32>
    %lt3A_334 = arith.cmpi slt, %rem3A_328, %lt3A_333 : vector<16xi32>
    %lt3A_335 = arith.constant 0 : i32
    %lt3A_336 = arith.cmpi slt, %select_n3A_326, %lt3A_335 : i32
    %ne3A_337 = vector.broadcast %lt3A_336 : i1 to vector<16xi1>
    %ne3A_338 = vector.broadcast %ne3A_337 : vector<16xi1> to vector<16xi1>
    %ne3A_339 = arith.xori %lt3A_334, %ne3A_338 : vector<16xi1>
    %and3A_340 = arith.andi %ne3A_339, %ne3A_331 : vector<16xi1>
    %add3A_341 = vector.broadcast %select_n3A_326 : i32 to vector<16xi32>
    %add3A_342 = arith.addi %rem3A_328, %add3A_341 : vector<16xi32>
    %select_n3A_343 = arith.select %and3A_340, %add3A_342, %rem3A_328 : vector<16xi1>, vector<16xi32>
    %mul3A_344 = arith.constant 64 : i32
    %mul3A_345 = vector.broadcast %mul3A_344 : i32 to vector<16xi32>
    %mul3A_346 = arith.muli %select_n3A_343, %mul3A_345 : vector<16xi32>
    %add3A_347 = arith.constant 32 : i32
    %add3A_348 = vector.broadcast %add3A_347 : i32 to vector<16xi32>
    %add3A_349 = arith.addi %add3A_348, %iota3A : vector<16xi32>
    %jit3A_350 = arith.constant 2 : i32
    %eq3A_351 = arith.constant 0 : i32
    %eq3A_352 = arith.cmpi eq, %jit3A_350, %eq3A_351 : i32
    %jit3A_353 = arith.constant 1 : i32
    %select_n3A_354 = arith.select %eq3A_352, %jit3A_353, %jit3A_350 : i32
    %rem3A_355 = vector.broadcast %select_n3A_354 : i32 to vector<16xi32>
    %rem3A_356 = arith.remsi %add3A_349, %rem3A_355 : vector<16xi32>
    %ne3A_357 = arith.constant 0 : i32
    %ne3A_358 = vector.broadcast %ne3A_357 : i32 to vector<16xi32>
    %ne3A_359 = arith.cmpi ne, %rem3A_356, %ne3A_358 : vector<16xi32>
    %lt3A_360 = arith.constant 0 : i32
    %lt3A_361 = vector.broadcast %lt3A_360 : i32 to vector<16xi32>
    %lt3A_362 = arith.cmpi slt, %rem3A_356, %lt3A_361 : vector<16xi32>
    %lt3A_363 = arith.constant 0 : i32
    %lt3A_364 = arith.cmpi slt, %select_n3A_354, %lt3A_363 : i32
    %ne3A_365 = vector.broadcast %lt3A_364 : i1 to vector<16xi1>
    %ne3A_366 = vector.broadcast %ne3A_365 : vector<16xi1> to vector<16xi1>
    %ne3A_367 = arith.xori %lt3A_362, %ne3A_366 : vector<16xi1>
    %and3A_368 = arith.andi %ne3A_367, %ne3A_359 : vector<16xi1>
    %add3A_369 = vector.broadcast %select_n3A_354 : i32 to vector<16xi32>
    %add3A_370 = arith.addi %rem3A_356, %add3A_369 : vector<16xi32>
    %select_n3A_371 = arith.select %and3A_368, %add3A_370, %rem3A_356 : vector<16xi1>, vector<16xi32>
    %mul3A_372 = arith.constant 64 : i32
    %mul3A_373 = vector.broadcast %mul3A_372 : i32 to vector<16xi32>
    %mul3A_374 = arith.muli %select_n3A_371, %mul3A_373 : vector<16xi32>
    %add3A_375 = arith.constant 48 : i32
    %add3A_376 = vector.broadcast %add3A_375 : i32 to vector<16xi32>
    %add3A_377 = arith.addi %add3A_376, %iota3A : vector<16xi32>
    %jit3A_378 = arith.constant 2 : i32
    %eq3A_379 = arith.constant 0 : i32
    %eq3A_380 = arith.cmpi eq, %jit3A_378, %eq3A_379 : i32
    %jit3A_381 = arith.constant 1 : i32
    %select_n3A_382 = arith.select %eq3A_380, %jit3A_381, %jit3A_378 : i32
    %rem3A_383 = vector.broadcast %select_n3A_382 : i32 to vector<16xi32>
    %rem3A_384 = arith.remsi %add3A_377, %rem3A_383 : vector<16xi32>
    %ne3A_385 = arith.constant 0 : i32
    %ne3A_386 = vector.broadcast %ne3A_385 : i32 to vector<16xi32>
    %ne3A_387 = arith.cmpi ne, %rem3A_384, %ne3A_386 : vector<16xi32>
    %lt3A_388 = arith.constant 0 : i32
    %lt3A_389 = vector.broadcast %lt3A_388 : i32 to vector<16xi32>
    %lt3A_390 = arith.cmpi slt, %rem3A_384, %lt3A_389 : vector<16xi32>
    %lt3A_391 = arith.constant 0 : i32
    %lt3A_392 = arith.cmpi slt, %select_n3A_382, %lt3A_391 : i32
    %ne3A_393 = vector.broadcast %lt3A_392 : i1 to vector<16xi1>
    %ne3A_394 = vector.broadcast %ne3A_393 : vector<16xi1> to vector<16xi1>
    %ne3A_395 = arith.xori %lt3A_390, %ne3A_394 : vector<16xi1>
    %and3A_396 = arith.andi %ne3A_395, %ne3A_387 : vector<16xi1>
    %add3A_397 = vector.broadcast %select_n3A_382 : i32 to vector<16xi32>
    %add3A_398 = arith.addi %rem3A_384, %add3A_397 : vector<16xi32>
    %select_n3A_399 = arith.select %and3A_396, %add3A_398, %rem3A_384 : vector<16xi1>, vector<16xi32>
    %mul3A_400 = arith.constant 64 : i32
    %mul3A_401 = vector.broadcast %mul3A_400 : i32 to vector<16xi32>
    %mul3A_402 = arith.muli %select_n3A_399, %mul3A_401 : vector<16xi32>
    %add3A_403 = arith.constant 64 : i32
    %add3A_404 = vector.broadcast %add3A_403 : i32 to vector<16xi32>
    %add3A_405 = arith.addi %add3A_404, %iota3A : vector<16xi32>
    %jit3A_406 = arith.constant 2 : i32
    %eq3A_407 = arith.constant 0 : i32
    %eq3A_408 = arith.cmpi eq, %jit3A_406, %eq3A_407 : i32
    %jit3A_409 = arith.constant 1 : i32
    %select_n3A_410 = arith.select %eq3A_408, %jit3A_409, %jit3A_406 : i32
    %rem3A_411 = vector.broadcast %select_n3A_410 : i32 to vector<16xi32>
    %rem3A_412 = arith.remsi %add3A_405, %rem3A_411 : vector<16xi32>
    %ne3A_413 = arith.constant 0 : i32
    %ne3A_414 = vector.broadcast %ne3A_413 : i32 to vector<16xi32>
    %ne3A_415 = arith.cmpi ne, %rem3A_412, %ne3A_414 : vector<16xi32>
    %lt3A_416 = arith.constant 0 : i32
    %lt3A_417 = vector.broadcast %lt3A_416 : i32 to vector<16xi32>
    %lt3A_418 = arith.cmpi slt, %rem3A_412, %lt3A_417 : vector<16xi32>
    %lt3A_419 = arith.constant 0 : i32
    %lt3A_420 = arith.cmpi slt, %select_n3A_410, %lt3A_419 : i32
    %ne3A_421 = vector.broadcast %lt3A_420 : i1 to vector<16xi1>
    %ne3A_422 = vector.broadcast %ne3A_421 : vector<16xi1> to vector<16xi1>
    %ne3A_423 = arith.xori %lt3A_418, %ne3A_422 : vector<16xi1>
    %and3A_424 = arith.andi %ne3A_423, %ne3A_415 : vector<16xi1>
    %add3A_425 = vector.broadcast %select_n3A_410 : i32 to vector<16xi32>
    %add3A_426 = arith.addi %rem3A_412, %add3A_425 : vector<16xi32>
    %select_n3A_427 = arith.select %and3A_424, %add3A_426, %rem3A_412 : vector<16xi1>, vector<16xi32>
    %mul3A_428 = arith.constant 64 : i32
    %mul3A_429 = vector.broadcast %mul3A_428 : i32 to vector<16xi32>
    %mul3A_430 = arith.muli %select_n3A_427, %mul3A_429 : vector<16xi32>
    %add3A_431 = arith.constant 80 : i32
    %add3A_432 = vector.broadcast %add3A_431 : i32 to vector<16xi32>
    %add3A_433 = arith.addi %add3A_432, %iota3A : vector<16xi32>
    %jit3A_434 = arith.constant 2 : i32
    %eq3A_435 = arith.constant 0 : i32
    %eq3A_436 = arith.cmpi eq, %jit3A_434, %eq3A_435 : i32
    %jit3A_437 = arith.constant 1 : i32
    %select_n3A_438 = arith.select %eq3A_436, %jit3A_437, %jit3A_434 : i32
    %rem3A_439 = vector.broadcast %select_n3A_438 : i32 to vector<16xi32>
    %rem3A_440 = arith.remsi %add3A_433, %rem3A_439 : vector<16xi32>
    %ne3A_441 = arith.constant 0 : i32
    %ne3A_442 = vector.broadcast %ne3A_441 : i32 to vector<16xi32>
    %ne3A_443 = arith.cmpi ne, %rem3A_440, %ne3A_442 : vector<16xi32>
    %lt3A_444 = arith.constant 0 : i32
    %lt3A_445 = vector.broadcast %lt3A_444 : i32 to vector<16xi32>
    %lt3A_446 = arith.cmpi slt, %rem3A_440, %lt3A_445 : vector<16xi32>
    %lt3A_447 = arith.constant 0 : i32
    %lt3A_448 = arith.cmpi slt, %select_n3A_438, %lt3A_447 : i32
    %ne3A_449 = vector.broadcast %lt3A_448 : i1 to vector<16xi1>
    %ne3A_450 = vector.broadcast %ne3A_449 : vector<16xi1> to vector<16xi1>
    %ne3A_451 = arith.xori %lt3A_446, %ne3A_450 : vector<16xi1>
    %and3A_452 = arith.andi %ne3A_451, %ne3A_443 : vector<16xi1>
    %add3A_453 = vector.broadcast %select_n3A_438 : i32 to vector<16xi32>
    %add3A_454 = arith.addi %rem3A_440, %add3A_453 : vector<16xi32>
    %select_n3A_455 = arith.select %and3A_452, %add3A_454, %rem3A_440 : vector<16xi1>, vector<16xi32>
    %mul3A_456 = arith.constant 64 : i32
    %mul3A_457 = vector.broadcast %mul3A_456 : i32 to vector<16xi32>
    %mul3A_458 = arith.muli %select_n3A_455, %mul3A_457 : vector<16xi32>
    %add3A_459 = arith.constant 96 : i32
    %add3A_460 = vector.broadcast %add3A_459 : i32 to vector<16xi32>
    %add3A_461 = arith.addi %add3A_460, %iota3A : vector<16xi32>
    %jit3A_462 = arith.constant 2 : i32
    %eq3A_463 = arith.constant 0 : i32
    %eq3A_464 = arith.cmpi eq, %jit3A_462, %eq3A_463 : i32
    %jit3A_465 = arith.constant 1 : i32
    %select_n3A_466 = arith.select %eq3A_464, %jit3A_465, %jit3A_462 : i32
    %rem3A_467 = vector.broadcast %select_n3A_466 : i32 to vector<16xi32>
    %rem3A_468 = arith.remsi %add3A_461, %rem3A_467 : vector<16xi32>
    %ne3A_469 = arith.constant 0 : i32
    %ne3A_470 = vector.broadcast %ne3A_469 : i32 to vector<16xi32>
    %ne3A_471 = arith.cmpi ne, %rem3A_468, %ne3A_470 : vector<16xi32>
    %lt3A_472 = arith.constant 0 : i32
    %lt3A_473 = vector.broadcast %lt3A_472 : i32 to vector<16xi32>
    %lt3A_474 = arith.cmpi slt, %rem3A_468, %lt3A_473 : vector<16xi32>
    %lt3A_475 = arith.constant 0 : i32
    %lt3A_476 = arith.cmpi slt, %select_n3A_466, %lt3A_475 : i32
    %ne3A_477 = vector.broadcast %lt3A_476 : i1 to vector<16xi1>
    %ne3A_478 = vector.broadcast %ne3A_477 : vector<16xi1> to vector<16xi1>
    %ne3A_479 = arith.xori %lt3A_474, %ne3A_478 : vector<16xi1>
    %and3A_480 = arith.andi %ne3A_479, %ne3A_471 : vector<16xi1>
    %add3A_481 = vector.broadcast %select_n3A_466 : i32 to vector<16xi32>
    %add3A_482 = arith.addi %rem3A_468, %add3A_481 : vector<16xi32>
    %select_n3A_483 = arith.select %and3A_480, %add3A_482, %rem3A_468 : vector<16xi1>, vector<16xi32>
    %mul3A_484 = arith.constant 64 : i32
    %mul3A_485 = vector.broadcast %mul3A_484 : i32 to vector<16xi32>
    %mul3A_486 = arith.muli %select_n3A_483, %mul3A_485 : vector<16xi32>
    %add3A_487 = arith.constant 112 : i32
    %add3A_488 = vector.broadcast %add3A_487 : i32 to vector<16xi32>
    %add3A_489 = arith.addi %add3A_488, %iota3A : vector<16xi32>
    %jit3A_490 = arith.constant 2 : i32
    %eq3A_491 = arith.constant 0 : i32
    %eq3A_492 = arith.cmpi eq, %jit3A_490, %eq3A_491 : i32
    %jit3A_493 = arith.constant 1 : i32
    %select_n3A_494 = arith.select %eq3A_492, %jit3A_493, %jit3A_490 : i32
    %rem3A_495 = vector.broadcast %select_n3A_494 : i32 to vector<16xi32>
    %rem3A_496 = arith.remsi %add3A_489, %rem3A_495 : vector<16xi32>
    %ne3A_497 = arith.constant 0 : i32
    %ne3A_498 = vector.broadcast %ne3A_497 : i32 to vector<16xi32>
    %ne3A_499 = arith.cmpi ne, %rem3A_496, %ne3A_498 : vector<16xi32>
    %lt3A_500 = arith.constant 0 : i32
    %lt3A_501 = vector.broadcast %lt3A_500 : i32 to vector<16xi32>
    %lt3A_502 = arith.cmpi slt, %rem3A_496, %lt3A_501 : vector<16xi32>
    %lt3A_503 = arith.constant 0 : i32
    %lt3A_504 = arith.cmpi slt, %select_n3A_494, %lt3A_503 : i32
    %ne3A_505 = vector.broadcast %lt3A_504 : i1 to vector<16xi1>
    %ne3A_506 = vector.broadcast %ne3A_505 : vector<16xi1> to vector<16xi1>
    %ne3A_507 = arith.xori %lt3A_502, %ne3A_506 : vector<16xi1>
    %and3A_508 = arith.andi %ne3A_507, %ne3A_499 : vector<16xi1>
    %add3A_509 = vector.broadcast %select_n3A_494 : i32 to vector<16xi32>
    %add3A_510 = arith.addi %rem3A_496, %add3A_509 : vector<16xi32>
    %select_n3A_511 = arith.select %and3A_508, %add3A_510, %rem3A_496 : vector<16xi1>, vector<16xi32>
    %mul3A_512 = arith.constant 64 : i32
    %mul3A_513 = vector.broadcast %mul3A_512 : i32 to vector<16xi32>
    %mul3A_514 = arith.muli %select_n3A_511, %mul3A_513 : vector<16xi32>
    %sub3A_515 = arith.constant 1 : i32
    %sub3A_516 = arith.subi %add3A_20, %sub3A_515 : i32
    %min3A = arith.constant 0 : i32
    %min3A_517 = arith.minsi %min3A, %sub3A_516 : i32
    %mul3A_518 = arith.constant 32 : i32
    %mul3A_519 = arith.muli %mul3A_518, %min3A_517 : i32
    %add3A_520 = arith.addi %add3A, %mul3A_519 : i32
    %mul3A_521 = arith.constant 128 : i32
    %mul3A_522 = arith.muli %add3A_520, %mul3A_521 : i32
    %dma_start3A = arith.constant 0 : i32
    %dma_start3A_523 = tpu.memref_slice %arg2[%dma_start3A, %mul3A_522] : memref<64x1000000xf32, #tpu.memory_space<hbm>> -> memref<64x128xf32, #tpu.memory_space<hbm>>
    %dma_start3A_524 = arith.constant 0 : i32
    %dma_start3A_525 = tpu.memref_slice %arg2[%dma_start3A_524, %mul3A_522] : memref<64x1000000xf32, #tpu.memory_space<hbm>> -> memref<64x128xf32, #tpu.memory_space<hbm>>
    tpu.enqueue_dma source(%dma_start3A_525 : memref<64x128xf32, #tpu.memory_space<hbm>>) target(%arg5 : memref<64x128xf32, #tpu.memory_space<vmem>>) target_semaphore(%arg13 : memref<!tpu.dma_semaphore, #tpu.memory_space<semaphore_mem>>)
    %sub3A_526 = arith.constant 1 : i32
    %sub3A_527 = arith.subi %add3A_20, %sub3A_526 : i32
    %min3A_528 = arith.constant 1 : i32
    %min3A_529 = arith.minsi %min3A_528, %sub3A_527 : i32
    %mul3A_530 = arith.constant 32 : i32
    %mul3A_531 = arith.muli %mul3A_530, %min3A_529 : i32
    %add3A_532 = arith.addi %add3A, %mul3A_531 : i32
    %mul3A_533 = arith.constant 128 : i32
    %mul3A_534 = arith.muli %add3A_532, %mul3A_533 : i32
    %dma_start3A_535 = arith.constant 0 : i32
    %dma_start3A_536 = tpu.memref_slice %arg2[%dma_start3A_535, %mul3A_534] : memref<64x1000000xf32, #tpu.memory_space<hbm>> -> memref<64x128xf32, #tpu.memory_space<hbm>>
    %dma_start3A_537 = arith.constant 0 : i32
    %dma_start3A_538 = tpu.memref_slice %arg2[%dma_start3A_537, %mul3A_534] : memref<64x1000000xf32, #tpu.memory_space<hbm>> -> memref<64x128xf32, #tpu.memory_space<hbm>>
    tpu.enqueue_dma source(%dma_start3A_538 : memref<64x128xf32, #tpu.memory_space<hbm>>) target(%arg6 : memref<64x128xf32, #tpu.memory_space<vmem>>) target_semaphore(%arg14 : memref<!tpu.dma_semaphore, #tpu.memory_space<semaphore_mem>>)
    %sub3A_539 = arith.constant 1 : i32
    %sub3A_540 = arith.subi %add3A_20, %sub3A_539 : i32
    %min3A_541 = arith.constant 2 : i32
    %min3A_542 = arith.minsi %min3A_541, %sub3A_540 : i32
    %mul3A_543 = arith.constant 32 : i32
    %mul3A_544 = arith.muli %mul3A_543, %min3A_542 : i32
    %add3A_545 = arith.addi %add3A, %mul3A_544 : i32
    %mul3A_546 = arith.constant 128 : i32
    %mul3A_547 = arith.muli %add3A_545, %mul3A_546 : i32
    %dma_start3A_548 = arith.constant 0 : i32
    %dma_start3A_549 = tpu.memref_slice %arg2[%dma_start3A_548, %mul3A_547] : memref<64x1000000xf32, #tpu.memory_space<hbm>> -> memref<64x128xf32, #tpu.memory_space<hbm>>
    %dma_start3A_550 = arith.constant 0 : i32
    %dma_start3A_551 = tpu.memref_slice %arg2[%dma_start3A_550, %mul3A_547] : memref<64x1000000xf32, #tpu.memory_space<hbm>> -> memref<64x128xf32, #tpu.memory_space<hbm>>
    tpu.enqueue_dma source(%dma_start3A_551 : memref<64x128xf32, #tpu.memory_space<hbm>>) target(%arg7 : memref<64x128xf32, #tpu.memory_space<vmem>>) target_semaphore(%arg15 : memref<!tpu.dma_semaphore, #tpu.memory_space<semaphore_mem>>)
    %sub3A_552 = arith.constant 1 : i32
    %sub3A_553 = arith.subi %add3A_20, %sub3A_552 : i32
    %min3A_554 = arith.constant 3 : i32
    %min3A_555 = arith.minsi %min3A_554, %sub3A_553 : i32
    %mul3A_556 = arith.constant 32 : i32
    %mul3A_557 = arith.muli %mul3A_556, %min3A_555 : i32
    %add3A_558 = arith.addi %add3A, %mul3A_557 : i32
    %mul3A_559 = arith.constant 128 : i32
    %mul3A_560 = arith.muli %add3A_558, %mul3A_559 : i32
    %dma_start3A_561 = arith.constant 0 : i32
    %dma_start3A_562 = tpu.memref_slice %arg2[%dma_start3A_561, %mul3A_560] : memref<64x1000000xf32, #tpu.memory_space<hbm>> -> memref<64x128xf32, #tpu.memory_space<hbm>>
    %dma_start3A_563 = arith.constant 0 : i32
    %dma_start3A_564 = tpu.memref_slice %arg2[%dma_start3A_563, %mul3A_560] : memref<64x1000000xf32, #tpu.memory_space<hbm>> -> memref<64x128xf32, #tpu.memory_space<hbm>>
    tpu.enqueue_dma source(%dma_start3A_564 : memref<64x128xf32, #tpu.memory_space<hbm>>) target(%arg8 : memref<64x128xf32, #tpu.memory_space<vmem>>) target_semaphore(%arg16 : memref<!tpu.dma_semaphore, #tpu.memory_space<semaphore_mem>>)
    %scan3A = arith.constant 0 : i32
    %scan3A_565 = arith.constant 0 : i32
    %scan3A_566 = arith.constant 62 : i32
    %scan3A_567 = arith.addi %scan3A_565, %scan3A_566 : i32
    %scan3A_568 = arith.constant 1 : i32
    scf.for %scan3A_624 = %scan3A_565 to %scan3A_567 step %scan3A_568  : i32 {
      %mul3A_625 = arith.constant 4 : i32
      %mul3A_626 = arith.muli %scan3A_624, %mul3A_625 : i32
      %add3A_627 = arith.constant 0 : i32
      %add3A_628 = arith.addi %mul3A_626, %add3A_627 : i32
      %sub3A_629 = arith.constant 1 : i32
      %sub3A_630 = arith.subi %add3A_20, %sub3A_629 : i32
      %min3A_631 = arith.minsi %add3A_628, %sub3A_630 : i32
      %mul3A_632 = arith.constant 32 : i32
      %mul3A_633 = arith.muli %mul3A_632, %min3A_631 : i32
      %add3A_634 = arith.addi %add3A, %mul3A_633 : i32
      %mul3A_635 = arith.constant 128 : i32
      %mul3A_636 = arith.muli %add3A_634, %mul3A_635 : i32
      %dma_wait3A_637 = arith.constant 0 : i32
      %dma_wait3A_638 = tpu.memref_slice %arg2[%dma_wait3A_637, %mul3A_636] : memref<64x1000000xf32, #tpu.memory_space<hbm>> -> memref<64x128xf32, #tpu.memory_space<hbm>>
      %dma_wait3A_639 = arith.constant 0 : i32
      %dma_wait3A_640 = tpu.memref_slice %arg2[%dma_wait3A_639, %mul3A_636] : memref<64x1000000xf32, #tpu.memory_space<hbm>> -> memref<64x128xf32, #tpu.memory_space<hbm>>
      tpu.wait_dma2 semaphore(%arg13 : memref<!tpu.dma_semaphore, #tpu.memory_space<semaphore_mem>>) src(%dma_wait3A_640 : memref<64x128xf32, #tpu.memory_space<hbm>>) dst(%arg5 : memref<64x128xf32, #tpu.memory_space<vmem>>)
      %parallel_loop3A = arith.constant 0 : i32
      %parallel_loop3A_641 = arith.constant 64 : i32
      %parallel_loop3A_642 = arith.constant 1 : i32
      scf.for %parallel_loop3A_910 = %parallel_loop3A to %parallel_loop3A_641 step %parallel_loop3A_642  : i32 {
        %parallel_loop3A_911 = arith.index_cast %parallel_loop3A_910 : i32 to index
        %parallel_loop3A_912 = arith.constant 0 : index
        %parallel_loop3A_913 = tpu.vector_load %arg5[%parallel_loop3A_911, %parallel_loop3A_912] {strides = array<i32>} : memref<64x128xf32, #tpu.memory_space<vmem>>, vector<16xf32>,
        %parallel_loop3A_914 = vector.broadcast %parallel_loop3A_910 : i32 to vector<16xi32>
        %parallel_loop3A_915 = arith.addi %mul3A_318, %parallel_loop3A_914 : vector<16xi32>
        tpu.vector_store_idx %arg9[%select_n3A_54, %parallel_loop3A_915], %parallel_loop3A_913 : memref<64x129xf32, #tpu.memory_space<vmem>>[vector<16xi32>, vector<16xi32>], vector<16xf32>,
        %parallel_loop3A_916 = arith.index_cast %parallel_loop3A_910 : i32 to index
        %parallel_loop3A_917 = arith.constant 16 : index
        %parallel_loop3A_918 = tpu.vector_load %arg5[%parallel_loop3A_916, %parallel_loop3A_917] {strides = array<i32>} : memref<64x128xf32, #tpu.memory_space<vmem>>, vector<16xf32>,
        %parallel_loop3A_919 = vector.broadcast %parallel_loop3A_910 : i32 to vector<16xi32>
        %parallel_loop3A_920 = arith.addi %mul3A_346, %parallel_loop3A_919 : vector<16xi32>
        tpu.vector_store_idx %arg9[%select_n3A_88, %parallel_loop3A_920], %parallel_loop3A_918 : memref<64x129xf32, #tpu.memory_space<vmem>>[vector<16xi32>, vector<16xi32>], vector<16xf32>,
        %parallel_loop3A_921 = arith.index_cast %parallel_loop3A_910 : i32 to index
        %parallel_loop3A_922 = arith.constant 32 : index
        %parallel_loop3A_923 = tpu.vector_load %arg5[%parallel_loop3A_921, %parallel_loop3A_922] {strides = array<i32>} : memref<64x128xf32, #tpu.memory_space<vmem>>, vector<16xf32>,
        %parallel_loop3A_924 = vector.broadcast %parallel_loop3A_910 : i32 to vector<16xi32>
        %parallel_loop3A_925 = arith.addi %mul3A_374, %parallel_loop3A_924 : vector<16xi32>
        tpu.vector_store_idx %arg9[%select_n3A_122, %parallel_loop3A_925], %parallel_loop3A_923 : memref<64x129xf32, #tpu.memory_space<vmem>>[vector<16xi32>, vector<16xi32>], vector<16xf32>,
        %parallel_loop3A_926 = arith.index_cast %parallel_loop3A_910 : i32 to index
        %parallel_loop3A_927 = arith.constant 48 : index
        %parallel_loop3A_928 = tpu.vector_load %arg5[%parallel_loop3A_926, %parallel_loop3A_927] {strides = array<i32>} : memref<64x128xf32, #tpu.memory_space<vmem>>, vector<16xf32>,
        %parallel_loop3A_929 = vector.broadcast %parallel_loop3A_910 : i32 to vector<16xi32>
        %parallel_loop3A_930 = arith.addi %mul3A_402, %parallel_loop3A_929 : vector<16xi32>
        tpu.vector_store_idx %arg9[%select_n3A_156, %parallel_loop3A_930], %parallel_loop3A_928 : memref<64x129xf32, #tpu.memory_space<vmem>>[vector<16xi32>, vector<16xi32>], vector<16xf32>,
        %parallel_loop3A_931 = arith.index_cast %parallel_loop3A_910 : i32 to index
        %parallel_loop3A_932 = arith.constant 64 : index
        %parallel_loop3A_933 = tpu.vector_load %arg5[%parallel_loop3A_931, %parallel_loop3A_932] {strides = array<i32>} : memref<64x128xf32, #tpu.memory_space<vmem>>, vector<16xf32>,
        %parallel_loop3A_934 = vector.broadcast %parallel_loop3A_910 : i32 to vector<16xi32>
        %parallel_loop3A_935 = arith.addi %mul3A_430, %parallel_loop3A_934 : vector<16xi32>
        tpu.vector_store_idx %arg9[%select_n3A_190, %parallel_loop3A_935], %parallel_loop3A_933 : memref<64x129xf32, #tpu.memory_space<vmem>>[vector<16xi32>, vector<16xi32>], vector<16xf32>,
        %parallel_loop3A_936 = arith.index_cast %parallel_loop3A_910 : i32 to index
        %parallel_loop3A_937 = arith.constant 80 : index
        %parallel_loop3A_938 = tpu.vector_load %arg5[%parallel_loop3A_936, %parallel_loop3A_937] {strides = array<i32>} : memref<64x128xf32, #tpu.memory_space<vmem>>, vector<16xf32>,
        %parallel_loop3A_939 = vector.broadcast %parallel_loop3A_910 : i32 to vector<16xi32>
        %parallel_loop3A_940 = arith.addi %mul3A_458, %parallel_loop3A_939 : vector<16xi32>
        tpu.vector_store_idx %arg9[%select_n3A_224, %parallel_loop3A_940], %parallel_loop3A_938 : memref<64x129xf32, #tpu.memory_space<vmem>>[vector<16xi32>, vector<16xi32>], vector<16xf32>,
        %parallel_loop3A_941 = arith.index_cast %parallel_loop3A_910 : i32 to index
        %parallel_loop3A_942 = arith.constant 96 : index
        %parallel_loop3A_943 = tpu.vector_load %arg5[%parallel_loop3A_941, %parallel_loop3A_942] {strides = array<i32>} : memref<64x128xf32, #tpu.memory_space<vmem>>, vector<16xf32>,
        %parallel_loop3A_944 = vector.broadcast %parallel_loop3A_910 : i32 to vector<16xi32>
        %parallel_loop3A_945 = arith.addi %mul3A_486, %parallel_loop3A_944 : vector<16xi32>
        tpu.vector_store_idx %arg9[%select_n3A_258, %parallel_loop3A_945], %parallel_loop3A_943 : memref<64x129xf32, #tpu.memory_space<vmem>>[vector<16xi32>, vector<16xi32>], vector<16xf32>,
        %parallel_loop3A_946 = arith.index_cast %parallel_loop3A_910 : i32 to index
        %parallel_loop3A_947 = arith.constant 112 : index
        %parallel_loop3A_948 = tpu.vector_load %arg5[%parallel_loop3A_946, %parallel_loop3A_947] {strides = array<i32>} : memref<64x128xf32, #tpu.memory_space<vmem>>, vector<16xf32>,
        %parallel_loop3A_949 = vector.broadcast %parallel_loop3A_910 : i32 to vector<16xi32>
        %parallel_loop3A_950 = arith.addi %mul3A_514, %parallel_loop3A_949 : vector<16xi32>
        tpu.vector_store_idx %arg9[%select_n3A_292, %parallel_loop3A_950], %parallel_loop3A_948 : memref<64x129xf32, #tpu.memory_space<vmem>>[vector<16xi32>, vector<16xi32>], vector<16xf32>,
      } {sc.loop_unroll_factor = 8 : i64, sc.parallel_access}
      %add3A_643 = arith.constant 4 : i32
      %add3A_644 = arith.addi %add3A_628, %add3A_643 : i32
      %min3A_645 = arith.constant 247 : i32
      %min3A_646 = arith.minsi %add3A_644, %min3A_645 : i32
      %sub3A_647 = arith.constant 1 : i32
      %sub3A_648 = arith.subi %add3A_20, %sub3A_647 : i32
      %min3A_649 = arith.minsi %min3A_646, %sub3A_648 : i32
      %mul3A_650 = arith.constant 32 : i32
      %mul3A_651 = arith.muli %mul3A_650, %min3A_649 : i32
      %add3A_652 = arith.addi %add3A, %mul3A_651 : i32
      %mul3A_653 = arith.constant 128 : i32
      %mul3A_654 = arith.muli %add3A_652, %mul3A_653 : i32
      %dma_start3A_655 = arith.constant 0 : i32
      %dma_start3A_656 = tpu.memref_slice %arg2[%dma_start3A_655, %mul3A_654] : memref<64x1000000xf32, #tpu.memory_space<hbm>> -> memref<64x128xf32, #tpu.memory_space<hbm>>
      %dma_start3A_657 = arith.constant 0 : i32
      %dma_start3A_658 = tpu.memref_slice %arg2[%dma_start3A_657, %mul3A_654] : memref<64x1000000xf32, #tpu.memory_space<hbm>> -> memref<64x128xf32, #tpu.memory_space<hbm>>
      tpu.enqueue_dma source(%dma_start3A_658 : memref<64x128xf32, #tpu.memory_space<hbm>>) target(%arg5 : memref<64x128xf32, #tpu.memory_space<vmem>>) target_semaphore(%arg13 : memref<!tpu.dma_semaphore, #tpu.memory_space<semaphore_mem>>)
      %sub3A_659 = arith.constant 1 : i32
      %sub3A_660 = arith.subi %add3A_20, %sub3A_659 : i32
      %min3A_661 = arith.minsi %add3A_628, %sub3A_660 : i32
      %mul3A_662 = arith.constant 32 : i32
      %mul3A_663 = arith.muli %mul3A_662, %min3A_661 : i32
      %add3A_664 = arith.addi %add3A, %mul3A_663 : i32
      %mul3A_665 = arith.constant 64 : i32
      %mul3A_666 = arith.muli %add3A_664, %mul3A_665 : i32
      %dma_start3A_667 = arith.constant 0 : i32
      %dma_start3A_668 = arith.constant 0 : i32
      %dma_start3A_669 = tpu.memref_slice %arg9[%dma_start3A_667, %dma_start3A_668] : memref<64x129xf32, #tpu.memory_space<vmem>> -> memref<64x128xf32, #tpu.memory_space<vmem>>
      %dma_start3A_670 = arith.constant 0 : i32
      %dma_start3A_671 = tpu.memref_slice %arg4[%mul3A_666, %dma_start3A_670] : memref<500000x128xf32, #tpu.memory_space<hbm>> -> memref<64x128xf32, #tpu.memory_space<hbm>>
      %dma_start3A_672 = arith.constant 0 : i32
      %dma_start3A_673 = tpu.memref_slice %arg4[%mul3A_666, %dma_start3A_672] : memref<500000x128xf32, #tpu.memory_space<hbm>> -> memref<64x128xf32, #tpu.memory_space<hbm>>
      %dma_start3A_674 = arith.constant 0 : i32
      %dma_start3A_675 = arith.constant 0 : i32
      %dma_start3A_676 = tpu.memref_slice %arg9[%dma_start3A_674, %dma_start3A_675] : memref<64x129xf32, #tpu.memory_space<vmem>> -> memref<64x128xf32, #tpu.memory_space<vmem>>
      tpu.enqueue_dma source(%dma_start3A_676 : memref<64x128xf32, #tpu.memory_space<vmem>>) target(%dma_start3A_673 : memref<64x128xf32, #tpu.memory_space<hbm>>) target_semaphore(%arg17 : memref<!tpu.dma_semaphore, #tpu.memory_space<semaphore_mem>>)
      %add3A_677 = arith.constant 1 : i32
      %add3A_678 = arith.addi %mul3A_626, %add3A_677 : i32
      %sub3A_679 = arith.constant 1 : i32
      %sub3A_680 = arith.subi %add3A_20, %sub3A_679 : i32
      %min3A_681 = arith.minsi %add3A_678, %sub3A_680 : i32
      %mul3A_682 = arith.constant 32 : i32
      %mul3A_683 = arith.muli %mul3A_682, %min3A_681 : i32
      %add3A_684 = arith.addi %add3A, %mul3A_683 : i32
      %mul3A_685 = arith.constant 128 : i32
      %mul3A_686 = arith.muli %add3A_684, %mul3A_685 : i32
      %dma_wait3A_687 = arith.constant 0 : i32
      %dma_wait3A_688 = tpu.memref_slice %arg2[%dma_wait3A_687, %mul3A_686] : memref<64x1000000xf32, #tpu.memory_space<hbm>> -> memref<64x128xf32, #tpu.memory_space<hbm>>
      %dma_wait3A_689 = arith.constant 0 : i32
      %dma_wait3A_690 = tpu.memref_slice %arg2[%dma_wait3A_689, %mul3A_686] : memref<64x1000000xf32, #tpu.memory_space<hbm>> -> memref<64x128xf32, #tpu.memory_space<hbm>>
      tpu.wait_dma2 semaphore(%arg14 : memref<!tpu.dma_semaphore, #tpu.memory_space<semaphore_mem>>) src(%dma_wait3A_690 : memref<64x128xf32, #tpu.memory_space<hbm>>) dst(%arg6 : memref<64x128xf32, #tpu.memory_space<vmem>>)
      %parallel_loop3A_691 = arith.constant 0 : i32
      %parallel_loop3A_692 = arith.constant 64 : i32
      %parallel_loop3A_693 = arith.constant 1 : i32
      scf.for %parallel_loop3A_910 = %parallel_loop3A_691 to %parallel_loop3A_692 step %parallel_loop3A_693  : i32 {
        %parallel_loop3A_911 = arith.index_cast %parallel_loop3A_910 : i32 to index
        %parallel_loop3A_912 = arith.constant 0 : index
        %parallel_loop3A_913 = tpu.vector_load %arg6[%parallel_loop3A_911, %parallel_loop3A_912] {strides = array<i32>} : memref<64x128xf32, #tpu.memory_space<vmem>>, vector<16xf32>,
        %parallel_loop3A_914 = vector.broadcast %parallel_loop3A_910 : i32 to vector<16xi32>
        %parallel_loop3A_915 = arith.addi %mul3A_318, %parallel_loop3A_914 : vector<16xi32>
        tpu.vector_store_idx %arg10[%select_n3A_54, %parallel_loop3A_915], %parallel_loop3A_913 : memref<64x129xf32, #tpu.memory_space<vmem>>[vector<16xi32>, vector<16xi32>], vector<16xf32>,
        %parallel_loop3A_916 = arith.index_cast %parallel_loop3A_910 : i32 to index
        %parallel_loop3A_917 = arith.constant 16 : index
        %parallel_loop3A_918 = tpu.vector_load %arg6[%parallel_loop3A_916, %parallel_loop3A_917] {strides = array<i32>} : memref<64x128xf32, #tpu.memory_space<vmem>>, vector<16xf32>,
        %parallel_loop3A_919 = vector.broadcast %parallel_loop3A_910 : i32 to vector<16xi32>
        %parallel_loop3A_920 = arith.addi %mul3A_346, %parallel_loop3A_919 : vector<16xi32>
        tpu.vector_store_idx %arg10[%select_n3A_88, %parallel_loop3A_920], %parallel_loop3A_918 : memref<64x129xf32, #tpu.memory_space<vmem>>[vector<16xi32>, vector<16xi32>], vector<16xf32>,
        %parallel_loop3A_921 = arith.index_cast %parallel_loop3A_910 : i32 to index
        %parallel_loop3A_922 = arith.constant 32 : index
        %parallel_loop3A_923 = tpu.vector_load %arg6[%parallel_loop3A_921, %parallel_loop3A_922] {strides = array<i32>} : memref<64x128xf32, #tpu.memory_space<vmem>>, vector<16xf32>,
        %parallel_loop3A_924 = vector.broadcast %parallel_loop3A_910 : i32 to vector<16xi32>
        %parallel_loop3A_925 = arith.addi %mul3A_374, %parallel_loop3A_924 : vector<16xi32>
        tpu.vector_store_idx %arg10[%select_n3A_122, %parallel_loop3A_925], %parallel_loop3A_923 : memref<64x129xf32, #tpu.memory_space<vmem>>[vector<16xi32>, vector<16xi32>], vector<16xf32>,
        %parallel_loop3A_926 = arith.index_cast %parallel_loop3A_910 : i32 to index
        %parallel_loop3A_927 = arith.constant 48 : index
        %parallel_loop3A_928 = tpu.vector_load %arg6[%parallel_loop3A_926, %parallel_loop3A_927] {strides = array<i32>} : memref<64x128xf32, #tpu.memory_space<vmem>>, vector<16xf32>,
        %parallel_loop3A_929 = vector.broadcast %parallel_loop3A_910 : i32 to vector<16xi32>
        %parallel_loop3A_930 = arith.addi %mul3A_402, %parallel_loop3A_929 : vector<16xi32>
        tpu.vector_store_idx %arg10[%select_n3A_156, %parallel_loop3A_930], %parallel_loop3A_928 : memref<64x129xf32, #tpu.memory_space<vmem>>[vector<16xi32>, vector<16xi32>], vector<16xf32>,
        %parallel_loop3A_931 = arith.index_cast %parallel_loop3A_910 : i32 to index
        %parallel_loop3A_932 = arith.constant 64 : index
        %parallel_loop3A_933 = tpu.vector_load %arg6[%parallel_loop3A_931, %parallel_loop3A_932] {strides = array<i32>} : memref<64x128xf32, #tpu.memory_space<vmem>>, vector<16xf32>,
        %parallel_loop3A_934 = vector.broadcast %parallel_loop3A_910 : i32 to vector<16xi32>
        %parallel_loop3A_935 = arith.addi %mul3A_430, %parallel_loop3A_934 : vector<16xi32>
        tpu.vector_store_idx %arg10[%select_n3A_190, %parallel_loop3A_935], %parallel_loop3A_933 : memref<64x129xf32, #tpu.memory_space<vmem>>[vector<16xi32>, vector<16xi32>], vector<16xf32>,
        %parallel_loop3A_936 = arith.index_cast %parallel_loop3A_910 : i32 to index
        %parallel_loop3A_937 = arith.constant 80 : index
        %parallel_loop3A_938 = tpu.vector_load %arg6[%parallel_loop3A_936, %parallel_loop3A_937] {strides = array<i32>} : memref<64x128xf32, #tpu.memory_space<vmem>>, vector<16xf32>,
        %parallel_loop3A_939 = vector.broadcast %parallel_loop3A_910 : i32 to vector<16xi32>
        %parallel_loop3A_940 = arith.addi %mul3A_458, %parallel_loop3A_939 : vector<16xi32>
        tpu.vector_store_idx %arg10[%select_n3A_224, %parallel_loop3A_940], %parallel_loop3A_938 : memref<64x129xf32, #tpu.memory_space<vmem>>[vector<16xi32>, vector<16xi32>], vector<16xf32>,
        %parallel_loop3A_941 = arith.index_cast %parallel_loop3A_910 : i32 to index
        %parallel_loop3A_942 = arith.constant 96 : index
        %parallel_loop3A_943 = tpu.vector_load %arg6[%parallel_loop3A_941, %parallel_loop3A_942] {strides = array<i32>} : memref<64x128xf32, #tpu.memory_space<vmem>>, vector<16xf32>,
        %parallel_loop3A_944 = vector.broadcast %parallel_loop3A_910 : i32 to vector<16xi32>
        %parallel_loop3A_945 = arith.addi %mul3A_486, %parallel_loop3A_944 : vector<16xi32>
        tpu.vector_store_idx %arg10[%select_n3A_258, %parallel_loop3A_945], %parallel_loop3A_943 : memref<64x129xf32, #tpu.memory_space<vmem>>[vector<16xi32>, vector<16xi32>], vector<16xf32>,
        %parallel_loop3A_946 = arith.index_cast %parallel_loop3A_910 : i32 to index
        %parallel_loop3A_947 = arith.constant 112 : index
        %parallel_loop3A_948 = tpu.vector_load %arg6[%parallel_loop3A_946, %parallel_loop3A_947] {strides = array<i32>} : memref<64x128xf32, #tpu.memory_space<vmem>>, vector<16xf32>,
        %parallel_loop3A_949 = vector.broadcast %parallel_loop3A_910 : i32 to vector<16xi32>
        %parallel_loop3A_950 = arith.addi %mul3A_514, %parallel_loop3A_949 : vector<16xi32>
        tpu.vector_store_idx %arg10[%select_n3A_292, %parallel_loop3A_950], %parallel_loop3A_948 : memref<64x129xf32, #tpu.memory_space<vmem>>[vector<16xi32>, vector<16xi32>], vector<16xf32>,
      } {sc.loop_unroll_factor = 8 : i64, sc.parallel_access}
      %add3A_694 = arith.constant 4 : i32
      %add3A_695 = arith.addi %add3A_678, %add3A_694 : i32
      %min3A_696 = arith.constant 247 : i32
      %min3A_697 = arith.minsi %add3A_695, %min3A_696 : i32
      %sub3A_698 = arith.constant 1 : i32
      %sub3A_699 = arith.subi %add3A_20, %sub3A_698 : i32
      %min3A_700 = arith.minsi %min3A_697, %sub3A_699 : i32
      %mul3A_701 = arith.constant 32 : i32
      %mul3A_702 = arith.muli %mul3A_701, %min3A_700 : i32
      %add3A_703 = arith.addi %add3A, %mul3A_702 : i32
      %mul3A_704 = arith.constant 128 : i32
      %mul3A_705 = arith.muli %add3A_703, %mul3A_704 : i32
      %dma_start3A_706 = arith.constant 0 : i32
      %dma_start3A_707 = tpu.memref_slice %arg2[%dma_start3A_706, %mul3A_705] : memref<64x1000000xf32, #tpu.memory_space<hbm>> -> memref<64x128xf32, #tpu.memory_space<hbm>>
      %dma_start3A_708 = arith.constant 0 : i32
      %dma_start3A_709 = tpu.memref_slice %arg2[%dma_start3A_708, %mul3A_705] : memref<64x1000000xf32, #tpu.memory_space<hbm>> -> memref<64x128xf32, #tpu.memory_space<hbm>>
      tpu.enqueue_dma source(%dma_start3A_709 : memref<64x128xf32, #tpu.memory_space<hbm>>) target(%arg6 : memref<64x128xf32, #tpu.memory_space<vmem>>) target_semaphore(%arg14 : memref<!tpu.dma_semaphore, #tpu.memory_space<semaphore_mem>>)
      %sub3A_710 = arith.constant 1 : i32
      %sub3A_711 = arith.subi %add3A_20, %sub3A_710 : i32
      %min3A_712 = arith.minsi %add3A_678, %sub3A_711 : i32
      %mul3A_713 = arith.constant 32 : i32
      %mul3A_714 = arith.muli %mul3A_713, %min3A_712 : i32
      %add3A_715 = arith.addi %add3A, %mul3A_714 : i32
      %mul3A_716 = arith.constant 64 : i32
      %mul3A_717 = arith.muli %add3A_715, %mul3A_716 : i32
      %dma_start3A_718 = arith.constant 0 : i32
      %dma_start3A_719 = arith.constant 0 : i32
      %dma_start3A_720 = tpu.memref_slice %arg10[%dma_start3A_718, %dma_start3A_719] : memref<64x129xf32, #tpu.memory_space<vmem>> -> memref<64x128xf32, #tpu.memory_space<vmem>>
      %dma_start3A_721 = arith.constant 0 : i32
      %dma_start3A_722 = tpu.memref_slice %arg4[%mul3A_717, %dma_start3A_721] : memref<500000x128xf32, #tpu.memory_space<hbm>> -> memref<64x128xf32, #tpu.memory_space<hbm>>
      %dma_start3A_723 = arith.constant 0 : i32
      %dma_start3A_724 = tpu.memref_slice %arg4[%mul3A_717, %dma_start3A_723] : memref<500000x128xf32, #tpu.memory_space<hbm>> -> memref<64x128xf32, #tpu.memory_space<hbm>>
      %dma_start3A_725 = arith.constant 0 : i32
      %dma_start3A_726 = arith.constant 0 : i32
      %dma_start3A_727 = tpu.memref_slice %arg10[%dma_start3A_725, %dma_start3A_726] : memref<64x129xf32, #tpu.memory_space<vmem>> -> memref<64x128xf32, #tpu.memory_space<vmem>>
      tpu.enqueue_dma source(%dma_start3A_727 : memref<64x128xf32, #tpu.memory_space<vmem>>) target(%dma_start3A_724 : memref<64x128xf32, #tpu.memory_space<hbm>>) target_semaphore(%arg18 : memref<!tpu.dma_semaphore, #tpu.memory_space<semaphore_mem>>)
      %add3A_728 = arith.constant 2 : i32
      %add3A_729 = arith.addi %mul3A_626, %add3A_728 : i32
      %sub3A_730 = arith.constant 1 : i32
      %sub3A_731 = arith.subi %add3A_20, %sub3A_730 : i32
      %min3A_732 = arith.minsi %add3A_729, %sub3A_731 : i32
      %mul3A_733 = arith.constant 32 : i32
      %mul3A_734 = arith.muli %mul3A_733, %min3A_732 : i32
      %add3A_735 = arith.addi %add3A, %mul3A_734 : i32
      %mul3A_736 = arith.constant 128 : i32
      %mul3A_737 = arith.muli %add3A_735, %mul3A_736 : i32
      %dma_wait3A_738 = arith.constant 0 : i32
      %dma_wait3A_739 = tpu.memref_slice %arg2[%dma_wait3A_738, %mul3A_737] : memref<64x1000000xf32, #tpu.memory_space<hbm>> -> memref<64x128xf32, #tpu.memory_space<hbm>>
      %dma_wait3A_740 = arith.constant 0 : i32
      %dma_wait3A_741 = tpu.memref_slice %arg2[%dma_wait3A_740, %mul3A_737] : memref<64x1000000xf32, #tpu.memory_space<hbm>> -> memref<64x128xf32, #tpu.memory_space<hbm>>
      tpu.wait_dma2 semaphore(%arg15 : memref<!tpu.dma_semaphore, #tpu.memory_space<semaphore_mem>>) src(%dma_wait3A_741 : memref<64x128xf32, #tpu.memory_space<hbm>>) dst(%arg7 : memref<64x128xf32, #tpu.memory_space<vmem>>)
      %parallel_loop3A_742 = arith.constant 0 : i32
      %parallel_loop3A_743 = arith.constant 64 : i32
      %parallel_loop3A_744 = arith.constant 1 : i32
      scf.for %parallel_loop3A_910 = %parallel_loop3A_742 to %parallel_loop3A_743 step %parallel_loop3A_744  : i32 {
        %parallel_loop3A_911 = arith.index_cast %parallel_loop3A_910 : i32 to index
        %parallel_loop3A_912 = arith.constant 0 : index
        %parallel_loop3A_913 = tpu.vector_load %arg7[%parallel_loop3A_911, %parallel_loop3A_912] {strides = array<i32>} : memref<64x128xf32, #tpu.memory_space<vmem>>, vector<16xf32>,
        %parallel_loop3A_914 = vector.broadcast %parallel_loop3A_910 : i32 to vector<16xi32>
        %parallel_loop3A_915 = arith.addi %mul3A_318, %parallel_loop3A_914 : vector<16xi32>
        tpu.vector_store_idx %arg11[%select_n3A_54, %parallel_loop3A_915], %parallel_loop3A_913 : memref<64x129xf32, #tpu.memory_space<vmem>>[vector<16xi32>, vector<16xi32>], vector<16xf32>,
        %parallel_loop3A_916 = arith.index_cast %parallel_loop3A_910 : i32 to index
        %parallel_loop3A_917 = arith.constant 16 : index
        %parallel_loop3A_918 = tpu.vector_load %arg7[%parallel_loop3A_916, %parallel_loop3A_917] {strides = array<i32>} : memref<64x128xf32, #tpu.memory_space<vmem>>, vector<16xf32>,
        %parallel_loop3A_919 = vector.broadcast %parallel_loop3A_910 : i32 to vector<16xi32>
        %parallel_loop3A_920 = arith.addi %mul3A_346, %parallel_loop3A_919 : vector<16xi32>
        tpu.vector_store_idx %arg11[%select_n3A_88, %parallel_loop3A_920], %parallel_loop3A_918 : memref<64x129xf32, #tpu.memory_space<vmem>>[vector<16xi32>, vector<16xi32>], vector<16xf32>,
        %parallel_loop3A_921 = arith.index_cast %parallel_loop3A_910 : i32 to index
        %parallel_loop3A_922 = arith.constant 32 : index
        %parallel_loop3A_923 = tpu.vector_load %arg7[%parallel_loop3A_921, %parallel_loop3A_922] {strides = array<i32>} : memref<64x128xf32, #tpu.memory_space<vmem>>, vector<16xf32>,
        %parallel_loop3A_924 = vector.broadcast %parallel_loop3A_910 : i32 to vector<16xi32>
        %parallel_loop3A_925 = arith.addi %mul3A_374, %parallel_loop3A_924 : vector<16xi32>
        tpu.vector_store_idx %arg11[%select_n3A_122, %parallel_loop3A_925], %parallel_loop3A_923 : memref<64x129xf32, #tpu.memory_space<vmem>>[vector<16xi32>, vector<16xi32>], vector<16xf32>,
        %parallel_loop3A_926 = arith.index_cast %parallel_loop3A_910 : i32 to index
        %parallel_loop3A_927 = arith.constant 48 : index
        %parallel_loop3A_928 = tpu.vector_load %arg7[%parallel_loop3A_926, %parallel_loop3A_927] {strides = array<i32>} : memref<64x128xf32, #tpu.memory_space<vmem>>, vector<16xf32>,
        %parallel_loop3A_929 = vector.broadcast %parallel_loop3A_910 : i32 to vector<16xi32>
        %parallel_loop3A_930 = arith.addi %mul3A_402, %parallel_loop3A_929 : vector<16xi32>
        tpu.vector_store_idx %arg11[%select_n3A_156, %parallel_loop3A_930], %parallel_loop3A_928 : memref<64x129xf32, #tpu.memory_space<vmem>>[vector<16xi32>, vector<16xi32>], vector<16xf32>,
        %parallel_loop3A_931 = arith.index_cast %parallel_loop3A_910 : i32 to index
        %parallel_loop3A_932 = arith.constant 64 : index
        %parallel_loop3A_933 = tpu.vector_load %arg7[%parallel_loop3A_931, %parallel_loop3A_932] {strides = array<i32>} : memref<64x128xf32, #tpu.memory_space<vmem>>, vector<16xf32>,
        %parallel_loop3A_934 = vector.broadcast %parallel_loop3A_910 : i32 to vector<16xi32>
        %parallel_loop3A_935 = arith.addi %mul3A_430, %parallel_loop3A_934 : vector<16xi32>
        tpu.vector_store_idx %arg11[%select_n3A_190, %parallel_loop3A_935], %parallel_loop3A_933 : memref<64x129xf32, #tpu.memory_space<vmem>>[vector<16xi32>, vector<16xi32>], vector<16xf32>,
        %parallel_loop3A_936 = arith.index_cast %parallel_loop3A_910 : i32 to index
        %parallel_loop3A_937 = arith.constant 80 : index
        %parallel_loop3A_938 = tpu.vector_load %arg7[%parallel_loop3A_936, %parallel_loop3A_937] {strides = array<i32>} : memref<64x128xf32, #tpu.memory_space<vmem>>, vector<16xf32>,
        %parallel_loop3A_939 = vector.broadcast %parallel_loop3A_910 : i32 to vector<16xi32>
        %parallel_loop3A_940 = arith.addi %mul3A_458, %parallel_loop3A_939 : vector<16xi32>
        tpu.vector_store_idx %arg11[%select_n3A_224, %parallel_loop3A_940], %parallel_loop3A_938 : memref<64x129xf32, #tpu.memory_space<vmem>>[vector<16xi32>, vector<16xi32>], vector<16xf32>,
        %parallel_loop3A_941 = arith.index_cast %parallel_loop3A_910 : i32 to index
        %parallel_loop3A_942 = arith.constant 96 : index
        %parallel_loop3A_943 = tpu.vector_load %arg7[%parallel_loop3A_941, %parallel_loop3A_942] {strides = array<i32>} : memref<64x128xf32, #tpu.memory_space<vmem>>, vector<16xf32>,
        %parallel_loop3A_944 = vector.broadcast %parallel_loop3A_910 : i32 to vector<16xi32>
        %parallel_loop3A_945 = arith.addi %mul3A_486, %parallel_loop3A_944 : vector<16xi32>
        tpu.vector_store_idx %arg11[%select_n3A_258, %parallel_loop3A_945], %parallel_loop3A_943 : memref<64x129xf32, #tpu.memory_space<vmem>>[vector<16xi32>, vector<16xi32>], vector<16xf32>,
        %parallel_loop3A_946 = arith.index_cast %parallel_loop3A_910 : i32 to index
        %parallel_loop3A_947 = arith.constant 112 : index
        %parallel_loop3A_948 = tpu.vector_load %arg7[%parallel_loop3A_946, %parallel_loop3A_947] {strides = array<i32>} : memref<64x128xf32, #tpu.memory_space<vmem>>, vector<16xf32>,
        %parallel_loop3A_949 = vector.broadcast %parallel_loop3A_910 : i32 to vector<16xi32>
        %parallel_loop3A_950 = arith.addi %mul3A_514, %parallel_loop3A_949 : vector<16xi32>
        tpu.vector_store_idx %arg11[%select_n3A_292, %parallel_loop3A_950], %parallel_loop3A_948 : memref<64x129xf32, #tpu.memory_space<vmem>>[vector<16xi32>, vector<16xi32>], vector<16xf32>,
      } {sc.loop_unroll_factor = 8 : i64, sc.parallel_access}
      %add3A_745 = arith.constant 4 : i32
      %add3A_746 = arith.addi %add3A_729, %add3A_745 : i32
      %min3A_747 = arith.constant 247 : i32
      %min3A_748 = arith.minsi %add3A_746, %min3A_747 : i32
      %sub3A_749 = arith.constant 1 : i32
      %sub3A_750 = arith.subi %add3A_20, %sub3A_749 : i32
      %min3A_751 = arith.minsi %min3A_748, %sub3A_750 : i32
      %mul3A_752 = arith.constant 32 : i32
      %mul3A_753 = arith.muli %mul3A_752, %min3A_751 : i32
      %add3A_754 = arith.addi %add3A, %mul3A_753 : i32
      %mul3A_755 = arith.constant 128 : i32
      %mul3A_756 = arith.muli %add3A_754, %mul3A_755 : i32
      %dma_start3A_757 = arith.constant 0 : i32
      %dma_start3A_758 = tpu.memref_slice %arg2[%dma_start3A_757, %mul3A_756] : memref<64x1000000xf32, #tpu.memory_space<hbm>> -> memref<64x128xf32, #tpu.memory_space<hbm>>
      %dma_start3A_759 = arith.constant 0 : i32
      %dma_start3A_760 = tpu.memref_slice %arg2[%dma_start3A_759, %mul3A_756] : memref<64x1000000xf32, #tpu.memory_space<hbm>> -> memref<64x128xf32, #tpu.memory_space<hbm>>
      tpu.enqueue_dma source(%dma_start3A_760 : memref<64x128xf32, #tpu.memory_space<hbm>>) target(%arg7 : memref<64x128xf32, #tpu.memory_space<vmem>>) target_semaphore(%arg15 : memref<!tpu.dma_semaphore, #tpu.memory_space<semaphore_mem>>)
      %sub3A_761 = arith.constant 1 : i32
      %sub3A_762 = arith.subi %add3A_20, %sub3A_761 : i32
      %min3A_763 = arith.minsi %add3A_729, %sub3A_762 : i32
      %mul3A_764 = arith.constant 32 : i32
      %mul3A_765 = arith.muli %mul3A_764, %min3A_763 : i32
      %add3A_766 = arith.addi %add3A, %mul3A_765 : i32
      %mul3A_767 = arith.constant 64 : i32
      %mul3A_768 = arith.muli %add3A_766, %mul3A_767 : i32
      %dma_start3A_769 = arith.constant 0 : i32
      %dma_start3A_770 = arith.constant 0 : i32
      %dma_start3A_771 = tpu.memref_slice %arg11[%dma_start3A_769, %dma_start3A_770] : memref<64x129xf32, #tpu.memory_space<vmem>> -> memref<64x128xf32, #tpu.memory_space<vmem>>
      %dma_start3A_772 = arith.constant 0 : i32
      %dma_start3A_773 = tpu.memref_slice %arg4[%mul3A_768, %dma_start3A_772] : memref<500000x128xf32, #tpu.memory_space<hbm>> -> memref<64x128xf32, #tpu.memory_space<hbm>>
      %dma_start3A_774 = arith.constant 0 : i32
      %dma_start3A_775 = tpu.memref_slice %arg4[%mul3A_768, %dma_start3A_774] : memref<500000x128xf32, #tpu.memory_space<hbm>> -> memref<64x128xf32, #tpu.memory_space<hbm>>
      %dma_start3A_776 = arith.constant 0 : i32
      %dma_start3A_777 = arith.constant 0 : i32
      %dma_start3A_778 = tpu.memref_slice %arg11[%dma_start3A_776, %dma_start3A_777] : memref<64x129xf32, #tpu.memory_space<vmem>> -> memref<64x128xf32, #tpu.memory_space<vmem>>
      tpu.enqueue_dma source(%dma_start3A_778 : memref<64x128xf32, #tpu.memory_space<vmem>>) target(%dma_start3A_775 : memref<64x128xf32, #tpu.memory_space<hbm>>) target_semaphore(%arg19 : memref<!tpu.dma_semaphore, #tpu.memory_space<semaphore_mem>>)
      %add3A_779 = arith.constant 3 : i32
      %add3A_780 = arith.addi %mul3A_626, %add3A_779 : i32
      %sub3A_781 = arith.constant 1 : i32
      %sub3A_782 = arith.subi %add3A_20, %sub3A_781 : i32
      %min3A_783 = arith.minsi %add3A_780, %sub3A_782 : i32
      %mul3A_784 = arith.constant 32 : i32
      %mul3A_785 = arith.muli %mul3A_784, %min3A_783 : i32
      %add3A_786 = arith.addi %add3A, %mul3A_785 : i32
      %mul3A_787 = arith.constant 128 : i32
      %mul3A_788 = arith.muli %add3A_786, %mul3A_787 : i32
      %dma_wait3A_789 = arith.constant 0 : i32
      %dma_wait3A_790 = tpu.memref_slice %arg2[%dma_wait3A_789, %mul3A_788] : memref<64x1000000xf32, #tpu.memory_space<hbm>> -> memref<64x128xf32, #tpu.memory_space<hbm>>
      %dma_wait3A_791 = arith.constant 0 : i32
      %dma_wait3A_792 = tpu.memref_slice %arg2[%dma_wait3A_791, %mul3A_788] : memref<64x1000000xf32, #tpu.memory_space<hbm>> -> memref<64x128xf32, #tpu.memory_space<hbm>>
      tpu.wait_dma2 semaphore(%arg16 : memref<!tpu.dma_semaphore, #tpu.memory_space<semaphore_mem>>) src(%dma_wait3A_792 : memref<64x128xf32, #tpu.memory_space<hbm>>) dst(%arg8 : memref<64x128xf32, #tpu.memory_space<vmem>>)
      %parallel_loop3A_793 = arith.constant 0 : i32
      %parallel_loop3A_794 = arith.constant 64 : i32
      %parallel_loop3A_795 = arith.constant 1 : i32
      scf.for %parallel_loop3A_910 = %parallel_loop3A_793 to %parallel_loop3A_794 step %parallel_loop3A_795  : i32 {
        %parallel_loop3A_911 = arith.index_cast %parallel_loop3A_910 : i32 to index
        %parallel_loop3A_912 = arith.constant 0 : index
        %parallel_loop3A_913 = tpu.vector_load %arg8[%parallel_loop3A_911, %parallel_loop3A_912] {strides = array<i32>} : memref<64x128xf32, #tpu.memory_space<vmem>>, vector<16xf32>,
        %parallel_loop3A_914 = vector.broadcast %parallel_loop3A_910 : i32 to vector<16xi32>
        %parallel_loop3A_915 = arith.addi %mul3A_318, %parallel_loop3A_914 : vector<16xi32>
        tpu.vector_store_idx %arg12[%select_n3A_54, %parallel_loop3A_915], %parallel_loop3A_913 : memref<64x129xf32, #tpu.memory_space<vmem>>[vector<16xi32>, vector<16xi32>], vector<16xf32>,
        %parallel_loop3A_916 = arith.index_cast %parallel_loop3A_910 : i32 to index
        %parallel_loop3A_917 = arith.constant 16 : index
        %parallel_loop3A_918 = tpu.vector_load %arg8[%parallel_loop3A_916, %parallel_loop3A_917] {strides = array<i32>} : memref<64x128xf32, #tpu.memory_space<vmem>>, vector<16xf32>,
        %parallel_loop3A_919 = vector.broadcast %parallel_loop3A_910 : i32 to vector<16xi32>
        %parallel_loop3A_920 = arith.addi %mul3A_346, %parallel_loop3A_919 : vector<16xi32>
        tpu.vector_store_idx %arg12[%select_n3A_88, %parallel_loop3A_920], %parallel_loop3A_918 : memref<64x129xf32, #tpu.memory_space<vmem>>[vector<16xi32>, vector<16xi32>], vector<16xf32>,
        %parallel_loop3A_921 = arith.index_cast %parallel_loop3A_910 : i32 to index
        %parallel_loop3A_922 = arith.constant 32 : index
        %parallel_loop3A_923 = tpu.vector_load %arg8[%parallel_loop3A_921, %parallel_loop3A_922] {strides = array<i32>} : memref<64x128xf32, #tpu.memory_space<vmem>>, vector<16xf32>,
        %parallel_loop3A_924 = vector.broadcast %parallel_loop3A_910 : i32 to vector<16xi32>
        %parallel_loop3A_925 = arith.addi %mul3A_374, %parallel_loop3A_924 : vector<16xi32>
        tpu.vector_store_idx %arg12[%select_n3A_122, %parallel_loop3A_925], %parallel_loop3A_923 : memref<64x129xf32, #tpu.memory_space<vmem>>[vector<16xi32>, vector<16xi32>], vector<16xf32>,
        %parallel_loop3A_926 = arith.index_cast %parallel_loop3A_910 : i32 to index
        %parallel_loop3A_927 = arith.constant 48 : index
        %parallel_loop3A_928 = tpu.vector_load %arg8[%parallel_loop3A_926, %parallel_loop3A_927] {strides = array<i32>} : memref<64x128xf32, #tpu.memory_space<vmem>>, vector<16xf32>,
        %parallel_loop3A_929 = vector.broadcast %parallel_loop3A_910 : i32 to vector<16xi32>
        %parallel_loop3A_930 = arith.addi %mul3A_402, %parallel_loop3A_929 : vector<16xi32>
        tpu.vector_store_idx %arg12[%select_n3A_156, %parallel_loop3A_930], %parallel_loop3A_928 : memref<64x129xf32, #tpu.memory_space<vmem>>[vector<16xi32>, vector<16xi32>], vector<16xf32>,
        %parallel_loop3A_931 = arith.index_cast %parallel_loop3A_910 : i32 to index
        %parallel_loop3A_932 = arith.constant 64 : index
        %parallel_loop3A_933 = tpu.vector_load %arg8[%parallel_loop3A_931, %parallel_loop3A_932] {strides = array<i32>} : memref<64x128xf32, #tpu.memory_space<vmem>>, vector<16xf32>,
        %parallel_loop3A_934 = vector.broadcast %parallel_loop3A_910 : i32 to vector<16xi32>
        %parallel_loop3A_935 = arith.addi %mul3A_430, %parallel_loop3A_934 : vector<16xi32>
        tpu.vector_store_idx %arg12[%select_n3A_190, %parallel_loop3A_935], %parallel_loop3A_933 : memref<64x129xf32, #tpu.memory_space<vmem>>[vector<16xi32>, vector<16xi32>], vector<16xf32>,
        %parallel_loop3A_936 = arith.index_cast %parallel_loop3A_910 : i32 to index
        %parallel_loop3A_937 = arith.constant 80 : index
        %parallel_loop3A_938 = tpu.vector_load %arg8[%parallel_loop3A_936, %parallel_loop3A_937] {strides = array<i32>} : memref<64x128xf32, #tpu.memory_space<vmem>>, vector<16xf32>,
        %parallel_loop3A_939 = vector.broadcast %parallel_loop3A_910 : i32 to vector<16xi32>
        %parallel_loop3A_940 = arith.addi %mul3A_458, %parallel_loop3A_939 : vector<16xi32>
        tpu.vector_store_idx %arg12[%select_n3A_224, %parallel_loop3A_940], %parallel_loop3A_938 : memref<64x129xf32, #tpu.memory_space<vmem>>[vector<16xi32>, vector<16xi32>], vector<16xf32>,
        %parallel_loop3A_941 = arith.index_cast %parallel_loop3A_910 : i32 to index
        %parallel_loop3A_942 = arith.constant 96 : index
        %parallel_loop3A_943 = tpu.vector_load %arg8[%parallel_loop3A_941, %parallel_loop3A_942] {strides = array<i32>} : memref<64x128xf32, #tpu.memory_space<vmem>>, vector<16xf32>,
        %parallel_loop3A_944 = vector.broadcast %parallel_loop3A_910 : i32 to vector<16xi32>
        %parallel_loop3A_945 = arith.addi %mul3A_486, %parallel_loop3A_944 : vector<16xi32>
        tpu.vector_store_idx %arg12[%select_n3A_258, %parallel_loop3A_945], %parallel_loop3A_943 : memref<64x129xf32, #tpu.memory_space<vmem>>[vector<16xi32>, vector<16xi32>], vector<16xf32>,
        %parallel_loop3A_946 = arith.index_cast %parallel_loop3A_910 : i32 to index
        %parallel_loop3A_947 = arith.constant 112 : index
        %parallel_loop3A_948 = tpu.vector_load %arg8[%parallel_loop3A_946, %parallel_loop3A_947] {strides = array<i32>} : memref<64x128xf32, #tpu.memory_space<vmem>>, vector<16xf32>,
        %parallel_loop3A_949 = vector.broadcast %parallel_loop3A_910 : i32 to vector<16xi32>
        %parallel_loop3A_950 = arith.addi %mul3A_514, %parallel_loop3A_949 : vector<16xi32>
        tpu.vector_store_idx %arg12[%select_n3A_292, %parallel_loop3A_950], %parallel_loop3A_948 : memref<64x129xf32, #tpu.memory_space<vmem>>[vector<16xi32>, vector<16xi32>], vector<16xf32>,
      } {sc.loop_unroll_factor = 8 : i64, sc.parallel_access}
      %add3A_796 = arith.constant 4 : i32
      %add3A_797 = arith.addi %add3A_780, %add3A_796 : i32
      %min3A_798 = arith.constant 247 : i32
      %min3A_799 = arith.minsi %add3A_797, %min3A_798 : i32
      %sub3A_800 = arith.constant 1 : i32
      %sub3A_801 = arith.subi %add3A_20, %sub3A_800 : i32
      %min3A_802 = arith.minsi %min3A_799, %sub3A_801 : i32
      %mul3A_803 = arith.constant 32 : i32
      %mul3A_804 = arith.muli %mul3A_803, %min3A_802 : i32
      %add3A_805 = arith.addi %add3A, %mul3A_804 : i32
      %mul3A_806 = arith.constant 128 : i32
      %mul3A_807 = arith.muli %add3A_805, %mul3A_806 : i32
      %dma_start3A_808 = arith.constant 0 : i32
      %dma_start3A_809 = tpu.memref_slice %arg2[%dma_start3A_808, %mul3A_807] : memref<64x1000000xf32, #tpu.memory_space<hbm>> -> memref<64x128xf32, #tpu.memory_space<hbm>>
      %dma_start3A_810 = arith.constant 0 : i32
      %dma_start3A_811 = tpu.memref_slice %arg2[%dma_start3A_810, %mul3A_807] : memref<64x1000000xf32, #tpu.memory_space<hbm>> -> memref<64x128xf32, #tpu.memory_space<hbm>>
      tpu.enqueue_dma source(%dma_start3A_811 : memref<64x128xf32, #tpu.memory_space<hbm>>) target(%arg8 : memref<64x128xf32, #tpu.memory_space<vmem>>) target_semaphore(%arg16 : memref<!tpu.dma_semaphore, #tpu.memory_space<semaphore_mem>>)
      %sub3A_812 = arith.constant 1 : i32
      %sub3A_813 = arith.subi %add3A_20, %sub3A_812 : i32
      %min3A_814 = arith.minsi %add3A_780, %sub3A_813 : i32
      %mul3A_815 = arith.constant 32 : i32
      %mul3A_816 = arith.muli %mul3A_815, %min3A_814 : i32
      %add3A_817 = arith.addi %add3A, %mul3A_816 : i32
      %mul3A_818 = arith.constant 64 : i32
      %mul3A_819 = arith.muli %add3A_817, %mul3A_818 : i32
      %dma_start3A_820 = arith.constant 0 : i32
      %dma_start3A_821 = arith.constant 0 : i32
      %dma_start3A_822 = tpu.memref_slice %arg12[%dma_start3A_820, %dma_start3A_821] : memref<64x129xf32, #tpu.memory_space<vmem>> -> memref<64x128xf32, #tpu.memory_space<vmem>>
      %dma_start3A_823 = arith.constant 0 : i32
      %dma_start3A_824 = tpu.memref_slice %arg4[%mul3A_819, %dma_start3A_823] : memref<500000x128xf32, #tpu.memory_space<hbm>> -> memref<64x128xf32, #tpu.memory_space<hbm>>
      %dma_start3A_825 = arith.constant 0 : i32
      %dma_start3A_826 = tpu.memref_slice %arg4[%mul3A_819, %dma_start3A_825] : memref<500000x128xf32, #tpu.memory_space<hbm>> -> memref<64x128xf32, #tpu.memory_space<hbm>>
      %dma_start3A_827 = arith.constant 0 : i32
      %dma_start3A_828 = arith.constant 0 : i32
      %dma_start3A_829 = tpu.memref_slice %arg12[%dma_start3A_827, %dma_start3A_828] : memref<64x129xf32, #tpu.memory_space<vmem>> -> memref<64x128xf32, #tpu.memory_space<vmem>>
      tpu.enqueue_dma source(%dma_start3A_829 : memref<64x128xf32, #tpu.memory_space<vmem>>) target(%dma_start3A_826 : memref<64x128xf32, #tpu.memory_space<hbm>>) target_semaphore(%arg20 : memref<!tpu.dma_semaphore, #tpu.memory_space<semaphore_mem>>)
      %add3A_830 = arith.constant 0 : i32
      %add3A_831 = arith.addi %mul3A_626, %add3A_830 : i32
      %sub3A_832 = arith.constant 1 : i32
      %sub3A_833 = arith.subi %add3A_20, %sub3A_832 : i32
      %min3A_834 = arith.minsi %add3A_831, %sub3A_833 : i32
      %mul3A_835 = arith.constant 32 : i32
      %mul3A_836 = arith.muli %mul3A_835, %min3A_834 : i32
      %add3A_837 = arith.addi %add3A, %mul3A_836 : i32
      %mul3A_838 = arith.constant 64 : i32
      %mul3A_839 = arith.muli %add3A_837, %mul3A_838 : i32
      %dma_wait3A_840 = arith.constant 0 : i32
      %dma_wait3A_841 = arith.constant 0 : i32
      %dma_wait3A_842 = tpu.memref_slice %arg9[%dma_wait3A_840, %dma_wait3A_841] : memref<64x129xf32, #tpu.memory_space<vmem>> -> memref<64x128xf32, #tpu.memory_space<vmem>>
      %dma_wait3A_843 = arith.constant 0 : i32
      %dma_wait3A_844 = tpu.memref_slice %arg4[%mul3A_839, %dma_wait3A_843] : memref<500000x128xf32, #tpu.memory_space<hbm>> -> memref<64x128xf32, #tpu.memory_space<hbm>>
      %dma_wait3A_845 = arith.constant 0 : i32
      %dma_wait3A_846 = tpu.memref_slice %arg4[%mul3A_839, %dma_wait3A_845] : memref<500000x128xf32, #tpu.memory_space<hbm>> -> memref<64x128xf32, #tpu.memory_space<hbm>>
      %dma_wait3A_847 = arith.constant 0 : i32
      %dma_wait3A_848 = arith.constant 0 : i32
      %dma_wait3A_849 = tpu.memref_slice %arg9[%dma_wait3A_847, %dma_wait3A_848] : memref<64x129xf32, #tpu.memory_space<vmem>> -> memref<64x128xf32, #tpu.memory_space<vmem>>
      tpu.wait_dma2 semaphore(%arg17 : memref<!tpu.dma_semaphore, #tpu.memory_space<semaphore_mem>>) src(%dma_wait3A_849 : memref<64x128xf32, #tpu.memory_space<vmem>>) dst(%dma_wait3A_846 : memref<64x128xf32, #tpu.memory_space<hbm>>)
      %add3A_850 = arith.constant 1 : i32
      %add3A_851 = arith.addi %mul3A_626, %add3A_850 : i32
      %sub3A_852 = arith.constant 1 : i32
      %sub3A_853 = arith.subi %add3A_20, %sub3A_852 : i32
      %min3A_854 = arith.minsi %add3A_851, %sub3A_853 : i32
      %mul3A_855 = arith.constant 32 : i32
      %mul3A_856 = arith.muli %mul3A_855, %min3A_854 : i32
      %add3A_857 = arith.addi %add3A, %mul3A_856 : i32
      %mul3A_858 = arith.constant 64 : i32
      %mul3A_859 = arith.muli %add3A_857, %mul3A_858 : i32
      %dma_wait3A_860 = arith.constant 0 : i32
      %dma_wait3A_861 = arith.constant 0 : i32
      %dma_wait3A_862 = tpu.memref_slice %arg10[%dma_wait3A_860, %dma_wait3A_861] : memref<64x129xf32, #tpu.memory_space<vmem>> -> memref<64x128xf32, #tpu.memory_space<vmem>>
      %dma_wait3A_863 = arith.constant 0 : i32
      %dma_wait3A_864 = tpu.memref_slice %arg4[%mul3A_859, %dma_wait3A_863] : memref<500000x128xf32, #tpu.memory_space<hbm>> -> memref<64x128xf32, #tpu.memory_space<hbm>>
      %dma_wait3A_865 = arith.constant 0 : i32
      %dma_wait3A_866 = tpu.memref_slice %arg4[%mul3A_859, %dma_wait3A_865] : memref<500000x128xf32, #tpu.memory_space<hbm>> -> memref<64x128xf32, #tpu.memory_space<hbm>>
      %dma_wait3A_867 = arith.constant 0 : i32
      %dma_wait3A_868 = arith.constant 0 : i32
      %dma_wait3A_869 = tpu.memref_slice %arg10[%dma_wait3A_867, %dma_wait3A_868] : memref<64x129xf32, #tpu.memory_space<vmem>> -> memref<64x128xf32, #tpu.memory_space<vmem>>
      tpu.wait_dma2 semaphore(%arg18 : memref<!tpu.dma_semaphore, #tpu.memory_space<semaphore_mem>>) src(%dma_wait3A_869 : memref<64x128xf32, #tpu.memory_space<vmem>>) dst(%dma_wait3A_866 : memref<64x128xf32, #tpu.memory_space<hbm>>)
      %add3A_870 = arith.constant 2 : i32
      %add3A_871 = arith.addi %mul3A_626, %add3A_870 : i32
      %sub3A_872 = arith.constant 1 : i32
      %sub3A_873 = arith.subi %add3A_20, %sub3A_872 : i32
      %min3A_874 = arith.minsi %add3A_871, %sub3A_873 : i32
      %mul3A_875 = arith.constant 32 : i32
      %mul3A_876 = arith.muli %mul3A_875, %min3A_874 : i32
      %add3A_877 = arith.addi %add3A, %mul3A_876 : i32
      %mul3A_878 = arith.constant 64 : i32
      %mul3A_879 = arith.muli %add3A_877, %mul3A_878 : i32
      %dma_wait3A_880 = arith.constant 0 : i32
      %dma_wait3A_881 = arith.constant 0 : i32
      %dma_wait3A_882 = tpu.memref_slice %arg11[%dma_wait3A_880, %dma_wait3A_881] : memref<64x129xf32, #tpu.memory_space<vmem>> -> memref<64x128xf32, #tpu.memory_space<vmem>>
      %dma_wait3A_883 = arith.constant 0 : i32
      %dma_wait3A_884 = tpu.memref_slice %arg4[%mul3A_879, %dma_wait3A_883] : memref<500000x128xf32, #tpu.memory_space<hbm>> -> memref<64x128xf32, #tpu.memory_space<hbm>>
      %dma_wait3A_885 = arith.constant 0 : i32
      %dma_wait3A_886 = tpu.memref_slice %arg4[%mul3A_879, %dma_wait3A_885] : memref<500000x128xf32, #tpu.memory_space<hbm>> -> memref<64x128xf32, #tpu.memory_space<hbm>>
      %dma_wait3A_887 = arith.constant 0 : i32
      %dma_wait3A_888 = arith.constant 0 : i32
      %dma_wait3A_889 = tpu.memref_slice %arg11[%dma_wait3A_887, %dma_wait3A_888] : memref<64x129xf32, #tpu.memory_space<vmem>> -> memref<64x128xf32, #tpu.memory_space<vmem>>
      tpu.wait_dma2 semaphore(%arg19 : memref<!tpu.dma_semaphore, #tpu.memory_space<semaphore_mem>>) src(%dma_wait3A_889 : memref<64x128xf32, #tpu.memory_space<vmem>>) dst(%dma_wait3A_886 : memref<64x128xf32, #tpu.memory_space<hbm>>)
      %add3A_890 = arith.constant 3 : i32
      %add3A_891 = arith.addi %mul3A_626, %add3A_890 : i32
      %sub3A_892 = arith.constant 1 : i32
      %sub3A_893 = arith.subi %add3A_20, %sub3A_892 : i32
      %min3A_894 = arith.minsi %add3A_891, %sub3A_893 : i32
      %mul3A_895 = arith.constant 32 : i32
      %mul3A_896 = arith.muli %mul3A_895, %min3A_894 : i32
      %add3A_897 = arith.addi %add3A, %mul3A_896 : i32
      %mul3A_898 = arith.constant 64 : i32
      %mul3A_899 = arith.muli %add3A_897, %mul3A_898 : i32
      %dma_wait3A_900 = arith.constant 0 : i32
      %dma_wait3A_901 = arith.constant 0 : i32
      %dma_wait3A_902 = tpu.memref_slice %arg12[%dma_wait3A_900, %dma_wait3A_901] : memref<64x129xf32, #tpu.memory_space<vmem>> -> memref<64x128xf32, #tpu.memory_space<vmem>>
      %dma_wait3A_903 = arith.constant 0 : i32
      %dma_wait3A_904 = tpu.memref_slice %arg4[%mul3A_899, %dma_wait3A_903] : memref<500000x128xf32, #tpu.memory_space<hbm>> -> memref<64x128xf32, #tpu.memory_space<hbm>>
      %dma_wait3A_905 = arith.constant 0 : i32
      %dma_wait3A_906 = tpu.memref_slice %arg4[%mul3A_899, %dma_wait3A_905] : memref<500000x128xf32, #tpu.memory_space<hbm>> -> memref<64x128xf32, #tpu.memory_space<hbm>>
      %dma_wait3A_907 = arith.constant 0 : i32
      %dma_wait3A_908 = arith.constant 0 : i32
      %dma_wait3A_909 = tpu.memref_slice %arg12[%dma_wait3A_907, %dma_wait3A_908] : memref<64x129xf32, #tpu.memory_space<vmem>> -> memref<64x128xf32, #tpu.memory_space<vmem>>
      tpu.wait_dma2 semaphore(%arg20 : memref<!tpu.dma_semaphore, #tpu.memory_space<semaphore_mem>>) src(%dma_wait3A_909 : memref<64x128xf32, #tpu.memory_space<vmem>>) dst(%dma_wait3A_906 : memref<64x128xf32, #tpu.memory_space<hbm>>)
    }
    %scan3A_569 = arith.constant 62 : i32
    %sub3A_570 = arith.constant 1 : i32
    %sub3A_571 = arith.subi %add3A_20, %sub3A_570 : i32
    %min3A_572 = arith.constant 0 : i32
    %min3A_573 = arith.minsi %min3A_572, %sub3A_571 : i32
    %mul3A_574 = arith.constant 32 : i32
    %mul3A_575 = arith.muli %mul3A_574, %min3A_573 : i32
    %add3A_576 = arith.addi %add3A, %mul3A_575 : i32
    %mul3A_577 = arith.constant 128 : i32
    %mul3A_578 = arith.muli %add3A_576, %mul3A_577 : i32
    %dma_wait3A = arith.constant 0 : i32
    %dma_wait3A_579 = tpu.memref_slice %arg2[%dma_wait3A, %mul3A_578] : memref<64x1000000xf32, #tpu.memory_space<hbm>> -> memref<64x128xf32, #tpu.memory_space<hbm>>
    %dma_wait3A_580 = arith.constant 0 : i32
    %dma_wait3A_581 = tpu.memref_slice %arg2[%dma_wait3A_580, %mul3A_578] : memref<64x1000000xf32, #tpu.memory_space<hbm>> -> memref<64x128xf32, #tpu.memory_space<hbm>>
    tpu.wait_dma2 semaphore(%arg13 : memref<!tpu.dma_semaphore, #tpu.memory_space<semaphore_mem>>) src(%dma_wait3A_581 : memref<64x128xf32, #tpu.memory_space<hbm>>) dst(%arg5 : memref<64x128xf32, #tpu.memory_space<vmem>>)
    %sub3A_582 = arith.constant 1 : i32
    %sub3A_583 = arith.subi %add3A_20, %sub3A_582 : i32
    %min3A_584 = arith.constant 0 : i32
    %min3A_585 = arith.minsi %min3A_584, %sub3A_583 : i32
    %mul3A_586 = arith.constant 32 : i32
    %mul3A_587 = arith.muli %mul3A_586, %min3A_585 : i32
    %add3A_588 = arith.addi %add3A, %mul3A_587 : i32
    %mul3A_589 = arith.constant 128 : i32
    %mul3A_590 = arith.muli %add3A_588, %mul3A_589 : i32
    %dma_wait3A_591 = arith.constant 0 : i32
    %dma_wait3A_592 = tpu.memref_slice %arg2[%dma_wait3A_591, %mul3A_590] : memref<64x1000000xf32, #tpu.memory_space<hbm>> -> memref<64x128xf32, #tpu.memory_space<hbm>>
    %dma_wait3A_593 = arith.constant 0 : i32
    %dma_wait3A_594 = tpu.memref_slice %arg2[%dma_wait3A_593, %mul3A_590] : memref<64x1000000xf32, #tpu.memory_space<hbm>> -> memref<64x128xf32, #tpu.memory_space<hbm>>
    tpu.wait_dma2 semaphore(%arg14 : memref<!tpu.dma_semaphore, #tpu.memory_space<semaphore_mem>>) src(%dma_wait3A_594 : memref<64x128xf32, #tpu.memory_space<hbm>>) dst(%arg6 : memref<64x128xf32, #tpu.memory_space<vmem>>)
    %sub3A_595 = arith.constant 1 : i32
    %sub3A_596 = arith.subi %add3A_20, %sub3A_595 : i32
    %min3A_597 = arith.constant 0 : i32
    %min3A_598 = arith.minsi %min3A_597, %sub3A_596 : i32
    %mul3A_599 = arith.constant 32 : i32
    %mul3A_600 = arith.muli %mul3A_599, %min3A_598 : i32
    %add3A_601 = arith.addi %add3A, %mul3A_600 : i32
    %mul3A_602 = arith.constant 128 : i32
    %mul3A_603 = arith.muli %add3A_601, %mul3A_602 : i32
    %dma_wait3A_604 = arith.constant 0 : i32
    %dma_wait3A_605 = tpu.memref_slice %arg2[%dma_wait3A_604, %mul3A_603] : memref<64x1000000xf32, #tpu.memory_space<hbm>> -> memref<64x128xf32, #tpu.memory_space<hbm>>
    %dma_wait3A_606 = arith.constant 0 : i32
    %dma_wait3A_607 = tpu.memref_slice %arg2[%dma_wait3A_606, %mul3A_603] : memref<64x1000000xf32, #tpu.memory_space<hbm>> -> memref<64x128xf32, #tpu.memory_space<hbm>>
    tpu.wait_dma2 semaphore(%arg15 : memref<!tpu.dma_semaphore, #tpu.memory_space<semaphore_mem>>) src(%dma_wait3A_607 : memref<64x128xf32, #tpu.memory_space<hbm>>) dst(%arg7 : memref<64x128xf32, #tpu.memory_space<vmem>>)
    %sub3A_608 = arith.constant 1 : i32
    %sub3A_609 = arith.subi %add3A_20, %sub3A_608 : i32
    %min3A_610 = arith.constant 0 : i32
    %min3A_611 = arith.minsi %min3A_610, %sub3A_609 : i32
    %mul3A_612 = arith.constant 32 : i32
    %mul3A_613 = arith.muli %mul3A_612, %min3A_611 : i32
    %add3A_614 = arith.addi %add3A, %mul3A_613 : i32
    %mul3A_615 = arith.constant 128 : i32
    %mul3A_616 = arith.muli %add3A_614, %mul3A_615 : i32
    %dma_wait3A_617 = arith.constant 0 : i32
    %dma_wait3A_618 = tpu.memref_slice %arg2[%dma_wait3A_617, %mul3A_616] : memref<64x1000000xf32, #tpu.memory_space<hbm>> -> memref<64x128xf32, #tpu.memory_space<hbm>>
    %dma_wait3A_619 = arith.constant 0 : i32
    %dma_wait3A_620 = tpu.memref_slice %arg2[%dma_wait3A_619, %mul3A_616] : memref<64x1000000xf32, #tpu.memory_space<hbm>> -> memref<64x128xf32, #tpu.memory_space<hbm>>
    tpu.wait_dma2 semaphore(%arg16 : memref<!tpu.dma_semaphore, #tpu.memory_space<semaphore_mem>>) src(%dma_wait3A_620 : memref<64x128xf32, #tpu.memory_space<hbm>>) dst(%arg8 : memref<64x128xf32, #tpu.memory_space<vmem>>)
    %eq3A_621 = arith.constant 4 : i32
    %eq3A_622 = arith.cmpi eq, %add3A, %eq3A_621 : i32
    %convert_element_type3A = arith.extui %eq3A_622 : i1 to i32
    %cond3A = arith.constant 0 : i32
    %cond3A_623 = arith.cmpi ne, %convert_element_type3A, %cond3A : i32
    scf.if %cond3A_623 {
      "tpu.region"() ({
        %run_scoped3A = tpu.sem_alloc : memref<!tpu.dma_semaphore, #tpu.memory_space<semaphore_mem>>
        %dma_start3A_624 = arith.constant 0 : i32
        %dma_start3A_625 = arith.constant 0 : i32
        %dma_start3A_626 = tpu.memref_slice %arg5[%dma_start3A_624, %dma_start3A_625] : memref<64x128xf32, #tpu.memory_space<vmem>> -> memref<32x128xf32, #tpu.memory_space<vmem>>
        %dma_start3A_627 = arith.constant 0 : i32
        %dma_start3A_628 = arith.constant 0 : i32
        %dma_start3A_629 = tpu.memref_slice %arg5[%dma_start3A_627, %dma_start3A_628] : memref<64x128xf32, #tpu.memory_space<vmem>> -> memref<32x128xf32, #tpu.memory_space<vmem>>
        tpu.enqueue_dma source(%arg3 : memref<32x128xf32, #tpu.memory_space<hbm>>) target(%dma_start3A_629 : memref<32x128xf32, #tpu.memory_space<vmem>>) target_semaphore(%run_scoped3A : memref<!tpu.dma_semaphore, #tpu.memory_space<semaphore_mem>>)
        %dma_wait3A_630 = arith.constant 0 : i32
        %dma_wait3A_631 = arith.constant 0 : i32
        %dma_wait3A_632 = tpu.memref_slice %arg5[%dma_wait3A_630, %dma_wait3A_631] : memref<64x128xf32, #tpu.memory_space<vmem>> -> memref<32x128xf32, #tpu.memory_space<vmem>>
        %dma_wait3A_633 = arith.constant 0 : i32
        %dma_wait3A_634 = arith.constant 0 : i32
        %dma_wait3A_635 = tpu.memref_slice %arg5[%dma_wait3A_633, %dma_wait3A_634] : memref<64x128xf32, #tpu.memory_space<vmem>> -> memref<32x128xf32, #tpu.memory_space<vmem>>
        tpu.wait_dma2 semaphore(%run_scoped3A : memref<!tpu.dma_semaphore, #tpu.memory_space<semaphore_mem>>) src(%arg3 : memref<32x128xf32, #tpu.memory_space<hbm>>) dst(%dma_wait3A_635 : memref<32x128xf32, #tpu.memory_space<vmem>>)
        tpu.yield
      }) : () -> ()
      "tpu.region"() ({
        %run_scoped3A = tpu.sem_alloc : memref<!tpu.dma_semaphore, #tpu.memory_space<semaphore_mem>>
        %dma_start3A_624 = arith.constant 0 : i32
        %dma_start3A_625 = arith.constant 0 : i32
        %dma_start3A_626 = tpu.memref_slice %arg5[%dma_start3A_624, %dma_start3A_625] : memref<64x128xf32, #tpu.memory_space<vmem>> -> memref<32x128xf32, #tpu.memory_space<vmem>>
        %dma_start3A_627 = arith.constant 499968 : i32
        %dma_start3A_628 = arith.constant 0 : i32
        %dma_start3A_629 = tpu.memref_slice %arg4[%dma_start3A_627, %dma_start3A_628] : memref<500000x128xf32, #tpu.memory_space<hbm>> -> memref<32x128xf32, #tpu.memory_space<hbm>>
        %dma_start3A_630 = arith.constant 499968 : i32
        %dma_start3A_631 = arith.constant 0 : i32
        %dma_start3A_632 = tpu.memref_slice %arg4[%dma_start3A_630, %dma_start3A_631] : memref<500000x128xf32, #tpu.memory_space<hbm>> -> memref<32x128xf32, #tpu.memory_space<hbm>>
        %dma_start3A_633 = arith.constant 0 : i32
        %dma_start3A_634 = arith.constant 0 : i32
        %dma_start3A_635 = tpu.memref_slice %arg5[%dma_start3A_633, %dma_start3A_634] : memref<64x128xf32, #tpu.memory_space<vmem>> -> memref<32x128xf32, #tpu.memory_space<vmem>>
        tpu.enqueue_dma source(%dma_start3A_635 : memref<32x128xf32, #tpu.memory_space<vmem>>) target(%dma_start3A_632 : memref<32x128xf32, #tpu.memory_space<hbm>>) target_semaphore(%run_scoped3A : memref<!tpu.dma_semaphore, #tpu.memory_space<semaphore_mem>>)
        %dma_wait3A_636 = arith.constant 0 : i32
        %dma_wait3A_637 = arith.constant 0 : i32
        %dma_wait3A_638 = tpu.memref_slice %arg5[%dma_wait3A_636, %dma_wait3A_637] : memref<64x128xf32, #tpu.memory_space<vmem>> -> memref<32x128xf32, #tpu.memory_space<vmem>>
        %dma_wait3A_639 = arith.constant 499968 : i32
        %dma_wait3A_640 = arith.constant 0 : i32
        %dma_wait3A_641 = tpu.memref_slice %arg4[%dma_wait3A_639, %dma_wait3A_640] : memref<500000x128xf32, #tpu.memory_space<hbm>> -> memref<32x128xf32, #tpu.memory_space<hbm>>
        %dma_wait3A_642 = arith.constant 499968 : i32
        %dma_wait3A_643 = arith.constant 0 : i32
        %dma_wait3A_644 = tpu.memref_slice %arg4[%dma_wait3A_642, %dma_wait3A_643] : memref<500000x128xf32, #tpu.memory_space<hbm>> -> memref<32x128xf32, #tpu.memory_space<hbm>>
        %dma_wait3A_645 = arith.constant 0 : i32
        %dma_wait3A_646 = arith.constant 0 : i32
        %dma_wait3A_647 = tpu.memref_slice %arg5[%dma_wait3A_645, %dma_wait3A_646] : memref<64x128xf32, #tpu.memory_space<vmem>> -> memref<32x128xf32, #tpu.memory_space<vmem>>
        tpu.wait_dma2 semaphore(%run_scoped3A : memref<!tpu.dma_semaphore, #tpu.memory_space<semaphore_mem>>) src(%dma_wait3A_647 : memref<32x128xf32, #tpu.memory_space<vmem>>) dst(%dma_wait3A_644 : memref<32x128xf32, #tpu.memory_space<hbm>>)
        tpu.yield
      }) : () -> ()
    } else {
    }
    return
  }
}

#map = affine_map<(d0, d1) -> (0)>
#map1 = affine_map<(d0, d1) -> (0, 0)>
module attributes {stable_mosaic.version = 14 : i64} {
  func.func @_tec_body(%arg0: i32, %arg1: i32, %arg2: memref<819200xi32, #tpu.memory_space<hbm>>, %arg3: memref<1000000x64xf32, #tpu.memory_space<hbm>>, %arg4: memref<262144xf32, #tpu.memory_space<hbm>>, %arg5: memref<25616xi32, #tpu.memory_space<vmem>>, %arg6: memref<200x64xf32, #tpu.memory_space<vmem>>, %arg7: memref<200x64xf32, #tpu.memory_space<vmem>>, %arg8: memref<200x64xf32, #tpu.memory_space<vmem>>, %arg9: memref<200x64xf32, #tpu.memory_space<vmem>>, %arg10: memref<64xf32, #tpu.memory_space<vmem>>, %arg11: memref<8192xf32, #tpu.memory_space<vmem>>, %arg12: memref<!tpu.dma_semaphore, #tpu.memory_space<semaphore_mem>>, %arg13: memref<!tpu.dma_semaphore, #tpu.memory_space<semaphore_mem>>, %arg14: memref<!tpu.dma_semaphore, #tpu.memory_space<semaphore_mem>>, %arg15: memref<!tpu.dma_semaphore, #tpu.memory_space<semaphore_mem>>) attributes {dimension_semantics = [#tpu.dimension_semantics<core_parallel>, #tpu.dimension_semantics<subcore_parallel>], iteration_bounds = array<i64: 2, 16>, scalar_prefetch = 0 : i64, scratch_operands = 11 : i64, tpu.core_type = #tpu.core_type<sc_vector_subcore>, window_params = [{transform_indices = #map}, {transform_indices = #map1}, {transform_indices = #map}]} {
    %mul3A = arith.constant 2 : i32
    %mul3A_0 = arith.muli %arg1, %mul3A : i32
    %add3A = arith.addi %mul3A_0, %arg0 : i32
    %mul3A_1 = arith.constant 128 : i32
    %mul3A_2 = arith.muli %add3A, %mul3A_1 : i32
    %mul3A_3 = arith.constant 200 : i32
    %mul3A_4 = arith.muli %mul3A_2, %mul3A_3 : i32
    "tpu.region"() ({
      %run_scoped3A_160 = tpu.sem_alloc : memref<!tpu.dma_semaphore, #tpu.memory_space<semaphore_mem>>
      %dma_start3A_161 = arith.constant 0 : i32
      %dma_start3A_162 = tpu.memref_slice %arg5[%dma_start3A_161] : memref<25616xi32, #tpu.memory_space<vmem>> -> memref<25600xi32, #tpu.memory_space<vmem>>
      %dma_start3A_163 = tpu.memref_slice %arg2[%mul3A_4] : memref<819200xi32, #tpu.memory_space<hbm>> -> memref<25600xi32, #tpu.memory_space<hbm>>
      %dma_start3A_164 = arith.constant 0 : i32
      %dma_start3A_165 = tpu.memref_slice %arg5[%dma_start3A_164] : memref<25616xi32, #tpu.memory_space<vmem>> -> memref<25600xi32, #tpu.memory_space<vmem>>
      %dma_start3A_166 = tpu.memref_slice %arg2[%mul3A_4] : memref<819200xi32, #tpu.memory_space<hbm>> -> memref<25600xi32, #tpu.memory_space<hbm>>
      tpu.enqueue_dma source(%dma_start3A_166 : memref<25600xi32, #tpu.memory_space<hbm>>) target(%dma_start3A_165 : memref<25600xi32, #tpu.memory_space<vmem>>) target_semaphore(%run_scoped3A_160 : memref<!tpu.dma_semaphore, #tpu.memory_space<semaphore_mem>>)
      %dma_wait3A_167 = arith.constant 0 : i32
      %dma_wait3A_168 = tpu.memref_slice %arg5[%dma_wait3A_167] : memref<25616xi32, #tpu.memory_space<vmem>> -> memref<25600xi32, #tpu.memory_space<vmem>>
      %dma_wait3A_169 = tpu.memref_slice %arg2[%mul3A_4] : memref<819200xi32, #tpu.memory_space<hbm>> -> memref<25600xi32, #tpu.memory_space<hbm>>
      %dma_wait3A_170 = arith.constant 0 : i32
      %dma_wait3A_171 = tpu.memref_slice %arg5[%dma_wait3A_170] : memref<25616xi32, #tpu.memory_space<vmem>> -> memref<25600xi32, #tpu.memory_space<vmem>>
      %dma_wait3A_172 = tpu.memref_slice %arg2[%mul3A_4] : memref<819200xi32, #tpu.memory_space<hbm>> -> memref<25600xi32, #tpu.memory_space<hbm>>
      tpu.wait_dma2 semaphore(%run_scoped3A_160 : memref<!tpu.dma_semaphore, #tpu.memory_space<semaphore_mem>>) src(%dma_wait3A_172 : memref<25600xi32, #tpu.memory_space<hbm>>) dst(%dma_wait3A_171 : memref<25600xi32, #tpu.memory_space<vmem>>)
      tpu.yield
    }) : () -> ()
    %run_scoped3A = arith.constant 0 : i32
    "tpu.region"() ({
      %run_scoped3A_160 = tpu.sem_alloc : memref<!tpu.dma_semaphore, #tpu.memory_space<semaphore_mem>>
      %dma_start3A_161 = arith.constant 0 : i32
      %dma_start3A_162 = tpu.memref_slice %arg3[%run_scoped3A, %dma_start3A_161] : memref<1000000x64xf32, #tpu.memory_space<hbm>> -> memref<1x64xf32, #tpu.memory_space<hbm>>
      %dma_start3A_163 = tpu.memref_squeeze %dma_start3A_162 : memref<1x64xf32, #tpu.memory_space<hbm>> -> memref<64xf32, #tpu.memory_space<hbm>>
      %dma_start3A_164 = arith.constant 0 : i32
      %dma_start3A_165 = tpu.memref_slice %arg3[%run_scoped3A, %dma_start3A_164] : memref<1000000x64xf32, #tpu.memory_space<hbm>> -> memref<1x64xf32, #tpu.memory_space<hbm>>
      %dma_start3A_166 = tpu.memref_squeeze %dma_start3A_165 : memref<1x64xf32, #tpu.memory_space<hbm>> -> memref<64xf32, #tpu.memory_space<hbm>>
      tpu.enqueue_dma source(%dma_start3A_166 : memref<64xf32, #tpu.memory_space<hbm>>) target(%arg10 : memref<64xf32, #tpu.memory_space<vmem>>) target_semaphore(%run_scoped3A_160 : memref<!tpu.dma_semaphore, #tpu.memory_space<semaphore_mem>>)
      %dma_wait3A_167 = arith.constant 0 : i32
      %dma_wait3A_168 = tpu.memref_slice %arg3[%run_scoped3A, %dma_wait3A_167] : memref<1000000x64xf32, #tpu.memory_space<hbm>> -> memref<1x64xf32, #tpu.memory_space<hbm>>
      %dma_wait3A_169 = tpu.memref_squeeze %dma_wait3A_168 : memref<1x64xf32, #tpu.memory_space<hbm>> -> memref<64xf32, #tpu.memory_space<hbm>>
      %dma_wait3A_170 = arith.constant 0 : i32
      %dma_wait3A_171 = tpu.memref_slice %arg3[%run_scoped3A, %dma_wait3A_170] : memref<1000000x64xf32, #tpu.memory_space<hbm>> -> memref<1x64xf32, #tpu.memory_space<hbm>>
      %dma_wait3A_172 = tpu.memref_squeeze %dma_wait3A_171 : memref<1x64xf32, #tpu.memory_space<hbm>> -> memref<64xf32, #tpu.memory_space<hbm>>
      tpu.wait_dma2 semaphore(%run_scoped3A_160 : memref<!tpu.dma_semaphore, #tpu.memory_space<semaphore_mem>>) src(%dma_wait3A_172 : memref<64xf32, #tpu.memory_space<hbm>>) dst(%arg10 : memref<64xf32, #tpu.memory_space<vmem>>)
      tpu.yield
    }) : () -> ()
    %iota3A = tpu.iota {dimensions = array<i32: 0>} : vector<16xi32>
    %lt3A = arith.constant 8 : i32
    %lt3A_5 = vector.broadcast %lt3A : i32 to vector<16xi32>
    %lt3A_6 = arith.cmpi slt, %iota3A, %lt3A_5 : vector<16xi32>
    %broadcast_in_dim3A = arith.constant 0.000000e+00 : f32
    %broadcast_in_dim3A_7 = vector.broadcast %broadcast_in_dim3A : f32 to vector<16xf32>
    %get3A = arith.constant 0 : index
    %get3A_8 = tpu.vector_load %arg10[%get3A] {strides = array<i32>} : memref<64xf32, #tpu.memory_space<vmem>>, vector<16xf32>,
    %get3A_9 = arith.constant 16 : index
    %get3A_10 = tpu.vector_load %arg10[%get3A_9] {strides = array<i32>} : memref<64xf32, #tpu.memory_space<vmem>>, vector<16xf32>,
    %get3A_11 = arith.constant 32 : index
    %get3A_12 = tpu.vector_load %arg10[%get3A_11] {strides = array<i32>} : memref<64xf32, #tpu.memory_space<vmem>>, vector<16xf32>,
    %get3A_13 = arith.constant 48 : index
    %get3A_14 = tpu.vector_load %arg10[%get3A_13] {strides = array<i32>} : memref<64xf32, #tpu.memory_space<vmem>>, vector<16xf32>,
    %mul3A_15 = arith.constant 0 : i32
    %mul3A_16 = arith.constant 200 : i32
    %mul3A_17 = arith.muli %mul3A_15, %mul3A_16 : i32
    %add3A_18 = arith.constant 128 : i32
    %add3A_19 = arith.addi %mul3A_17, %add3A_18 : i32
    %dma_start3A = arith.constant 0 : i32
    %dma_start3A_20 = arith.constant 0 : i32
    %dma_start3A_21 = tpu.memref_slice %arg6[%dma_start3A, %dma_start3A_20] : memref<200x64xf32, #tpu.memory_space<vmem>> -> memref<128x64xf32, #tpu.memory_space<vmem>>
    %dma_start3A_22 = tpu.memref_slice %arg5[%mul3A_17] : memref<25616xi32, #tpu.memory_space<vmem>> -> memref<128xi32, #tpu.memory_space<vmem>>
    %dma_start3A_23 = arith.constant 0 : i32
    %dma_start3A_24 = arith.constant 0 : i32
    %dma_start3A_25 = tpu.memref_slice %arg3[%dma_start3A_23, %dma_start3A_24] : memref<1000000x64xf32, #tpu.memory_space<hbm>> -> memref<1000000x64xf32, #tpu.memory_space<hbm>>
    tpu.enqueue_indirect_dma source(%dma_start3A_25 : memref<1000000x64xf32, #tpu.memory_space<hbm>>) target(%dma_start3A_21 : memref<128x64xf32, #tpu.memory_space<vmem>>) offsets(%dma_start3A_22 : memref<128xi32, #tpu.memory_space<vmem>>) semaphore(%arg12 : memref<!tpu.dma_semaphore, #tpu.memory_space<semaphore_mem>>)
    %dma_start3A_26 = arith.constant 128 : i32
    %dma_start3A_27 = arith.constant 0 : i32
    %dma_start3A_28 = tpu.memref_slice %arg6[%dma_start3A_26, %dma_start3A_27] : memref<200x64xf32, #tpu.memory_space<vmem>> -> memref<72x64xf32, #tpu.memory_space<vmem>>
    %dma_start3A_29 = tpu.memref_slice %arg5[%add3A_19] : memref<25616xi32, #tpu.memory_space<vmem>> -> memref<72xi32, #tpu.memory_space<vmem>>
    %dma_start3A_30 = arith.constant 0 : i32
    %dma_start3A_31 = arith.constant 0 : i32
    %dma_start3A_32 = tpu.memref_slice %arg3[%dma_start3A_30, %dma_start3A_31] : memref<1000000x64xf32, #tpu.memory_space<hbm>> -> memref<1000000x64xf32, #tpu.memory_space<hbm>>
    tpu.enqueue_indirect_dma source(%dma_start3A_32 : memref<1000000x64xf32, #tpu.memory_space<hbm>>) target(%dma_start3A_28 : memref<72x64xf32, #tpu.memory_space<vmem>>) offsets(%dma_start3A_29 : memref<72xi32, #tpu.memory_space<vmem>>) semaphore(%arg12 : memref<!tpu.dma_semaphore, #tpu.memory_space<semaphore_mem>>)
    %mul3A_33 = arith.constant 1 : i32
    %mul3A_34 = arith.constant 200 : i32
    %mul3A_35 = arith.muli %mul3A_33, %mul3A_34 : i32
    %add3A_36 = arith.constant 128 : i32
    %add3A_37 = arith.addi %mul3A_35, %add3A_36 : i32
    %dma_start3A_38 = arith.constant 0 : i32
    %dma_start3A_39 = arith.constant 0 : i32
    %dma_start3A_40 = tpu.memref_slice %arg7[%dma_start3A_38, %dma_start3A_39] : memref<200x64xf32, #tpu.memory_space<vmem>> -> memref<128x64xf32, #tpu.memory_space<vmem>>
    %dma_start3A_41 = tpu.memref_slice %arg5[%mul3A_35] : memref<25616xi32, #tpu.memory_space<vmem>> -> memref<128xi32, #tpu.memory_space<vmem>>
    %dma_start3A_42 = arith.constant 0 : i32
    %dma_start3A_43 = arith.constant 0 : i32
    %dma_start3A_44 = tpu.memref_slice %arg3[%dma_start3A_42, %dma_start3A_43] : memref<1000000x64xf32, #tpu.memory_space<hbm>> -> memref<1000000x64xf32, #tpu.memory_space<hbm>>
    tpu.enqueue_indirect_dma source(%dma_start3A_44 : memref<1000000x64xf32, #tpu.memory_space<hbm>>) target(%dma_start3A_40 : memref<128x64xf32, #tpu.memory_space<vmem>>) offsets(%dma_start3A_41 : memref<128xi32, #tpu.memory_space<vmem>>) semaphore(%arg13 : memref<!tpu.dma_semaphore, #tpu.memory_space<semaphore_mem>>)
    %dma_start3A_45 = arith.constant 128 : i32
    %dma_start3A_46 = arith.constant 0 : i32
    %dma_start3A_47 = tpu.memref_slice %arg7[%dma_start3A_45, %dma_start3A_46] : memref<200x64xf32, #tpu.memory_space<vmem>> -> memref<72x64xf32, #tpu.memory_space<vmem>>
    %dma_start3A_48 = tpu.memref_slice %arg5[%add3A_37] : memref<25616xi32, #tpu.memory_space<vmem>> -> memref<72xi32, #tpu.memory_space<vmem>>
    %dma_start3A_49 = arith.constant 0 : i32
    %dma_start3A_50 = arith.constant 0 : i32
    %dma_start3A_51 = tpu.memref_slice %arg3[%dma_start3A_49, %dma_start3A_50] : memref<1000000x64xf32, #tpu.memory_space<hbm>> -> memref<1000000x64xf32, #tpu.memory_space<hbm>>
    tpu.enqueue_indirect_dma source(%dma_start3A_51 : memref<1000000x64xf32, #tpu.memory_space<hbm>>) target(%dma_start3A_47 : memref<72x64xf32, #tpu.memory_space<vmem>>) offsets(%dma_start3A_48 : memref<72xi32, #tpu.memory_space<vmem>>) semaphore(%arg13 : memref<!tpu.dma_semaphore, #tpu.memory_space<semaphore_mem>>)
    %mul3A_52 = arith.constant 2 : i32
    %mul3A_53 = arith.constant 200 : i32
    %mul3A_54 = arith.muli %mul3A_52, %mul3A_53 : i32
    %add3A_55 = arith.constant 128 : i32
    %add3A_56 = arith.addi %mul3A_54, %add3A_55 : i32
    %dma_start3A_57 = arith.constant 0 : i32
    %dma_start3A_58 = arith.constant 0 : i32
    %dma_start3A_59 = tpu.memref_slice %arg8[%dma_start3A_57, %dma_start3A_58] : memref<200x64xf32, #tpu.memory_space<vmem>> -> memref<128x64xf32, #tpu.memory_space<vmem>>
    %dma_start3A_60 = tpu.memref_slice %arg5[%mul3A_54] : memref<25616xi32, #tpu.memory_space<vmem>> -> memref<128xi32, #tpu.memory_space<vmem>>
    %dma_start3A_61 = arith.constant 0 : i32
    %dma_start3A_62 = arith.constant 0 : i32
    %dma_start3A_63 = tpu.memref_slice %arg3[%dma_start3A_61, %dma_start3A_62] : memref<1000000x64xf32, #tpu.memory_space<hbm>> -> memref<1000000x64xf32, #tpu.memory_space<hbm>>
    tpu.enqueue_indirect_dma source(%dma_start3A_63 : memref<1000000x64xf32, #tpu.memory_space<hbm>>) target(%dma_start3A_59 : memref<128x64xf32, #tpu.memory_space<vmem>>) offsets(%dma_start3A_60 : memref<128xi32, #tpu.memory_space<vmem>>) semaphore(%arg14 : memref<!tpu.dma_semaphore, #tpu.memory_space<semaphore_mem>>)
    %dma_start3A_64 = arith.constant 128 : i32
    %dma_start3A_65 = arith.constant 0 : i32
    %dma_start3A_66 = tpu.memref_slice %arg8[%dma_start3A_64, %dma_start3A_65] : memref<200x64xf32, #tpu.memory_space<vmem>> -> memref<72x64xf32, #tpu.memory_space<vmem>>
    %dma_start3A_67 = tpu.memref_slice %arg5[%add3A_56] : memref<25616xi32, #tpu.memory_space<vmem>> -> memref<72xi32, #tpu.memory_space<vmem>>
    %dma_start3A_68 = arith.constant 0 : i32
    %dma_start3A_69 = arith.constant 0 : i32
    %dma_start3A_70 = tpu.memref_slice %arg3[%dma_start3A_68, %dma_start3A_69] : memref<1000000x64xf32, #tpu.memory_space<hbm>> -> memref<1000000x64xf32, #tpu.memory_space<hbm>>
    tpu.enqueue_indirect_dma source(%dma_start3A_70 : memref<1000000x64xf32, #tpu.memory_space<hbm>>) target(%dma_start3A_66 : memref<72x64xf32, #tpu.memory_space<vmem>>) offsets(%dma_start3A_67 : memref<72xi32, #tpu.memory_space<vmem>>) semaphore(%arg14 : memref<!tpu.dma_semaphore, #tpu.memory_space<semaphore_mem>>)
    %mul3A_71 = arith.constant 3 : i32
    %mul3A_72 = arith.constant 200 : i32
    %mul3A_73 = arith.muli %mul3A_71, %mul3A_72 : i32
    %add3A_74 = arith.constant 128 : i32
    %add3A_75 = arith.addi %mul3A_73, %add3A_74 : i32
    %dma_start3A_76 = arith.constant 0 : i32
    %dma_start3A_77 = arith.constant 0 : i32
    %dma_start3A_78 = tpu.memref_slice %arg9[%dma_start3A_76, %dma_start3A_77] : memref<200x64xf32, #tpu.memory_space<vmem>> -> memref<128x64xf32, #tpu.memory_space<vmem>>
    %dma_start3A_79 = tpu.memref_slice %arg5[%mul3A_73] : memref<25616xi32, #tpu.memory_space<vmem>> -> memref<128xi32, #tpu.memory_space<vmem>>
    %dma_start3A_80 = arith.constant 0 : i32
    %dma_start3A_81 = arith.constant 0 : i32
    %dma_start3A_82 = tpu.memref_slice %arg3[%dma_start3A_80, %dma_start3A_81] : memref<1000000x64xf32, #tpu.memory_space<hbm>> -> memref<1000000x64xf32, #tpu.memory_space<hbm>>
    tpu.enqueue_indirect_dma source(%dma_start3A_82 : memref<1000000x64xf32, #tpu.memory_space<hbm>>) target(%dma_start3A_78 : memref<128x64xf32, #tpu.memory_space<vmem>>) offsets(%dma_start3A_79 : memref<128xi32, #tpu.memory_space<vmem>>) semaphore(%arg15 : memref<!tpu.dma_semaphore, #tpu.memory_space<semaphore_mem>>)
    %dma_start3A_83 = arith.constant 128 : i32
    %dma_start3A_84 = arith.constant 0 : i32
    %dma_start3A_85 = tpu.memref_slice %arg9[%dma_start3A_83, %dma_start3A_84] : memref<200x64xf32, #tpu.memory_space<vmem>> -> memref<72x64xf32, #tpu.memory_space<vmem>>
    %dma_start3A_86 = tpu.memref_slice %arg5[%add3A_75] : memref<25616xi32, #tpu.memory_space<vmem>> -> memref<72xi32, #tpu.memory_space<vmem>>
    %dma_start3A_87 = arith.constant 0 : i32
    %dma_start3A_88 = arith.constant 0 : i32
    %dma_start3A_89 = tpu.memref_slice %arg3[%dma_start3A_87, %dma_start3A_88] : memref<1000000x64xf32, #tpu.memory_space<hbm>> -> memref<1000000x64xf32, #tpu.memory_space<hbm>>
    tpu.enqueue_indirect_dma source(%dma_start3A_89 : memref<1000000x64xf32, #tpu.memory_space<hbm>>) target(%dma_start3A_85 : memref<72x64xf32, #tpu.memory_space<vmem>>) offsets(%dma_start3A_86 : memref<72xi32, #tpu.memory_space<vmem>>) semaphore(%arg15 : memref<!tpu.dma_semaphore, #tpu.memory_space<semaphore_mem>>)
    %scan3A = arith.constant 0 : i32
    %scan3A_90 = arith.constant 0 : i32
    %scan3A_91 = arith.constant 32 : i32
    %scan3A_92 = arith.addi %scan3A_90, %scan3A_91 : i32
    %scan3A_93 = arith.constant 1 : i32
    scf.for %scan3A_160 = %scan3A_90 to %scan3A_92 step %scan3A_93  : i32 {
      %mul3A_161 = arith.constant 4 : i32
      %mul3A_162 = arith.muli %scan3A_160, %mul3A_161 : i32
      %add3A_163 = arith.constant 0 : i32
      %add3A_164 = arith.addi %mul3A_162, %add3A_163 : i32
      %mul3A_165 = arith.constant 200 : i32
      %mul3A_166 = arith.muli %add3A_164, %mul3A_165 : i32
      %broadcast_in_dim3A_167 = arith.constant 0 : i32
      %broadcast_in_dim3A_168 = vector.broadcast %broadcast_in_dim3A_167 : i32 to vector<16xi32>
      %add3A_169 = arith.constant 0 : i32
      %add3A_170 = arith.addi %mul3A_166, %add3A_169 : i32
      %get3A_171 = arith.index_cast %add3A_170 : i32 to index
      %get3A_172 = tpu.vector_load %arg5[%get3A_171] {strides = array<i32>} : memref<25616xi32, #tpu.memory_space<vmem>>, vector<16xi32>,
      %eq3A = arith.constant 0 : i32
      %eq3A_173 = vector.broadcast %eq3A : i32 to vector<16xi32>
      %eq3A_174 = arith.cmpi eq, %get3A_172, %eq3A_173 : vector<16xi32>
      %all_reduce_population_count3A = tpu.all_reduce %eq3A_174 {dim = 0 : i64, kind = #tpu.reduction_kind<sum>} : vector<16xi1> -> vector<16xi32>
      %add3A_175 = arith.addi %broadcast_in_dim3A_168, %all_reduce_population_count3A : vector<16xi32>
      %add3A_176 = arith.constant 16 : i32
      %add3A_177 = arith.addi %mul3A_166, %add3A_176 : i32
      %get3A_178 = arith.index_cast %add3A_177 : i32 to index
      %get3A_179 = tpu.vector_load %arg5[%get3A_178] {strides = array<i32>} : memref<25616xi32, #tpu.memory_space<vmem>>, vector<16xi32>,
      %eq3A_180 = arith.constant 0 : i32
      %eq3A_181 = vector.broadcast %eq3A_180 : i32 to vector<16xi32>
      %eq3A_182 = arith.cmpi eq, %get3A_179, %eq3A_181 : vector<16xi32>
      %all_reduce_population_count3A_183 = tpu.all_reduce %eq3A_182 {dim = 0 : i64, kind = #tpu.reduction_kind<sum>} : vector<16xi1> -> vector<16xi32>
      %add3A_184 = arith.addi %add3A_175, %all_reduce_population_count3A_183 : vector<16xi32>
      %add3A_185 = arith.constant 32 : i32
      %add3A_186 = arith.addi %mul3A_166, %add3A_185 : i32
      %get3A_187 = arith.index_cast %add3A_186 : i32 to index
      %get3A_188 = tpu.vector_load %arg5[%get3A_187] {strides = array<i32>} : memref<25616xi32, #tpu.memory_space<vmem>>, vector<16xi32>,
      %eq3A_189 = arith.constant 0 : i32
      %eq3A_190 = vector.broadcast %eq3A_189 : i32 to vector<16xi32>
      %eq3A_191 = arith.cmpi eq, %get3A_188, %eq3A_190 : vector<16xi32>
      %all_reduce_population_count3A_192 = tpu.all_reduce %eq3A_191 {dim = 0 : i64, kind = #tpu.reduction_kind<sum>} : vector<16xi1> -> vector<16xi32>
      %add3A_193 = arith.addi %add3A_184, %all_reduce_population_count3A_192 : vector<16xi32>
      %add3A_194 = arith.constant 48 : i32
      %add3A_195 = arith.addi %mul3A_166, %add3A_194 : i32
      %get3A_196 = arith.index_cast %add3A_195 : i32 to index
      %get3A_197 = tpu.vector_load %arg5[%get3A_196] {strides = array<i32>} : memref<25616xi32, #tpu.memory_space<vmem>>, vector<16xi32>,
      %eq3A_198 = arith.constant 0 : i32
      %eq3A_199 = vector.broadcast %eq3A_198 : i32 to vector<16xi32>
      %eq3A_200 = arith.cmpi eq, %get3A_197, %eq3A_199 : vector<16xi32>
      %all_reduce_population_count3A_201 = tpu.all_reduce %eq3A_200 {dim = 0 : i64, kind = #tpu.reduction_kind<sum>} : vector<16xi1> -> vector<16xi32>
      %add3A_202 = arith.addi %add3A_193, %all_reduce_population_count3A_201 : vector<16xi32>
      %add3A_203 = arith.constant 64 : i32
      %add3A_204 = arith.addi %mul3A_166, %add3A_203 : i32
      %get3A_205 = arith.index_cast %add3A_204 : i32 to index
      %get3A_206 = tpu.vector_load %arg5[%get3A_205] {strides = array<i32>} : memref<25616xi32, #tpu.memory_space<vmem>>, vector<16xi32>,
      %eq3A_207 = arith.constant 0 : i32
      %eq3A_208 = vector.broadcast %eq3A_207 : i32 to vector<16xi32>
      %eq3A_209 = arith.cmpi eq, %get3A_206, %eq3A_208 : vector<16xi32>
      %all_reduce_population_count3A_210 = tpu.all_reduce %eq3A_209 {dim = 0 : i64, kind = #tpu.reduction_kind<sum>} : vector<16xi1> -> vector<16xi32>
      %add3A_211 = arith.addi %add3A_202, %all_reduce_population_count3A_210 : vector<16xi32>
      %add3A_212 = arith.constant 80 : i32
      %add3A_213 = arith.addi %mul3A_166, %add3A_212 : i32
      %get3A_214 = arith.index_cast %add3A_213 : i32 to index
      %get3A_215 = tpu.vector_load %arg5[%get3A_214] {strides = array<i32>} : memref<25616xi32, #tpu.memory_space<vmem>>, vector<16xi32>,
      %eq3A_216 = arith.constant 0 : i32
      %eq3A_217 = vector.broadcast %eq3A_216 : i32 to vector<16xi32>
      %eq3A_218 = arith.cmpi eq, %get3A_215, %eq3A_217 : vector<16xi32>
      %all_reduce_population_count3A_219 = tpu.all_reduce %eq3A_218 {dim = 0 : i64, kind = #tpu.reduction_kind<sum>} : vector<16xi1> -> vector<16xi32>
      %add3A_220 = arith.addi %add3A_211, %all_reduce_population_count3A_219 : vector<16xi32>
      %add3A_221 = arith.constant 96 : i32
      %add3A_222 = arith.addi %mul3A_166, %add3A_221 : i32
      %get3A_223 = arith.index_cast %add3A_222 : i32 to index
      %get3A_224 = tpu.vector_load %arg5[%get3A_223] {strides = array<i32>} : memref<25616xi32, #tpu.memory_space<vmem>>, vector<16xi32>,
      %eq3A_225 = arith.constant 0 : i32
      %eq3A_226 = vector.broadcast %eq3A_225 : i32 to vector<16xi32>
      %eq3A_227 = arith.cmpi eq, %get3A_224, %eq3A_226 : vector<16xi32>
      %all_reduce_population_count3A_228 = tpu.all_reduce %eq3A_227 {dim = 0 : i64, kind = #tpu.reduction_kind<sum>} : vector<16xi1> -> vector<16xi32>
      %add3A_229 = arith.addi %add3A_220, %all_reduce_population_count3A_228 : vector<16xi32>
      %add3A_230 = arith.constant 112 : i32
      %add3A_231 = arith.addi %mul3A_166, %add3A_230 : i32
      %get3A_232 = arith.index_cast %add3A_231 : i32 to index
      %get3A_233 = tpu.vector_load %arg5[%get3A_232] {strides = array<i32>} : memref<25616xi32, #tpu.memory_space<vmem>>, vector<16xi32>,
      %eq3A_234 = arith.constant 0 : i32
      %eq3A_235 = vector.broadcast %eq3A_234 : i32 to vector<16xi32>
      %eq3A_236 = arith.cmpi eq, %get3A_233, %eq3A_235 : vector<16xi32>
      %all_reduce_population_count3A_237 = tpu.all_reduce %eq3A_236 {dim = 0 : i64, kind = #tpu.reduction_kind<sum>} : vector<16xi1> -> vector<16xi32>
      %add3A_238 = arith.addi %add3A_229, %all_reduce_population_count3A_237 : vector<16xi32>
      %add3A_239 = arith.constant 128 : i32
      %add3A_240 = arith.addi %mul3A_166, %add3A_239 : i32
      %get3A_241 = arith.index_cast %add3A_240 : i32 to index
      %get3A_242 = tpu.vector_load %arg5[%get3A_241] {strides = array<i32>} : memref<25616xi32, #tpu.memory_space<vmem>>, vector<16xi32>,
      %eq3A_243 = arith.constant 0 : i32
      %eq3A_244 = vector.broadcast %eq3A_243 : i32 to vector<16xi32>
      %eq3A_245 = arith.cmpi eq, %get3A_242, %eq3A_244 : vector<16xi32>
      %all_reduce_population_count3A_246 = tpu.all_reduce %eq3A_245 {dim = 0 : i64, kind = #tpu.reduction_kind<sum>} : vector<16xi1> -> vector<16xi32>
      %add3A_247 = arith.addi %add3A_238, %all_reduce_population_count3A_246 : vector<16xi32>
      %add3A_248 = arith.constant 144 : i32
      %add3A_249 = arith.addi %mul3A_166, %add3A_248 : i32
      %get3A_250 = arith.index_cast %add3A_249 : i32 to index
      %get3A_251 = tpu.vector_load %arg5[%get3A_250] {strides = array<i32>} : memref<25616xi32, #tpu.memory_space<vmem>>, vector<16xi32>,
      %eq3A_252 = arith.constant 0 : i32
      %eq3A_253 = vector.broadcast %eq3A_252 : i32 to vector<16xi32>
      %eq3A_254 = arith.cmpi eq, %get3A_251, %eq3A_253 : vector<16xi32>
      %all_reduce_population_count3A_255 = tpu.all_reduce %eq3A_254 {dim = 0 : i64, kind = #tpu.reduction_kind<sum>} : vector<16xi1> -> vector<16xi32>
      %add3A_256 = arith.addi %add3A_247, %all_reduce_population_count3A_255 : vector<16xi32>
      %add3A_257 = arith.constant 160 : i32
      %add3A_258 = arith.addi %mul3A_166, %add3A_257 : i32
      %get3A_259 = arith.index_cast %add3A_258 : i32 to index
      %get3A_260 = tpu.vector_load %arg5[%get3A_259] {strides = array<i32>} : memref<25616xi32, #tpu.memory_space<vmem>>, vector<16xi32>,
      %eq3A_261 = arith.constant 0 : i32
      %eq3A_262 = vector.broadcast %eq3A_261 : i32 to vector<16xi32>
      %eq3A_263 = arith.cmpi eq, %get3A_260, %eq3A_262 : vector<16xi32>
      %all_reduce_population_count3A_264 = tpu.all_reduce %eq3A_263 {dim = 0 : i64, kind = #tpu.reduction_kind<sum>} : vector<16xi1> -> vector<16xi32>
      %add3A_265 = arith.addi %add3A_256, %all_reduce_population_count3A_264 : vector<16xi32>
      %add3A_266 = arith.constant 176 : i32
      %add3A_267 = arith.addi %mul3A_166, %add3A_266 : i32
      %get3A_268 = arith.index_cast %add3A_267 : i32 to index
      %get3A_269 = tpu.vector_load %arg5[%get3A_268] {strides = array<i32>} : memref<25616xi32, #tpu.memory_space<vmem>>, vector<16xi32>,
      %eq3A_270 = arith.constant 0 : i32
      %eq3A_271 = vector.broadcast %eq3A_270 : i32 to vector<16xi32>
      %eq3A_272 = arith.cmpi eq, %get3A_269, %eq3A_271 : vector<16xi32>
      %all_reduce_population_count3A_273 = tpu.all_reduce %eq3A_272 {dim = 0 : i64, kind = #tpu.reduction_kind<sum>} : vector<16xi1> -> vector<16xi32>
      %add3A_274 = arith.addi %add3A_265, %all_reduce_population_count3A_273 : vector<16xi32>
      %add3A_275 = arith.constant 192 : i32
      %add3A_276 = arith.addi %mul3A_166, %add3A_275 : i32
      %get3A_277 = arith.index_cast %add3A_276 : i32 to index
      %get3A_278 = tpu.vector_load %arg5[%get3A_277] {strides = array<i32>} : memref<25616xi32, #tpu.memory_space<vmem>>, vector<16xi32>,
      %eq3A_279 = arith.constant 0 : i32
      %eq3A_280 = vector.broadcast %eq3A_279 : i32 to vector<16xi32>
      %eq3A_281 = arith.cmpi eq, %get3A_278, %eq3A_280 : vector<16xi32>
      %and3A = arith.andi %eq3A_281, %lt3A_6 : vector<16xi1>
      %all_reduce_population_count3A_282 = tpu.all_reduce %and3A {dim = 0 : i64, kind = #tpu.reduction_kind<sum>} : vector<16xi1> -> vector<16xi32>
      %add3A_283 = arith.addi %add3A_274, %all_reduce_population_count3A_282 : vector<16xi32>
      %mul3A_284 = arith.constant 200 : i32
      %mul3A_285 = arith.muli %add3A_164, %mul3A_284 : i32
      %add3A_286 = arith.constant 128 : i32
      %add3A_287 = arith.addi %mul3A_285, %add3A_286 : i32
      %dma_wait3A_288 = arith.constant 0 : i32
      %dma_wait3A_289 = arith.constant 0 : i32
      %dma_wait3A_290 = tpu.memref_slice %arg6[%dma_wait3A_288, %dma_wait3A_289] : memref<200x64xf32, #tpu.memory_space<vmem>> -> memref<128x64xf32, #tpu.memory_space<vmem>>
      %dma_wait3A_291 = tpu.memref_slice %arg5[%mul3A_285] : memref<25616xi32, #tpu.memory_space<vmem>> -> memref<128xi32, #tpu.memory_space<vmem>>
      %dma_wait3A_292 = arith.constant 0 : i32
      %dma_wait3A_293 = arith.constant 0 : i32
      %dma_wait3A_294 = tpu.memref_slice %arg3[%dma_wait3A_292, %dma_wait3A_293] : memref<1000000x64xf32, #tpu.memory_space<hbm>> -> memref<1000000x64xf32, #tpu.memory_space<hbm>>
      tpu.wait_indirect_dma semaphore(%arg12 : memref<!tpu.dma_semaphore, #tpu.memory_space<semaphore_mem>>) src(%dma_wait3A_294 : memref<1000000x64xf32, #tpu.memory_space<hbm>>) dst(%dma_wait3A_290 : memref<128x64xf32, #tpu.memory_space<vmem>>)
      %dma_wait3A_295 = arith.constant 128 : i32
      %dma_wait3A_296 = arith.constant 0 : i32
      %dma_wait3A_297 = tpu.memref_slice %arg6[%dma_wait3A_295, %dma_wait3A_296] : memref<200x64xf32, #tpu.memory_space<vmem>> -> memref<72x64xf32, #tpu.memory_space<vmem>>
      %dma_wait3A_298 = tpu.memref_slice %arg5[%add3A_287] : memref<25616xi32, #tpu.memory_space<vmem>> -> memref<72xi32, #tpu.memory_space<vmem>>
      %dma_wait3A_299 = arith.constant 0 : i32
      %dma_wait3A_300 = arith.constant 0 : i32
      %dma_wait3A_301 = tpu.memref_slice %arg3[%dma_wait3A_299, %dma_wait3A_300] : memref<1000000x64xf32, #tpu.memory_space<hbm>> -> memref<1000000x64xf32, #tpu.memory_space<hbm>>
      tpu.wait_indirect_dma semaphore(%arg12 : memref<!tpu.dma_semaphore, #tpu.memory_space<semaphore_mem>>) src(%dma_wait3A_301 : memref<1000000x64xf32, #tpu.memory_space<hbm>>) dst(%dma_wait3A_297 : memref<72x64xf32, #tpu.memory_space<vmem>>)
      %scan3A_302 = arith.constant 0 : i32
      %scan3A_303 = arith.constant 200 : i32
      %scan3A_304 = arith.addi %scan3A_302, %scan3A_303 : i32
      %scan3A_305 = arith.constant 8 : i32
      %scan3A_306:4 = scf.for %scan3A_1045 = %scan3A_302 to %scan3A_304 step %scan3A_305 iter_args(%scan3A_1046 = %broadcast_in_dim3A_7, %scan3A_1047 = %broadcast_in_dim3A_7, %scan3A_1048 = %broadcast_in_dim3A_7, %scan3A_1049 = %broadcast_in_dim3A_7) -> (vector<16xf32>, vector<16xf32>, vector<16xf32>, vector<16xf32>)  : i32 {
        %get3A_1050 = arith.index_cast %scan3A_1045 : i32 to index
        %get3A_1051 = arith.constant 0 : index
        %get3A_1052 = tpu.vector_load %arg6[%get3A_1050, %get3A_1051] {strides = array<i32>} : memref<200x64xf32, #tpu.memory_space<vmem>>, vector<16xf32>,
        %add3A_1053 = arith.addf %scan3A_1046, %get3A_1052 : vector<16xf32>
        %get3A_1054 = arith.index_cast %scan3A_1045 : i32 to index
        %get3A_1055 = arith.constant 16 : index
        %get3A_1056 = tpu.vector_load %arg6[%get3A_1054, %get3A_1055] {strides = array<i32>} : memref<200x64xf32, #tpu.memory_space<vmem>>, vector<16xf32>,
        %add3A_1057 = arith.addf %scan3A_1047, %get3A_1056 : vector<16xf32>
        %get3A_1058 = arith.index_cast %scan3A_1045 : i32 to index
        %get3A_1059 = arith.constant 32 : index
        %get3A_1060 = tpu.vector_load %arg6[%get3A_1058, %get3A_1059] {strides = array<i32>} : memref<200x64xf32, #tpu.memory_space<vmem>>, vector<16xf32>,
        %add3A_1061 = arith.addf %scan3A_1048, %get3A_1060 : vector<16xf32>
        %get3A_1062 = arith.index_cast %scan3A_1045 : i32 to index
        %get3A_1063 = arith.constant 48 : index
        %get3A_1064 = tpu.vector_load %arg6[%get3A_1062, %get3A_1063] {strides = array<i32>} : memref<200x64xf32, #tpu.memory_space<vmem>>, vector<16xf32>,
        %add3A_1065 = arith.addf %scan3A_1049, %get3A_1064 : vector<16xf32>
        %scan3A_1066 = arith.constant 1 : i32
        %scan3A_1067 = arith.addi %scan3A_1045, %scan3A_1066 : i32
        %get3A_1068 = arith.index_cast %scan3A_1067 : i32 to index
        %get3A_1069 = arith.constant 0 : index
        %get3A_1070 = tpu.vector_load %arg6[%get3A_1068, %get3A_1069] {strides = array<i32>} : memref<200x64xf32, #tpu.memory_space<vmem>>, vector<16xf32>,
        %add3A_1071 = arith.addf %add3A_1053, %get3A_1070 : vector<16xf32>
        %get3A_1072 = arith.index_cast %scan3A_1067 : i32 to index
        %get3A_1073 = arith.constant 16 : index
        %get3A_1074 = tpu.vector_load %arg6[%get3A_1072, %get3A_1073] {strides = array<i32>} : memref<200x64xf32, #tpu.memory_space<vmem>>, vector<16xf32>,
        %add3A_1075 = arith.addf %add3A_1057, %get3A_1074 : vector<16xf32>
        %get3A_1076 = arith.index_cast %scan3A_1067 : i32 to index
        %get3A_1077 = arith.constant 32 : index
        %get3A_1078 = tpu.vector_load %arg6[%get3A_1076, %get3A_1077] {strides = array<i32>} : memref<200x64xf32, #tpu.memory_space<vmem>>, vector<16xf32>,
        %add3A_1079 = arith.addf %add3A_1061, %get3A_1078 : vector<16xf32>
        %get3A_1080 = arith.index_cast %scan3A_1067 : i32 to index
        %get3A_1081 = arith.constant 48 : index
        %get3A_1082 = tpu.vector_load %arg6[%get3A_1080, %get3A_1081] {strides = array<i32>} : memref<200x64xf32, #tpu.memory_space<vmem>>, vector<16xf32>,
        %add3A_1083 = arith.addf %add3A_1065, %get3A_1082 : vector<16xf32>
        %scan3A_1084 = arith.constant 2 : i32
        %scan3A_1085 = arith.addi %scan3A_1045, %scan3A_1084 : i32
        %get3A_1086 = arith.index_cast %scan3A_1085 : i32 to index
        %get3A_1087 = arith.constant 0 : index
        %get3A_1088 = tpu.vector_load %arg6[%get3A_1086, %get3A_1087] {strides = array<i32>} : memref<200x64xf32, #tpu.memory_space<vmem>>, vector<16xf32>,
        %add3A_1089 = arith.addf %add3A_1071, %get3A_1088 : vector<16xf32>
        %get3A_1090 = arith.index_cast %scan3A_1085 : i32 to index
        %get3A_1091 = arith.constant 16 : index
        %get3A_1092 = tpu.vector_load %arg6[%get3A_1090, %get3A_1091] {strides = array<i32>} : memref<200x64xf32, #tpu.memory_space<vmem>>, vector<16xf32>,
        %add3A_1093 = arith.addf %add3A_1075, %get3A_1092 : vector<16xf32>
        %get3A_1094 = arith.index_cast %scan3A_1085 : i32 to index
        %get3A_1095 = arith.constant 32 : index
        %get3A_1096 = tpu.vector_load %arg6[%get3A_1094, %get3A_1095] {strides = array<i32>} : memref<200x64xf32, #tpu.memory_space<vmem>>, vector<16xf32>,
        %add3A_1097 = arith.addf %add3A_1079, %get3A_1096 : vector<16xf32>
        %get3A_1098 = arith.index_cast %scan3A_1085 : i32 to index
        %get3A_1099 = arith.constant 48 : index
        %get3A_1100 = tpu.vector_load %arg6[%get3A_1098, %get3A_1099] {strides = array<i32>} : memref<200x64xf32, #tpu.memory_space<vmem>>, vector<16xf32>,
        %add3A_1101 = arith.addf %add3A_1083, %get3A_1100 : vector<16xf32>
        %scan3A_1102 = arith.constant 3 : i32
        %scan3A_1103 = arith.addi %scan3A_1045, %scan3A_1102 : i32
        %get3A_1104 = arith.index_cast %scan3A_1103 : i32 to index
        %get3A_1105 = arith.constant 0 : index
        %get3A_1106 = tpu.vector_load %arg6[%get3A_1104, %get3A_1105] {strides = array<i32>} : memref<200x64xf32, #tpu.memory_space<vmem>>, vector<16xf32>,
        %add3A_1107 = arith.addf %add3A_1089, %get3A_1106 : vector<16xf32>
        %get3A_1108 = arith.index_cast %scan3A_1103 : i32 to index
        %get3A_1109 = arith.constant 16 : index
        %get3A_1110 = tpu.vector_load %arg6[%get3A_1108, %get3A_1109] {strides = array<i32>} : memref<200x64xf32, #tpu.memory_space<vmem>>, vector<16xf32>,
        %add3A_1111 = arith.addf %add3A_1093, %get3A_1110 : vector<16xf32>
        %get3A_1112 = arith.index_cast %scan3A_1103 : i32 to index
        %get3A_1113 = arith.constant 32 : index
        %get3A_1114 = tpu.vector_load %arg6[%get3A_1112, %get3A_1113] {strides = array<i32>} : memref<200x64xf32, #tpu.memory_space<vmem>>, vector<16xf32>,
        %add3A_1115 = arith.addf %add3A_1097, %get3A_1114 : vector<16xf32>
        %get3A_1116 = arith.index_cast %scan3A_1103 : i32 to index
        %get3A_1117 = arith.constant 48 : index
        %get3A_1118 = tpu.vector_load %arg6[%get3A_1116, %get3A_1117] {strides = array<i32>} : memref<200x64xf32, #tpu.memory_space<vmem>>, vector<16xf32>,
        %add3A_1119 = arith.addf %add3A_1101, %get3A_1118 : vector<16xf32>
        %scan3A_1120 = arith.constant 4 : i32
        %scan3A_1121 = arith.addi %scan3A_1045, %scan3A_1120 : i32
        %get3A_1122 = arith.index_cast %scan3A_1121 : i32 to index
        %get3A_1123 = arith.constant 0 : index
        %get3A_1124 = tpu.vector_load %arg6[%get3A_1122, %get3A_1123] {strides = array<i32>} : memref<200x64xf32, #tpu.memory_space<vmem>>, vector<16xf32>,
        %add3A_1125 = arith.addf %add3A_1107, %get3A_1124 : vector<16xf32>
        %get3A_1126 = arith.index_cast %scan3A_1121 : i32 to index
        %get3A_1127 = arith.constant 16 : index
        %get3A_1128 = tpu.vector_load %arg6[%get3A_1126, %get3A_1127] {strides = array<i32>} : memref<200x64xf32, #tpu.memory_space<vmem>>, vector<16xf32>,
        %add3A_1129 = arith.addf %add3A_1111, %get3A_1128 : vector<16xf32>
        %get3A_1130 = arith.index_cast %scan3A_1121 : i32 to index
        %get3A_1131 = arith.constant 32 : index
        %get3A_1132 = tpu.vector_load %arg6[%get3A_1130, %get3A_1131] {strides = array<i32>} : memref<200x64xf32, #tpu.memory_space<vmem>>, vector<16xf32>,
        %add3A_1133 = arith.addf %add3A_1115, %get3A_1132 : vector<16xf32>
        %get3A_1134 = arith.index_cast %scan3A_1121 : i32 to index
        %get3A_1135 = arith.constant 48 : index
        %get3A_1136 = tpu.vector_load %arg6[%get3A_1134, %get3A_1135] {strides = array<i32>} : memref<200x64xf32, #tpu.memory_space<vmem>>, vector<16xf32>,
        %add3A_1137 = arith.addf %add3A_1119, %get3A_1136 : vector<16xf32>
        %scan3A_1138 = arith.constant 5 : i32
        %scan3A_1139 = arith.addi %scan3A_1045, %scan3A_1138 : i32
        %get3A_1140 = arith.index_cast %scan3A_1139 : i32 to index
        %get3A_1141 = arith.constant 0 : index
        %get3A_1142 = tpu.vector_load %arg6[%get3A_1140, %get3A_1141] {strides = array<i32>} : memref<200x64xf32, #tpu.memory_space<vmem>>, vector<16xf32>,
        %add3A_1143 = arith.addf %add3A_1125, %get3A_1142 : vector<16xf32>
        %get3A_1144 = arith.index_cast %scan3A_1139 : i32 to index
        %get3A_1145 = arith.constant 16 : index
        %get3A_1146 = tpu.vector_load %arg6[%get3A_1144, %get3A_1145] {strides = array<i32>} : memref<200x64xf32, #tpu.memory_space<vmem>>, vector<16xf32>,
        %add3A_1147 = arith.addf %add3A_1129, %get3A_1146 : vector<16xf32>
        %get3A_1148 = arith.index_cast %scan3A_1139 : i32 to index
        %get3A_1149 = arith.constant 32 : index
        %get3A_1150 = tpu.vector_load %arg6[%get3A_1148, %get3A_1149] {strides = array<i32>} : memref<200x64xf32, #tpu.memory_space<vmem>>, vector<16xf32>,
        %add3A_1151 = arith.addf %add3A_1133, %get3A_1150 : vector<16xf32>
        %get3A_1152 = arith.index_cast %scan3A_1139 : i32 to index
        %get3A_1153 = arith.constant 48 : index
        %get3A_1154 = tpu.vector_load %arg6[%get3A_1152, %get3A_1153] {strides = array<i32>} : memref<200x64xf32, #tpu.memory_space<vmem>>, vector<16xf32>,
        %add3A_1155 = arith.addf %add3A_1137, %get3A_1154 : vector<16xf32>
        %scan3A_1156 = arith.constant 6 : i32
        %scan3A_1157 = arith.addi %scan3A_1045, %scan3A_1156 : i32
        %get3A_1158 = arith.index_cast %scan3A_1157 : i32 to index
        %get3A_1159 = arith.constant 0 : index
        %get3A_1160 = tpu.vector_load %arg6[%get3A_1158, %get3A_1159] {strides = array<i32>} : memref<200x64xf32, #tpu.memory_space<vmem>>, vector<16xf32>,
        %add3A_1161 = arith.addf %add3A_1143, %get3A_1160 : vector<16xf32>
        %get3A_1162 = arith.index_cast %scan3A_1157 : i32 to index
        %get3A_1163 = arith.constant 16 : index
        %get3A_1164 = tpu.vector_load %arg6[%get3A_1162, %get3A_1163] {strides = array<i32>} : memref<200x64xf32, #tpu.memory_space<vmem>>, vector<16xf32>,
        %add3A_1165 = arith.addf %add3A_1147, %get3A_1164 : vector<16xf32>
        %get3A_1166 = arith.index_cast %scan3A_1157 : i32 to index
        %get3A_1167 = arith.constant 32 : index
        %get3A_1168 = tpu.vector_load %arg6[%get3A_1166, %get3A_1167] {strides = array<i32>} : memref<200x64xf32, #tpu.memory_space<vmem>>, vector<16xf32>,
        %add3A_1169 = arith.addf %add3A_1151, %get3A_1168 : vector<16xf32>
        %get3A_1170 = arith.index_cast %scan3A_1157 : i32 to index
        %get3A_1171 = arith.constant 48 : index
        %get3A_1172 = tpu.vector_load %arg6[%get3A_1170, %get3A_1171] {strides = array<i32>} : memref<200x64xf32, #tpu.memory_space<vmem>>, vector<16xf32>,
        %add3A_1173 = arith.addf %add3A_1155, %get3A_1172 : vector<16xf32>
        %scan3A_1174 = arith.constant 7 : i32
        %scan3A_1175 = arith.addi %scan3A_1045, %scan3A_1174 : i32
        %get3A_1176 = arith.index_cast %scan3A_1175 : i32 to index
        %get3A_1177 = arith.constant 0 : index
        %get3A_1178 = tpu.vector_load %arg6[%get3A_1176, %get3A_1177] {strides = array<i32>} : memref<200x64xf32, #tpu.memory_space<vmem>>, vector<16xf32>,
        %add3A_1179 = arith.addf %add3A_1161, %get3A_1178 : vector<16xf32>
        %get3A_1180 = arith.index_cast %scan3A_1175 : i32 to index
        %get3A_1181 = arith.constant 16 : index
        %get3A_1182 = tpu.vector_load %arg6[%get3A_1180, %get3A_1181] {strides = array<i32>} : memref<200x64xf32, #tpu.memory_space<vmem>>, vector<16xf32>,
        %add3A_1183 = arith.addf %add3A_1165, %get3A_1182 : vector<16xf32>
        %get3A_1184 = arith.index_cast %scan3A_1175 : i32 to index
        %get3A_1185 = arith.constant 32 : index
        %get3A_1186 = tpu.vector_load %arg6[%get3A_1184, %get3A_1185] {strides = array<i32>} : memref<200x64xf32, #tpu.memory_space<vmem>>, vector<16xf32>,
        %add3A_1187 = arith.addf %add3A_1169, %get3A_1186 : vector<16xf32>
        %get3A_1188 = arith.index_cast %scan3A_1175 : i32 to index
        %get3A_1189 = arith.constant 48 : index
        %get3A_1190 = tpu.vector_load %arg6[%get3A_1188, %get3A_1189] {strides = array<i32>} : memref<200x64xf32, #tpu.memory_space<vmem>>, vector<16xf32>,
        %add3A_1191 = arith.addf %add3A_1173, %get3A_1190 : vector<16xf32>
        scf.yield %add3A_1179, %add3A_1183, %add3A_1187, %add3A_1191 : vector<16xf32>, vector<16xf32>, vector<16xf32>, vector<16xf32>
      }
      %scan3A_307 = arith.constant 200 : i32
      %add3A_308 = arith.constant 4 : i32
      %add3A_309 = arith.addi %add3A_164, %add3A_308 : i32
      %min3A = arith.constant 127 : i32
      %min3A_310 = arith.minsi %add3A_309, %min3A : i32
      %mul3A_311 = arith.constant 200 : i32
      %mul3A_312 = arith.muli %min3A_310, %mul3A_311 : i32
      %add3A_313 = arith.constant 128 : i32
      %add3A_314 = arith.addi %mul3A_312, %add3A_313 : i32
      %dma_start3A_315 = arith.constant 0 : i32
      %dma_start3A_316 = arith.constant 0 : i32
      %dma_start3A_317 = tpu.memref_slice %arg6[%dma_start3A_315, %dma_start3A_316] : memref<200x64xf32, #tpu.memory_space<vmem>> -> memref<128x64xf32, #tpu.memory_space<vmem>>
      %dma_start3A_318 = tpu.memref_slice %arg5[%mul3A_312] : memref<25616xi32, #tpu.memory_space<vmem>> -> memref<128xi32, #tpu.memory_space<vmem>>
      %dma_start3A_319 = arith.constant 0 : i32
      %dma_start3A_320 = arith.constant 0 : i32
      %dma_start3A_321 = tpu.memref_slice %arg3[%dma_start3A_319, %dma_start3A_320] : memref<1000000x64xf32, #tpu.memory_space<hbm>> -> memref<1000000x64xf32, #tpu.memory_space<hbm>>
      tpu.enqueue_indirect_dma source(%dma_start3A_321 : memref<1000000x64xf32, #tpu.memory_space<hbm>>) target(%dma_start3A_317 : memref<128x64xf32, #tpu.memory_space<vmem>>) offsets(%dma_start3A_318 : memref<128xi32, #tpu.memory_space<vmem>>) semaphore(%arg12 : memref<!tpu.dma_semaphore, #tpu.memory_space<semaphore_mem>>)
      %dma_start3A_322 = arith.constant 128 : i32
      %dma_start3A_323 = arith.constant 0 : i32
      %dma_start3A_324 = tpu.memref_slice %arg6[%dma_start3A_322, %dma_start3A_323] : memref<200x64xf32, #tpu.memory_space<vmem>> -> memref<72x64xf32, #tpu.memory_space<vmem>>
      %dma_start3A_325 = tpu.memref_slice %arg5[%add3A_314] : memref<25616xi32, #tpu.memory_space<vmem>> -> memref<72xi32, #tpu.memory_space<vmem>>
      %dma_start3A_326 = arith.constant 0 : i32
      %dma_start3A_327 = arith.constant 0 : i32
      %dma_start3A_328 = tpu.memref_slice %arg3[%dma_start3A_326, %dma_start3A_327] : memref<1000000x64xf32, #tpu.memory_space<hbm>> -> memref<1000000x64xf32, #tpu.memory_space<hbm>>
      tpu.enqueue_indirect_dma source(%dma_start3A_328 : memref<1000000x64xf32, #tpu.memory_space<hbm>>) target(%dma_start3A_324 : memref<72x64xf32, #tpu.memory_space<vmem>>) offsets(%dma_start3A_325 : memref<72xi32, #tpu.memory_space<vmem>>) semaphore(%arg12 : memref<!tpu.dma_semaphore, #tpu.memory_space<semaphore_mem>>)
      %convert_element_type3A = arith.sitofp %add3A_283 : vector<16xi32> to vector<16xf32>
      %sub3A = arith.constant 2.000000e+02 : f32
      %sub3A_329 = vector.broadcast %sub3A : f32 to vector<16xf32>
      %sub3A_330 = arith.subf %sub3A_329, %convert_element_type3A : vector<16xf32>
      %gt3A = arith.constant 0.000000e+00 : f32
      %gt3A_331 = vector.broadcast %gt3A : f32 to vector<16xf32>
      %gt3A_332 = arith.cmpf ogt, %sub3A_330, %gt3A_331 : vector<16xf32>
      %max3A = arith.constant 1.000000e+00 : f32
      %max3A_333 = vector.broadcast %max3A : f32 to vector<16xf32>
      %max3A_334 = arith.maximumf %sub3A_330, %max3A_333 : vector<16xf32>
      %div3A = arith.constant 1.000000e+00 : f32
      %div3A_335 = vector.broadcast %div3A : f32 to vector<16xf32>
      %div3A_336 = arith.divf %div3A_335, %max3A_334 : vector<16xf32>
      %jit3A = arith.constant 0.000000e+00 : f32
      %broadcast_in_dim3A_337 = vector.broadcast %jit3A : f32 to vector<16xf32>
      %select_n3A = arith.select %gt3A_332, %div3A_336, %broadcast_in_dim3A_337 : vector<16xi1>, vector<16xf32>
      %mul3A_338 = arith.mulf %convert_element_type3A, %get3A_8 : vector<16xf32>
      %sub3A_339 = arith.subf %scan3A_306#0, %mul3A_338 : vector<16xf32>
      %mul3A_340 = arith.mulf %sub3A_339, %select_n3A : vector<16xf32>
      %mul3A_341 = arith.constant 64 : i32
      %mul3A_342 = arith.muli %add3A_164, %mul3A_341 : i32
      %add3A_343 = arith.constant 0 : i32
      %add3A_344 = arith.addi %mul3A_342, %add3A_343 : i32
      %swap3A = arith.index_cast %add3A_344 : i32 to index
      %swap3A_345 = tpu.vector_load %arg11[%swap3A] {strides = array<i32>} : memref<8192xf32, #tpu.memory_space<vmem>>, vector<16xf32>,
      tpu.vector_store %arg11[%swap3A], %mul3A_340 {strides = array<i32>} : memref<8192xf32, #tpu.memory_space<vmem>>, vector<16xf32>,
      %mul3A_346 = arith.mulf %convert_element_type3A, %get3A_10 : vector<16xf32>
      %sub3A_347 = arith.subf %scan3A_306#1, %mul3A_346 : vector<16xf32>
      %mul3A_348 = arith.mulf %sub3A_347, %select_n3A : vector<16xf32>
      %mul3A_349 = arith.constant 64 : i32
      %mul3A_350 = arith.muli %add3A_164, %mul3A_349 : i32
      %add3A_351 = arith.constant 16 : i32
      %add3A_352 = arith.addi %mul3A_350, %add3A_351 : i32
      %swap3A_353 = arith.index_cast %add3A_352 : i32 to index
      %swap3A_354 = tpu.vector_load %arg11[%swap3A_353] {strides = array<i32>} : memref<8192xf32, #tpu.memory_space<vmem>>, vector<16xf32>,
      tpu.vector_store %arg11[%swap3A_353], %mul3A_348 {strides = array<i32>} : memref<8192xf32, #tpu.memory_space<vmem>>, vector<16xf32>,
      %mul3A_355 = arith.mulf %convert_element_type3A, %get3A_12 : vector<16xf32>
      %sub3A_356 = arith.subf %scan3A_306#2, %mul3A_355 : vector<16xf32>
      %mul3A_357 = arith.mulf %sub3A_356, %select_n3A : vector<16xf32>
      %mul3A_358 = arith.constant 64 : i32
      %mul3A_359 = arith.muli %add3A_164, %mul3A_358 : i32
      %add3A_360 = arith.constant 32 : i32
      %add3A_361 = arith.addi %mul3A_359, %add3A_360 : i32
      %swap3A_362 = arith.index_cast %add3A_361 : i32 to index
      %swap3A_363 = tpu.vector_load %arg11[%swap3A_362] {strides = array<i32>} : memref<8192xf32, #tpu.memory_space<vmem>>, vector<16xf32>,
      tpu.vector_store %arg11[%swap3A_362], %mul3A_357 {strides = array<i32>} : memref<8192xf32, #tpu.memory_space<vmem>>, vector<16xf32>,
      %mul3A_364 = arith.mulf %convert_element_type3A, %get3A_14 : vector<16xf32>
      %sub3A_365 = arith.subf %scan3A_306#3, %mul3A_364 : vector<16xf32>
      %mul3A_366 = arith.mulf %sub3A_365, %select_n3A : vector<16xf32>
      %mul3A_367 = arith.constant 64 : i32
      %mul3A_368 = arith.muli %add3A_164, %mul3A_367 : i32
      %add3A_369 = arith.constant 48 : i32
      %add3A_370 = arith.addi %mul3A_368, %add3A_369 : i32
      %swap3A_371 = arith.index_cast %add3A_370 : i32 to index
      %swap3A_372 = tpu.vector_load %arg11[%swap3A_371] {strides = array<i32>} : memref<8192xf32, #tpu.memory_space<vmem>>, vector<16xf32>,
      tpu.vector_store %arg11[%swap3A_371], %mul3A_366 {strides = array<i32>} : memref<8192xf32, #tpu.memory_space<vmem>>, vector<16xf32>,
      %mul3A_373 = arith.constant 4 : i32
      %mul3A_374 = arith.muli %scan3A_160, %mul3A_373 : i32
      %add3A_375 = arith.constant 1 : i32
      %add3A_376 = arith.addi %mul3A_374, %add3A_375 : i32
      %mul3A_377 = arith.constant 200 : i32
      %mul3A_378 = arith.muli %add3A_376, %mul3A_377 : i32
      %broadcast_in_dim3A_379 = arith.constant 0 : i32
      %broadcast_in_dim3A_380 = vector.broadcast %broadcast_in_dim3A_379 : i32 to vector<16xi32>
      %add3A_381 = arith.constant 0 : i32
      %add3A_382 = arith.addi %mul3A_378, %add3A_381 : i32
      %get3A_383 = arith.index_cast %add3A_382 : i32 to index
      %get3A_384 = tpu.vector_load %arg5[%get3A_383] {strides = array<i32>} : memref<25616xi32, #tpu.memory_space<vmem>>, vector<16xi32>,
      %eq3A_385 = arith.constant 0 : i32
      %eq3A_386 = vector.broadcast %eq3A_385 : i32 to vector<16xi32>
      %eq3A_387 = arith.cmpi eq, %get3A_384, %eq3A_386 : vector<16xi32>
      %all_reduce_population_count3A_388 = tpu.all_reduce %eq3A_387 {dim = 0 : i64, kind = #tpu.reduction_kind<sum>} : vector<16xi1> -> vector<16xi32>
      %add3A_389 = arith.addi %broadcast_in_dim3A_380, %all_reduce_population_count3A_388 : vector<16xi32>
      %add3A_390 = arith.constant 16 : i32
      %add3A_391 = arith.addi %mul3A_378, %add3A_390 : i32
      %get3A_392 = arith.index_cast %add3A_391 : i32 to index
      %get3A_393 = tpu.vector_load %arg5[%get3A_392] {strides = array<i32>} : memref<25616xi32, #tpu.memory_space<vmem>>, vector<16xi32>,
      %eq3A_394 = arith.constant 0 : i32
      %eq3A_395 = vector.broadcast %eq3A_394 : i32 to vector<16xi32>
      %eq3A_396 = arith.cmpi eq, %get3A_393, %eq3A_395 : vector<16xi32>
      %all_reduce_population_count3A_397 = tpu.all_reduce %eq3A_396 {dim = 0 : i64, kind = #tpu.reduction_kind<sum>} : vector<16xi1> -> vector<16xi32>
      %add3A_398 = arith.addi %add3A_389, %all_reduce_population_count3A_397 : vector<16xi32>
      %add3A_399 = arith.constant 32 : i32
      %add3A_400 = arith.addi %mul3A_378, %add3A_399 : i32
      %get3A_401 = arith.index_cast %add3A_400 : i32 to index
      %get3A_402 = tpu.vector_load %arg5[%get3A_401] {strides = array<i32>} : memref<25616xi32, #tpu.memory_space<vmem>>, vector<16xi32>,
      %eq3A_403 = arith.constant 0 : i32
      %eq3A_404 = vector.broadcast %eq3A_403 : i32 to vector<16xi32>
      %eq3A_405 = arith.cmpi eq, %get3A_402, %eq3A_404 : vector<16xi32>
      %all_reduce_population_count3A_406 = tpu.all_reduce %eq3A_405 {dim = 0 : i64, kind = #tpu.reduction_kind<sum>} : vector<16xi1> -> vector<16xi32>
      %add3A_407 = arith.addi %add3A_398, %all_reduce_population_count3A_406 : vector<16xi32>
      %add3A_408 = arith.constant 48 : i32
      %add3A_409 = arith.addi %mul3A_378, %add3A_408 : i32
      %get3A_410 = arith.index_cast %add3A_409 : i32 to index
      %get3A_411 = tpu.vector_load %arg5[%get3A_410] {strides = array<i32>} : memref<25616xi32, #tpu.memory_space<vmem>>, vector<16xi32>,
      %eq3A_412 = arith.constant 0 : i32
      %eq3A_413 = vector.broadcast %eq3A_412 : i32 to vector<16xi32>
      %eq3A_414 = arith.cmpi eq, %get3A_411, %eq3A_413 : vector<16xi32>
      %all_reduce_population_count3A_415 = tpu.all_reduce %eq3A_414 {dim = 0 : i64, kind = #tpu.reduction_kind<sum>} : vector<16xi1> -> vector<16xi32>
      %add3A_416 = arith.addi %add3A_407, %all_reduce_population_count3A_415 : vector<16xi32>
      %add3A_417 = arith.constant 64 : i32
      %add3A_418 = arith.addi %mul3A_378, %add3A_417 : i32
      %get3A_419 = arith.index_cast %add3A_418 : i32 to index
      %get3A_420 = tpu.vector_load %arg5[%get3A_419] {strides = array<i32>} : memref<25616xi32, #tpu.memory_space<vmem>>, vector<16xi32>,
      %eq3A_421 = arith.constant 0 : i32
      %eq3A_422 = vector.broadcast %eq3A_421 : i32 to vector<16xi32>
      %eq3A_423 = arith.cmpi eq, %get3A_420, %eq3A_422 : vector<16xi32>
      %all_reduce_population_count3A_424 = tpu.all_reduce %eq3A_423 {dim = 0 : i64, kind = #tpu.reduction_kind<sum>} : vector<16xi1> -> vector<16xi32>
      %add3A_425 = arith.addi %add3A_416, %all_reduce_population_count3A_424 : vector<16xi32>
      %add3A_426 = arith.constant 80 : i32
      %add3A_427 = arith.addi %mul3A_378, %add3A_426 : i32
      %get3A_428 = arith.index_cast %add3A_427 : i32 to index
      %get3A_429 = tpu.vector_load %arg5[%get3A_428] {strides = array<i32>} : memref<25616xi32, #tpu.memory_space<vmem>>, vector<16xi32>,
      %eq3A_430 = arith.constant 0 : i32
      %eq3A_431 = vector.broadcast %eq3A_430 : i32 to vector<16xi32>
      %eq3A_432 = arith.cmpi eq, %get3A_429, %eq3A_431 : vector<16xi32>
      %all_reduce_population_count3A_433 = tpu.all_reduce %eq3A_432 {dim = 0 : i64, kind = #tpu.reduction_kind<sum>} : vector<16xi1> -> vector<16xi32>
      %add3A_434 = arith.addi %add3A_425, %all_reduce_population_count3A_433 : vector<16xi32>
      %add3A_435 = arith.constant 96 : i32
      %add3A_436 = arith.addi %mul3A_378, %add3A_435 : i32
      %get3A_437 = arith.index_cast %add3A_436 : i32 to index
      %get3A_438 = tpu.vector_load %arg5[%get3A_437] {strides = array<i32>} : memref<25616xi32, #tpu.memory_space<vmem>>, vector<16xi32>,
      %eq3A_439 = arith.constant 0 : i32
      %eq3A_440 = vector.broadcast %eq3A_439 : i32 to vector<16xi32>
      %eq3A_441 = arith.cmpi eq, %get3A_438, %eq3A_440 : vector<16xi32>
      %all_reduce_population_count3A_442 = tpu.all_reduce %eq3A_441 {dim = 0 : i64, kind = #tpu.reduction_kind<sum>} : vector<16xi1> -> vector<16xi32>
      %add3A_443 = arith.addi %add3A_434, %all_reduce_population_count3A_442 : vector<16xi32>
      %add3A_444 = arith.constant 112 : i32
      %add3A_445 = arith.addi %mul3A_378, %add3A_444 : i32
      %get3A_446 = arith.index_cast %add3A_445 : i32 to index
      %get3A_447 = tpu.vector_load %arg5[%get3A_446] {strides = array<i32>} : memref<25616xi32, #tpu.memory_space<vmem>>, vector<16xi32>,
      %eq3A_448 = arith.constant 0 : i32
      %eq3A_449 = vector.broadcast %eq3A_448 : i32 to vector<16xi32>
      %eq3A_450 = arith.cmpi eq, %get3A_447, %eq3A_449 : vector<16xi32>
      %all_reduce_population_count3A_451 = tpu.all_reduce %eq3A_450 {dim = 0 : i64, kind = #tpu.reduction_kind<sum>} : vector<16xi1> -> vector<16xi32>
      %add3A_452 = arith.addi %add3A_443, %all_reduce_population_count3A_451 : vector<16xi32>
      %add3A_453 = arith.constant 128 : i32
      %add3A_454 = arith.addi %mul3A_378, %add3A_453 : i32
      %get3A_455 = arith.index_cast %add3A_454 : i32 to index
      %get3A_456 = tpu.vector_load %arg5[%get3A_455] {strides = array<i32>} : memref<25616xi32, #tpu.memory_space<vmem>>, vector<16xi32>,
      %eq3A_457 = arith.constant 0 : i32
      %eq3A_458 = vector.broadcast %eq3A_457 : i32 to vector<16xi32>
      %eq3A_459 = arith.cmpi eq, %get3A_456, %eq3A_458 : vector<16xi32>
      %all_reduce_population_count3A_460 = tpu.all_reduce %eq3A_459 {dim = 0 : i64, kind = #tpu.reduction_kind<sum>} : vector<16xi1> -> vector<16xi32>
      %add3A_461 = arith.addi %add3A_452, %all_reduce_population_count3A_460 : vector<16xi32>
      %add3A_462 = arith.constant 144 : i32
      %add3A_463 = arith.addi %mul3A_378, %add3A_462 : i32
      %get3A_464 = arith.index_cast %add3A_463 : i32 to index
      %get3A_465 = tpu.vector_load %arg5[%get3A_464] {strides = array<i32>} : memref<25616xi32, #tpu.memory_space<vmem>>, vector<16xi32>,
      %eq3A_466 = arith.constant 0 : i32
      %eq3A_467 = vector.broadcast %eq3A_466 : i32 to vector<16xi32>
      %eq3A_468 = arith.cmpi eq, %get3A_465, %eq3A_467 : vector<16xi32>
      %all_reduce_population_count3A_469 = tpu.all_reduce %eq3A_468 {dim = 0 : i64, kind = #tpu.reduction_kind<sum>} : vector<16xi1> -> vector<16xi32>
      %add3A_470 = arith.addi %add3A_461, %all_reduce_population_count3A_469 : vector<16xi32>
      %add3A_471 = arith.constant 160 : i32
      %add3A_472 = arith.addi %mul3A_378, %add3A_471 : i32
      %get3A_473 = arith.index_cast %add3A_472 : i32 to index
      %get3A_474 = tpu.vector_load %arg5[%get3A_473] {strides = array<i32>} : memref<25616xi32, #tpu.memory_space<vmem>>, vector<16xi32>,
      %eq3A_475 = arith.constant 0 : i32
      %eq3A_476 = vector.broadcast %eq3A_475 : i32 to vector<16xi32>
      %eq3A_477 = arith.cmpi eq, %get3A_474, %eq3A_476 : vector<16xi32>
      %all_reduce_population_count3A_478 = tpu.all_reduce %eq3A_477 {dim = 0 : i64, kind = #tpu.reduction_kind<sum>} : vector<16xi1> -> vector<16xi32>
      %add3A_479 = arith.addi %add3A_470, %all_reduce_population_count3A_478 : vector<16xi32>
      %add3A_480 = arith.constant 176 : i32
      %add3A_481 = arith.addi %mul3A_378, %add3A_480 : i32
      %get3A_482 = arith.index_cast %add3A_481 : i32 to index
      %get3A_483 = tpu.vector_load %arg5[%get3A_482] {strides = array<i32>} : memref<25616xi32, #tpu.memory_space<vmem>>, vector<16xi32>,
      %eq3A_484 = arith.constant 0 : i32
      %eq3A_485 = vector.broadcast %eq3A_484 : i32 to vector<16xi32>
      %eq3A_486 = arith.cmpi eq, %get3A_483, %eq3A_485 : vector<16xi32>
      %all_reduce_population_count3A_487 = tpu.all_reduce %eq3A_486 {dim = 0 : i64, kind = #tpu.reduction_kind<sum>} : vector<16xi1> -> vector<16xi32>
      %add3A_488 = arith.addi %add3A_479, %all_reduce_population_count3A_487 : vector<16xi32>
      %add3A_489 = arith.constant 192 : i32
      %add3A_490 = arith.addi %mul3A_378, %add3A_489 : i32
      %get3A_491 = arith.index_cast %add3A_490 : i32 to index
      %get3A_492 = tpu.vector_load %arg5[%get3A_491] {strides = array<i32>} : memref<25616xi32, #tpu.memory_space<vmem>>, vector<16xi32>,
      %eq3A_493 = arith.constant 0 : i32
      %eq3A_494 = vector.broadcast %eq3A_493 : i32 to vector<16xi32>
      %eq3A_495 = arith.cmpi eq, %get3A_492, %eq3A_494 : vector<16xi32>
      %and3A_496 = arith.andi %eq3A_495, %lt3A_6 : vector<16xi1>
      %all_reduce_population_count3A_497 = tpu.all_reduce %and3A_496 {dim = 0 : i64, kind = #tpu.reduction_kind<sum>} : vector<16xi1> -> vector<16xi32>
      %add3A_498 = arith.addi %add3A_488, %all_reduce_population_count3A_497 : vector<16xi32>
      %mul3A_499 = arith.constant 200 : i32
      %mul3A_500 = arith.muli %add3A_376, %mul3A_499 : i32
      %add3A_501 = arith.constant 128 : i32
      %add3A_502 = arith.addi %mul3A_500, %add3A_501 : i32
      %dma_wait3A_503 = arith.constant 0 : i32
      %dma_wait3A_504 = arith.constant 0 : i32
      %dma_wait3A_505 = tpu.memref_slice %arg7[%dma_wait3A_503, %dma_wait3A_504] : memref<200x64xf32, #tpu.memory_space<vmem>> -> memref<128x64xf32, #tpu.memory_space<vmem>>
      %dma_wait3A_506 = tpu.memref_slice %arg5[%mul3A_500] : memref<25616xi32, #tpu.memory_space<vmem>> -> memref<128xi32, #tpu.memory_space<vmem>>
      %dma_wait3A_507 = arith.constant 0 : i32
      %dma_wait3A_508 = arith.constant 0 : i32
      %dma_wait3A_509 = tpu.memref_slice %arg3[%dma_wait3A_507, %dma_wait3A_508] : memref<1000000x64xf32, #tpu.memory_space<hbm>> -> memref<1000000x64xf32, #tpu.memory_space<hbm>>
      tpu.wait_indirect_dma semaphore(%arg13 : memref<!tpu.dma_semaphore, #tpu.memory_space<semaphore_mem>>) src(%dma_wait3A_509 : memref<1000000x64xf32, #tpu.memory_space<hbm>>) dst(%dma_wait3A_505 : memref<128x64xf32, #tpu.memory_space<vmem>>)
      %dma_wait3A_510 = arith.constant 128 : i32
      %dma_wait3A_511 = arith.constant 0 : i32
      %dma_wait3A_512 = tpu.memref_slice %arg7[%dma_wait3A_510, %dma_wait3A_511] : memref<200x64xf32, #tpu.memory_space<vmem>> -> memref<72x64xf32, #tpu.memory_space<vmem>>
      %dma_wait3A_513 = tpu.memref_slice %arg5[%add3A_502] : memref<25616xi32, #tpu.memory_space<vmem>> -> memref<72xi32, #tpu.memory_space<vmem>>
      %dma_wait3A_514 = arith.constant 0 : i32
      %dma_wait3A_515 = arith.constant 0 : i32
      %dma_wait3A_516 = tpu.memref_slice %arg3[%dma_wait3A_514, %dma_wait3A_515] : memref<1000000x64xf32, #tpu.memory_space<hbm>> -> memref<1000000x64xf32, #tpu.memory_space<hbm>>
      tpu.wait_indirect_dma semaphore(%arg13 : memref<!tpu.dma_semaphore, #tpu.memory_space<semaphore_mem>>) src(%dma_wait3A_516 : memref<1000000x64xf32, #tpu.memory_space<hbm>>) dst(%dma_wait3A_512 : memref<72x64xf32, #tpu.memory_space<vmem>>)
      %scan3A_517 = arith.constant 0 : i32
      %scan3A_518 = arith.constant 200 : i32
      %scan3A_519 = arith.addi %scan3A_517, %scan3A_518 : i32
      %scan3A_520 = arith.constant 8 : i32
      %scan3A_521:4 = scf.for %scan3A_1045 = %scan3A_517 to %scan3A_519 step %scan3A_520 iter_args(%scan3A_1046 = %broadcast_in_dim3A_7, %scan3A_1047 = %broadcast_in_dim3A_7, %scan3A_1048 = %broadcast_in_dim3A_7, %scan3A_1049 = %broadcast_in_dim3A_7) -> (vector<16xf32>, vector<16xf32>, vector<16xf32>, vector<16xf32>)  : i32 {
        %get3A_1050 = arith.index_cast %scan3A_1045 : i32 to index
        %get3A_1051 = arith.constant 0 : index
        %get3A_1052 = tpu.vector_load %arg7[%get3A_1050, %get3A_1051] {strides = array<i32>} : memref<200x64xf32, #tpu.memory_space<vmem>>, vector<16xf32>,
        %add3A_1053 = arith.addf %scan3A_1046, %get3A_1052 : vector<16xf32>
        %get3A_1054 = arith.index_cast %scan3A_1045 : i32 to index
        %get3A_1055 = arith.constant 16 : index
        %get3A_1056 = tpu.vector_load %arg7[%get3A_1054, %get3A_1055] {strides = array<i32>} : memref<200x64xf32, #tpu.memory_space<vmem>>, vector<16xf32>,
        %add3A_1057 = arith.addf %scan3A_1047, %get3A_1056 : vector<16xf32>
        %get3A_1058 = arith.index_cast %scan3A_1045 : i32 to index
        %get3A_1059 = arith.constant 32 : index
        %get3A_1060 = tpu.vector_load %arg7[%get3A_1058, %get3A_1059] {strides = array<i32>} : memref<200x64xf32, #tpu.memory_space<vmem>>, vector<16xf32>,
        %add3A_1061 = arith.addf %scan3A_1048, %get3A_1060 : vector<16xf32>
        %get3A_1062 = arith.index_cast %scan3A_1045 : i32 to index
        %get3A_1063 = arith.constant 48 : index
        %get3A_1064 = tpu.vector_load %arg7[%get3A_1062, %get3A_1063] {strides = array<i32>} : memref<200x64xf32, #tpu.memory_space<vmem>>, vector<16xf32>,
        %add3A_1065 = arith.addf %scan3A_1049, %get3A_1064 : vector<16xf32>
        %scan3A_1066 = arith.constant 1 : i32
        %scan3A_1067 = arith.addi %scan3A_1045, %scan3A_1066 : i32
        %get3A_1068 = arith.index_cast %scan3A_1067 : i32 to index
        %get3A_1069 = arith.constant 0 : index
        %get3A_1070 = tpu.vector_load %arg7[%get3A_1068, %get3A_1069] {strides = array<i32>} : memref<200x64xf32, #tpu.memory_space<vmem>>, vector<16xf32>,
        %add3A_1071 = arith.addf %add3A_1053, %get3A_1070 : vector<16xf32>
        %get3A_1072 = arith.index_cast %scan3A_1067 : i32 to index
        %get3A_1073 = arith.constant 16 : index
        %get3A_1074 = tpu.vector_load %arg7[%get3A_1072, %get3A_1073] {strides = array<i32>} : memref<200x64xf32, #tpu.memory_space<vmem>>, vector<16xf32>,
        %add3A_1075 = arith.addf %add3A_1057, %get3A_1074 : vector<16xf32>
        %get3A_1076 = arith.index_cast %scan3A_1067 : i32 to index
        %get3A_1077 = arith.constant 32 : index
        %get3A_1078 = tpu.vector_load %arg7[%get3A_1076, %get3A_1077] {strides = array<i32>} : memref<200x64xf32, #tpu.memory_space<vmem>>, vector<16xf32>,
        %add3A_1079 = arith.addf %add3A_1061, %get3A_1078 : vector<16xf32>
        %get3A_1080 = arith.index_cast %scan3A_1067 : i32 to index
        %get3A_1081 = arith.constant 48 : index
        %get3A_1082 = tpu.vector_load %arg7[%get3A_1080, %get3A_1081] {strides = array<i32>} : memref<200x64xf32, #tpu.memory_space<vmem>>, vector<16xf32>,
        %add3A_1083 = arith.addf %add3A_1065, %get3A_1082 : vector<16xf32>
        %scan3A_1084 = arith.constant 2 : i32
        %scan3A_1085 = arith.addi %scan3A_1045, %scan3A_1084 : i32
        %get3A_1086 = arith.index_cast %scan3A_1085 : i32 to index
        %get3A_1087 = arith.constant 0 : index
        %get3A_1088 = tpu.vector_load %arg7[%get3A_1086, %get3A_1087] {strides = array<i32>} : memref<200x64xf32, #tpu.memory_space<vmem>>, vector<16xf32>,
        %add3A_1089 = arith.addf %add3A_1071, %get3A_1088 : vector<16xf32>
        %get3A_1090 = arith.index_cast %scan3A_1085 : i32 to index
        %get3A_1091 = arith.constant 16 : index
        %get3A_1092 = tpu.vector_load %arg7[%get3A_1090, %get3A_1091] {strides = array<i32>} : memref<200x64xf32, #tpu.memory_space<vmem>>, vector<16xf32>,
        %add3A_1093 = arith.addf %add3A_1075, %get3A_1092 : vector<16xf32>
        %get3A_1094 = arith.index_cast %scan3A_1085 : i32 to index
        %get3A_1095 = arith.constant 32 : index
        %get3A_1096 = tpu.vector_load %arg7[%get3A_1094, %get3A_1095] {strides = array<i32>} : memref<200x64xf32, #tpu.memory_space<vmem>>, vector<16xf32>,
        %add3A_1097 = arith.addf %add3A_1079, %get3A_1096 : vector<16xf32>
        %get3A_1098 = arith.index_cast %scan3A_1085 : i32 to index
        %get3A_1099 = arith.constant 48 : index
        %get3A_1100 = tpu.vector_load %arg7[%get3A_1098, %get3A_1099] {strides = array<i32>} : memref<200x64xf32, #tpu.memory_space<vmem>>, vector<16xf32>,
        %add3A_1101 = arith.addf %add3A_1083, %get3A_1100 : vector<16xf32>
        %scan3A_1102 = arith.constant 3 : i32
        %scan3A_1103 = arith.addi %scan3A_1045, %scan3A_1102 : i32
        %get3A_1104 = arith.index_cast %scan3A_1103 : i32 to index
        %get3A_1105 = arith.constant 0 : index
        %get3A_1106 = tpu.vector_load %arg7[%get3A_1104, %get3A_1105] {strides = array<i32>} : memref<200x64xf32, #tpu.memory_space<vmem>>, vector<16xf32>,
        %add3A_1107 = arith.addf %add3A_1089, %get3A_1106 : vector<16xf32>
        %get3A_1108 = arith.index_cast %scan3A_1103 : i32 to index
        %get3A_1109 = arith.constant 16 : index
        %get3A_1110 = tpu.vector_load %arg7[%get3A_1108, %get3A_1109] {strides = array<i32>} : memref<200x64xf32, #tpu.memory_space<vmem>>, vector<16xf32>,
        %add3A_1111 = arith.addf %add3A_1093, %get3A_1110 : vector<16xf32>
        %get3A_1112 = arith.index_cast %scan3A_1103 : i32 to index
        %get3A_1113 = arith.constant 32 : index
        %get3A_1114 = tpu.vector_load %arg7[%get3A_1112, %get3A_1113] {strides = array<i32>} : memref<200x64xf32, #tpu.memory_space<vmem>>, vector<16xf32>,
        %add3A_1115 = arith.addf %add3A_1097, %get3A_1114 : vector<16xf32>
        %get3A_1116 = arith.index_cast %scan3A_1103 : i32 to index
        %get3A_1117 = arith.constant 48 : index
        %get3A_1118 = tpu.vector_load %arg7[%get3A_1116, %get3A_1117] {strides = array<i32>} : memref<200x64xf32, #tpu.memory_space<vmem>>, vector<16xf32>,
        %add3A_1119 = arith.addf %add3A_1101, %get3A_1118 : vector<16xf32>
        %scan3A_1120 = arith.constant 4 : i32
        %scan3A_1121 = arith.addi %scan3A_1045, %scan3A_1120 : i32
        %get3A_1122 = arith.index_cast %scan3A_1121 : i32 to index
        %get3A_1123 = arith.constant 0 : index
        %get3A_1124 = tpu.vector_load %arg7[%get3A_1122, %get3A_1123] {strides = array<i32>} : memref<200x64xf32, #tpu.memory_space<vmem>>, vector<16xf32>,
        %add3A_1125 = arith.addf %add3A_1107, %get3A_1124 : vector<16xf32>
        %get3A_1126 = arith.index_cast %scan3A_1121 : i32 to index
        %get3A_1127 = arith.constant 16 : index
        %get3A_1128 = tpu.vector_load %arg7[%get3A_1126, %get3A_1127] {strides = array<i32>} : memref<200x64xf32, #tpu.memory_space<vmem>>, vector<16xf32>,
        %add3A_1129 = arith.addf %add3A_1111, %get3A_1128 : vector<16xf32>
        %get3A_1130 = arith.index_cast %scan3A_1121 : i32 to index
        %get3A_1131 = arith.constant 32 : index
        %get3A_1132 = tpu.vector_load %arg7[%get3A_1130, %get3A_1131] {strides = array<i32>} : memref<200x64xf32, #tpu.memory_space<vmem>>, vector<16xf32>,
        %add3A_1133 = arith.addf %add3A_1115, %get3A_1132 : vector<16xf32>
        %get3A_1134 = arith.index_cast %scan3A_1121 : i32 to index
        %get3A_1135 = arith.constant 48 : index
        %get3A_1136 = tpu.vector_load %arg7[%get3A_1134, %get3A_1135] {strides = array<i32>} : memref<200x64xf32, #tpu.memory_space<vmem>>, vector<16xf32>,
        %add3A_1137 = arith.addf %add3A_1119, %get3A_1136 : vector<16xf32>
        %scan3A_1138 = arith.constant 5 : i32
        %scan3A_1139 = arith.addi %scan3A_1045, %scan3A_1138 : i32
        %get3A_1140 = arith.index_cast %scan3A_1139 : i32 to index
        %get3A_1141 = arith.constant 0 : index
        %get3A_1142 = tpu.vector_load %arg7[%get3A_1140, %get3A_1141] {strides = array<i32>} : memref<200x64xf32, #tpu.memory_space<vmem>>, vector<16xf32>,
        %add3A_1143 = arith.addf %add3A_1125, %get3A_1142 : vector<16xf32>
        %get3A_1144 = arith.index_cast %scan3A_1139 : i32 to index
        %get3A_1145 = arith.constant 16 : index
        %get3A_1146 = tpu.vector_load %arg7[%get3A_1144, %get3A_1145] {strides = array<i32>} : memref<200x64xf32, #tpu.memory_space<vmem>>, vector<16xf32>,
        %add3A_1147 = arith.addf %add3A_1129, %get3A_1146 : vector<16xf32>
        %get3A_1148 = arith.index_cast %scan3A_1139 : i32 to index
        %get3A_1149 = arith.constant 32 : index
        %get3A_1150 = tpu.vector_load %arg7[%get3A_1148, %get3A_1149] {strides = array<i32>} : memref<200x64xf32, #tpu.memory_space<vmem>>, vector<16xf32>,
        %add3A_1151 = arith.addf %add3A_1133, %get3A_1150 : vector<16xf32>
        %get3A_1152 = arith.index_cast %scan3A_1139 : i32 to index
        %get3A_1153 = arith.constant 48 : index
        %get3A_1154 = tpu.vector_load %arg7[%get3A_1152, %get3A_1153] {strides = array<i32>} : memref<200x64xf32, #tpu.memory_space<vmem>>, vector<16xf32>,
        %add3A_1155 = arith.addf %add3A_1137, %get3A_1154 : vector<16xf32>
        %scan3A_1156 = arith.constant 6 : i32
        %scan3A_1157 = arith.addi %scan3A_1045, %scan3A_1156 : i32
        %get3A_1158 = arith.index_cast %scan3A_1157 : i32 to index
        %get3A_1159 = arith.constant 0 : index
        %get3A_1160 = tpu.vector_load %arg7[%get3A_1158, %get3A_1159] {strides = array<i32>} : memref<200x64xf32, #tpu.memory_space<vmem>>, vector<16xf32>,
        %add3A_1161 = arith.addf %add3A_1143, %get3A_1160 : vector<16xf32>
        %get3A_1162 = arith.index_cast %scan3A_1157 : i32 to index
        %get3A_1163 = arith.constant 16 : index
        %get3A_1164 = tpu.vector_load %arg7[%get3A_1162, %get3A_1163] {strides = array<i32>} : memref<200x64xf32, #tpu.memory_space<vmem>>, vector<16xf32>,
        %add3A_1165 = arith.addf %add3A_1147, %get3A_1164 : vector<16xf32>
        %get3A_1166 = arith.index_cast %scan3A_1157 : i32 to index
        %get3A_1167 = arith.constant 32 : index
        %get3A_1168 = tpu.vector_load %arg7[%get3A_1166, %get3A_1167] {strides = array<i32>} : memref<200x64xf32, #tpu.memory_space<vmem>>, vector<16xf32>,
        %add3A_1169 = arith.addf %add3A_1151, %get3A_1168 : vector<16xf32>
        %get3A_1170 = arith.index_cast %scan3A_1157 : i32 to index
        %get3A_1171 = arith.constant 48 : index
        %get3A_1172 = tpu.vector_load %arg7[%get3A_1170, %get3A_1171] {strides = array<i32>} : memref<200x64xf32, #tpu.memory_space<vmem>>, vector<16xf32>,
        %add3A_1173 = arith.addf %add3A_1155, %get3A_1172 : vector<16xf32>
        %scan3A_1174 = arith.constant 7 : i32
        %scan3A_1175 = arith.addi %scan3A_1045, %scan3A_1174 : i32
        %get3A_1176 = arith.index_cast %scan3A_1175 : i32 to index
        %get3A_1177 = arith.constant 0 : index
        %get3A_1178 = tpu.vector_load %arg7[%get3A_1176, %get3A_1177] {strides = array<i32>} : memref<200x64xf32, #tpu.memory_space<vmem>>, vector<16xf32>,
        %add3A_1179 = arith.addf %add3A_1161, %get3A_1178 : vector<16xf32>
        %get3A_1180 = arith.index_cast %scan3A_1175 : i32 to index
        %get3A_1181 = arith.constant 16 : index
        %get3A_1182 = tpu.vector_load %arg7[%get3A_1180, %get3A_1181] {strides = array<i32>} : memref<200x64xf32, #tpu.memory_space<vmem>>, vector<16xf32>,
        %add3A_1183 = arith.addf %add3A_1165, %get3A_1182 : vector<16xf32>
        %get3A_1184 = arith.index_cast %scan3A_1175 : i32 to index
        %get3A_1185 = arith.constant 32 : index
        %get3A_1186 = tpu.vector_load %arg7[%get3A_1184, %get3A_1185] {strides = array<i32>} : memref<200x64xf32, #tpu.memory_space<vmem>>, vector<16xf32>,
        %add3A_1187 = arith.addf %add3A_1169, %get3A_1186 : vector<16xf32>
        %get3A_1188 = arith.index_cast %scan3A_1175 : i32 to index
        %get3A_1189 = arith.constant 48 : index
        %get3A_1190 = tpu.vector_load %arg7[%get3A_1188, %get3A_1189] {strides = array<i32>} : memref<200x64xf32, #tpu.memory_space<vmem>>, vector<16xf32>,
        %add3A_1191 = arith.addf %add3A_1173, %get3A_1190 : vector<16xf32>
        scf.yield %add3A_1179, %add3A_1183, %add3A_1187, %add3A_1191 : vector<16xf32>, vector<16xf32>, vector<16xf32>, vector<16xf32>
      }
      %scan3A_522 = arith.constant 200 : i32
      %add3A_523 = arith.constant 4 : i32
      %add3A_524 = arith.addi %add3A_376, %add3A_523 : i32
      %min3A_525 = arith.constant 127 : i32
      %min3A_526 = arith.minsi %add3A_524, %min3A_525 : i32
      %mul3A_527 = arith.constant 200 : i32
      %mul3A_528 = arith.muli %min3A_526, %mul3A_527 : i32
      %add3A_529 = arith.constant 128 : i32
      %add3A_530 = arith.addi %mul3A_528, %add3A_529 : i32
      %dma_start3A_531 = arith.constant 0 : i32
      %dma_start3A_532 = arith.constant 0 : i32
      %dma_start3A_533 = tpu.memref_slice %arg7[%dma_start3A_531, %dma_start3A_532] : memref<200x64xf32, #tpu.memory_space<vmem>> -> memref<128x64xf32, #tpu.memory_space<vmem>>
      %dma_start3A_534 = tpu.memref_slice %arg5[%mul3A_528] : memref<25616xi32, #tpu.memory_space<vmem>> -> memref<128xi32, #tpu.memory_space<vmem>>
      %dma_start3A_535 = arith.constant 0 : i32
      %dma_start3A_536 = arith.constant 0 : i32
      %dma_start3A_537 = tpu.memref_slice %arg3[%dma_start3A_535, %dma_start3A_536] : memref<1000000x64xf32, #tpu.memory_space<hbm>> -> memref<1000000x64xf32, #tpu.memory_space<hbm>>
      tpu.enqueue_indirect_dma source(%dma_start3A_537 : memref<1000000x64xf32, #tpu.memory_space<hbm>>) target(%dma_start3A_533 : memref<128x64xf32, #tpu.memory_space<vmem>>) offsets(%dma_start3A_534 : memref<128xi32, #tpu.memory_space<vmem>>) semaphore(%arg13 : memref<!tpu.dma_semaphore, #tpu.memory_space<semaphore_mem>>)
      %dma_start3A_538 = arith.constant 128 : i32
      %dma_start3A_539 = arith.constant 0 : i32
      %dma_start3A_540 = tpu.memref_slice %arg7[%dma_start3A_538, %dma_start3A_539] : memref<200x64xf32, #tpu.memory_space<vmem>> -> memref<72x64xf32, #tpu.memory_space<vmem>>
      %dma_start3A_541 = tpu.memref_slice %arg5[%add3A_530] : memref<25616xi32, #tpu.memory_space<vmem>> -> memref<72xi32, #tpu.memory_space<vmem>>
      %dma_start3A_542 = arith.constant 0 : i32
      %dma_start3A_543 = arith.constant 0 : i32
      %dma_start3A_544 = tpu.memref_slice %arg3[%dma_start3A_542, %dma_start3A_543] : memref<1000000x64xf32, #tpu.memory_space<hbm>> -> memref<1000000x64xf32, #tpu.memory_space<hbm>>
      tpu.enqueue_indirect_dma source(%dma_start3A_544 : memref<1000000x64xf32, #tpu.memory_space<hbm>>) target(%dma_start3A_540 : memref<72x64xf32, #tpu.memory_space<vmem>>) offsets(%dma_start3A_541 : memref<72xi32, #tpu.memory_space<vmem>>) semaphore(%arg13 : memref<!tpu.dma_semaphore, #tpu.memory_space<semaphore_mem>>)
      %convert_element_type3A_545 = arith.sitofp %add3A_498 : vector<16xi32> to vector<16xf32>
      %sub3A_546 = arith.constant 2.000000e+02 : f32
      %sub3A_547 = vector.broadcast %sub3A_546 : f32 to vector<16xf32>
      %sub3A_548 = arith.subf %sub3A_547, %convert_element_type3A_545 : vector<16xf32>
      %gt3A_549 = arith.constant 0.000000e+00 : f32
      %gt3A_550 = vector.broadcast %gt3A_549 : f32 to vector<16xf32>
      %gt3A_551 = arith.cmpf ogt, %sub3A_548, %gt3A_550 : vector<16xf32>
      %max3A_552 = arith.constant 1.000000e+00 : f32
      %max3A_553 = vector.broadcast %max3A_552 : f32 to vector<16xf32>
      %max3A_554 = arith.maximumf %sub3A_548, %max3A_553 : vector<16xf32>
      %div3A_555 = arith.constant 1.000000e+00 : f32
      %div3A_556 = vector.broadcast %div3A_555 : f32 to vector<16xf32>
      %div3A_557 = arith.divf %div3A_556, %max3A_554 : vector<16xf32>
      %jit3A_558 = arith.constant 0.000000e+00 : f32
      %broadcast_in_dim3A_559 = vector.broadcast %jit3A_558 : f32 to vector<16xf32>
      %select_n3A_560 = arith.select %gt3A_551, %div3A_557, %broadcast_in_dim3A_559 : vector<16xi1>, vector<16xf32>
      %mul3A_561 = arith.mulf %convert_element_type3A_545, %get3A_8 : vector<16xf32>
      %sub3A_562 = arith.subf %scan3A_521#0, %mul3A_561 : vector<16xf32>
      %mul3A_563 = arith.mulf %sub3A_562, %select_n3A_560 : vector<16xf32>
      %mul3A_564 = arith.constant 64 : i32
      %mul3A_565 = arith.muli %add3A_376, %mul3A_564 : i32
      %add3A_566 = arith.constant 0 : i32
      %add3A_567 = arith.addi %mul3A_565, %add3A_566 : i32
      %swap3A_568 = arith.index_cast %add3A_567 : i32 to index
      %swap3A_569 = tpu.vector_load %arg11[%swap3A_568] {strides = array<i32>} : memref<8192xf32, #tpu.memory_space<vmem>>, vector<16xf32>,
      tpu.vector_store %arg11[%swap3A_568], %mul3A_563 {strides = array<i32>} : memref<8192xf32, #tpu.memory_space<vmem>>, vector<16xf32>,
      %mul3A_570 = arith.mulf %convert_element_type3A_545, %get3A_10 : vector<16xf32>
      %sub3A_571 = arith.subf %scan3A_521#1, %mul3A_570 : vector<16xf32>
      %mul3A_572 = arith.mulf %sub3A_571, %select_n3A_560 : vector<16xf32>
      %mul3A_573 = arith.constant 64 : i32
      %mul3A_574 = arith.muli %add3A_376, %mul3A_573 : i32
      %add3A_575 = arith.constant 16 : i32
      %add3A_576 = arith.addi %mul3A_574, %add3A_575 : i32
      %swap3A_577 = arith.index_cast %add3A_576 : i32 to index
      %swap3A_578 = tpu.vector_load %arg11[%swap3A_577] {strides = array<i32>} : memref<8192xf32, #tpu.memory_space<vmem>>, vector<16xf32>,
      tpu.vector_store %arg11[%swap3A_577], %mul3A_572 {strides = array<i32>} : memref<8192xf32, #tpu.memory_space<vmem>>, vector<16xf32>,
      %mul3A_579 = arith.mulf %convert_element_type3A_545, %get3A_12 : vector<16xf32>
      %sub3A_580 = arith.subf %scan3A_521#2, %mul3A_579 : vector<16xf32>
      %mul3A_581 = arith.mulf %sub3A_580, %select_n3A_560 : vector<16xf32>
      %mul3A_582 = arith.constant 64 : i32
      %mul3A_583 = arith.muli %add3A_376, %mul3A_582 : i32
      %add3A_584 = arith.constant 32 : i32
      %add3A_585 = arith.addi %mul3A_583, %add3A_584 : i32
      %swap3A_586 = arith.index_cast %add3A_585 : i32 to index
      %swap3A_587 = tpu.vector_load %arg11[%swap3A_586] {strides = array<i32>} : memref<8192xf32, #tpu.memory_space<vmem>>, vector<16xf32>,
      tpu.vector_store %arg11[%swap3A_586], %mul3A_581 {strides = array<i32>} : memref<8192xf32, #tpu.memory_space<vmem>>, vector<16xf32>,
      %mul3A_588 = arith.mulf %convert_element_type3A_545, %get3A_14 : vector<16xf32>
      %sub3A_589 = arith.subf %scan3A_521#3, %mul3A_588 : vector<16xf32>
      %mul3A_590 = arith.mulf %sub3A_589, %select_n3A_560 : vector<16xf32>
      %mul3A_591 = arith.constant 64 : i32
      %mul3A_592 = arith.muli %add3A_376, %mul3A_591 : i32
      %add3A_593 = arith.constant 48 : i32
      %add3A_594 = arith.addi %mul3A_592, %add3A_593 : i32
      %swap3A_595 = arith.index_cast %add3A_594 : i32 to index
      %swap3A_596 = tpu.vector_load %arg11[%swap3A_595] {strides = array<i32>} : memref<8192xf32, #tpu.memory_space<vmem>>, vector<16xf32>,
      tpu.vector_store %arg11[%swap3A_595], %mul3A_590 {strides = array<i32>} : memref<8192xf32, #tpu.memory_space<vmem>>, vector<16xf32>,
      %mul3A_597 = arith.constant 4 : i32
      %mul3A_598 = arith.muli %scan3A_160, %mul3A_597 : i32
      %add3A_599 = arith.constant 2 : i32
      %add3A_600 = arith.addi %mul3A_598, %add3A_599 : i32
      %mul3A_601 = arith.constant 200 : i32
      %mul3A_602 = arith.muli %add3A_600, %mul3A_601 : i32
      %broadcast_in_dim3A_603 = arith.constant 0 : i32
      %broadcast_in_dim3A_604 = vector.broadcast %broadcast_in_dim3A_603 : i32 to vector<16xi32>
      %add3A_605 = arith.constant 0 : i32
      %add3A_606 = arith.addi %mul3A_602, %add3A_605 : i32
      %get3A_607 = arith.index_cast %add3A_606 : i32 to index
      %get3A_608 = tpu.vector_load %arg5[%get3A_607] {strides = array<i32>} : memref<25616xi32, #tpu.memory_space<vmem>>, vector<16xi32>,
      %eq3A_609 = arith.constant 0 : i32
      %eq3A_610 = vector.broadcast %eq3A_609 : i32 to vector<16xi32>
      %eq3A_611 = arith.cmpi eq, %get3A_608, %eq3A_610 : vector<16xi32>
      %all_reduce_population_count3A_612 = tpu.all_reduce %eq3A_611 {dim = 0 : i64, kind = #tpu.reduction_kind<sum>} : vector<16xi1> -> vector<16xi32>
      %add3A_613 = arith.addi %broadcast_in_dim3A_604, %all_reduce_population_count3A_612 : vector<16xi32>
      %add3A_614 = arith.constant 16 : i32
      %add3A_615 = arith.addi %mul3A_602, %add3A_614 : i32
      %get3A_616 = arith.index_cast %add3A_615 : i32 to index
      %get3A_617 = tpu.vector_load %arg5[%get3A_616] {strides = array<i32>} : memref<25616xi32, #tpu.memory_space<vmem>>, vector<16xi32>,
      %eq3A_618 = arith.constant 0 : i32
      %eq3A_619 = vector.broadcast %eq3A_618 : i32 to vector<16xi32>
      %eq3A_620 = arith.cmpi eq, %get3A_617, %eq3A_619 : vector<16xi32>
      %all_reduce_population_count3A_621 = tpu.all_reduce %eq3A_620 {dim = 0 : i64, kind = #tpu.reduction_kind<sum>} : vector<16xi1> -> vector<16xi32>
      %add3A_622 = arith.addi %add3A_613, %all_reduce_population_count3A_621 : vector<16xi32>
      %add3A_623 = arith.constant 32 : i32
      %add3A_624 = arith.addi %mul3A_602, %add3A_623 : i32
      %get3A_625 = arith.index_cast %add3A_624 : i32 to index
      %get3A_626 = tpu.vector_load %arg5[%get3A_625] {strides = array<i32>} : memref<25616xi32, #tpu.memory_space<vmem>>, vector<16xi32>,
      %eq3A_627 = arith.constant 0 : i32
      %eq3A_628 = vector.broadcast %eq3A_627 : i32 to vector<16xi32>
      %eq3A_629 = arith.cmpi eq, %get3A_626, %eq3A_628 : vector<16xi32>
      %all_reduce_population_count3A_630 = tpu.all_reduce %eq3A_629 {dim = 0 : i64, kind = #tpu.reduction_kind<sum>} : vector<16xi1> -> vector<16xi32>
      %add3A_631 = arith.addi %add3A_622, %all_reduce_population_count3A_630 : vector<16xi32>
      %add3A_632 = arith.constant 48 : i32
      %add3A_633 = arith.addi %mul3A_602, %add3A_632 : i32
      %get3A_634 = arith.index_cast %add3A_633 : i32 to index
      %get3A_635 = tpu.vector_load %arg5[%get3A_634] {strides = array<i32>} : memref<25616xi32, #tpu.memory_space<vmem>>, vector<16xi32>,
      %eq3A_636 = arith.constant 0 : i32
      %eq3A_637 = vector.broadcast %eq3A_636 : i32 to vector<16xi32>
      %eq3A_638 = arith.cmpi eq, %get3A_635, %eq3A_637 : vector<16xi32>
      %all_reduce_population_count3A_639 = tpu.all_reduce %eq3A_638 {dim = 0 : i64, kind = #tpu.reduction_kind<sum>} : vector<16xi1> -> vector<16xi32>
      %add3A_640 = arith.addi %add3A_631, %all_reduce_population_count3A_639 : vector<16xi32>
      %add3A_641 = arith.constant 64 : i32
      %add3A_642 = arith.addi %mul3A_602, %add3A_641 : i32
      %get3A_643 = arith.index_cast %add3A_642 : i32 to index
      %get3A_644 = tpu.vector_load %arg5[%get3A_643] {strides = array<i32>} : memref<25616xi32, #tpu.memory_space<vmem>>, vector<16xi32>,
      %eq3A_645 = arith.constant 0 : i32
      %eq3A_646 = vector.broadcast %eq3A_645 : i32 to vector<16xi32>
      %eq3A_647 = arith.cmpi eq, %get3A_644, %eq3A_646 : vector<16xi32>
      %all_reduce_population_count3A_648 = tpu.all_reduce %eq3A_647 {dim = 0 : i64, kind = #tpu.reduction_kind<sum>} : vector<16xi1> -> vector<16xi32>
      %add3A_649 = arith.addi %add3A_640, %all_reduce_population_count3A_648 : vector<16xi32>
      %add3A_650 = arith.constant 80 : i32
      %add3A_651 = arith.addi %mul3A_602, %add3A_650 : i32
      %get3A_652 = arith.index_cast %add3A_651 : i32 to index
      %get3A_653 = tpu.vector_load %arg5[%get3A_652] {strides = array<i32>} : memref<25616xi32, #tpu.memory_space<vmem>>, vector<16xi32>,
      %eq3A_654 = arith.constant 0 : i32
      %eq3A_655 = vector.broadcast %eq3A_654 : i32 to vector<16xi32>
      %eq3A_656 = arith.cmpi eq, %get3A_653, %eq3A_655 : vector<16xi32>
      %all_reduce_population_count3A_657 = tpu.all_reduce %eq3A_656 {dim = 0 : i64, kind = #tpu.reduction_kind<sum>} : vector<16xi1> -> vector<16xi32>
      %add3A_658 = arith.addi %add3A_649, %all_reduce_population_count3A_657 : vector<16xi32>
      %add3A_659 = arith.constant 96 : i32
      %add3A_660 = arith.addi %mul3A_602, %add3A_659 : i32
      %get3A_661 = arith.index_cast %add3A_660 : i32 to index
      %get3A_662 = tpu.vector_load %arg5[%get3A_661] {strides = array<i32>} : memref<25616xi32, #tpu.memory_space<vmem>>, vector<16xi32>,
      %eq3A_663 = arith.constant 0 : i32
      %eq3A_664 = vector.broadcast %eq3A_663 : i32 to vector<16xi32>
      %eq3A_665 = arith.cmpi eq, %get3A_662, %eq3A_664 : vector<16xi32>
      %all_reduce_population_count3A_666 = tpu.all_reduce %eq3A_665 {dim = 0 : i64, kind = #tpu.reduction_kind<sum>} : vector<16xi1> -> vector<16xi32>
      %add3A_667 = arith.addi %add3A_658, %all_reduce_population_count3A_666 : vector<16xi32>
      %add3A_668 = arith.constant 112 : i32
      %add3A_669 = arith.addi %mul3A_602, %add3A_668 : i32
      %get3A_670 = arith.index_cast %add3A_669 : i32 to index
      %get3A_671 = tpu.vector_load %arg5[%get3A_670] {strides = array<i32>} : memref<25616xi32, #tpu.memory_space<vmem>>, vector<16xi32>,
      %eq3A_672 = arith.constant 0 : i32
      %eq3A_673 = vector.broadcast %eq3A_672 : i32 to vector<16xi32>
      %eq3A_674 = arith.cmpi eq, %get3A_671, %eq3A_673 : vector<16xi32>
      %all_reduce_population_count3A_675 = tpu.all_reduce %eq3A_674 {dim = 0 : i64, kind = #tpu.reduction_kind<sum>} : vector<16xi1> -> vector<16xi32>
      %add3A_676 = arith.addi %add3A_667, %all_reduce_population_count3A_675 : vector<16xi32>
      %add3A_677 = arith.constant 128 : i32
      %add3A_678 = arith.addi %mul3A_602, %add3A_677 : i32
      %get3A_679 = arith.index_cast %add3A_678 : i32 to index
      %get3A_680 = tpu.vector_load %arg5[%get3A_679] {strides = array<i32>} : memref<25616xi32, #tpu.memory_space<vmem>>, vector<16xi32>,
      %eq3A_681 = arith.constant 0 : i32
      %eq3A_682 = vector.broadcast %eq3A_681 : i32 to vector<16xi32>
      %eq3A_683 = arith.cmpi eq, %get3A_680, %eq3A_682 : vector<16xi32>
      %all_reduce_population_count3A_684 = tpu.all_reduce %eq3A_683 {dim = 0 : i64, kind = #tpu.reduction_kind<sum>} : vector<16xi1> -> vector<16xi32>
      %add3A_685 = arith.addi %add3A_676, %all_reduce_population_count3A_684 : vector<16xi32>
      %add3A_686 = arith.constant 144 : i32
      %add3A_687 = arith.addi %mul3A_602, %add3A_686 : i32
      %get3A_688 = arith.index_cast %add3A_687 : i32 to index
      %get3A_689 = tpu.vector_load %arg5[%get3A_688] {strides = array<i32>} : memref<25616xi32, #tpu.memory_space<vmem>>, vector<16xi32>,
      %eq3A_690 = arith.constant 0 : i32
      %eq3A_691 = vector.broadcast %eq3A_690 : i32 to vector<16xi32>
      %eq3A_692 = arith.cmpi eq, %get3A_689, %eq3A_691 : vector<16xi32>
      %all_reduce_population_count3A_693 = tpu.all_reduce %eq3A_692 {dim = 0 : i64, kind = #tpu.reduction_kind<sum>} : vector<16xi1> -> vector<16xi32>
      %add3A_694 = arith.addi %add3A_685, %all_reduce_population_count3A_693 : vector<16xi32>
      %add3A_695 = arith.constant 160 : i32
      %add3A_696 = arith.addi %mul3A_602, %add3A_695 : i32
      %get3A_697 = arith.index_cast %add3A_696 : i32 to index
      %get3A_698 = tpu.vector_load %arg5[%get3A_697] {strides = array<i32>} : memref<25616xi32, #tpu.memory_space<vmem>>, vector<16xi32>,
      %eq3A_699 = arith.constant 0 : i32
      %eq3A_700 = vector.broadcast %eq3A_699 : i32 to vector<16xi32>
      %eq3A_701 = arith.cmpi eq, %get3A_698, %eq3A_700 : vector<16xi32>
      %all_reduce_population_count3A_702 = tpu.all_reduce %eq3A_701 {dim = 0 : i64, kind = #tpu.reduction_kind<sum>} : vector<16xi1> -> vector<16xi32>
      %add3A_703 = arith.addi %add3A_694, %all_reduce_population_count3A_702 : vector<16xi32>
      %add3A_704 = arith.constant 176 : i32
      %add3A_705 = arith.addi %mul3A_602, %add3A_704 : i32
      %get3A_706 = arith.index_cast %add3A_705 : i32 to index
      %get3A_707 = tpu.vector_load %arg5[%get3A_706] {strides = array<i32>} : memref<25616xi32, #tpu.memory_space<vmem>>, vector<16xi32>,
      %eq3A_708 = arith.constant 0 : i32
      %eq3A_709 = vector.broadcast %eq3A_708 : i32 to vector<16xi32>
      %eq3A_710 = arith.cmpi eq, %get3A_707, %eq3A_709 : vector<16xi32>
      %all_reduce_population_count3A_711 = tpu.all_reduce %eq3A_710 {dim = 0 : i64, kind = #tpu.reduction_kind<sum>} : vector<16xi1> -> vector<16xi32>
      %add3A_712 = arith.addi %add3A_703, %all_reduce_population_count3A_711 : vector<16xi32>
      %add3A_713 = arith.constant 192 : i32
      %add3A_714 = arith.addi %mul3A_602, %add3A_713 : i32
      %get3A_715 = arith.index_cast %add3A_714 : i32 to index
      %get3A_716 = tpu.vector_load %arg5[%get3A_715] {strides = array<i32>} : memref<25616xi32, #tpu.memory_space<vmem>>, vector<16xi32>,
      %eq3A_717 = arith.constant 0 : i32
      %eq3A_718 = vector.broadcast %eq3A_717 : i32 to vector<16xi32>
      %eq3A_719 = arith.cmpi eq, %get3A_716, %eq3A_718 : vector<16xi32>
      %and3A_720 = arith.andi %eq3A_719, %lt3A_6 : vector<16xi1>
      %all_reduce_population_count3A_721 = tpu.all_reduce %and3A_720 {dim = 0 : i64, kind = #tpu.reduction_kind<sum>} : vector<16xi1> -> vector<16xi32>
      %add3A_722 = arith.addi %add3A_712, %all_reduce_population_count3A_721 : vector<16xi32>
      %mul3A_723 = arith.constant 200 : i32
      %mul3A_724 = arith.muli %add3A_600, %mul3A_723 : i32
      %add3A_725 = arith.constant 128 : i32
      %add3A_726 = arith.addi %mul3A_724, %add3A_725 : i32
      %dma_wait3A_727 = arith.constant 0 : i32
      %dma_wait3A_728 = arith.constant 0 : i32
      %dma_wait3A_729 = tpu.memref_slice %arg8[%dma_wait3A_727, %dma_wait3A_728] : memref<200x64xf32, #tpu.memory_space<vmem>> -> memref<128x64xf32, #tpu.memory_space<vmem>>
      %dma_wait3A_730 = tpu.memref_slice %arg5[%mul3A_724] : memref<25616xi32, #tpu.memory_space<vmem>> -> memref<128xi32, #tpu.memory_space<vmem>>
      %dma_wait3A_731 = arith.constant 0 : i32
      %dma_wait3A_732 = arith.constant 0 : i32
      %dma_wait3A_733 = tpu.memref_slice %arg3[%dma_wait3A_731, %dma_wait3A_732] : memref<1000000x64xf32, #tpu.memory_space<hbm>> -> memref<1000000x64xf32, #tpu.memory_space<hbm>>
      tpu.wait_indirect_dma semaphore(%arg14 : memref<!tpu.dma_semaphore, #tpu.memory_space<semaphore_mem>>) src(%dma_wait3A_733 : memref<1000000x64xf32, #tpu.memory_space<hbm>>) dst(%dma_wait3A_729 : memref<128x64xf32, #tpu.memory_space<vmem>>)
      %dma_wait3A_734 = arith.constant 128 : i32
      %dma_wait3A_735 = arith.constant 0 : i32
      %dma_wait3A_736 = tpu.memref_slice %arg8[%dma_wait3A_734, %dma_wait3A_735] : memref<200x64xf32, #tpu.memory_space<vmem>> -> memref<72x64xf32, #tpu.memory_space<vmem>>
      %dma_wait3A_737 = tpu.memref_slice %arg5[%add3A_726] : memref<25616xi32, #tpu.memory_space<vmem>> -> memref<72xi32, #tpu.memory_space<vmem>>
      %dma_wait3A_738 = arith.constant 0 : i32
      %dma_wait3A_739 = arith.constant 0 : i32
      %dma_wait3A_740 = tpu.memref_slice %arg3[%dma_wait3A_738, %dma_wait3A_739] : memref<1000000x64xf32, #tpu.memory_space<hbm>> -> memref<1000000x64xf32, #tpu.memory_space<hbm>>
      tpu.wait_indirect_dma semaphore(%arg14 : memref<!tpu.dma_semaphore, #tpu.memory_space<semaphore_mem>>) src(%dma_wait3A_740 : memref<1000000x64xf32, #tpu.memory_space<hbm>>) dst(%dma_wait3A_736 : memref<72x64xf32, #tpu.memory_space<vmem>>)
      %scan3A_741 = arith.constant 0 : i32
      %scan3A_742 = arith.constant 200 : i32
      %scan3A_743 = arith.addi %scan3A_741, %scan3A_742 : i32
      %scan3A_744 = arith.constant 8 : i32
      %scan3A_745:4 = scf.for %scan3A_1045 = %scan3A_741 to %scan3A_743 step %scan3A_744 iter_args(%scan3A_1046 = %broadcast_in_dim3A_7, %scan3A_1047 = %broadcast_in_dim3A_7, %scan3A_1048 = %broadcast_in_dim3A_7, %scan3A_1049 = %broadcast_in_dim3A_7) -> (vector<16xf32>, vector<16xf32>, vector<16xf32>, vector<16xf32>)  : i32 {
        %get3A_1050 = arith.index_cast %scan3A_1045 : i32 to index
        %get3A_1051 = arith.constant 0 : index
        %get3A_1052 = tpu.vector_load %arg8[%get3A_1050, %get3A_1051] {strides = array<i32>} : memref<200x64xf32, #tpu.memory_space<vmem>>, vector<16xf32>,
        %add3A_1053 = arith.addf %scan3A_1046, %get3A_1052 : vector<16xf32>
        %get3A_1054 = arith.index_cast %scan3A_1045 : i32 to index
        %get3A_1055 = arith.constant 16 : index
        %get3A_1056 = tpu.vector_load %arg8[%get3A_1054, %get3A_1055] {strides = array<i32>} : memref<200x64xf32, #tpu.memory_space<vmem>>, vector<16xf32>,
        %add3A_1057 = arith.addf %scan3A_1047, %get3A_1056 : vector<16xf32>
        %get3A_1058 = arith.index_cast %scan3A_1045 : i32 to index
        %get3A_1059 = arith.constant 32 : index
        %get3A_1060 = tpu.vector_load %arg8[%get3A_1058, %get3A_1059] {strides = array<i32>} : memref<200x64xf32, #tpu.memory_space<vmem>>, vector<16xf32>,
        %add3A_1061 = arith.addf %scan3A_1048, %get3A_1060 : vector<16xf32>
        %get3A_1062 = arith.index_cast %scan3A_1045 : i32 to index
        %get3A_1063 = arith.constant 48 : index
        %get3A_1064 = tpu.vector_load %arg8[%get3A_1062, %get3A_1063] {strides = array<i32>} : memref<200x64xf32, #tpu.memory_space<vmem>>, vector<16xf32>,
        %add3A_1065 = arith.addf %scan3A_1049, %get3A_1064 : vector<16xf32>
        %scan3A_1066 = arith.constant 1 : i32
        %scan3A_1067 = arith.addi %scan3A_1045, %scan3A_1066 : i32
        %get3A_1068 = arith.index_cast %scan3A_1067 : i32 to index
        %get3A_1069 = arith.constant 0 : index
        %get3A_1070 = tpu.vector_load %arg8[%get3A_1068, %get3A_1069] {strides = array<i32>} : memref<200x64xf32, #tpu.memory_space<vmem>>, vector<16xf32>,
        %add3A_1071 = arith.addf %add3A_1053, %get3A_1070 : vector<16xf32>
        %get3A_1072 = arith.index_cast %scan3A_1067 : i32 to index
        %get3A_1073 = arith.constant 16 : index
        %get3A_1074 = tpu.vector_load %arg8[%get3A_1072, %get3A_1073] {strides = array<i32>} : memref<200x64xf32, #tpu.memory_space<vmem>>, vector<16xf32>,
        %add3A_1075 = arith.addf %add3A_1057, %get3A_1074 : vector<16xf32>
        %get3A_1076 = arith.index_cast %scan3A_1067 : i32 to index
        %get3A_1077 = arith.constant 32 : index
        %get3A_1078 = tpu.vector_load %arg8[%get3A_1076, %get3A_1077] {strides = array<i32>} : memref<200x64xf32, #tpu.memory_space<vmem>>, vector<16xf32>,
        %add3A_1079 = arith.addf %add3A_1061, %get3A_1078 : vector<16xf32>
        %get3A_1080 = arith.index_cast %scan3A_1067 : i32 to index
        %get3A_1081 = arith.constant 48 : index
        %get3A_1082 = tpu.vector_load %arg8[%get3A_1080, %get3A_1081] {strides = array<i32>} : memref<200x64xf32, #tpu.memory_space<vmem>>, vector<16xf32>,
        %add3A_1083 = arith.addf %add3A_1065, %get3A_1082 : vector<16xf32>
        %scan3A_1084 = arith.constant 2 : i32
        %scan3A_1085 = arith.addi %scan3A_1045, %scan3A_1084 : i32
        %get3A_1086 = arith.index_cast %scan3A_1085 : i32 to index
        %get3A_1087 = arith.constant 0 : index
        %get3A_1088 = tpu.vector_load %arg8[%get3A_1086, %get3A_1087] {strides = array<i32>} : memref<200x64xf32, #tpu.memory_space<vmem>>, vector<16xf32>,
        %add3A_1089 = arith.addf %add3A_1071, %get3A_1088 : vector<16xf32>
        %get3A_1090 = arith.index_cast %scan3A_1085 : i32 to index
        %get3A_1091 = arith.constant 16 : index
        %get3A_1092 = tpu.vector_load %arg8[%get3A_1090, %get3A_1091] {strides = array<i32>} : memref<200x64xf32, #tpu.memory_space<vmem>>, vector<16xf32>,
        %add3A_1093 = arith.addf %add3A_1075, %get3A_1092 : vector<16xf32>
        %get3A_1094 = arith.index_cast %scan3A_1085 : i32 to index
        %get3A_1095 = arith.constant 32 : index
        %get3A_1096 = tpu.vector_load %arg8[%get3A_1094, %get3A_1095] {strides = array<i32>} : memref<200x64xf32, #tpu.memory_space<vmem>>, vector<16xf32>,
        %add3A_1097 = arith.addf %add3A_1079, %get3A_1096 : vector<16xf32>
        %get3A_1098 = arith.index_cast %scan3A_1085 : i32 to index
        %get3A_1099 = arith.constant 48 : index
        %get3A_1100 = tpu.vector_load %arg8[%get3A_1098, %get3A_1099] {strides = array<i32>} : memref<200x64xf32, #tpu.memory_space<vmem>>, vector<16xf32>,
        %add3A_1101 = arith.addf %add3A_1083, %get3A_1100 : vector<16xf32>
        %scan3A_1102 = arith.constant 3 : i32
        %scan3A_1103 = arith.addi %scan3A_1045, %scan3A_1102 : i32
        %get3A_1104 = arith.index_cast %scan3A_1103 : i32 to index
        %get3A_1105 = arith.constant 0 : index
        %get3A_1106 = tpu.vector_load %arg8[%get3A_1104, %get3A_1105] {strides = array<i32>} : memref<200x64xf32, #tpu.memory_space<vmem>>, vector<16xf32>,
        %add3A_1107 = arith.addf %add3A_1089, %get3A_1106 : vector<16xf32>
        %get3A_1108 = arith.index_cast %scan3A_1103 : i32 to index
        %get3A_1109 = arith.constant 16 : index
        %get3A_1110 = tpu.vector_load %arg8[%get3A_1108, %get3A_1109] {strides = array<i32>} : memref<200x64xf32, #tpu.memory_space<vmem>>, vector<16xf32>,
        %add3A_1111 = arith.addf %add3A_1093, %get3A_1110 : vector<16xf32>
        %get3A_1112 = arith.index_cast %scan3A_1103 : i32 to index
        %get3A_1113 = arith.constant 32 : index
        %get3A_1114 = tpu.vector_load %arg8[%get3A_1112, %get3A_1113] {strides = array<i32>} : memref<200x64xf32, #tpu.memory_space<vmem>>, vector<16xf32>,
        %add3A_1115 = arith.addf %add3A_1097, %get3A_1114 : vector<16xf32>
        %get3A_1116 = arith.index_cast %scan3A_1103 : i32 to index
        %get3A_1117 = arith.constant 48 : index
        %get3A_1118 = tpu.vector_load %arg8[%get3A_1116, %get3A_1117] {strides = array<i32>} : memref<200x64xf32, #tpu.memory_space<vmem>>, vector<16xf32>,
        %add3A_1119 = arith.addf %add3A_1101, %get3A_1118 : vector<16xf32>
        %scan3A_1120 = arith.constant 4 : i32
        %scan3A_1121 = arith.addi %scan3A_1045, %scan3A_1120 : i32
        %get3A_1122 = arith.index_cast %scan3A_1121 : i32 to index
        %get3A_1123 = arith.constant 0 : index
        %get3A_1124 = tpu.vector_load %arg8[%get3A_1122, %get3A_1123] {strides = array<i32>} : memref<200x64xf32, #tpu.memory_space<vmem>>, vector<16xf32>,
        %add3A_1125 = arith.addf %add3A_1107, %get3A_1124 : vector<16xf32>
        %get3A_1126 = arith.index_cast %scan3A_1121 : i32 to index
        %get3A_1127 = arith.constant 16 : index
        %get3A_1128 = tpu.vector_load %arg8[%get3A_1126, %get3A_1127] {strides = array<i32>} : memref<200x64xf32, #tpu.memory_space<vmem>>, vector<16xf32>,
        %add3A_1129 = arith.addf %add3A_1111, %get3A_1128 : vector<16xf32>
        %get3A_1130 = arith.index_cast %scan3A_1121 : i32 to index
        %get3A_1131 = arith.constant 32 : index
        %get3A_1132 = tpu.vector_load %arg8[%get3A_1130, %get3A_1131] {strides = array<i32>} : memref<200x64xf32, #tpu.memory_space<vmem>>, vector<16xf32>,
        %add3A_1133 = arith.addf %add3A_1115, %get3A_1132 : vector<16xf32>
        %get3A_1134 = arith.index_cast %scan3A_1121 : i32 to index
        %get3A_1135 = arith.constant 48 : index
        %get3A_1136 = tpu.vector_load %arg8[%get3A_1134, %get3A_1135] {strides = array<i32>} : memref<200x64xf32, #tpu.memory_space<vmem>>, vector<16xf32>,
        %add3A_1137 = arith.addf %add3A_1119, %get3A_1136 : vector<16xf32>
        %scan3A_1138 = arith.constant 5 : i32
        %scan3A_1139 = arith.addi %scan3A_1045, %scan3A_1138 : i32
        %get3A_1140 = arith.index_cast %scan3A_1139 : i32 to index
        %get3A_1141 = arith.constant 0 : index
        %get3A_1142 = tpu.vector_load %arg8[%get3A_1140, %get3A_1141] {strides = array<i32>} : memref<200x64xf32, #tpu.memory_space<vmem>>, vector<16xf32>,
        %add3A_1143 = arith.addf %add3A_1125, %get3A_1142 : vector<16xf32>
        %get3A_1144 = arith.index_cast %scan3A_1139 : i32 to index
        %get3A_1145 = arith.constant 16 : index
        %get3A_1146 = tpu.vector_load %arg8[%get3A_1144, %get3A_1145] {strides = array<i32>} : memref<200x64xf32, #tpu.memory_space<vmem>>, vector<16xf32>,
        %add3A_1147 = arith.addf %add3A_1129, %get3A_1146 : vector<16xf32>
        %get3A_1148 = arith.index_cast %scan3A_1139 : i32 to index
        %get3A_1149 = arith.constant 32 : index
        %get3A_1150 = tpu.vector_load %arg8[%get3A_1148, %get3A_1149] {strides = array<i32>} : memref<200x64xf32, #tpu.memory_space<vmem>>, vector<16xf32>,
        %add3A_1151 = arith.addf %add3A_1133, %get3A_1150 : vector<16xf32>
        %get3A_1152 = arith.index_cast %scan3A_1139 : i32 to index
        %get3A_1153 = arith.constant 48 : index
        %get3A_1154 = tpu.vector_load %arg8[%get3A_1152, %get3A_1153] {strides = array<i32>} : memref<200x64xf32, #tpu.memory_space<vmem>>, vector<16xf32>,
        %add3A_1155 = arith.addf %add3A_1137, %get3A_1154 : vector<16xf32>
        %scan3A_1156 = arith.constant 6 : i32
        %scan3A_1157 = arith.addi %scan3A_1045, %scan3A_1156 : i32
        %get3A_1158 = arith.index_cast %scan3A_1157 : i32 to index
        %get3A_1159 = arith.constant 0 : index
        %get3A_1160 = tpu.vector_load %arg8[%get3A_1158, %get3A_1159] {strides = array<i32>} : memref<200x64xf32, #tpu.memory_space<vmem>>, vector<16xf32>,
        %add3A_1161 = arith.addf %add3A_1143, %get3A_1160 : vector<16xf32>
        %get3A_1162 = arith.index_cast %scan3A_1157 : i32 to index
        %get3A_1163 = arith.constant 16 : index
        %get3A_1164 = tpu.vector_load %arg8[%get3A_1162, %get3A_1163] {strides = array<i32>} : memref<200x64xf32, #tpu.memory_space<vmem>>, vector<16xf32>,
        %add3A_1165 = arith.addf %add3A_1147, %get3A_1164 : vector<16xf32>
        %get3A_1166 = arith.index_cast %scan3A_1157 : i32 to index
        %get3A_1167 = arith.constant 32 : index
        %get3A_1168 = tpu.vector_load %arg8[%get3A_1166, %get3A_1167] {strides = array<i32>} : memref<200x64xf32, #tpu.memory_space<vmem>>, vector<16xf32>,
        %add3A_1169 = arith.addf %add3A_1151, %get3A_1168 : vector<16xf32>
        %get3A_1170 = arith.index_cast %scan3A_1157 : i32 to index
        %get3A_1171 = arith.constant 48 : index
        %get3A_1172 = tpu.vector_load %arg8[%get3A_1170, %get3A_1171] {strides = array<i32>} : memref<200x64xf32, #tpu.memory_space<vmem>>, vector<16xf32>,
        %add3A_1173 = arith.addf %add3A_1155, %get3A_1172 : vector<16xf32>
        %scan3A_1174 = arith.constant 7 : i32
        %scan3A_1175 = arith.addi %scan3A_1045, %scan3A_1174 : i32
        %get3A_1176 = arith.index_cast %scan3A_1175 : i32 to index
        %get3A_1177 = arith.constant 0 : index
        %get3A_1178 = tpu.vector_load %arg8[%get3A_1176, %get3A_1177] {strides = array<i32>} : memref<200x64xf32, #tpu.memory_space<vmem>>, vector<16xf32>,
        %add3A_1179 = arith.addf %add3A_1161, %get3A_1178 : vector<16xf32>
        %get3A_1180 = arith.index_cast %scan3A_1175 : i32 to index
        %get3A_1181 = arith.constant 16 : index
        %get3A_1182 = tpu.vector_load %arg8[%get3A_1180, %get3A_1181] {strides = array<i32>} : memref<200x64xf32, #tpu.memory_space<vmem>>, vector<16xf32>,
        %add3A_1183 = arith.addf %add3A_1165, %get3A_1182 : vector<16xf32>
        %get3A_1184 = arith.index_cast %scan3A_1175 : i32 to index
        %get3A_1185 = arith.constant 32 : index
        %get3A_1186 = tpu.vector_load %arg8[%get3A_1184, %get3A_1185] {strides = array<i32>} : memref<200x64xf32, #tpu.memory_space<vmem>>, vector<16xf32>,
        %add3A_1187 = arith.addf %add3A_1169, %get3A_1186 : vector<16xf32>
        %get3A_1188 = arith.index_cast %scan3A_1175 : i32 to index
        %get3A_1189 = arith.constant 48 : index
        %get3A_1190 = tpu.vector_load %arg8[%get3A_1188, %get3A_1189] {strides = array<i32>} : memref<200x64xf32, #tpu.memory_space<vmem>>, vector<16xf32>,
        %add3A_1191 = arith.addf %add3A_1173, %get3A_1190 : vector<16xf32>
        scf.yield %add3A_1179, %add3A_1183, %add3A_1187, %add3A_1191 : vector<16xf32>, vector<16xf32>, vector<16xf32>, vector<16xf32>
      }
      %scan3A_746 = arith.constant 200 : i32
      %add3A_747 = arith.constant 4 : i32
      %add3A_748 = arith.addi %add3A_600, %add3A_747 : i32
      %min3A_749 = arith.constant 127 : i32
      %min3A_750 = arith.minsi %add3A_748, %min3A_749 : i32
      %mul3A_751 = arith.constant 200 : i32
      %mul3A_752 = arith.muli %min3A_750, %mul3A_751 : i32
      %add3A_753 = arith.constant 128 : i32
      %add3A_754 = arith.addi %mul3A_752, %add3A_753 : i32
      %dma_start3A_755 = arith.constant 0 : i32
      %dma_start3A_756 = arith.constant 0 : i32
      %dma_start3A_757 = tpu.memref_slice %arg8[%dma_start3A_755, %dma_start3A_756] : memref<200x64xf32, #tpu.memory_space<vmem>> -> memref<128x64xf32, #tpu.memory_space<vmem>>
      %dma_start3A_758 = tpu.memref_slice %arg5[%mul3A_752] : memref<25616xi32, #tpu.memory_space<vmem>> -> memref<128xi32, #tpu.memory_space<vmem>>
      %dma_start3A_759 = arith.constant 0 : i32
      %dma_start3A_760 = arith.constant 0 : i32
      %dma_start3A_761 = tpu.memref_slice %arg3[%dma_start3A_759, %dma_start3A_760] : memref<1000000x64xf32, #tpu.memory_space<hbm>> -> memref<1000000x64xf32, #tpu.memory_space<hbm>>
      tpu.enqueue_indirect_dma source(%dma_start3A_761 : memref<1000000x64xf32, #tpu.memory_space<hbm>>) target(%dma_start3A_757 : memref<128x64xf32, #tpu.memory_space<vmem>>) offsets(%dma_start3A_758 : memref<128xi32, #tpu.memory_space<vmem>>) semaphore(%arg14 : memref<!tpu.dma_semaphore, #tpu.memory_space<semaphore_mem>>)
      %dma_start3A_762 = arith.constant 128 : i32
      %dma_start3A_763 = arith.constant 0 : i32
      %dma_start3A_764 = tpu.memref_slice %arg8[%dma_start3A_762, %dma_start3A_763] : memref<200x64xf32, #tpu.memory_space<vmem>> -> memref<72x64xf32, #tpu.memory_space<vmem>>
      %dma_start3A_765 = tpu.memref_slice %arg5[%add3A_754] : memref<25616xi32, #tpu.memory_space<vmem>> -> memref<72xi32, #tpu.memory_space<vmem>>
      %dma_start3A_766 = arith.constant 0 : i32
      %dma_start3A_767 = arith.constant 0 : i32
      %dma_start3A_768 = tpu.memref_slice %arg3[%dma_start3A_766, %dma_start3A_767] : memref<1000000x64xf32, #tpu.memory_space<hbm>> -> memref<1000000x64xf32, #tpu.memory_space<hbm>>
      tpu.enqueue_indirect_dma source(%dma_start3A_768 : memref<1000000x64xf32, #tpu.memory_space<hbm>>) target(%dma_start3A_764 : memref<72x64xf32, #tpu.memory_space<vmem>>) offsets(%dma_start3A_765 : memref<72xi32, #tpu.memory_space<vmem>>) semaphore(%arg14 : memref<!tpu.dma_semaphore, #tpu.memory_space<semaphore_mem>>)
      %convert_element_type3A_769 = arith.sitofp %add3A_722 : vector<16xi32> to vector<16xf32>
      %sub3A_770 = arith.constant 2.000000e+02 : f32
      %sub3A_771 = vector.broadcast %sub3A_770 : f32 to vector<16xf32>
      %sub3A_772 = arith.subf %sub3A_771, %convert_element_type3A_769 : vector<16xf32>
      %gt3A_773 = arith.constant 0.000000e+00 : f32
      %gt3A_774 = vector.broadcast %gt3A_773 : f32 to vector<16xf32>
      %gt3A_775 = arith.cmpf ogt, %sub3A_772, %gt3A_774 : vector<16xf32>
      %max3A_776 = arith.constant 1.000000e+00 : f32
      %max3A_777 = vector.broadcast %max3A_776 : f32 to vector<16xf32>
      %max3A_778 = arith.maximumf %sub3A_772, %max3A_777 : vector<16xf32>
      %div3A_779 = arith.constant 1.000000e+00 : f32
      %div3A_780 = vector.broadcast %div3A_779 : f32 to vector<16xf32>
      %div3A_781 = arith.divf %div3A_780, %max3A_778 : vector<16xf32>
      %jit3A_782 = arith.constant 0.000000e+00 : f32
      %broadcast_in_dim3A_783 = vector.broadcast %jit3A_782 : f32 to vector<16xf32>
      %select_n3A_784 = arith.select %gt3A_775, %div3A_781, %broadcast_in_dim3A_783 : vector<16xi1>, vector<16xf32>
      %mul3A_785 = arith.mulf %convert_element_type3A_769, %get3A_8 : vector<16xf32>
      %sub3A_786 = arith.subf %scan3A_745#0, %mul3A_785 : vector<16xf32>
      %mul3A_787 = arith.mulf %sub3A_786, %select_n3A_784 : vector<16xf32>
      %mul3A_788 = arith.constant 64 : i32
      %mul3A_789 = arith.muli %add3A_600, %mul3A_788 : i32
      %add3A_790 = arith.constant 0 : i32
      %add3A_791 = arith.addi %mul3A_789, %add3A_790 : i32
      %swap3A_792 = arith.index_cast %add3A_791 : i32 to index
      %swap3A_793 = tpu.vector_load %arg11[%swap3A_792] {strides = array<i32>} : memref<8192xf32, #tpu.memory_space<vmem>>, vector<16xf32>,
      tpu.vector_store %arg11[%swap3A_792], %mul3A_787 {strides = array<i32>} : memref<8192xf32, #tpu.memory_space<vmem>>, vector<16xf32>,
      %mul3A_794 = arith.mulf %convert_element_type3A_769, %get3A_10 : vector<16xf32>
      %sub3A_795 = arith.subf %scan3A_745#1, %mul3A_794 : vector<16xf32>
      %mul3A_796 = arith.mulf %sub3A_795, %select_n3A_784 : vector<16xf32>
      %mul3A_797 = arith.constant 64 : i32
      %mul3A_798 = arith.muli %add3A_600, %mul3A_797 : i32
      %add3A_799 = arith.constant 16 : i32
      %add3A_800 = arith.addi %mul3A_798, %add3A_799 : i32
      %swap3A_801 = arith.index_cast %add3A_800 : i32 to index
      %swap3A_802 = tpu.vector_load %arg11[%swap3A_801] {strides = array<i32>} : memref<8192xf32, #tpu.memory_space<vmem>>, vector<16xf32>,
      tpu.vector_store %arg11[%swap3A_801], %mul3A_796 {strides = array<i32>} : memref<8192xf32, #tpu.memory_space<vmem>>, vector<16xf32>,
      %mul3A_803 = arith.mulf %convert_element_type3A_769, %get3A_12 : vector<16xf32>
      %sub3A_804 = arith.subf %scan3A_745#2, %mul3A_803 : vector<16xf32>
      %mul3A_805 = arith.mulf %sub3A_804, %select_n3A_784 : vector<16xf32>
      %mul3A_806 = arith.constant 64 : i32
      %mul3A_807 = arith.muli %add3A_600, %mul3A_806 : i32
      %add3A_808 = arith.constant 32 : i32
      %add3A_809 = arith.addi %mul3A_807, %add3A_808 : i32
      %swap3A_810 = arith.index_cast %add3A_809 : i32 to index
      %swap3A_811 = tpu.vector_load %arg11[%swap3A_810] {strides = array<i32>} : memref<8192xf32, #tpu.memory_space<vmem>>, vector<16xf32>,
      tpu.vector_store %arg11[%swap3A_810], %mul3A_805 {strides = array<i32>} : memref<8192xf32, #tpu.memory_space<vmem>>, vector<16xf32>,
      %mul3A_812 = arith.mulf %convert_element_type3A_769, %get3A_14 : vector<16xf32>
      %sub3A_813 = arith.subf %scan3A_745#3, %mul3A_812 : vector<16xf32>
      %mul3A_814 = arith.mulf %sub3A_813, %select_n3A_784 : vector<16xf32>
      %mul3A_815 = arith.constant 64 : i32
      %mul3A_816 = arith.muli %add3A_600, %mul3A_815 : i32
      %add3A_817 = arith.constant 48 : i32
      %add3A_818 = arith.addi %mul3A_816, %add3A_817 : i32
      %swap3A_819 = arith.index_cast %add3A_818 : i32 to index
      %swap3A_820 = tpu.vector_load %arg11[%swap3A_819] {strides = array<i32>} : memref<8192xf32, #tpu.memory_space<vmem>>, vector<16xf32>,
      tpu.vector_store %arg11[%swap3A_819], %mul3A_814 {strides = array<i32>} : memref<8192xf32, #tpu.memory_space<vmem>>, vector<16xf32>,
      %mul3A_821 = arith.constant 4 : i32
      %mul3A_822 = arith.muli %scan3A_160, %mul3A_821 : i32
      %add3A_823 = arith.constant 3 : i32
      %add3A_824 = arith.addi %mul3A_822, %add3A_823 : i32
      %mul3A_825 = arith.constant 200 : i32
      %mul3A_826 = arith.muli %add3A_824, %mul3A_825 : i32
      %broadcast_in_dim3A_827 = arith.constant 0 : i32
      %broadcast_in_dim3A_828 = vector.broadcast %broadcast_in_dim3A_827 : i32 to vector<16xi32>
      %add3A_829 = arith.constant 0 : i32
      %add3A_830 = arith.addi %mul3A_826, %add3A_829 : i32
      %get3A_831 = arith.index_cast %add3A_830 : i32 to index
      %get3A_832 = tpu.vector_load %arg5[%get3A_831] {strides = array<i32>} : memref<25616xi32, #tpu.memory_space<vmem>>, vector<16xi32>,
      %eq3A_833 = arith.constant 0 : i32
      %eq3A_834 = vector.broadcast %eq3A_833 : i32 to vector<16xi32>
      %eq3A_835 = arith.cmpi eq, %get3A_832, %eq3A_834 : vector<16xi32>
      %all_reduce_population_count3A_836 = tpu.all_reduce %eq3A_835 {dim = 0 : i64, kind = #tpu.reduction_kind<sum>} : vector<16xi1> -> vector<16xi32>
      %add3A_837 = arith.addi %broadcast_in_dim3A_828, %all_reduce_population_count3A_836 : vector<16xi32>
      %add3A_838 = arith.constant 16 : i32
      %add3A_839 = arith.addi %mul3A_826, %add3A_838 : i32
      %get3A_840 = arith.index_cast %add3A_839 : i32 to index
      %get3A_841 = tpu.vector_load %arg5[%get3A_840] {strides = array<i32>} : memref<25616xi32, #tpu.memory_space<vmem>>, vector<16xi32>,
      %eq3A_842 = arith.constant 0 : i32
      %eq3A_843 = vector.broadcast %eq3A_842 : i32 to vector<16xi32>
      %eq3A_844 = arith.cmpi eq, %get3A_841, %eq3A_843 : vector<16xi32>
      %all_reduce_population_count3A_845 = tpu.all_reduce %eq3A_844 {dim = 0 : i64, kind = #tpu.reduction_kind<sum>} : vector<16xi1> -> vector<16xi32>
      %add3A_846 = arith.addi %add3A_837, %all_reduce_population_count3A_845 : vector<16xi32>
      %add3A_847 = arith.constant 32 : i32
      %add3A_848 = arith.addi %mul3A_826, %add3A_847 : i32
      %get3A_849 = arith.index_cast %add3A_848 : i32 to index
      %get3A_850 = tpu.vector_load %arg5[%get3A_849] {strides = array<i32>} : memref<25616xi32, #tpu.memory_space<vmem>>, vector<16xi32>,
      %eq3A_851 = arith.constant 0 : i32
      %eq3A_852 = vector.broadcast %eq3A_851 : i32 to vector<16xi32>
      %eq3A_853 = arith.cmpi eq, %get3A_850, %eq3A_852 : vector<16xi32>
      %all_reduce_population_count3A_854 = tpu.all_reduce %eq3A_853 {dim = 0 : i64, kind = #tpu.reduction_kind<sum>} : vector<16xi1> -> vector<16xi32>
      %add3A_855 = arith.addi %add3A_846, %all_reduce_population_count3A_854 : vector<16xi32>
      %add3A_856 = arith.constant 48 : i32
      %add3A_857 = arith.addi %mul3A_826, %add3A_856 : i32
      %get3A_858 = arith.index_cast %add3A_857 : i32 to index
      %get3A_859 = tpu.vector_load %arg5[%get3A_858] {strides = array<i32>} : memref<25616xi32, #tpu.memory_space<vmem>>, vector<16xi32>,
      %eq3A_860 = arith.constant 0 : i32
      %eq3A_861 = vector.broadcast %eq3A_860 : i32 to vector<16xi32>
      %eq3A_862 = arith.cmpi eq, %get3A_859, %eq3A_861 : vector<16xi32>
      %all_reduce_population_count3A_863 = tpu.all_reduce %eq3A_862 {dim = 0 : i64, kind = #tpu.reduction_kind<sum>} : vector<16xi1> -> vector<16xi32>
      %add3A_864 = arith.addi %add3A_855, %all_reduce_population_count3A_863 : vector<16xi32>
      %add3A_865 = arith.constant 64 : i32
      %add3A_866 = arith.addi %mul3A_826, %add3A_865 : i32
      %get3A_867 = arith.index_cast %add3A_866 : i32 to index
      %get3A_868 = tpu.vector_load %arg5[%get3A_867] {strides = array<i32>} : memref<25616xi32, #tpu.memory_space<vmem>>, vector<16xi32>,
      %eq3A_869 = arith.constant 0 : i32
      %eq3A_870 = vector.broadcast %eq3A_869 : i32 to vector<16xi32>
      %eq3A_871 = arith.cmpi eq, %get3A_868, %eq3A_870 : vector<16xi32>
      %all_reduce_population_count3A_872 = tpu.all_reduce %eq3A_871 {dim = 0 : i64, kind = #tpu.reduction_kind<sum>} : vector<16xi1> -> vector<16xi32>
      %add3A_873 = arith.addi %add3A_864, %all_reduce_population_count3A_872 : vector<16xi32>
      %add3A_874 = arith.constant 80 : i32
      %add3A_875 = arith.addi %mul3A_826, %add3A_874 : i32
      %get3A_876 = arith.index_cast %add3A_875 : i32 to index
      %get3A_877 = tpu.vector_load %arg5[%get3A_876] {strides = array<i32>} : memref<25616xi32, #tpu.memory_space<vmem>>, vector<16xi32>,
      %eq3A_878 = arith.constant 0 : i32
      %eq3A_879 = vector.broadcast %eq3A_878 : i32 to vector<16xi32>
      %eq3A_880 = arith.cmpi eq, %get3A_877, %eq3A_879 : vector<16xi32>
      %all_reduce_population_count3A_881 = tpu.all_reduce %eq3A_880 {dim = 0 : i64, kind = #tpu.reduction_kind<sum>} : vector<16xi1> -> vector<16xi32>
      %add3A_882 = arith.addi %add3A_873, %all_reduce_population_count3A_881 : vector<16xi32>
      %add3A_883 = arith.constant 96 : i32
      %add3A_884 = arith.addi %mul3A_826, %add3A_883 : i32
      %get3A_885 = arith.index_cast %add3A_884 : i32 to index
      %get3A_886 = tpu.vector_load %arg5[%get3A_885] {strides = array<i32>} : memref<25616xi32, #tpu.memory_space<vmem>>, vector<16xi32>,
      %eq3A_887 = arith.constant 0 : i32
      %eq3A_888 = vector.broadcast %eq3A_887 : i32 to vector<16xi32>
      %eq3A_889 = arith.cmpi eq, %get3A_886, %eq3A_888 : vector<16xi32>
      %all_reduce_population_count3A_890 = tpu.all_reduce %eq3A_889 {dim = 0 : i64, kind = #tpu.reduction_kind<sum>} : vector<16xi1> -> vector<16xi32>
      %add3A_891 = arith.addi %add3A_882, %all_reduce_population_count3A_890 : vector<16xi32>
      %add3A_892 = arith.constant 112 : i32
      %add3A_893 = arith.addi %mul3A_826, %add3A_892 : i32
      %get3A_894 = arith.index_cast %add3A_893 : i32 to index
      %get3A_895 = tpu.vector_load %arg5[%get3A_894] {strides = array<i32>} : memref<25616xi32, #tpu.memory_space<vmem>>, vector<16xi32>,
      %eq3A_896 = arith.constant 0 : i32
      %eq3A_897 = vector.broadcast %eq3A_896 : i32 to vector<16xi32>
      %eq3A_898 = arith.cmpi eq, %get3A_895, %eq3A_897 : vector<16xi32>
      %all_reduce_population_count3A_899 = tpu.all_reduce %eq3A_898 {dim = 0 : i64, kind = #tpu.reduction_kind<sum>} : vector<16xi1> -> vector<16xi32>
      %add3A_900 = arith.addi %add3A_891, %all_reduce_population_count3A_899 : vector<16xi32>
      %add3A_901 = arith.constant 128 : i32
      %add3A_902 = arith.addi %mul3A_826, %add3A_901 : i32
      %get3A_903 = arith.index_cast %add3A_902 : i32 to index
      %get3A_904 = tpu.vector_load %arg5[%get3A_903] {strides = array<i32>} : memref<25616xi32, #tpu.memory_space<vmem>>, vector<16xi32>,
      %eq3A_905 = arith.constant 0 : i32
      %eq3A_906 = vector.broadcast %eq3A_905 : i32 to vector<16xi32>
      %eq3A_907 = arith.cmpi eq, %get3A_904, %eq3A_906 : vector<16xi32>
      %all_reduce_population_count3A_908 = tpu.all_reduce %eq3A_907 {dim = 0 : i64, kind = #tpu.reduction_kind<sum>} : vector<16xi1> -> vector<16xi32>
      %add3A_909 = arith.addi %add3A_900, %all_reduce_population_count3A_908 : vector<16xi32>
      %add3A_910 = arith.constant 144 : i32
      %add3A_911 = arith.addi %mul3A_826, %add3A_910 : i32
      %get3A_912 = arith.index_cast %add3A_911 : i32 to index
      %get3A_913 = tpu.vector_load %arg5[%get3A_912] {strides = array<i32>} : memref<25616xi32, #tpu.memory_space<vmem>>, vector<16xi32>,
      %eq3A_914 = arith.constant 0 : i32
      %eq3A_915 = vector.broadcast %eq3A_914 : i32 to vector<16xi32>
      %eq3A_916 = arith.cmpi eq, %get3A_913, %eq3A_915 : vector<16xi32>
      %all_reduce_population_count3A_917 = tpu.all_reduce %eq3A_916 {dim = 0 : i64, kind = #tpu.reduction_kind<sum>} : vector<16xi1> -> vector<16xi32>
      %add3A_918 = arith.addi %add3A_909, %all_reduce_population_count3A_917 : vector<16xi32>
      %add3A_919 = arith.constant 160 : i32
      %add3A_920 = arith.addi %mul3A_826, %add3A_919 : i32
      %get3A_921 = arith.index_cast %add3A_920 : i32 to index
      %get3A_922 = tpu.vector_load %arg5[%get3A_921] {strides = array<i32>} : memref<25616xi32, #tpu.memory_space<vmem>>, vector<16xi32>,
      %eq3A_923 = arith.constant 0 : i32
      %eq3A_924 = vector.broadcast %eq3A_923 : i32 to vector<16xi32>
      %eq3A_925 = arith.cmpi eq, %get3A_922, %eq3A_924 : vector<16xi32>
      %all_reduce_population_count3A_926 = tpu.all_reduce %eq3A_925 {dim = 0 : i64, kind = #tpu.reduction_kind<sum>} : vector<16xi1> -> vector<16xi32>
      %add3A_927 = arith.addi %add3A_918, %all_reduce_population_count3A_926 : vector<16xi32>
      %add3A_928 = arith.constant 176 : i32
      %add3A_929 = arith.addi %mul3A_826, %add3A_928 : i32
      %get3A_930 = arith.index_cast %add3A_929 : i32 to index
      %get3A_931 = tpu.vector_load %arg5[%get3A_930] {strides = array<i32>} : memref<25616xi32, #tpu.memory_space<vmem>>, vector<16xi32>,
      %eq3A_932 = arith.constant 0 : i32
      %eq3A_933 = vector.broadcast %eq3A_932 : i32 to vector<16xi32>
      %eq3A_934 = arith.cmpi eq, %get3A_931, %eq3A_933 : vector<16xi32>
      %all_reduce_population_count3A_935 = tpu.all_reduce %eq3A_934 {dim = 0 : i64, kind = #tpu.reduction_kind<sum>} : vector<16xi1> -> vector<16xi32>
      %add3A_936 = arith.addi %add3A_927, %all_reduce_population_count3A_935 : vector<16xi32>
      %add3A_937 = arith.constant 192 : i32
      %add3A_938 = arith.addi %mul3A_826, %add3A_937 : i32
      %get3A_939 = arith.index_cast %add3A_938 : i32 to index
      %get3A_940 = tpu.vector_load %arg5[%get3A_939] {strides = array<i32>} : memref<25616xi32, #tpu.memory_space<vmem>>, vector<16xi32>,
      %eq3A_941 = arith.constant 0 : i32
      %eq3A_942 = vector.broadcast %eq3A_941 : i32 to vector<16xi32>
      %eq3A_943 = arith.cmpi eq, %get3A_940, %eq3A_942 : vector<16xi32>
      %and3A_944 = arith.andi %eq3A_943, %lt3A_6 : vector<16xi1>
      %all_reduce_population_count3A_945 = tpu.all_reduce %and3A_944 {dim = 0 : i64, kind = #tpu.reduction_kind<sum>} : vector<16xi1> -> vector<16xi32>
      %add3A_946 = arith.addi %add3A_936, %all_reduce_population_count3A_945 : vector<16xi32>
      %mul3A_947 = arith.constant 200 : i32
      %mul3A_948 = arith.muli %add3A_824, %mul3A_947 : i32
      %add3A_949 = arith.constant 128 : i32
      %add3A_950 = arith.addi %mul3A_948, %add3A_949 : i32
      %dma_wait3A_951 = arith.constant 0 : i32
      %dma_wait3A_952 = arith.constant 0 : i32
      %dma_wait3A_953 = tpu.memref_slice %arg9[%dma_wait3A_951, %dma_wait3A_952] : memref<200x64xf32, #tpu.memory_space<vmem>> -> memref<128x64xf32, #tpu.memory_space<vmem>>
      %dma_wait3A_954 = tpu.memref_slice %arg5[%mul3A_948] : memref<25616xi32, #tpu.memory_space<vmem>> -> memref<128xi32, #tpu.memory_space<vmem>>
      %dma_wait3A_955 = arith.constant 0 : i32
      %dma_wait3A_956 = arith.constant 0 : i32
      %dma_wait3A_957 = tpu.memref_slice %arg3[%dma_wait3A_955, %dma_wait3A_956] : memref<1000000x64xf32, #tpu.memory_space<hbm>> -> memref<1000000x64xf32, #tpu.memory_space<hbm>>
      tpu.wait_indirect_dma semaphore(%arg15 : memref<!tpu.dma_semaphore, #tpu.memory_space<semaphore_mem>>) src(%dma_wait3A_957 : memref<1000000x64xf32, #tpu.memory_space<hbm>>) dst(%dma_wait3A_953 : memref<128x64xf32, #tpu.memory_space<vmem>>)
      %dma_wait3A_958 = arith.constant 128 : i32
      %dma_wait3A_959 = arith.constant 0 : i32
      %dma_wait3A_960 = tpu.memref_slice %arg9[%dma_wait3A_958, %dma_wait3A_959] : memref<200x64xf32, #tpu.memory_space<vmem>> -> memref<72x64xf32, #tpu.memory_space<vmem>>
      %dma_wait3A_961 = tpu.memref_slice %arg5[%add3A_950] : memref<25616xi32, #tpu.memory_space<vmem>> -> memref<72xi32, #tpu.memory_space<vmem>>
      %dma_wait3A_962 = arith.constant 0 : i32
      %dma_wait3A_963 = arith.constant 0 : i32
      %dma_wait3A_964 = tpu.memref_slice %arg3[%dma_wait3A_962, %dma_wait3A_963] : memref<1000000x64xf32, #tpu.memory_space<hbm>> -> memref<1000000x64xf32, #tpu.memory_space<hbm>>
      tpu.wait_indirect_dma semaphore(%arg15 : memref<!tpu.dma_semaphore, #tpu.memory_space<semaphore_mem>>) src(%dma_wait3A_964 : memref<1000000x64xf32, #tpu.memory_space<hbm>>) dst(%dma_wait3A_960 : memref<72x64xf32, #tpu.memory_space<vmem>>)
      %scan3A_965 = arith.constant 0 : i32
      %scan3A_966 = arith.constant 200 : i32
      %scan3A_967 = arith.addi %scan3A_965, %scan3A_966 : i32
      %scan3A_968 = arith.constant 8 : i32
      %scan3A_969:4 = scf.for %scan3A_1045 = %scan3A_965 to %scan3A_967 step %scan3A_968 iter_args(%scan3A_1046 = %broadcast_in_dim3A_7, %scan3A_1047 = %broadcast_in_dim3A_7, %scan3A_1048 = %broadcast_in_dim3A_7, %scan3A_1049 = %broadcast_in_dim3A_7) -> (vector<16xf32>, vector<16xf32>, vector<16xf32>, vector<16xf32>)  : i32 {
        %get3A_1050 = arith.index_cast %scan3A_1045 : i32 to index
        %get3A_1051 = arith.constant 0 : index
        %get3A_1052 = tpu.vector_load %arg9[%get3A_1050, %get3A_1051] {strides = array<i32>} : memref<200x64xf32, #tpu.memory_space<vmem>>, vector<16xf32>,
        %add3A_1053 = arith.addf %scan3A_1046, %get3A_1052 : vector<16xf32>
        %get3A_1054 = arith.index_cast %scan3A_1045 : i32 to index
        %get3A_1055 = arith.constant 16 : index
        %get3A_1056 = tpu.vector_load %arg9[%get3A_1054, %get3A_1055] {strides = array<i32>} : memref<200x64xf32, #tpu.memory_space<vmem>>, vector<16xf32>,
        %add3A_1057 = arith.addf %scan3A_1047, %get3A_1056 : vector<16xf32>
        %get3A_1058 = arith.index_cast %scan3A_1045 : i32 to index
        %get3A_1059 = arith.constant 32 : index
        %get3A_1060 = tpu.vector_load %arg9[%get3A_1058, %get3A_1059] {strides = array<i32>} : memref<200x64xf32, #tpu.memory_space<vmem>>, vector<16xf32>,
        %add3A_1061 = arith.addf %scan3A_1048, %get3A_1060 : vector<16xf32>
        %get3A_1062 = arith.index_cast %scan3A_1045 : i32 to index
        %get3A_1063 = arith.constant 48 : index
        %get3A_1064 = tpu.vector_load %arg9[%get3A_1062, %get3A_1063] {strides = array<i32>} : memref<200x64xf32, #tpu.memory_space<vmem>>, vector<16xf32>,
        %add3A_1065 = arith.addf %scan3A_1049, %get3A_1064 : vector<16xf32>
        %scan3A_1066 = arith.constant 1 : i32
        %scan3A_1067 = arith.addi %scan3A_1045, %scan3A_1066 : i32
        %get3A_1068 = arith.index_cast %scan3A_1067 : i32 to index
        %get3A_1069 = arith.constant 0 : index
        %get3A_1070 = tpu.vector_load %arg9[%get3A_1068, %get3A_1069] {strides = array<i32>} : memref<200x64xf32, #tpu.memory_space<vmem>>, vector<16xf32>,
        %add3A_1071 = arith.addf %add3A_1053, %get3A_1070 : vector<16xf32>
        %get3A_1072 = arith.index_cast %scan3A_1067 : i32 to index
        %get3A_1073 = arith.constant 16 : index
        %get3A_1074 = tpu.vector_load %arg9[%get3A_1072, %get3A_1073] {strides = array<i32>} : memref<200x64xf32, #tpu.memory_space<vmem>>, vector<16xf32>,
        %add3A_1075 = arith.addf %add3A_1057, %get3A_1074 : vector<16xf32>
        %get3A_1076 = arith.index_cast %scan3A_1067 : i32 to index
        %get3A_1077 = arith.constant 32 : index
        %get3A_1078 = tpu.vector_load %arg9[%get3A_1076, %get3A_1077] {strides = array<i32>} : memref<200x64xf32, #tpu.memory_space<vmem>>, vector<16xf32>,
        %add3A_1079 = arith.addf %add3A_1061, %get3A_1078 : vector<16xf32>
        %get3A_1080 = arith.index_cast %scan3A_1067 : i32 to index
        %get3A_1081 = arith.constant 48 : index
        %get3A_1082 = tpu.vector_load %arg9[%get3A_1080, %get3A_1081] {strides = array<i32>} : memref<200x64xf32, #tpu.memory_space<vmem>>, vector<16xf32>,
        %add3A_1083 = arith.addf %add3A_1065, %get3A_1082 : vector<16xf32>
        %scan3A_1084 = arith.constant 2 : i32
        %scan3A_1085 = arith.addi %scan3A_1045, %scan3A_1084 : i32
        %get3A_1086 = arith.index_cast %scan3A_1085 : i32 to index
        %get3A_1087 = arith.constant 0 : index
        %get3A_1088 = tpu.vector_load %arg9[%get3A_1086, %get3A_1087] {strides = array<i32>} : memref<200x64xf32, #tpu.memory_space<vmem>>, vector<16xf32>,
        %add3A_1089 = arith.addf %add3A_1071, %get3A_1088 : vector<16xf32>
        %get3A_1090 = arith.index_cast %scan3A_1085 : i32 to index
        %get3A_1091 = arith.constant 16 : index
        %get3A_1092 = tpu.vector_load %arg9[%get3A_1090, %get3A_1091] {strides = array<i32>} : memref<200x64xf32, #tpu.memory_space<vmem>>, vector<16xf32>,
        %add3A_1093 = arith.addf %add3A_1075, %get3A_1092 : vector<16xf32>
        %get3A_1094 = arith.index_cast %scan3A_1085 : i32 to index
        %get3A_1095 = arith.constant 32 : index
        %get3A_1096 = tpu.vector_load %arg9[%get3A_1094, %get3A_1095] {strides = array<i32>} : memref<200x64xf32, #tpu.memory_space<vmem>>, vector<16xf32>,
        %add3A_1097 = arith.addf %add3A_1079, %get3A_1096 : vector<16xf32>
        %get3A_1098 = arith.index_cast %scan3A_1085 : i32 to index
        %get3A_1099 = arith.constant 48 : index
        %get3A_1100 = tpu.vector_load %arg9[%get3A_1098, %get3A_1099] {strides = array<i32>} : memref<200x64xf32, #tpu.memory_space<vmem>>, vector<16xf32>,
        %add3A_1101 = arith.addf %add3A_1083, %get3A_1100 : vector<16xf32>
        %scan3A_1102 = arith.constant 3 : i32
        %scan3A_1103 = arith.addi %scan3A_1045, %scan3A_1102 : i32
        %get3A_1104 = arith.index_cast %scan3A_1103 : i32 to index
        %get3A_1105 = arith.constant 0 : index
        %get3A_1106 = tpu.vector_load %arg9[%get3A_1104, %get3A_1105] {strides = array<i32>} : memref<200x64xf32, #tpu.memory_space<vmem>>, vector<16xf32>,
        %add3A_1107 = arith.addf %add3A_1089, %get3A_1106 : vector<16xf32>
        %get3A_1108 = arith.index_cast %scan3A_1103 : i32 to index
        %get3A_1109 = arith.constant 16 : index
        %get3A_1110 = tpu.vector_load %arg9[%get3A_1108, %get3A_1109] {strides = array<i32>} : memref<200x64xf32, #tpu.memory_space<vmem>>, vector<16xf32>,
        %add3A_1111 = arith.addf %add3A_1093, %get3A_1110 : vector<16xf32>
        %get3A_1112 = arith.index_cast %scan3A_1103 : i32 to index
        %get3A_1113 = arith.constant 32 : index
        %get3A_1114 = tpu.vector_load %arg9[%get3A_1112, %get3A_1113] {strides = array<i32>} : memref<200x64xf32, #tpu.memory_space<vmem>>, vector<16xf32>,
        %add3A_1115 = arith.addf %add3A_1097, %get3A_1114 : vector<16xf32>
        %get3A_1116 = arith.index_cast %scan3A_1103 : i32 to index
        %get3A_1117 = arith.constant 48 : index
        %get3A_1118 = tpu.vector_load %arg9[%get3A_1116, %get3A_1117] {strides = array<i32>} : memref<200x64xf32, #tpu.memory_space<vmem>>, vector<16xf32>,
        %add3A_1119 = arith.addf %add3A_1101, %get3A_1118 : vector<16xf32>
        %scan3A_1120 = arith.constant 4 : i32
        %scan3A_1121 = arith.addi %scan3A_1045, %scan3A_1120 : i32
        %get3A_1122 = arith.index_cast %scan3A_1121 : i32 to index
        %get3A_1123 = arith.constant 0 : index
        %get3A_1124 = tpu.vector_load %arg9[%get3A_1122, %get3A_1123] {strides = array<i32>} : memref<200x64xf32, #tpu.memory_space<vmem>>, vector<16xf32>,
        %add3A_1125 = arith.addf %add3A_1107, %get3A_1124 : vector<16xf32>
        %get3A_1126 = arith.index_cast %scan3A_1121 : i32 to index
        %get3A_1127 = arith.constant 16 : index
        %get3A_1128 = tpu.vector_load %arg9[%get3A_1126, %get3A_1127] {strides = array<i32>} : memref<200x64xf32, #tpu.memory_space<vmem>>, vector<16xf32>,
        %add3A_1129 = arith.addf %add3A_1111, %get3A_1128 : vector<16xf32>
        %get3A_1130 = arith.index_cast %scan3A_1121 : i32 to index
        %get3A_1131 = arith.constant 32 : index
        %get3A_1132 = tpu.vector_load %arg9[%get3A_1130, %get3A_1131] {strides = array<i32>} : memref<200x64xf32, #tpu.memory_space<vmem>>, vector<16xf32>,
        %add3A_1133 = arith.addf %add3A_1115, %get3A_1132 : vector<16xf32>
        %get3A_1134 = arith.index_cast %scan3A_1121 : i32 to index
        %get3A_1135 = arith.constant 48 : index
        %get3A_1136 = tpu.vector_load %arg9[%get3A_1134, %get3A_1135] {strides = array<i32>} : memref<200x64xf32, #tpu.memory_space<vmem>>, vector<16xf32>,
        %add3A_1137 = arith.addf %add3A_1119, %get3A_1136 : vector<16xf32>
        %scan3A_1138 = arith.constant 5 : i32
        %scan3A_1139 = arith.addi %scan3A_1045, %scan3A_1138 : i32
        %get3A_1140 = arith.index_cast %scan3A_1139 : i32 to index
        %get3A_1141 = arith.constant 0 : index
        %get3A_1142 = tpu.vector_load %arg9[%get3A_1140, %get3A_1141] {strides = array<i32>} : memref<200x64xf32, #tpu.memory_space<vmem>>, vector<16xf32>,
        %add3A_1143 = arith.addf %add3A_1125, %get3A_1142 : vector<16xf32>
        %get3A_1144 = arith.index_cast %scan3A_1139 : i32 to index
        %get3A_1145 = arith.constant 16 : index
        %get3A_1146 = tpu.vector_load %arg9[%get3A_1144, %get3A_1145] {strides = array<i32>} : memref<200x64xf32, #tpu.memory_space<vmem>>, vector<16xf32>,
        %add3A_1147 = arith.addf %add3A_1129, %get3A_1146 : vector<16xf32>
        %get3A_1148 = arith.index_cast %scan3A_1139 : i32 to index
        %get3A_1149 = arith.constant 32 : index
        %get3A_1150 = tpu.vector_load %arg9[%get3A_1148, %get3A_1149] {strides = array<i32>} : memref<200x64xf32, #tpu.memory_space<vmem>>, vector<16xf32>,
        %add3A_1151 = arith.addf %add3A_1133, %get3A_1150 : vector<16xf32>
        %get3A_1152 = arith.index_cast %scan3A_1139 : i32 to index
        %get3A_1153 = arith.constant 48 : index
        %get3A_1154 = tpu.vector_load %arg9[%get3A_1152, %get3A_1153] {strides = array<i32>} : memref<200x64xf32, #tpu.memory_space<vmem>>, vector<16xf32>,
        %add3A_1155 = arith.addf %add3A_1137, %get3A_1154 : vector<16xf32>
        %scan3A_1156 = arith.constant 6 : i32
        %scan3A_1157 = arith.addi %scan3A_1045, %scan3A_1156 : i32
        %get3A_1158 = arith.index_cast %scan3A_1157 : i32 to index
        %get3A_1159 = arith.constant 0 : index
        %get3A_1160 = tpu.vector_load %arg9[%get3A_1158, %get3A_1159] {strides = array<i32>} : memref<200x64xf32, #tpu.memory_space<vmem>>, vector<16xf32>,
        %add3A_1161 = arith.addf %add3A_1143, %get3A_1160 : vector<16xf32>
        %get3A_1162 = arith.index_cast %scan3A_1157 : i32 to index
        %get3A_1163 = arith.constant 16 : index
        %get3A_1164 = tpu.vector_load %arg9[%get3A_1162, %get3A_1163] {strides = array<i32>} : memref<200x64xf32, #tpu.memory_space<vmem>>, vector<16xf32>,
        %add3A_1165 = arith.addf %add3A_1147, %get3A_1164 : vector<16xf32>
        %get3A_1166 = arith.index_cast %scan3A_1157 : i32 to index
        %get3A_1167 = arith.constant 32 : index
        %get3A_1168 = tpu.vector_load %arg9[%get3A_1166, %get3A_1167] {strides = array<i32>} : memref<200x64xf32, #tpu.memory_space<vmem>>, vector<16xf32>,
        %add3A_1169 = arith.addf %add3A_1151, %get3A_1168 : vector<16xf32>
        %get3A_1170 = arith.index_cast %scan3A_1157 : i32 to index
        %get3A_1171 = arith.constant 48 : index
        %get3A_1172 = tpu.vector_load %arg9[%get3A_1170, %get3A_1171] {strides = array<i32>} : memref<200x64xf32, #tpu.memory_space<vmem>>, vector<16xf32>,
        %add3A_1173 = arith.addf %add3A_1155, %get3A_1172 : vector<16xf32>
        %scan3A_1174 = arith.constant 7 : i32
        %scan3A_1175 = arith.addi %scan3A_1045, %scan3A_1174 : i32
        %get3A_1176 = arith.index_cast %scan3A_1175 : i32 to index
        %get3A_1177 = arith.constant 0 : index
        %get3A_1178 = tpu.vector_load %arg9[%get3A_1176, %get3A_1177] {strides = array<i32>} : memref<200x64xf32, #tpu.memory_space<vmem>>, vector<16xf32>,
        %add3A_1179 = arith.addf %add3A_1161, %get3A_1178 : vector<16xf32>
        %get3A_1180 = arith.index_cast %scan3A_1175 : i32 to index
        %get3A_1181 = arith.constant 16 : index
        %get3A_1182 = tpu.vector_load %arg9[%get3A_1180, %get3A_1181] {strides = array<i32>} : memref<200x64xf32, #tpu.memory_space<vmem>>, vector<16xf32>,
        %add3A_1183 = arith.addf %add3A_1165, %get3A_1182 : vector<16xf32>
        %get3A_1184 = arith.index_cast %scan3A_1175 : i32 to index
        %get3A_1185 = arith.constant 32 : index
        %get3A_1186 = tpu.vector_load %arg9[%get3A_1184, %get3A_1185] {strides = array<i32>} : memref<200x64xf32, #tpu.memory_space<vmem>>, vector<16xf32>,
        %add3A_1187 = arith.addf %add3A_1169, %get3A_1186 : vector<16xf32>
        %get3A_1188 = arith.index_cast %scan3A_1175 : i32 to index
        %get3A_1189 = arith.constant 48 : index
        %get3A_1190 = tpu.vector_load %arg9[%get3A_1188, %get3A_1189] {strides = array<i32>} : memref<200x64xf32, #tpu.memory_space<vmem>>, vector<16xf32>,
        %add3A_1191 = arith.addf %add3A_1173, %get3A_1190 : vector<16xf32>
        scf.yield %add3A_1179, %add3A_1183, %add3A_1187, %add3A_1191 : vector<16xf32>, vector<16xf32>, vector<16xf32>, vector<16xf32>
      }
      %scan3A_970 = arith.constant 200 : i32
      %add3A_971 = arith.constant 4 : i32
      %add3A_972 = arith.addi %add3A_824, %add3A_971 : i32
      %min3A_973 = arith.constant 127 : i32
      %min3A_974 = arith.minsi %add3A_972, %min3A_973 : i32
      %mul3A_975 = arith.constant 200 : i32
      %mul3A_976 = arith.muli %min3A_974, %mul3A_975 : i32
      %add3A_977 = arith.constant 128 : i32
      %add3A_978 = arith.addi %mul3A_976, %add3A_977 : i32
      %dma_start3A_979 = arith.constant 0 : i32
      %dma_start3A_980 = arith.constant 0 : i32
      %dma_start3A_981 = tpu.memref_slice %arg9[%dma_start3A_979, %dma_start3A_980] : memref<200x64xf32, #tpu.memory_space<vmem>> -> memref<128x64xf32, #tpu.memory_space<vmem>>
      %dma_start3A_982 = tpu.memref_slice %arg5[%mul3A_976] : memref<25616xi32, #tpu.memory_space<vmem>> -> memref<128xi32, #tpu.memory_space<vmem>>
      %dma_start3A_983 = arith.constant 0 : i32
      %dma_start3A_984 = arith.constant 0 : i32
      %dma_start3A_985 = tpu.memref_slice %arg3[%dma_start3A_983, %dma_start3A_984] : memref<1000000x64xf32, #tpu.memory_space<hbm>> -> memref<1000000x64xf32, #tpu.memory_space<hbm>>
      tpu.enqueue_indirect_dma source(%dma_start3A_985 : memref<1000000x64xf32, #tpu.memory_space<hbm>>) target(%dma_start3A_981 : memref<128x64xf32, #tpu.memory_space<vmem>>) offsets(%dma_start3A_982 : memref<128xi32, #tpu.memory_space<vmem>>) semaphore(%arg15 : memref<!tpu.dma_semaphore, #tpu.memory_space<semaphore_mem>>)
      %dma_start3A_986 = arith.constant 128 : i32
      %dma_start3A_987 = arith.constant 0 : i32
      %dma_start3A_988 = tpu.memref_slice %arg9[%dma_start3A_986, %dma_start3A_987] : memref<200x64xf32, #tpu.memory_space<vmem>> -> memref<72x64xf32, #tpu.memory_space<vmem>>
      %dma_start3A_989 = tpu.memref_slice %arg5[%add3A_978] : memref<25616xi32, #tpu.memory_space<vmem>> -> memref<72xi32, #tpu.memory_space<vmem>>
      %dma_start3A_990 = arith.constant 0 : i32
      %dma_start3A_991 = arith.constant 0 : i32
      %dma_start3A_992 = tpu.memref_slice %arg3[%dma_start3A_990, %dma_start3A_991] : memref<1000000x64xf32, #tpu.memory_space<hbm>> -> memref<1000000x64xf32, #tpu.memory_space<hbm>>
      tpu.enqueue_indirect_dma source(%dma_start3A_992 : memref<1000000x64xf32, #tpu.memory_space<hbm>>) target(%dma_start3A_988 : memref<72x64xf32, #tpu.memory_space<vmem>>) offsets(%dma_start3A_989 : memref<72xi32, #tpu.memory_space<vmem>>) semaphore(%arg15 : memref<!tpu.dma_semaphore, #tpu.memory_space<semaphore_mem>>)
      %convert_element_type3A_993 = arith.sitofp %add3A_946 : vector<16xi32> to vector<16xf32>
      %sub3A_994 = arith.constant 2.000000e+02 : f32
      %sub3A_995 = vector.broadcast %sub3A_994 : f32 to vector<16xf32>
      %sub3A_996 = arith.subf %sub3A_995, %convert_element_type3A_993 : vector<16xf32>
      %gt3A_997 = arith.constant 0.000000e+00 : f32
      %gt3A_998 = vector.broadcast %gt3A_997 : f32 to vector<16xf32>
      %gt3A_999 = arith.cmpf ogt, %sub3A_996, %gt3A_998 : vector<16xf32>
      %max3A_1000 = arith.constant 1.000000e+00 : f32
      %max3A_1001 = vector.broadcast %max3A_1000 : f32 to vector<16xf32>
      %max3A_1002 = arith.maximumf %sub3A_996, %max3A_1001 : vector<16xf32>
      %div3A_1003 = arith.constant 1.000000e+00 : f32
      %div3A_1004 = vector.broadcast %div3A_1003 : f32 to vector<16xf32>
      %div3A_1005 = arith.divf %div3A_1004, %max3A_1002 : vector<16xf32>
      %jit3A_1006 = arith.constant 0.000000e+00 : f32
      %broadcast_in_dim3A_1007 = vector.broadcast %jit3A_1006 : f32 to vector<16xf32>
      %select_n3A_1008 = arith.select %gt3A_999, %div3A_1005, %broadcast_in_dim3A_1007 : vector<16xi1>, vector<16xf32>
      %mul3A_1009 = arith.mulf %convert_element_type3A_993, %get3A_8 : vector<16xf32>
      %sub3A_1010 = arith.subf %scan3A_969#0, %mul3A_1009 : vector<16xf32>
      %mul3A_1011 = arith.mulf %sub3A_1010, %select_n3A_1008 : vector<16xf32>
      %mul3A_1012 = arith.constant 64 : i32
      %mul3A_1013 = arith.muli %add3A_824, %mul3A_1012 : i32
      %add3A_1014 = arith.constant 0 : i32
      %add3A_1015 = arith.addi %mul3A_1013, %add3A_1014 : i32
      %swap3A_1016 = arith.index_cast %add3A_1015 : i32 to index
      %swap3A_1017 = tpu.vector_load %arg11[%swap3A_1016] {strides = array<i32>} : memref<8192xf32, #tpu.memory_space<vmem>>, vector<16xf32>,
      tpu.vector_store %arg11[%swap3A_1016], %mul3A_1011 {strides = array<i32>} : memref<8192xf32, #tpu.memory_space<vmem>>, vector<16xf32>,
      %mul3A_1018 = arith.mulf %convert_element_type3A_993, %get3A_10 : vector<16xf32>
      %sub3A_1019 = arith.subf %scan3A_969#1, %mul3A_1018 : vector<16xf32>
      %mul3A_1020 = arith.mulf %sub3A_1019, %select_n3A_1008 : vector<16xf32>
      %mul3A_1021 = arith.constant 64 : i32
      %mul3A_1022 = arith.muli %add3A_824, %mul3A_1021 : i32
      %add3A_1023 = arith.constant 16 : i32
      %add3A_1024 = arith.addi %mul3A_1022, %add3A_1023 : i32
      %swap3A_1025 = arith.index_cast %add3A_1024 : i32 to index
      %swap3A_1026 = tpu.vector_load %arg11[%swap3A_1025] {strides = array<i32>} : memref<8192xf32, #tpu.memory_space<vmem>>, vector<16xf32>,
      tpu.vector_store %arg11[%swap3A_1025], %mul3A_1020 {strides = array<i32>} : memref<8192xf32, #tpu.memory_space<vmem>>, vector<16xf32>,
      %mul3A_1027 = arith.mulf %convert_element_type3A_993, %get3A_12 : vector<16xf32>
      %sub3A_1028 = arith.subf %scan3A_969#2, %mul3A_1027 : vector<16xf32>
      %mul3A_1029 = arith.mulf %sub3A_1028, %select_n3A_1008 : vector<16xf32>
      %mul3A_1030 = arith.constant 64 : i32
      %mul3A_1031 = arith.muli %add3A_824, %mul3A_1030 : i32
      %add3A_1032 = arith.constant 32 : i32
      %add3A_1033 = arith.addi %mul3A_1031, %add3A_1032 : i32
      %swap3A_1034 = arith.index_cast %add3A_1033 : i32 to index
      %swap3A_1035 = tpu.vector_load %arg11[%swap3A_1034] {strides = array<i32>} : memref<8192xf32, #tpu.memory_space<vmem>>, vector<16xf32>,
      tpu.vector_store %arg11[%swap3A_1034], %mul3A_1029 {strides = array<i32>} : memref<8192xf32, #tpu.memory_space<vmem>>, vector<16xf32>,
      %mul3A_1036 = arith.mulf %convert_element_type3A_993, %get3A_14 : vector<16xf32>
      %sub3A_1037 = arith.subf %scan3A_969#3, %mul3A_1036 : vector<16xf32>
      %mul3A_1038 = arith.mulf %sub3A_1037, %select_n3A_1008 : vector<16xf32>
      %mul3A_1039 = arith.constant 64 : i32
      %mul3A_1040 = arith.muli %add3A_824, %mul3A_1039 : i32
      %add3A_1041 = arith.constant 48 : i32
      %add3A_1042 = arith.addi %mul3A_1040, %add3A_1041 : i32
      %swap3A_1043 = arith.index_cast %add3A_1042 : i32 to index
      %swap3A_1044 = tpu.vector_load %arg11[%swap3A_1043] {strides = array<i32>} : memref<8192xf32, #tpu.memory_space<vmem>>, vector<16xf32>,
      tpu.vector_store %arg11[%swap3A_1043], %mul3A_1038 {strides = array<i32>} : memref<8192xf32, #tpu.memory_space<vmem>>, vector<16xf32>,
    }
    %scan3A_94 = arith.constant 32 : i32
    %dma_wait3A = arith.constant 0 : i32
    %dma_wait3A_95 = arith.constant 0 : i32
    %dma_wait3A_96 = tpu.memref_slice %arg6[%dma_wait3A, %dma_wait3A_95] : memref<200x64xf32, #tpu.memory_space<vmem>> -> memref<128x64xf32, #tpu.memory_space<vmem>>
    %dma_wait3A_97 = arith.constant 0 : i32
    %dma_wait3A_98 = tpu.memref_slice %arg5[%dma_wait3A_97] : memref<25616xi32, #tpu.memory_space<vmem>> -> memref<128xi32, #tpu.memory_space<vmem>>
    %dma_wait3A_99 = arith.constant 0 : i32
    %dma_wait3A_100 = arith.constant 0 : i32
    %dma_wait3A_101 = tpu.memref_slice %arg3[%dma_wait3A_99, %dma_wait3A_100] : memref<1000000x64xf32, #tpu.memory_space<hbm>> -> memref<1000000x64xf32, #tpu.memory_space<hbm>>
    tpu.wait_indirect_dma semaphore(%arg12 : memref<!tpu.dma_semaphore, #tpu.memory_space<semaphore_mem>>) src(%dma_wait3A_101 : memref<1000000x64xf32, #tpu.memory_space<hbm>>) dst(%dma_wait3A_96 : memref<128x64xf32, #tpu.memory_space<vmem>>)
    %dma_wait3A_102 = arith.constant 128 : i32
    %dma_wait3A_103 = arith.constant 0 : i32
    %dma_wait3A_104 = tpu.memref_slice %arg6[%dma_wait3A_102, %dma_wait3A_103] : memref<200x64xf32, #tpu.memory_space<vmem>> -> memref<72x64xf32, #tpu.memory_space<vmem>>
    %dma_wait3A_105 = arith.constant 128 : i32
    %dma_wait3A_106 = tpu.memref_slice %arg5[%dma_wait3A_105] : memref<25616xi32, #tpu.memory_space<vmem>> -> memref<72xi32, #tpu.memory_space<vmem>>
    %dma_wait3A_107 = arith.constant 0 : i32
    %dma_wait3A_108 = arith.constant 0 : i32
    %dma_wait3A_109 = tpu.memref_slice %arg3[%dma_wait3A_107, %dma_wait3A_108] : memref<1000000x64xf32, #tpu.memory_space<hbm>> -> memref<1000000x64xf32, #tpu.memory_space<hbm>>
    tpu.wait_indirect_dma semaphore(%arg12 : memref<!tpu.dma_semaphore, #tpu.memory_space<semaphore_mem>>) src(%dma_wait3A_109 : memref<1000000x64xf32, #tpu.memory_space<hbm>>) dst(%dma_wait3A_104 : memref<72x64xf32, #tpu.memory_space<vmem>>)
    %dma_wait3A_110 = arith.constant 0 : i32
    %dma_wait3A_111 = arith.constant 0 : i32
    %dma_wait3A_112 = tpu.memref_slice %arg7[%dma_wait3A_110, %dma_wait3A_111] : memref<200x64xf32, #tpu.memory_space<vmem>> -> memref<128x64xf32, #tpu.memory_space<vmem>>
    %dma_wait3A_113 = arith.constant 0 : i32
    %dma_wait3A_114 = tpu.memref_slice %arg5[%dma_wait3A_113] : memref<25616xi32, #tpu.memory_space<vmem>> -> memref<128xi32, #tpu.memory_space<vmem>>
    %dma_wait3A_115 = arith.constant 0 : i32
    %dma_wait3A_116 = arith.constant 0 : i32
    %dma_wait3A_117 = tpu.memref_slice %arg3[%dma_wait3A_115, %dma_wait3A_116] : memref<1000000x64xf32, #tpu.memory_space<hbm>> -> memref<1000000x64xf32, #tpu.memory_space<hbm>>
    tpu.wait_indirect_dma semaphore(%arg13 : memref<!tpu.dma_semaphore, #tpu.memory_space<semaphore_mem>>) src(%dma_wait3A_117 : memref<1000000x64xf32, #tpu.memory_space<hbm>>) dst(%dma_wait3A_112 : memref<128x64xf32, #tpu.memory_space<vmem>>)
    %dma_wait3A_118 = arith.constant 128 : i32
    %dma_wait3A_119 = arith.constant 0 : i32
    %dma_wait3A_120 = tpu.memref_slice %arg7[%dma_wait3A_118, %dma_wait3A_119] : memref<200x64xf32, #tpu.memory_space<vmem>> -> memref<72x64xf32, #tpu.memory_space<vmem>>
    %dma_wait3A_121 = arith.constant 128 : i32
    %dma_wait3A_122 = tpu.memref_slice %arg5[%dma_wait3A_121] : memref<25616xi32, #tpu.memory_space<vmem>> -> memref<72xi32, #tpu.memory_space<vmem>>
    %dma_wait3A_123 = arith.constant 0 : i32
    %dma_wait3A_124 = arith.constant 0 : i32
    %dma_wait3A_125 = tpu.memref_slice %arg3[%dma_wait3A_123, %dma_wait3A_124] : memref<1000000x64xf32, #tpu.memory_space<hbm>> -> memref<1000000x64xf32, #tpu.memory_space<hbm>>
    tpu.wait_indirect_dma semaphore(%arg13 : memref<!tpu.dma_semaphore, #tpu.memory_space<semaphore_mem>>) src(%dma_wait3A_125 : memref<1000000x64xf32, #tpu.memory_space<hbm>>) dst(%dma_wait3A_120 : memref<72x64xf32, #tpu.memory_space<vmem>>)
    %dma_wait3A_126 = arith.constant 0 : i32
    %dma_wait3A_127 = arith.constant 0 : i32
    %dma_wait3A_128 = tpu.memref_slice %arg8[%dma_wait3A_126, %dma_wait3A_127] : memref<200x64xf32, #tpu.memory_space<vmem>> -> memref<128x64xf32, #tpu.memory_space<vmem>>
    %dma_wait3A_129 = arith.constant 0 : i32
    %dma_wait3A_130 = tpu.memref_slice %arg5[%dma_wait3A_129] : memref<25616xi32, #tpu.memory_space<vmem>> -> memref<128xi32, #tpu.memory_space<vmem>>
    %dma_wait3A_131 = arith.constant 0 : i32
    %dma_wait3A_132 = arith.constant 0 : i32
    %dma_wait3A_133 = tpu.memref_slice %arg3[%dma_wait3A_131, %dma_wait3A_132] : memref<1000000x64xf32, #tpu.memory_space<hbm>> -> memref<1000000x64xf32, #tpu.memory_space<hbm>>
    tpu.wait_indirect_dma semaphore(%arg14 : memref<!tpu.dma_semaphore, #tpu.memory_space<semaphore_mem>>) src(%dma_wait3A_133 : memref<1000000x64xf32, #tpu.memory_space<hbm>>) dst(%dma_wait3A_128 : memref<128x64xf32, #tpu.memory_space<vmem>>)
    %dma_wait3A_134 = arith.constant 128 : i32
    %dma_wait3A_135 = arith.constant 0 : i32
    %dma_wait3A_136 = tpu.memref_slice %arg8[%dma_wait3A_134, %dma_wait3A_135] : memref<200x64xf32, #tpu.memory_space<vmem>> -> memref<72x64xf32, #tpu.memory_space<vmem>>
    %dma_wait3A_137 = arith.constant 128 : i32
    %dma_wait3A_138 = tpu.memref_slice %arg5[%dma_wait3A_137] : memref<25616xi32, #tpu.memory_space<vmem>> -> memref<72xi32, #tpu.memory_space<vmem>>
    %dma_wait3A_139 = arith.constant 0 : i32
    %dma_wait3A_140 = arith.constant 0 : i32
    %dma_wait3A_141 = tpu.memref_slice %arg3[%dma_wait3A_139, %dma_wait3A_140] : memref<1000000x64xf32, #tpu.memory_space<hbm>> -> memref<1000000x64xf32, #tpu.memory_space<hbm>>
    tpu.wait_indirect_dma semaphore(%arg14 : memref<!tpu.dma_semaphore, #tpu.memory_space<semaphore_mem>>) src(%dma_wait3A_141 : memref<1000000x64xf32, #tpu.memory_space<hbm>>) dst(%dma_wait3A_136 : memref<72x64xf32, #tpu.memory_space<vmem>>)
    %dma_wait3A_142 = arith.constant 0 : i32
    %dma_wait3A_143 = arith.constant 0 : i32
    %dma_wait3A_144 = tpu.memref_slice %arg9[%dma_wait3A_142, %dma_wait3A_143] : memref<200x64xf32, #tpu.memory_space<vmem>> -> memref<128x64xf32, #tpu.memory_space<vmem>>
    %dma_wait3A_145 = arith.constant 0 : i32
    %dma_wait3A_146 = tpu.memref_slice %arg5[%dma_wait3A_145] : memref<25616xi32, #tpu.memory_space<vmem>> -> memref<128xi32, #tpu.memory_space<vmem>>
    %dma_wait3A_147 = arith.constant 0 : i32
    %dma_wait3A_148 = arith.constant 0 : i32
    %dma_wait3A_149 = tpu.memref_slice %arg3[%dma_wait3A_147, %dma_wait3A_148] : memref<1000000x64xf32, #tpu.memory_space<hbm>> -> memref<1000000x64xf32, #tpu.memory_space<hbm>>
    tpu.wait_indirect_dma semaphore(%arg15 : memref<!tpu.dma_semaphore, #tpu.memory_space<semaphore_mem>>) src(%dma_wait3A_149 : memref<1000000x64xf32, #tpu.memory_space<hbm>>) dst(%dma_wait3A_144 : memref<128x64xf32, #tpu.memory_space<vmem>>)
    %dma_wait3A_150 = arith.constant 128 : i32
    %dma_wait3A_151 = arith.constant 0 : i32
    %dma_wait3A_152 = tpu.memref_slice %arg9[%dma_wait3A_150, %dma_wait3A_151] : memref<200x64xf32, #tpu.memory_space<vmem>> -> memref<72x64xf32, #tpu.memory_space<vmem>>
    %dma_wait3A_153 = arith.constant 128 : i32
    %dma_wait3A_154 = tpu.memref_slice %arg5[%dma_wait3A_153] : memref<25616xi32, #tpu.memory_space<vmem>> -> memref<72xi32, #tpu.memory_space<vmem>>
    %dma_wait3A_155 = arith.constant 0 : i32
    %dma_wait3A_156 = arith.constant 0 : i32
    %dma_wait3A_157 = tpu.memref_slice %arg3[%dma_wait3A_155, %dma_wait3A_156] : memref<1000000x64xf32, #tpu.memory_space<hbm>> -> memref<1000000x64xf32, #tpu.memory_space<hbm>>
    tpu.wait_indirect_dma semaphore(%arg15 : memref<!tpu.dma_semaphore, #tpu.memory_space<semaphore_mem>>) src(%dma_wait3A_157 : memref<1000000x64xf32, #tpu.memory_space<hbm>>) dst(%dma_wait3A_152 : memref<72x64xf32, #tpu.memory_space<vmem>>)
    %mul3A_158 = arith.constant 64 : i32
    %mul3A_159 = arith.muli %mul3A_2, %mul3A_158 : i32
    "tpu.region"() ({
      %run_scoped3A_160 = tpu.sem_alloc : memref<!tpu.dma_semaphore, #tpu.memory_space<semaphore_mem>>
      %dma_start3A_161 = tpu.memref_slice %arg4[%mul3A_159] : memref<262144xf32, #tpu.memory_space<hbm>> -> memref<8192xf32, #tpu.memory_space<hbm>>
      %dma_start3A_162 = tpu.memref_slice %arg4[%mul3A_159] : memref<262144xf32, #tpu.memory_space<hbm>> -> memref<8192xf32, #tpu.memory_space<hbm>>
      tpu.enqueue_dma source(%arg11 : memref<8192xf32, #tpu.memory_space<vmem>>) target(%dma_start3A_162 : memref<8192xf32, #tpu.memory_space<hbm>>) target_semaphore(%run_scoped3A_160 : memref<!tpu.dma_semaphore, #tpu.memory_space<semaphore_mem>>)
      %dma_wait3A_163 = tpu.memref_slice %arg4[%mul3A_159] : memref<262144xf32, #tpu.memory_space<hbm>> -> memref<8192xf32, #tpu.memory_space<hbm>>
      %dma_wait3A_164 = tpu.memref_slice %arg4[%mul3A_159] : memref<262144xf32, #tpu.memory_space<hbm>> -> memref<8192xf32, #tpu.memory_space<hbm>>
      tpu.wait_dma2 semaphore(%run_scoped3A_160 : memref<!tpu.dma_semaphore, #tpu.memory_space<semaphore_mem>>) src(%arg11 : memref<8192xf32, #tpu.memory_space<vmem>>) dst(%dma_wait3A_164 : memref<8192xf32, #tpu.memory_space<hbm>>)
      tpu.yield
    }) : () -> ()
    return
  }
}

</mosaic_0001>

<sc_bundles>
// kernel: kernel.4.cloned.1.call-start
scs
__scs_entry_jumppad:
0x0: {  	(pc) =	sbr.rel $0x88, $3  }
0x1: {  	(tag) =	ssettag $0x0;
	lr =	simm.s32 $0x1  }
0x2: {  	[smem:$0x3F9F] =	sst lr;
	_ =	strace $0xD0000000  }
0x3: {  	_ = 	snop  }
0x4: {  	_ = 	snop  }
0x5: {  	_ = 	snop  }
0x6: {  	_ = 	snop  }
0x7: {  	_ = 	snop  }
__scs_overlays_trampoline_lowered:
0x8: {  	[smem:$0x3FAE] =	sst s0  }
0x9: {  	[smem:$0x3FAF] =	sst s1  }
0xa: {  	[smem:$0x3FB0] =	sst s2  }
0xb: {  	[smem:$0x3FB1] =	sst s3  }
0xc: {  	[smem:$0x3FB2] =	sst s4  }
0xd: {  	[smem:$0x3FB3] =	sst s5  }
0xe: {  	[smem:$0x3FB4] =	sst s6  }
0xf: {  	[smem:$0x3FB5] =	sst s7  }
0x10: {  	[smem:$0x3FB6] =	sst s8  }
0x11: {  	[smem:$0x3FB7] =	sst s9;
	s0 =	simm.s32 @!p0 $0x0  }
0x12: {  	s1 =	sld [smem:$0x3F9D];
	s0 =	simm.s32 @p0 $0x1  }
0x13: {  	[smem:$0x3FB8] =	sst s0;
	s0 =	simm.s32 @!p1 $0x0  }
0x14: {  	s2 =	sld [smem:$0x3F9C];
	s0 =	simm.s32 @p1 $0x1  }
0x15: {  	[smem:$0x3FB9] =	sst s0;
	s0 =	simm.s32 @!p2 $0x0  }
0x16: {  	s3 =	sld [smem:$0x3FDB];
	s0 =	simm.s32 @p2 $0x1  }
0x17: {  	s4 =	simm.s32 $0x1BF5;
	[smem:$0x3FBB] =	sst s0  }
0x18: {  	s0 =	sld [smem:$0x3F9E];
	_ =	swait.ge [sflag:s4], $0x0  }
0x19: {  	s7 =	sld [smem:$0x3F9F]  }
0x1a: {  	s8 =	sadd.s32 $0xFFFFE003, lr  }
0x1b: {  	s9 =	sadd.s32 $0xFFFFFEF7, lr;
	s5 =	simm.s32 $0xFFFFFFFF;
	p2 =	slt.u32 s8, $0xFFFFF086  }
0x1c: {  	p1 =	slt.u32 s9, $0xF7A;
	s5 =	simm.s32 @!p2 $0x0  }
0x1d: {  	s5 =	simm.s32 @p1 $0x1;
	p0 =	seq.s32 s7, s2  }
0x1e: {  	s7 =	smul.u32 @!p0 $0xF7A, s2;
	p2 =	seq.s32 @!p0 s5, $0x0  }
0x1f: {  	s9 =	smul.u32 $0xF7A, s1;
	s8 =	simm.s32 @!p0 $0x1BF5;
	p2 =	por !p2, p0  }
0x20: {  	[sflag:s8] =	ssyncset.s32 @!p0 $0xFFFFF086;
	s6 =	sadd.s32 @!p0 s3, s7;
	s7 =	simm.s32 @!p0 $0x108  }
0x21: {  	s3 =	sadd.s32 s3, s9;
	s6 =	sadd.s32 @!p0 $0x88, s6;
	s7 =	simm.s32 @p2 $0x1082  }
0x22: {  	[simem:s7], [sflag:s8] =	dma.local @!p0 [hbm:s6], $0xF7A  }
0x23: {  	s9 =	sor.u32 $0xD0000000, s2;
	s6 =	simm.s32 $0x108;
	_ =	swait.ge @!p0 [sflag:s8], $0x0  }
0x24: {  	s3 =	sadd.s32 $0x88, s3;
	s6 =	simm.s32 @!p1 $0x1082;
	[sflag:s4] =	ssyncset.s32 $0xFFFFF086  }
0x25: {  	[simem:s6], [sflag:s4] =	dma.local [hbm:s3], $0xF7A  }
0x26: {  	[smem:$0x3F9F] =	sst s1;
	(tag) =	ssettag s2;
	_ =	strace s9  }
0x27: {  	s1 =	sld [smem:$0x3FAF]  }
0x28: {  	s2 =	sld [smem:$0x3FB0]  }
0x29: {  	s4 =	sld [smem:$0x3FB2]  }
0x2a: {  	p0 =	seq.s32 s5, $0x0;
	s5 =	sld [smem:$0x3FB3]  }
0x2b: {  	s6 =	sld [smem:$0x3FB4]  }
0x2c: {  	s7 =	sld [smem:$0x3FB5]  }
0x2d: {  	s3 =	simm.s32 $0x108;
	s8 =	sld [smem:$0x3FB6]  }
0x2e: {  	s3 =	simm.s32 @!p0 $0x1082;
	s9 =	sld [smem:$0x3FB7]  }
0x2f: {  	lr =	sadd.s32 s0, s3;
	s0 =	sld [smem:$0x3FAE]  }
0x30: {  	s3 =	sld [smem:$0x3FB1]  }
0x31: {  	[smem:$0x3FBA] =	sst s10  }
0x32: {  	s10 =	sld [smem:$0x3FB8];
	_ =	sdelay $0x3  }
0x33: {  	p0 =	seq.s32 s10, $0x1;
	s10 =	sld [smem:$0x3FBA];
	_ =	sdelay $0x3  }
0x34: {  	[smem:$0x3FBA] =	sst s10  }
0x35: {  	s10 =	sld [smem:$0x3FB9];
	_ =	sdelay $0x3  }
0x36: {  	p1 =	seq.s32 s10, $0x1;
	s10 =	sld [smem:$0x3FBA];
	_ =	sdelay $0x3  }
0x37: {  	[smem:$0x3FBA] =	sst s10  }
0x38: {  	s10 =	sld [smem:$0x3FBB]  }
0x39: {  	_ = 	snop;
	(pc) =	sbr.ind lr, $3  }
0x3a: {  	_ = 	snop  }
0x3b: {  	_ = 	snop  }
0x3c: {  	p2 =	seq.s32 s10, $0x1;
	s10 =	sld [smem:$0x3FBA]  }
0x3d: {  	_ =	shalt  }
0x3e: {  	_ =	shalt  }
0x3f: {  	_ =	shalt  }
0x40: {  	_ =	shalt  }
0x41: {  	_ =	shalt  }
0x42: {  	_ =	shalt  }
0x43: {  	_ =	shalt  }
0x44: {  	_ =	shalt  }
0x45: {  	_ =	shalt  }
0x46: {  	_ =	shalt  }
0x47: {  	_ =	shalt  }
0x48: {  	_ =	shalt  }
0x49: {  	_ =	shalt  }
0x4a: {  	_ =	shalt  }
0x4b: {  	_ =	shalt  }
0x4c: {  	_ =	shalt  }
0x4d: {  	_ =	shalt  }
0x4e: {  	_ =	shalt  }
0x4f: {  	_ =	shalt  }
0x50: {  	_ =	shalt  }
0x51: {  	_ =	shalt  }
0x52: {  	_ =	shalt  }
0x53: {  	_ =	shalt  }
0x54: {  	_ =	shalt  }
0x55: {  	_ =	shalt  }
0x56: {  	_ =	shalt  }
0x57: {  	_ =	shalt  }
0x58: {  	_ =	shalt  }
0x59: {  	_ =	shalt  }
0x5a: {  	_ =	shalt  }
0x5b: {  	_ =	shalt  }
0x5c: {  	_ =	shalt  }
0x5d: {  	_ =	shalt  }
0x5e: {  	_ =	shalt  }
0x5f: {  	_ =	shalt  }
0x60: {  	_ =	shalt  }
0x61: {  	_ =	shalt  }
0x62: {  	_ =	shalt  }
0x63: {  	_ =	shalt  }
0x64: {  	_ =	shalt  }
0x65: {  	_ =	shalt  }
0x66: {  	_ =	shalt  }
0x67: {  	_ =	shalt  }
0x68: {  	_ =	shalt  }
0x69: {  	_ =	shalt  }
0x6a: {  	_ =	shalt  }
0x6b: {  	_ =	shalt  }
0x6c: {  	_ =	shalt  }
0x6d: {  	_ =	shalt  }
0x6e: {  	_ =	shalt  }
0x6f: {  	_ =	shalt  }
0x70: {  	_ =	shalt  }
0x71: {  	_ =	shalt  }
0x72: {  	_ =	shalt  }
0x73: {  	_ =	shalt  }
0x74: {  	_ =	shalt  }
0x75: {  	_ =	shalt  }
0x76: {  	_ =	shalt  }
0x77: {  	_ =	shalt  }
0x78: {  	_ =	shalt  }
0x79: {  	_ =	shalt  }
0x7a: {  	_ =	shalt  }
0x7b: {  	_ =	shalt  }
0x7c: {  	_ =	shalt  }
0x7d: {  	_ =	shalt  }
0x7e: {  	_ =	shalt  }
0x7f: {  	_ =	shalt  }
0x80: {  	_ =	shalt  }
0x81: {  	_ =	shalt  }
0x82: {  	_ =	shalt  }
0x83: {  	_ =	shalt  }
0x84: {  	_ =	shalt  }
0x85: {  	_ =	shalt  }
0x86: {  	_ =	shalt  }
0x87: {  	_ =	shalt  }
.Lfunc_end0:
.L_simem_size_0:
called_computation_lowered:
.L_overlay_start_0:
0x88: {  	s2 =	sld [smem:$0x3FD9]  }
0x89: {  	s3 =	sld [smem:$0x3FFE];
	_ =	sdelay $0x1  }
0x8a: {  	s1 =	srdreg.scid  }
0x8b: {  	s0 =	sand.u32 $0x1, s1  }
0x8c: {  	s17 =	sshll.u32 s0, $0xA;
	s2 =	sadd.s32 s3, s2  }
0x8d: {  	s2 =	sadd.s32 s2, s17  }
0x8e: {  	[smem:$0x3FC6] =	sst s2  }
0x8f: {  	_ = 	snop  }
0x90: {  	s2 =	sld [smem:$0x3FC8]  }
0x91: {  	s18 =	sld [smem:$0x3FD0];
	(tm) =	ssettm $0x1  }
0x92: {  	s4 =	sld [smem:$0x3FFB];
	_ =	sdelay $0x3  }
0x93: {  	_ =	strace s4  }
0x94: {  	s4 =	sld [smem:$0x3FFC];
	_ =	sdelay $0x3  }
0x95: {  	_ =	strace s4  }
0x96: {  	s4 =	sld [smem:$0x3FFD];
	_ =	sdelay $0x3  }
0x97: {  	_ =	strace s4  }
0x98: {  	_ =	strace $0x8FFFFFFF  }
0x99: {  	s19 =	sld [smem:$0x3FDB];
	_ =	sdelay $0x1  }
0x9a: {  	s5 =	simm.s32 $_scs_section_size  }
0x9b: {  	s6 =	simm.s32 $_size__tile_overlayer_lowered;
	s7 =	simm.s32 $_tile_overlayer_lowered  }
0x9c: {  	s22 =	simm.s32 $0x1BFF;
	s21 =	sshll.u32 s7, $0x1;
	s4 =	sadd.s32 s5, s19  }
0x9d: {  	s8 =	simm.s32 $0x0;
	s20 =	sshll.u32 s6, $0x1;
	s6 =	sadd.s32 s21, s4  }
0x9e: {  	[timem:s8], [sflag:s22] =	dma.local [hbm:s6], s20  }
0x9f: {  	_ =	swait.ge [sflag:s22], s20  }
0xa0: {  	s5 =	ssub.s32 $0x0, s20;
	[sflag:s22] =	ssyncset.done $0x0  }
0xa1: {  	[sflag:s22] =	ssyncadd.s32 s5;
	_ =	sdelay $0x1  }
0xa2: {  	s23 =	simm.s32 $0x1B8B  }
0xa3: {  	_ =	swait.ge [sflag:s23], $0x1  }
0xa4: {  	[sflag:s23] =	ssyncset.done $0x0  }
0xa5: {  	s25 =	simm.s32 $0x1B8E;
	s24 =	sld [smem:$0x3FFE];
	[sflag:s23] =	ssyncadd.s32 $0xFFFFFFFF  }
0xa6: {  	s26 =	simm.s32 $execute0_lowered;
	[smem:$0x3FD2] =	sst s25  }
0xa7: {  	s6 =	sshll.u32 s26, $0x1;
	_ =	strace $0x80000046;
	[dreg:$0x1] =	wrdreg $0xFFFFFFFF  }
0xa8: {  	s28 =	simm.s32 $_size_execute0_lowered;
	s4 =	sadd.s32 s4, s6;
	[dreg:$0x0] =	wrdreg $0x0  }
0xa9: {  	s6 =	sshll.u32 s28, $0x1;
	[dreg:$0x2] =	wrdreg s4  }
0xaa: {  	[dreg:$0x3] =	wrdreg s6  }
0xab: {  	[dreg:$0x4] =	wrdreg $0xC0  }
0xac: {  	_ =	task [dreg:s8], $0x5FFFF  }
0xad: {  	[dreg:$0x1] =	wrdreg $0xFFFFFFFF  }
0xae: {  	[dreg:$0x0] =	wrdreg $0x60  }
0xaf: {  	[dreg:$0x2] =	wrdreg s2  }
0xb0: {  	[dreg:$0x3] =	wrdreg s18  }
0xb1: {  	[dreg:$0x4] =	wrdreg s24  }
0xb2: {  	[dreg:$0x5] =	wrdreg $0x9  }
0xb3: {  	_ =	task.clear_ibuf [dreg:s8], $0x6FFFF;
	_ =	strace $0x90000046  }
0xb4: {  	s29 =	simm.s32 $0x9;
	_ =	strace $0x80000048  }
0xb5: {  	_ =	swait.ge [sflag:s29], $0x1  }
0xb6: {  	[sflag:s29] =	ssyncadd.s32 $0xFFFFFFFF  }
0xb7: {  	_ =	strace $0x90000048  }
0xb8: {  	_ =	sfence  }
0xb9: {  	s30 =	sld [smem:$0x0];
	_ =	sdelay $0x2  }
0xba: {  	s31 =	sshll.u32 s1, $0xD;
	s1 =	sshrl.u32 s1, $0x2  }
0xbb: {  	s3 =	sand.u32 $0x4000, s31;
	s1 =	sadd.s32 s1, s30  }
0xbc: {  	s0 =	sor.u32 s3, s0;
	s1 =	sshll.u32 s1, $0x11  }
0xbd: {  	s0 =	sor.u32 s1, s0  }
0xbe: {  	s0 =	sadd.s32 $0x8F2B, s0  }
0xbf: {  	[sflag:s0] =	ssyncadd.remote.s32 $0x1  }
0xc0: {  	_ =	sfence.sel $0xFFFF  }
0xc1: {  	[dreg:$0x0] =	wrdreg $0xFFFFFFFF;
	(pc) =	sbr.abs _section_cstart, $3  }
0xc2: {  	[dreg:$0x1] =	wrdreg $0xFFFFFFFF  }
0xc3: {  	_ =	task.clear_ibuf [dreg:s8], $0x2FFFF;
	_ =	strace $0x9FFFFFFF  }
0xc4: {  	(tm) =	ssettm $0x7FFFFFFF  }
0xc5: {  	_ =	shalt  }
tec
execute0_lowered:
.L_overlay_start_1:
0x0: {  	(tag) =	ssettag $0x1  }
0x1: {  	s0 =	rddreg [dreg:$0x0]  }
0x2: {  	s1 =	rddreg [dreg:$0x2]  }
0x3: {  	s2 =	srdreg.scid;
	s4 =	stileid.u32  }
0x4: {  	s3 =	simm.s32 $0x0;
	s12 =	simm.s32 $0x400;
	s13 =	simm.s32 $0x7A1400  }
0x5: {  	s17 =	simm.s32 $0x1;
	s18 =	simm.s32 $0x8000;
	s28 =	simm.s32 $0xC000  }
0x6: {  	s24 =	simm.s32 $0x4;
	s10 =	simm.s32 $0x5;
	s11 =	simm.s32 $0x6  }
0x7: {  	s19 =	simm.s32 $0x7;
	s20 =	simm.s32 $0x8;
	s2 =	sand.u32 $0x1, s2  }
0x8: {  	s4 =	sshll.u32 s4, $0x1;
	[smem:$0x7FF] =	sst s3;
	s30 =	sadd.s32 $0x7A1A00, s1  }
0x9: {  	s6 =	sor.u32 s2, s4;
	_ =	strace $0x80000047;
	s2 =	ssub.s32 $0x2, s2  }
0xa: {  	[dreg:$0x7] =	wrdreg s30;
	s4 =	sshll.u32 s6, $0xA;
	s25 =	sshrl.u32 s2, $0x1  }
0xb: {  	s5 =	sshll.u32 s6, $0x7;
	s8 =	ssub.s32 $0x1E83, s6;
	p0 =	sne.s32 s6, $0x4  }
0xc: {  	v0 =	vlaneseq.u32;
	s7 =	sadd.s32 s4, s1;
	s2 =	ssub.s32 s2, s25;
	s4 =	sadd.s32 s0, s5  }
0xd: {  	v0 =	vmul.u32 $0x40, v0;
	s5 =	sshrl.u32 s8, $0x5;
	s8 =	simm.s32 $0x10000;
	s0 =	sadd.s32 $0x1000, s4  }
0xe: {  	s25 =	simm.s32 $0x14000;
	s26 =	sadd.s32 $0x2000, s4;
	[dreg:$0x4] =	wrdreg s0  }
0xf: {  	v1 =	vor.u32 $0x800, v0;
	s29 =	sadd.s32 $0x3000, s4;
	s9 =	sadd.s32 $0xA00, s7;
	[dreg:$0x5] =	wrdreg s26  }
0x10: {  	v2 =	vor.u32 $0x1000, v0;
	v3 =	vor.u32 $0x1800, v0;
	v4 =	vor.u32 $0x2000, v0;
	s31 =	smax.u32 s2, $0x1;
	s7 =	simm.s32 $0x3;
	[dreg:$0x6] =	wrdreg s29  }
0x11: {  	v5 =	vor.u32 $0x2800, v0;
	v6 =	vor.u32 $0x3000, v0;
	v7 =	vor.u32 $0x3800, v0;
	s2 =	simm.s32 $0x0;
	[dreg:$0x8] =	wrdreg s31;
	s26 =	simm.s32 $0x2  }
.LBB2_1:
0x12: {  	[dreg:$0x9] =	wrdreg s2  }
0x13: {  	[tilespmem:s3], [sflag:$0x1] =	stream.strided.gather [hbm4b:s4+s12], $0x2000, s13, s12, $0x38;
	[tilespmem:$0x18000] =	vst v63  }
0x14: {  	s0 =	rddreg [dreg:$0x4];
	s1 =	simm.s32 $0x2000  }
0x15: {  	[tilespmem:s1], [sflag:$0x2] =	stream.strided.gather [hbm4b:s0+s12], $0x2000, s13, s12, $0x38;
	[tilespmem:$0x18000] =	vst v63  }
0x16: {  	s23 =	rddreg [dreg:$0x5];
	s29 =	simm.s32 $0x4000  }
0x17: {  	[tilespmem:s29], [sflag:$0x3] =	stream.strided.gather [hbm4b:s23+s12], $0x2000, s13, s12, $0x38;
	[tilespmem:$0x18000] =	vst v63  }
0x18: {  	s30 =	rddreg [dreg:$0x6];
	s31 =	simm.s32 $0x6000;
	s21 =	simm.s32 $0x0  }
0x19: {  	[tilespmem:s31], [sflag:$0x4] =	stream.strided.gather [hbm4b:s30+s12], $0x2000, s13, s12, $0x38;
	[tilespmem:$0x18000] =	vst v63  }
.LBB2_2:
0x1a: {  	_ =	swait.ge [sflag:s17], $0x2000  }
0x1b: {  	[sflag:s17] =	ssyncset.done $0x0  }
0x1c: {  	s0 =	simm.s32 $0x200;
	s22 =	simm.s32 $0x7;
	[sflag:s17] =	ssyncadd.s32 $0xFFFFE000  }
0x1d: {  	s6 =	simm.s32 $0x1;
	v9 =	vor.u32 s22, v0;
	v8 =	vld [tilespmem:s0+$0x180]  }
0x1e: {  	s16 =	simm.s32 $0x2;
	v11 =	vor.u32 s6, v0;
	v10 =	vld [tilespmem:s0+$0xFFFFFE80]  }
0x1f: {  	s2 =	simm.s32 $0x3;
	v13 =	vor.u32 s16, v0;
	v12 =	vld [tilespmem:s0+$0xFFFFFF00]  }
0x20: {  	s1 =	simm.s32 $0x4;
	v15 =	vor.u32 s2, v0;
	v14 =	vld [tilespmem:s0+$0xFFFFFF80]  }
0x21: {  	s14 =	simm.s32 $0x5;
	v17 =	vor.u32 s1, v0;
	v16 =	vld [tilespmem:s0+$0x0]  }
0x22: {  	s23 =	simm.s32 $0x6;
	v19 =	vor.u32 s14, v0;
	v18 =	vld [tilespmem:s0+$0x80];
	[tilespmem:v9+s18+$0x0] =	vst.idx.msk $0xffff, v8  }
0x23: {  	s15 =	simm.s32 $0x0;
	[tilespmem:v11+s18+$0x0] =	vst.idx.msk $0xffff, v10;
	v10 =	vld [tilespmem:s0+$0x100];
	v11 =	vor.u32 s23, v0  }
0x24: {  	[tilespmem:v13+s18+$0x0] =	vst.idx.msk $0xffff, v12;
	v12 =	vld [tilespmem:s0+$0xFFFFFE00];
	v13 =	vor.u32 s15, v0  }
0x25: {  	v9 =	vor.u32 s22, v1;
	[tilespmem:v15+s18+$0x0] =	vst.idx.msk $0xffff, v14;
	v8 =	vld [tilespmem:s0+$0x190]  }
0x26: {  	v15 =	vor.u32 s6, v1;
	[tilespmem:v17+s18+$0x0] =	vst.idx.msk $0xffff, v16;
	v14 =	vld [tilespmem:s0+$0xFFFFFE90]  }
0x27: {  	v17 =	vor.u32 s16, v1;
	[tilespmem:v19+s18+$0x0] =	vst.idx.msk $0xffff, v18;
	v16 =	vld [tilespmem:s0+$0xFFFFFF10]  }
0x28: {  	v19 =	vor.u32 s2, v1;
	v18 =	vld [tilespmem:s0+$0xFFFFFF90];
	[tilespmem:v11+s18+$0x0] =	vst.idx.msk $0xffff, v10  }
0x29: {  	[tilespmem:v13+s18+$0x0] =	vst.idx.msk $0xffff, v12;
	v10 =	vld [tilespmem:s0+$0x10];
	v11 =	vor.u32 s1, v1  }
0x2a: {  	v12 =	vld [tilespmem:s0+$0x90];
	v13 =	vor.u32 s14, v1;
	[tilespmem:v9+s18+$0x0] =	vst.idx.msk $0xffff, v8  }
0x2b: {  	[tilespmem:v15+s18+$0x0] =	vst.idx.msk $0xffff, v14;
	v14 =	vld [tilespmem:s0+$0x110];
	v15 =	vor.u32 s23, v1  }
0x2c: {  	v9 =	vor.u32 s22, v2;
	[tilespmem:v17+s18+$0x0] =	vst.idx.msk $0xffff, v16;
	v8 =	vld [tilespmem:s0+$0x1A0]  }
0x2d: {  	v16 =	vld [tilespmem:s0+$0xFFFFFE10];
	v17 =	vor.u32 s15, v1;
	[tilespmem:v19+s18+$0x0] =	vst.idx.msk $0xffff, v18  }
0x2e: {  	v19 =	vor.u32 s6, v2;
	v18 =	vld [tilespmem:s0+$0xFFFFFEA0];
	[tilespmem:v11+s18+$0x0] =	vst.idx.msk $0xffff, v10  }
0x2f: {  	v10 =	vld [tilespmem:s0+$0xFFFFFF20];
	v11 =	vor.u32 s16, v2;
	[tilespmem:v13+s18+$0x0] =	vst.idx.msk $0xffff, v12  }
0x30: {  	v12 =	vld [tilespmem:s0+$0xFFFFFFA0];
	v13 =	vor.u32 s2, v2;
	[tilespmem:v15+s18+$0x0] =	vst.idx.msk $0xffff, v14  }
0x31: {  	v14 =	vld [tilespmem:s0+$0x20];
	v15 =	vor.u32 s1, v2;
	[tilespmem:v9+s18+$0x0] =	vst.idx.msk $0xffff, v8  }
0x32: {  	[tilespmem:v17+s18+$0x0] =	vst.idx.msk $0xffff, v16;
	v9 =	vor.u32 s22, v3;
	v8 =	vld [tilespmem:s0+$0x1B0]  }
0x33: {  	v16 =	vld [tilespmem:s0+$0xA0];
	v17 =	vor.u32 s14, v2;
	[tilespmem:v19+s18+$0x0] =	vst.idx.msk $0xffff, v18  }
0x34: {  	v18 =	vld [tilespmem:s0+$0x120];
	v19 =	vor.u32 s23, v2;
	[tilespmem:v11+s18+$0x0] =	vst.idx.msk $0xffff, v10  }
0x35: {  	v10 =	vld [tilespmem:s0+$0xFFFFFE20];
	v11 =	vor.u32 s15, v2;
	[tilespmem:v13+s18+$0x0] =	vst.idx.msk $0xffff, v12  }
0x36: {  	v12 =	vld [tilespmem:s0+$0xFFFFFEB0];
	v13 =	vor.u32 s6, v3;
	[tilespmem:v15+s18+$0x0] =	vst.idx.msk $0xffff, v14  }
0x37: {  	v14 =	vld [tilespmem:s0+$0xFFFFFF30];
	v15 =	vor.u32 s16, v3;
	[tilespmem:v9+s18+$0x0] =	vst.idx.msk $0xffff, v8  }
0x38: {  	[tilespmem:v17+s18+$0x0] =	vst.idx.msk $0xffff, v16;
	v9 =	vor.u32 s22, v4;
	v8 =	vld [tilespmem:s0+$0x1C0]  }
0x39: {  	v16 =	vld [tilespmem:s0+$0xFFFFFFB0];
	v17 =	vor.u32 s2, v3;
	[tilespmem:v19+s18+$0x0] =	vst.idx.msk $0xffff, v18  }
0x3a: {  	v18 =	vld [tilespmem:s0+$0x30];
	v19 =	vor.u32 s1, v3;
	[tilespmem:v11+s18+$0x0] =	vst.idx.msk $0xffff, v10  }
0x3b: {  	[tilespmem:v13+s18+$0x0] =	vst.idx.msk $0xffff, v12;
	v10 =	vld [tilespmem:s0+$0xB0];
	v11 =	vor.u32 s14, v3  }
0x3c: {  	v12 =	vld [tilespmem:s0+$0x130];
	v13 =	vor.u32 s23, v3;
	[tilespmem:v15+s18+$0x0] =	vst.idx.msk $0xffff, v14  }
0x3d: {  	v14 =	vld [tilespmem:s0+$0xFFFFFE30];
	v15 =	vor.u32 s15, v3;
	[tilespmem:v9+s18+$0x0] =	vst.idx.msk $0xffff, v8  }
0x3e: {  	[tilespmem:v17+s18+$0x0] =	vst.idx.msk $0xffff, v16;
	v9 =	vor.u32 s22, v5;
	v8 =	vld [tilespmem:s0+$0x1D0]  }
0x3f: {  	v16 =	vld [tilespmem:s0+$0xFFFFFEC0];
	v17 =	vor.u32 s6, v4;
	[tilespmem:v19+s18+$0x0] =	vst.idx.msk $0xffff, v18  }
0x40: {  	v18 =	vld [tilespmem:s0+$0xFFFFFF40];
	v19 =	vor.u32 s16, v4;
	[tilespmem:v11+s18+$0x0] =	vst.idx.msk $0xffff, v10  }
0x41: {  	v10 =	vld [tilespmem:s0+$0xFFFFFFC0];
	v11 =	vor.u32 s2, v4;
	[tilespmem:v13+s18+$0x0] =	vst.idx.msk $0xffff, v12  }
0x42: {  	v12 =	vld [tilespmem:s0+$0x40];
	v13 =	vor.u32 s1, v4;
	[tilespmem:v15+s18+$0x0] =	vst.idx.msk $0xffff, v14  }
0x43: {  	v14 =	vld [tilespmem:s0+$0xC0];
	v15 =	vor.u32 s14, v4;
	[tilespmem:v9+s18+$0x0] =	vst.idx.msk $0xffff, v8  }
0x44: {  	[tilespmem:v17+s18+$0x0] =	vst.idx.msk $0xffff, v16;
	v9 =	vor.u32 s22, v6;
	v8 =	vld [tilespmem:s0+$0x1E0]  }
0x45: {  	v16 =	vld [tilespmem:s0+$0x140];
	v17 =	vor.u32 s23, v4;
	[tilespmem:v19+s18+$0x0] =	vst.idx.msk $0xffff, v18  }
0x46: {  	v18 =	vld [tilespmem:s0+$0xFFFFFE40];
	v19 =	vor.u32 s15, v4;
	[tilespmem:v11+s18+$0x0] =	vst.idx.msk $0xffff, v10  }
0x47: {  	v10 =	vld [tilespmem:s0+$0xFFFFFED0];
	v11 =	vor.u32 s6, v5;
	[tilespmem:v13+s18+$0x0] =	vst.idx.msk $0xffff, v12  }
0x48: {  	v12 =	vld [tilespmem:s0+$0xFFFFFF50];
	v13 =	vor.u32 s16, v5;
	[tilespmem:v15+s18+$0x0] =	vst.idx.msk $0xffff, v14  }
0x49: {  	v14 =	vld [tilespmem:s0+$0xFFFFFFD0];
	v15 =	vor.u32 s2, v5;
	[tilespmem:v9+s18+$0x0] =	vst.idx.msk $0xffff, v8  }
0x4a: {  	[tilespmem:v17+s18+$0x0] =	vst.idx.msk $0xffff, v16;
	v9 =	vor.u32 s22, v7;
	v8 =	vld [tilespmem:s0+$0x1F0]  }
0x4b: {  	v16 =	vld [tilespmem:s0+$0x50];
	v17 =	vor.u32 s1, v5;
	[tilespmem:v19+s18+$0x0] =	vst.idx.msk $0xffff, v18  }
0x4c: {  	v18 =	vld [tilespmem:s0+$0xD0];
	v19 =	vor.u32 s14, v5;
	[tilespmem:v11+s18+$0x0] =	vst.idx.msk $0xffff, v10  }
0x4d: {  	v10 =	vld [tilespmem:s0+$0xFFFFFE50];
	v11 =	vor.u32 s15, v5;
	[tilespmem:v13+s18+$0x0] =	vst.idx.msk $0xffff, v12  }
0x4e: {  	v13 =	vor.u32 s6, v6;
	v12 =	vld [tilespmem:s0+$0xFFFFFEE0];
	[tilespmem:v15+s18+$0x0] =	vst.idx.msk $0xffff, v14  }
0x4f: {  	[tilespmem:v9+s18+$0x0] =	vst.idx.msk $0xffff, v8;
	v8 =	vld [tilespmem:s0+$0x150];
	v9 =	vor.u32 s23, v5  }
0x50: {  	v14 =	vld [tilespmem:s0+$0xFFFFFF60];
	v15 =	vor.u32 s16, v6;
	[tilespmem:v17+s18+$0x0] =	vst.idx.msk $0xffff, v16  }
0x51: {  	v17 =	vor.u32 s2, v6;
	v16 =	vld [tilespmem:s0+$0xFFFFFFE0];
	[tilespmem:v19+s18+$0x0] =	vst.idx.msk $0xffff, v18  }
0x52: {  	v18 =	vld [tilespmem:s0+$0x60];
	v19 =	vor.u32 s1, v6;
	[tilespmem:v11+s18+$0x0] =	vst.idx.msk $0xffff, v10  }
0x53: {  	v20 =	vor.u32 s15, v6;
	[tilespmem:v13+s18+$0x0] =	vst.idx.msk $0xffff, v12;
	v13 =	vld [tilespmem:s0+$0xFFFFFE60]  }
0x54: {  	[tilespmem:v9+s18+$0x0] =	vst.idx.msk $0xffff, v8;
	v8 =	vld [tilespmem:s0+$0xE0];
	v9 =	vor.u32 s14, v6  }
0x55: {  	v12 =	vor.u32 s23, v6;
	[tilespmem:v15+s18+$0x0] =	vst.idx.msk $0xffff, v14;
	v10 =	vld [tilespmem:s0+$0x160]  }
0x56: {  	v22 =	vor.u32 s6, v7;
	v21 =	vld [tilespmem:s0+$0xFFFFFEF0];
	[tilespmem:v17+s18+$0x0] =	vst.idx.msk $0xffff, v16  }
0x57: {  	v24 =	vor.u32 s16, v7;
	v23 =	vld [tilespmem:s0+$0xFFFFFF70];
	[tilespmem:v19+s18+$0x0] =	vst.idx.msk $0xffff, v18  }
0x58: {  	v17 =	vor.u32 s2, v7;
	v15 =	vld [tilespmem:s0+$0xFFFFFFF0];
	[tilespmem:v20+s18+$0x0] =	vst.idx.msk $0xffff, v13  }
0x59: {  	v16 =	vor.u32 s1, v7;
	v11 =	vld [tilespmem:s0+$0x70];
	[tilespmem:v9+s18+$0x0] =	vst.idx.msk $0xffff, v8  }
0x5a: {  	v14 =	vor.u32 s14, v7;
	[tilespmem:v12+s18+$0x0] =	vst.idx.msk $0xffff, v10;
	v8 =	vld [tilespmem:s0+$0xF0]  }
0x5b: {  	s29 =	simm.s32 $0xF;
	[tilespmem:v22+s18+$0x0] =	vst.idx.msk $0xffff, v21;
	v12 =	vor.u32 s23, v7;
	v9 =	vld [tilespmem:s0+$0x170]  }
0x5c: {  	s30 =	simm.s32 $0x10;
	s22 =	simm.s32 $0x8;
	v13 =	vor.u32 s15, v7;
	[tilespmem:v24+s18+$0x0] =	vst.idx.msk $0xffff, v23;
	v10 =	vld [tilespmem:s0+$0xFFFFFE70];
	s23 =	simm.s32 $0x600  }
.LBB2_3:
0x5d: {  	p1 =	slt.u32 s30, $0x38;
	s0 =	sadd.s32 $0x1, s22;
	v18 =	vld [tilespmem:s23+$0x180];
	v19 =	vor.u32 s29, v0;
	[tilespmem:v17+s18+$0x0] =	vst.idx.msk $0xffff, v15;
	s31 =	smov.u32 s22  }
0x5e: {  	s22 =	smov.u32 s30;
	v15 =	vld [tilespmem:s23+$0xFFFFFE80];
	v17 =	vor.u32 s0, v0;
	s1 =	sadd.s32 $0x2, s31;
	[tilespmem:v16+s18+$0x0] =	vst.idx.msk $0xffff, v11  }
0x5f: {  	s2 =	sadd.s32 $0x3, s31;
	v11 =	vld [tilespmem:s23+$0xFFFFFF00];
	v16 =	vor.u32 s1, v0;
	[tilespmem:v14+s18+$0x0] =	vst.idx.msk $0xffff, v8  }
0x60: {  	s6 =	sadd.s32 $0x4, s31;
	v14 =	vor.u32 s2, v0;
	v8 =	vld [tilespmem:s23+$0xFFFFFF80];
	[tilespmem:v12+s18+$0x0] =	vst.idx.msk $0xffff, v9  }
0x61: {  	s14 =	sadd.s32 $0x5, s31;
	v12 =	vor.u32 s6, v0;
	v9 =	vld [tilespmem:s23+$0x0];
	[tilespmem:v13+s18+$0x0] =	vst.idx.msk $0xffff, v10  }
0x62: {  	v13 =	vor.u32 s14, v0;
	v10 =	vld [tilespmem:s23+$0x80];
	[tilespmem:v19+s18+$0x0] =	vst.idx.msk $0xffff, v18  }
0x63: {  	s15 =	sadd.s32 $0x6, s31;
	[tilespmem:v17+s18+$0x0] =	vst.idx.msk $0xffff, v15;
	v15 =	vld [tilespmem:s23+$0x190];
	v17 =	vor.u32 s29, v1  }
0x64: {  	[tilespmem:v16+s18+$0x0] =	vst.idx.msk $0xffff, v11;
	v11 =	vld [tilespmem:s23+$0x100];
	v16 =	vor.u32 s15, v0  }
0x65: {  	v19 =	vor.u32 s31, v0;
	v18 =	vld [tilespmem:s23+$0xFFFFFE00];
	[tilespmem:v14+s18+$0x0] =	vst.idx.msk $0xffff, v8  }
0x66: {  	v14 =	vor.u32 s0, v1;
	v8 =	vld [tilespmem:s23+$0xFFFFFE90];
	[tilespmem:v12+s18+$0x0] =	vst.idx.msk $0xffff, v9  }
0x67: {  	v12 =	vor.u32 s1, v1;
	v9 =	vld [tilespmem:s23+$0xFFFFFF10];
	[tilespmem:v13+s18+$0x0] =	vst.idx.msk $0xffff, v10  }
0x68: {  	v13 =	vor.u32 s2, v1;
	v10 =	vld [tilespmem:s23+$0xFFFFFF90];
	[tilespmem:v17+s18+$0x0] =	vst.idx.msk $0xffff, v15  }
0x69: {  	v15 =	vor.u32 s29, v2;
	[tilespmem:v16+s18+$0x0] =	vst.idx.msk $0xffff, v11;
	v11 =	vld [tilespmem:s23+$0x1A0]  }
0x6a: {  	v17 =	vor.u32 s6, v1;
	[tilespmem:v19+s18+$0x0] =	vst.idx.msk $0xffff, v18;
	v16 =	vld [tilespmem:s23+$0x10]  }
0x6b: {  	[tilespmem:v14+s18+$0x0] =	vst.idx.msk $0xffff, v8;
	v8 =	vld [tilespmem:s23+$0x90];
	v14 =	vor.u32 s14, v1  }
0x6c: {  	[tilespmem:v12+s18+$0x0] =	vst.idx.msk $0xffff, v9;
	v9 =	vld [tilespmem:s23+$0x110];
	v12 =	vor.u32 s15, v1  }
0x6d: {  	v19 =	vor.u32 s31, v1;
	v18 =	vld [tilespmem:s23+$0xFFFFFE10];
	[tilespmem:v13+s18+$0x0] =	vst.idx.msk $0xffff, v10  }
0x6e: {  	v13 =	vor.u32 s0, v2;
	v10 =	vld [tilespmem:s23+$0xFFFFFEA0];
	[tilespmem:v15+s18+$0x0] =	vst.idx.msk $0xffff, v11  }
0x6f: {  	v15 =	vor.u32 s29, v3;
	[tilespmem:v17+s18+$0x0] =	vst.idx.msk $0xffff, v16;
	v11 =	vld [tilespmem:s23+$0x1B0]  }
0x70: {  	v17 =	vor.u32 s1, v2;
	v16 =	vld [tilespmem:s23+$0xFFFFFF20];
	[tilespmem:v14+s18+$0x0] =	vst.idx.msk $0xffff, v8  }
0x71: {  	v14 =	vor.u32 s2, v2;
	v8 =	vld [tilespmem:s23+$0xFFFFFFA0];
	[tilespmem:v12+s18+$0x0] =	vst.idx.msk $0xffff, v9  }
0x72: {  	v12 =	vor.u32 s6, v2;
	[tilespmem:v19+s18+$0x0] =	vst.idx.msk $0xffff, v18;
	v9 =	vld [tilespmem:s23+$0x20]  }
0x73: {  	[tilespmem:v13+s18+$0x0] =	vst.idx.msk $0xffff, v10;
	v10 =	vld [tilespmem:s23+$0xA0];
	v13 =	vor.u32 s14, v2  }
0x74: {  	v19 =	vor.u32 s15, v2;
	v18 =	vld [tilespmem:s23+$0x120];
	[tilespmem:v15+s18+$0x0] =	vst.idx.msk $0xffff, v11  }
0x75: {  	v15 =	vor.u32 s29, v4;
	[tilespmem:v17+s18+$0x0] =	vst.idx.msk $0xffff, v16;
	v11 =	vld [tilespmem:s23+$0x1C0]  }
0x76: {  	v17 =	vor.u32 s31, v2;
	v16 =	vld [tilespmem:s23+$0xFFFFFE20];
	[tilespmem:v14+s18+$0x0] =	vst.idx.msk $0xffff, v8  }
0x77: {  	v14 =	vor.u32 s0, v3;
	v8 =	vld [tilespmem:s23+$0xFFFFFEB0];
	[tilespmem:v12+s18+$0x0] =	vst.idx.msk $0xffff, v9  }
0x78: {  	v12 =	vor.u32 s1, v3;
	v9 =	vld [tilespmem:s23+$0xFFFFFF30];
	[tilespmem:v13+s18+$0x0] =	vst.idx.msk $0xffff, v10  }
0x79: {  	v13 =	vor.u32 s2, v3;
	v10 =	vld [tilespmem:s23+$0xFFFFFFB0];
	[tilespmem:v19+s18+$0x0] =	vst.idx.msk $0xffff, v18  }
0x7a: {  	v19 =	vor.u32 s6, v3;
	v18 =	vld [tilespmem:s23+$0x30];
	[tilespmem:v15+s18+$0x0] =	vst.idx.msk $0xffff, v11  }
0x7b: {  	v15 =	vor.u32 s29, v5;
	[tilespmem:v17+s18+$0x0] =	vst.idx.msk $0xffff, v16;
	v11 =	vld [tilespmem:s23+$0x1D0]  }
0x7c: {  	[tilespmem:v14+s18+$0x0] =	vst.idx.msk $0xffff, v8;
	v8 =	vld [tilespmem:s23+$0xB0];
	v14 =	vor.u32 s14, v3  }
0x7d: {  	[tilespmem:v12+s18+$0x0] =	vst.idx.msk $0xffff, v9;
	v9 =	vld [tilespmem:s23+$0x130];
	v12 =	vor.u32 s15, v3  }
0x7e: {  	v17 =	vor.u32 s31, v3;
	v16 =	vld [tilespmem:s23+$0xFFFFFE30];
	[tilespmem:v13+s18+$0x0] =	vst.idx.msk $0xffff, v10  }
0x7f: {  	v13 =	vor.u32 s0, v4;
	v10 =	vld [tilespmem:s23+$0xFFFFFEC0];
	[tilespmem:v19+s18+$0x0] =	vst.idx.msk $0xffff, v18  }
0x80: {  	v19 =	vor.u32 s1, v4;
	v18 =	vld [tilespmem:s23+$0xFFFFFF40];
	[tilespmem:v15+s18+$0x0] =	vst.idx.msk $0xffff, v11  }
0x81: {  	v11 =	vor.u32 s29, v6;
	[tilespmem:v14+s18+$0x0] =	vst.idx.msk $0xffff, v8;
	v8 =	vld [tilespmem:s23+$0x1E0]  }
0x82: {  	v15 =	vor.u32 s2, v4;
	v14 =	vld [tilespmem:s23+$0xFFFFFFC0];
	[tilespmem:v12+s18+$0x0] =	vst.idx.msk $0xffff, v9  }
0x83: {  	v12 =	vor.u32 s6, v4;
	[tilespmem:v17+s18+$0x0] =	vst.idx.msk $0xffff, v16;
	v9 =	vld [tilespmem:s23+$0x40]  }
0x84: {  	[tilespmem:v13+s18+$0x0] =	vst.idx.msk $0xffff, v10;
	v10 =	vld [tilespmem:s23+$0xC0];
	v13 =	vor.u32 s14, v4  }
0x85: {  	v17 =	vor.u32 s15, v4;
	[tilespmem:v19+s18+$0x0] =	vst.idx.msk $0xffff, v18;
	v16 =	vld [tilespmem:s23+$0x140]  }
0x86: {  	v19 =	vor.u32 s31, v4;
	v18 =	vld [tilespmem:s23+$0xFFFFFE40];
	[tilespmem:v11+s18+$0x0] =	vst.idx.msk $0xffff, v8  }
0x87: {  	v11 =	vor.u32 s29, v7;
	[tilespmem:v15+s18+$0x0] =	vst.idx.msk $0xffff, v14;
	v8 =	vld [tilespmem:s23+$0x1F0]  }
0x88: {  	v15 =	vor.u32 s0, v5;
	v14 =	vld [tilespmem:s23+$0xFFFFFED0];
	[tilespmem:v12+s18+$0x0] =	vst.idx.msk $0xffff, v9  }
0x89: {  	v12 =	vor.u32 s1, v5;
	v9 =	vld [tilespmem:s23+$0xFFFFFF50];
	[tilespmem:v13+s18+$0x0] =	vst.idx.msk $0xffff, v10  }
0x8a: {  	v13 =	vor.u32 s2, v5;
	v10 =	vld [tilespmem:s23+$0xFFFFFFD0];
	[tilespmem:v17+s18+$0x0] =	vst.idx.msk $0xffff, v16  }
0x8b: {  	v17 =	vor.u32 s6, v5;
	[tilespmem:v19+s18+$0x0] =	vst.idx.msk $0xffff, v18;
	v16 =	vld [tilespmem:s23+$0x50]  }
0x8c: {  	v19 =	vor.u32 s14, v5;
	v18 =	vld [tilespmem:s23+$0xD0];
	[tilespmem:v11+s18+$0x0] =	vst.idx.msk $0xffff, v8  }
0x8d: {  	v11 =	vor.u32 s15, v5;
	[tilespmem:v15+s18+$0x0] =	vst.idx.msk $0xffff, v14;
	v8 =	vld [tilespmem:s23+$0x150]  }
0x8e: {  	v15 =	vor.u32 s31, v5;
	v14 =	vld [tilespmem:s23+$0xFFFFFE50];
	[tilespmem:v12+s18+$0x0] =	vst.idx.msk $0xffff, v9  }
0x8f: {  	v12 =	vor.u32 s0, v6;
	v9 =	vld [tilespmem:s23+$0xFFFFFEE0];
	[tilespmem:v13+s18+$0x0] =	vst.idx.msk $0xffff, v10  }
0x90: {  	v13 =	vor.u32 s1, v6;
	v10 =	vld [tilespmem:s23+$0xFFFFFF60];
	[tilespmem:v17+s18+$0x0] =	vst.idx.msk $0xffff, v16  }
0x91: {  	v17 =	vor.u32 s2, v6;
	v16 =	vld [tilespmem:s23+$0xFFFFFFE0];
	[tilespmem:v19+s18+$0x0] =	vst.idx.msk $0xffff, v18  }
0x92: {  	v19 =	vor.u32 s6, v6;
	v18 =	vld [tilespmem:s23+$0x60];
	[tilespmem:v11+s18+$0x0] =	vst.idx.msk $0xffff, v8  }
0x93: {  	v11 =	vor.u32 s14, v6;
	[tilespmem:v15+s18+$0x0] =	vst.idx.msk $0xffff, v14;
	v8 =	vld [tilespmem:s23+$0xE0]  }
0x94: {  	[tilespmem:v12+s18+$0x0] =	vst.idx.msk $0xffff, v9;
	v9 =	vld [tilespmem:s23+$0x160];
	v12 =	vor.u32 s15, v6  }
0x95: {  	v20 =	vor.u32 s31, v6;
	v14 =	vld [tilespmem:s23+$0xFFFFFE60];
	[tilespmem:v13+s18+$0x0] =	vst.idx.msk $0xffff, v10  }
0x96: {  	v13 =	vor.u32 s0, v7;
	v10 =	vld [tilespmem:s23+$0xFFFFFEF0];
	[tilespmem:v17+s18+$0x0] =	vst.idx.msk $0xffff, v16  }
0x97: {  	v22 =	vor.u32 s1, v7;
	v21 =	vld [tilespmem:s23+$0xFFFFFF70];
	[tilespmem:v19+s18+$0x0] =	vst.idx.msk $0xffff, v18  }
.Ltmp0:
0x98: {  	v17 =	vor.u32 s2, v7;
	v15 =	vld [tilespmem:s23+$0xFFFFFFF0];
	[tilespmem:v11+s18+$0x0] =	vst.idx.msk $0xffff, v8;
	(pc) =	sbr.rel @p1 .LBB2_3-.Ltmp0, $4  }
0x99: {  	v16 =	vor.u32 s6, v7;
	v11 =	vld [tilespmem:s23+$0x70];
	[tilespmem:v12+s18+$0x0] =	vst.idx.msk $0xffff, v9  }
0x9a: {  	[tilespmem:v20+s18+$0x0] =	vst.idx.msk $0xffff, v14;
	v8 =	vld [tilespmem:s23+$0xF0];
	v14 =	vor.u32 s14, v7  }
0x9b: {  	v12 =	vor.u32 s15, v7;
	[tilespmem:v13+s18+$0x0] =	vst.idx.msk $0xffff, v10;
	v9 =	vld [tilespmem:s23+$0x170]  }
0x9c: {  	s30 =	sadd.s32 $0x8, s30;
	s29 =	sadd.s32 $0x7, s22;
	v13 =	vor.u32 s31, v7;
	v10 =	vld [tilespmem:s23+$0xFFFFFE70];
	[tilespmem:v22+s18+$0x0] =	vst.idx.msk $0xffff, v21;
	s23 =	sadd.s32 $0x400, s23  }
0x9d: {  	_ =	sdelay $0x3  }
0x9e: {  	s0 =	sadd.s32 $0x1, s22;
	v18 =	vld [tilespmem:s23+$0x180];
	v19 =	vor.u32 s29, v0;
	[tilespmem:v17+s18+$0x0] =	vst.idx.msk $0xffff, v15  }
0x9f: {  	v15 =	vld [tilespmem:s23+$0xFFFFFE80];
	s1 =	sadd.s32 $0x2, s22;
	v17 =	vor.u32 s0, v0;
	[tilespmem:v16+s18+$0x0] =	vst.idx.msk $0xffff, v11  }
0xa0: {  	s2 =	sadd.s32 $0x3, s22;
	v11 =	vld [tilespmem:s23+$0xFFFFFF00];
	v16 =	vor.u32 s1, v0;
	[tilespmem:v14+s18+$0x0] =	vst.idx.msk $0xffff, v8  }
0xa1: {  	s6 =	sadd.s32 $0x4, s22;
	v8 =	vld [tilespmem:s23+$0xFFFFFF80];
	v14 =	vor.u32 s2, v0;
	[tilespmem:v12+s18+$0x0] =	vst.idx.msk $0xffff, v9  }
0xa2: {  	s14 =	sadd.s32 $0x5, s22;
	v9 =	vld [tilespmem:s23+$0x0];
	v12 =	vor.u32 s6, v0;
	[tilespmem:v13+s18+$0x0] =	vst.idx.msk $0xffff, v10  }
0xa3: {  	v10 =	vld [tilespmem:s23+$0x80];
	v13 =	vor.u32 s14, v0;
	[tilespmem:v19+s18+$0x0] =	vst.idx.msk $0xffff, v18  }
0xa4: {  	s15 =	sadd.s32 $0x6, s22;
	[tilespmem:v17+s18+$0x0] =	vst.idx.msk $0xffff, v15;
	v15 =	vld [tilespmem:s23+$0x190];
	v17 =	vor.u32 s29, v1  }
0xa5: {  	[tilespmem:v16+s18+$0x0] =	vst.idx.msk $0xffff, v11;
	v11 =	vld [tilespmem:s23+$0x100];
	v16 =	vor.u32 s15, v0  }
0xa6: {  	v18 =	vld [tilespmem:s23+$0xFFFFFE00];
	v19 =	vor.u32 s22, v0;
	[tilespmem:v14+s18+$0x0] =	vst.idx.msk $0xffff, v8  }
0xa7: {  	v8 =	vld [tilespmem:s23+$0xFFFFFE90];
	v14 =	vor.u32 s0, v1;
	[tilespmem:v12+s18+$0x0] =	vst.idx.msk $0xffff, v9  }
0xa8: {  	v9 =	vld [tilespmem:s23+$0xFFFFFF10];
	v12 =	vor.u32 s1, v1;
	[tilespmem:v13+s18+$0x0] =	vst.idx.msk $0xffff, v10  }
0xa9: {  	v10 =	vld [tilespmem:s23+$0xFFFFFF90];
	v13 =	vor.u32 s2, v1;
	[tilespmem:v17+s18+$0x0] =	vst.idx.msk $0xffff, v15  }
0xaa: {  	[tilespmem:v16+s18+$0x0] =	vst.idx.msk $0xffff, v11;
	v16 =	vld [tilespmem:s23+$0x10];
	v17 =	vor.u32 s6, v1  }
0xab: {  	[tilespmem:v19+s18+$0x0] =	vst.idx.msk $0xffff, v18;
	v15 =	vor.u32 s29, v2;
	v11 =	vld [tilespmem:s23+$0x1A0]  }
0xac: {  	[tilespmem:v14+s18+$0x0] =	vst.idx.msk $0xffff, v8;
	v8 =	vld [tilespmem:s23+$0x90];
	v14 =	vor.u32 s14, v1  }
0xad: {  	v19 =	vor.u32 s22, v1;
	v18 =	vld [tilespmem:s23+$0xFFFFFE10];
	[tilespmem:v12+s18+$0x0] =	vst.idx.msk $0xffff, v9  }
0xae: {  	v9 =	vld [tilespmem:s23+$0x110];
	v12 =	vor.u32 s15, v1;
	[tilespmem:v13+s18+$0x0] =	vst.idx.msk $0xffff, v10  }
0xaf: {  	v10 =	vld [tilespmem:s23+$0xFFFFFEA0];
	v13 =	vor.u32 s0, v2;
	[tilespmem:v17+s18+$0x0] =	vst.idx.msk $0xffff, v16  }
0xb0: {  	v16 =	vld [tilespmem:s23+$0xFFFFFF20];
	v17 =	vor.u32 s1, v2;
	[tilespmem:v15+s18+$0x0] =	vst.idx.msk $0xffff, v11  }
0xb1: {  	[tilespmem:v14+s18+$0x0] =	vst.idx.msk $0xffff, v8;
	v8 =	vld [tilespmem:s23+$0xFFFFFFA0];
	v14 =	vor.u32 s2, v2  }
0xb2: {  	[tilespmem:v19+s18+$0x0] =	vst.idx.msk $0xffff, v18;
	v15 =	vor.u32 s29, v3;
	v11 =	vld [tilespmem:s23+$0x1B0]  }
0xb3: {  	[tilespmem:v12+s18+$0x0] =	vst.idx.msk $0xffff, v9;
	v9 =	vld [tilespmem:s23+$0x20];
	v12 =	vor.u32 s6, v2  }
0xb4: {  	[tilespmem:v13+s18+$0x0] =	vst.idx.msk $0xffff, v10;
	v10 =	vld [tilespmem:s23+$0xA0];
	v13 =	vor.u32 s14, v2  }
0xb5: {  	v19 =	vor.u32 s15, v2;
	v18 =	vld [tilespmem:s23+$0x120];
	[tilespmem:v17+s18+$0x0] =	vst.idx.msk $0xffff, v16  }
0xb6: {  	v16 =	vld [tilespmem:s23+$0xFFFFFE20];
	v17 =	vor.u32 s22, v2;
	[tilespmem:v14+s18+$0x0] =	vst.idx.msk $0xffff, v8  }
0xb7: {  	v8 =	vld [tilespmem:s23+$0xFFFFFEB0];
	v14 =	vor.u32 s0, v3;
	[tilespmem:v15+s18+$0x0] =	vst.idx.msk $0xffff, v11  }
0xb8: {  	[tilespmem:v12+s18+$0x0] =	vst.idx.msk $0xffff, v9;
	v9 =	vld [tilespmem:s23+$0xFFFFFF30];
	v12 =	vor.u32 s1, v3  }
0xb9: {  	v15 =	vor.u32 s29, v4;
	v11 =	vld [tilespmem:s23+$0x1C0];
	[tilespmem:v13+s18+$0x0] =	vst.idx.msk $0xffff, v10  }
0xba: {  	v10 =	vld [tilespmem:s23+$0xFFFFFFB0];
	v13 =	vor.u32 s2, v3;
	[tilespmem:v19+s18+$0x0] =	vst.idx.msk $0xffff, v18  }
0xbb: {  	v18 =	vld [tilespmem:s23+$0x30];
	v19 =	vor.u32 s6, v3;
	[tilespmem:v17+s18+$0x0] =	vst.idx.msk $0xffff, v16  }
0xbc: {  	[tilespmem:v14+s18+$0x0] =	vst.idx.msk $0xffff, v8;
	v8 =	vld [tilespmem:s23+$0xB0];
	v14 =	vor.u32 s14, v3  }
0xbd: {  	[tilespmem:v12+s18+$0x0] =	vst.idx.msk $0xffff, v9;
	v9 =	vld [tilespmem:s23+$0x130];
	v12 =	vor.u32 s15, v3  }
0xbe: {  	v17 =	vor.u32 s22, v3;
	v16 =	vld [tilespmem:s23+$0xFFFFFE30];
	[tilespmem:v15+s18+$0x0] =	vst.idx.msk $0xffff, v11  }
0xbf: {  	v15 =	vor.u32 s29, v5;
	[tilespmem:v13+s18+$0x0] =	vst.idx.msk $0xffff, v10;
	v11 =	vld [tilespmem:s23+$0x1D0]  }
0xc0: {  	v10 =	vld [tilespmem:s23+$0xFFFFFEC0];
	v13 =	vor.u32 s0, v4;
	[tilespmem:v19+s18+$0x0] =	vst.idx.msk $0xffff, v18  }
0xc1: {  	v18 =	vld [tilespmem:s23+$0xFFFFFF40];
	v19 =	vor.u32 s1, v4;
	[tilespmem:v14+s18+$0x0] =	vst.idx.msk $0xffff, v8  }
0xc2: {  	[tilespmem:v12+s18+$0x0] =	vst.idx.msk $0xffff, v9;
	v9 =	vld [tilespmem:s23+$0x40];
	v12 =	vor.u32 s6, v4  }
0xc3: {  	[tilespmem:v17+s18+$0x0] =	vst.idx.msk $0xffff, v16;
	v17 =	vor.u32 s15, v4;
	v16 =	vld [tilespmem:s23+$0x140]  }
0xc4: {  	v14 =	vld [tilespmem:s23+$0xFFFFFFC0];
	[tilespmem:v15+s18+$0x0] =	vst.idx.msk $0xffff, v11;
	v15 =	vor.u32 s2, v4  }
0xc5: {  	[tilespmem:v13+s18+$0x0] =	vst.idx.msk $0xffff, v10;
	v11 =	vor.u32 s29, v6;
	v8 =	vld [tilespmem:s23+$0x1E0]  }
0xc6: {  	v10 =	vld [tilespmem:s23+$0xC0];
	v13 =	vor.u32 s14, v4;
	[tilespmem:v19+s18+$0x0] =	vst.idx.msk $0xffff, v18  }
0xc7: {  	v18 =	vld [tilespmem:s23+$0xFFFFFE40];
	v19 =	vor.u32 s22, v4;
	[tilespmem:v12+s18+$0x0] =	vst.idx.msk $0xffff, v9  }
0xc8: {  	v9 =	vld [tilespmem:s23+$0xFFFFFF50];
	v12 =	vor.u32 s1, v5;
	[tilespmem:v17+s18+$0x0] =	vst.idx.msk $0xffff, v16  }
0xc9: {  	[tilespmem:v15+s18+$0x0] =	vst.idx.msk $0xffff, v14;
	v14 =	vld [tilespmem:s23+$0xFFFFFED0];
	v15 =	vor.u32 s0, v5  }
0xca: {  	v16 =	vld [tilespmem:s23+$0x50];
	v17 =	vor.u32 s6, v5;
	[tilespmem:v11+s18+$0x0] =	vst.idx.msk $0xffff, v8  }
0xcb: {  	[tilespmem:v13+s18+$0x0] =	vst.idx.msk $0xffff, v10;
	v11 =	vor.u32 s29, v7;
	v8 =	vld [tilespmem:s23+$0x1F0]  }
0xcc: {  	v13 =	vor.u32 s2, v5;
	[tilespmem:v19+s18+$0x0] =	vst.idx.msk $0xffff, v18;
	v10 =	vld [tilespmem:s23+$0xFFFFFFD0]  }
0xcd: {  	v19 =	vor.u32 s14, v5;
	v18 =	vld [tilespmem:s23+$0xD0];
	[tilespmem:v12+s18+$0x0] =	vst.idx.msk $0xffff, v9  }
0xce: {  	[tilespmem:v15+s18+$0x0] =	vst.idx.msk $0xffff, v14;
	v14 =	vld [tilespmem:s23+$0xFFFFFE50];
	v15 =	vor.u32 s22, v5  }
0xcf: {  	v12 =	vor.u32 s0, v6;
	[tilespmem:v17+s18+$0x0] =	vst.idx.msk $0xffff, v16;
	v9 =	vld [tilespmem:s23+$0xFFFFFEE0]  }
0xd0: {  	[tilespmem:v11+s18+$0x0] =	vst.idx.msk $0xffff, v8;
	v8 =	vld [tilespmem:s23+$0x150];
	v11 =	vor.u32 s15, v5  }
0xd1: {  	[tilespmem:v13+s18+$0x0] =	vst.idx.msk $0xffff, v10;
	v10 =	vld [tilespmem:s23+$0xFFFFFF60];
	v13 =	vor.u32 s1, v6  }
0xd2: {  	[tilespmem:v19+s18+$0x0] =	vst.idx.msk $0xffff, v18;
	v18 =	vld [tilespmem:s23+$0x60];
	v19 =	vor.u32 s6, v6  }
0xd3: {  	v17 =	vor.u32 s2, v6;
	v16 =	vld [tilespmem:s23+$0xFFFFFFE0];
	[tilespmem:v15+s18+$0x0] =	vst.idx.msk $0xffff, v14  }
0xd4: {  	v15 =	vor.u32 s22, v6;
	[tilespmem:v12+s18+$0x0] =	vst.idx.msk $0xffff, v9;
	v14 =	vld [tilespmem:s23+$0xFFFFFE60]  }
0xd5: {  	[tilespmem:v11+s18+$0x0] =	vst.idx.msk $0xffff, v8;
	v8 =	vld [tilespmem:s23+$0xE0];
	v11 =	vor.u32 s14, v6  }
0xd6: {  	[tilespmem:v13+s18+$0x0] =	vst.idx.msk $0xffff, v10;
	v13 =	vor.u32 s0, v7;
	v10 =	vld [tilespmem:s23+$0xFFFFFEF0]  }
0xd7: {  	[tilespmem:v19+s18+$0x0] =	vst.idx.msk $0xffff, v18;
	v12 =	vor.u32 s15, v6;
	v9 =	vld [tilespmem:s23+$0x160]  }
0xd8: {  	[tilespmem:v17+s18+$0x0] =	vst.idx.msk $0xffff, v16;
	v16 =	vld [tilespmem:s23+$0xFFFFFF70];
	v17 =	vor.u32 s1, v7  }
0xd9: {  	v19 =	vor.u32 s2, v7;
	v18 =	vld [tilespmem:s23+$0xFFFFFFF0];
	[tilespmem:v15+s18+$0x0] =	vst.idx.msk $0xffff, v14  }
0xda: {  	[tilespmem:v11+s18+$0x0] =	vst.idx.msk $0xffff, v8;
	v8 =	vld [tilespmem:s23+$0x70];
	v11 =	vor.u32 s6, v7  }
0xdb: {  	v15 =	vor.u32 s22, v7;
	[tilespmem:v13+s18+$0x0] =	vst.idx.msk $0xffff, v10;
	v14 =	vld [tilespmem:s23+$0xFFFFFE70]  }
0xdc: {  	[tilespmem:v12+s18+$0x0] =	vst.idx.msk $0xffff, v9;
	v9 =	vld [tilespmem:s23+$0xF0];
	v12 =	vor.u32 s14, v7  }
0xdd: {  	s22 =	sshll.u32 s21, $0x2;
	v13 =	vor.u32 s15, v7;
	[tilespmem:v17+s18+$0x0] =	vst.idx.msk $0xffff, v16;
	v10 =	vld [tilespmem:s23+$0x170]  }
0xde: {  	s16 =	sadd.s32 $0x4, s22;
	[tilespmem:v19+s18+$0x0] =	vst.idx.msk $0xffff, v18  }
0xdf: {  	s0 =	smin.u32 s16, s5;
	[tilespmem:v11+s18+$0x0] =	vst.idx.msk $0xffff, v8  }
0xe0: {  	s0 =	smin.u32 s0, $0xF7;
	[tilespmem:v15+s18+$0x0] =	vst.idx.msk $0xffff, v14  }
0xe1: {  	s23 =	smin.u32 s22, s5;
	s0 =	sshll.u32 s0, $0xC;
	[tilespmem:v12+s18+$0x0] =	vst.idx.msk $0xffff, v9  }
0xe2: {  	s1 =	sshll.u32 s23, $0xF;
	s6 =	sadd.s32 s0, s4;
	s0 =	simm.s32 $0x0;
	[tilespmem:v13+s18+$0x0] =	vst.idx.msk $0xffff, v10  }
0xe3: {  	[tilespmem:s0], [sflag:$0x1] =	stream.strided.gather [hbm4b:s6+s12], $0x2000, s13, s12, $0x38;
	[tilespmem:$0x18000] =	vst v63  }
0xe4: {  	s1 =	sadd.s32 s1, s9  }
0xe5: {  	[hbm4b:s1+s0] =	stream.linear.scatter [tilespmem:s18], [sflag:$0x5], $0x400, $0x38;
	[tilespmem:$0x18000] =	vst v63  }
0xe6: {  	s15 =	simm.s32 $0x8800;
	s14 =	sadd.s32 $0x80, s1  }
0xe7: {  	[hbm4b:s14+s0] =	stream.linear.scatter [tilespmem:s15], [sflag:$0x5], $0x400, $0x38;
	[tilespmem:$0x18000] =	vst v63  }
0xe8: {  	s23 =	simm.s32 $0x9000;
	s16 =	sadd.s32 $0x100, s1  }
0xe9: {  	[hbm4b:s16+s0] =	stream.linear.scatter [tilespmem:s23], [sflag:$0x5], $0x400, $0x38;
	[tilespmem:$0x18000] =	vst v63  }
0xea: {  	s14 =	sadd.s32 $0x180, s1;
	s15 =	simm.s32 $0x9800  }
0xeb: {  	[hbm4b:s14+s0] =	stream.linear.scatter [tilespmem:s15], [sflag:$0x5], $0x400, $0x38;
	[tilespmem:$0x18000] =	vst v63  }
0xec: {  	s16 =	sadd.s32 $0x200, s1;
	s23 =	simm.s32 $0xA000  }
0xed: {  	[hbm4b:s16+s0] =	stream.linear.scatter [tilespmem:s23], [sflag:$0x5], $0x400, $0x38;
	[tilespmem:$0x18000] =	vst v63  }
0xee: {  	s6 =	sadd.s32 $0x280, s1;
	s14 =	simm.s32 $0xA800  }
0xef: {  	[hbm4b:s6+s0] =	stream.linear.scatter [tilespmem:s14], [sflag:$0x5], $0x400, $0x38;
	[tilespmem:$0x18000] =	vst v63  }
0xf0: {  	s15 =	sadd.s32 $0x300, s1;
	s16 =	simm.s32 $0xB000  }
0xf1: {  	[hbm4b:s15+s0] =	stream.linear.scatter [tilespmem:s16], [sflag:$0x5], $0x400, $0x38;
	[tilespmem:$0x18000] =	vst v63  }
0xf2: {  	s1 =	sadd.s32 $0x380, s1;
	s23 =	simm.s32 $0xB800  }
0xf3: {  	[hbm4b:s1+s0] =	stream.linear.scatter [tilespmem:s23], [sflag:$0x5], $0x400, $0x38;
	[tilespmem:$0x18000] =	vst v63  }
0xf4: {  	_ =	swait.ge [sflag:s26], $0x2000  }
0xf5: {  	[sflag:s26] =	ssyncset.done $0x0  }
0xf6: {  	s29 =	simm.s32 $0x7;
	s1 =	simm.s32 $0x2200;
	[sflag:s26] =	ssyncadd.s32 $0xFFFFE000  }
0xf7: {  	v9 =	vor.u32 s29, v0;
	s14 =	simm.s32 $0x1;
	v8 =	vld [tilespmem:s1+$0x180]  }
0xf8: {  	v11 =	vor.u32 s14, v0;
	s23 =	simm.s32 $0x2;
	v10 =	vld [tilespmem:s1+$0xFFFFFE80]  }
0xf9: {  	s2 =	simm.s32 $0x3;
	v13 =	vor.u32 s23, v0;
	v12 =	vld [tilespmem:s1+$0xFFFFFF00]  }
0xfa: {  	v15 =	vor.u32 s2, v0;
	s6 =	simm.s32 $0x4;
	v14 =	vld [tilespmem:s1+$0xFFFFFF80]  }
0xfb: {  	v17 =	vor.u32 s6, v0;
	s15 =	simm.s32 $0x5;
	v16 =	vld [tilespmem:s1+$0x0]  }
0xfc: {  	s16 =	simm.s32 $0x6;
	v19 =	vor.u32 s15, v0;
	v18 =	vld [tilespmem:s1+$0x80];
	[tilespmem:v9+s28+$0x0] =	vst.idx.msk $0xffff, v8  }
0xfd: {  	[tilespmem:v11+s28+$0x0] =	vst.idx.msk $0xffff, v10;
	v10 =	vld [tilespmem:s1+$0x100];
	v11 =	vor.u32 s16, v0  }
0xfe: {  	[tilespmem:v13+s28+$0x0] =	vst.idx.msk $0xffff, v12;
	v12 =	vld [tilespmem:s1+$0xFFFFFE00];
	v13 =	vor.u32 s0, v0  }
0xff: {  	v9 =	vor.u32 s29, v1;
	[tilespmem:v15+s28+$0x0] =	vst.idx.msk $0xffff, v14;
	v8 =	vld [tilespmem:s1+$0x190]  }
0x100: {  	v15 =	vor.u32 s14, v1;
	[tilespmem:v17+s28+$0x0] =	vst.idx.msk $0xffff, v16;
	v14 =	vld [tilespmem:s1+$0xFFFFFE90]  }
0x101: {  	v17 =	vor.u32 s23, v1;
	[tilespmem:v19+s28+$0x0] =	vst.idx.msk $0xffff, v18;
	v16 =	vld [tilespmem:s1+$0xFFFFFF10]  }
0x102: {  	v19 =	vor.u32 s2, v1;
	v18 =	vld [tilespmem:s1+$0xFFFFFF90];
	[tilespmem:v11+s28+$0x0] =	vst.idx.msk $0xffff, v10  }
0x103: {  	[tilespmem:v13+s28+$0x0] =	vst.idx.msk $0xffff, v12;
	v10 =	vld [tilespmem:s1+$0x10];
	v11 =	vor.u32 s6, v1  }
0x104: {  	v12 =	vld [tilespmem:s1+$0x90];
	v13 =	vor.u32 s15, v1;
	[tilespmem:v9+s28+$0x0] =	vst.idx.msk $0xffff, v8  }
0x105: {  	[tilespmem:v15+s28+$0x0] =	vst.idx.msk $0xffff, v14;
	v14 =	vld [tilespmem:s1+$0x110];
	v15 =	vor.u32 s16, v1  }
0x106: {  	v9 =	vor.u32 s29, v2;
	[tilespmem:v17+s28+$0x0] =	vst.idx.msk $0xffff, v16;
	v8 =	vld [tilespmem:s1+$0x1A0]  }
0x107: {  	v16 =	vld [tilespmem:s1+$0xFFFFFE10];
	v17 =	vor.u32 s0, v1;
	[tilespmem:v19+s28+$0x0] =	vst.idx.msk $0xffff, v18  }
0x108: {  	v19 =	vor.u32 s14, v2;
	v18 =	vld [tilespmem:s1+$0xFFFFFEA0];
	[tilespmem:v11+s28+$0x0] =	vst.idx.msk $0xffff, v10  }
0x109: {  	v10 =	vld [tilespmem:s1+$0xFFFFFF20];
	v11 =	vor.u32 s23, v2;
	[tilespmem:v13+s28+$0x0] =	vst.idx.msk $0xffff, v12  }
0x10a: {  	v12 =	vld [tilespmem:s1+$0xFFFFFFA0];
	v13 =	vor.u32 s2, v2;
	[tilespmem:v15+s28+$0x0] =	vst.idx.msk $0xffff, v14  }
0x10b: {  	v14 =	vld [tilespmem:s1+$0x20];
	v15 =	vor.u32 s6, v2;
	[tilespmem:v9+s28+$0x0] =	vst.idx.msk $0xffff, v8  }
0x10c: {  	[tilespmem:v17+s28+$0x0] =	vst.idx.msk $0xffff, v16;
	v9 =	vor.u32 s29, v3;
	v8 =	vld [tilespmem:s1+$0x1B0]  }
0x10d: {  	v16 =	vld [tilespmem:s1+$0xA0];
	v17 =	vor.u32 s15, v2;
	[tilespmem:v19+s28+$0x0] =	vst.idx.msk $0xffff, v18  }
0x10e: {  	v18 =	vld [tilespmem:s1+$0x120];
	v19 =	vor.u32 s16, v2;
	[tilespmem:v11+s28+$0x0] =	vst.idx.msk $0xffff, v10  }
0x10f: {  	v10 =	vld [tilespmem:s1+$0xFFFFFE20];
	v11 =	vor.u32 s0, v2;
	[tilespmem:v13+s28+$0x0] =	vst.idx.msk $0xffff, v12  }
0x110: {  	v12 =	vld [tilespmem:s1+$0xFFFFFEB0];
	v13 =	vor.u32 s14, v3;
	[tilespmem:v15+s28+$0x0] =	vst.idx.msk $0xffff, v14  }
0x111: {  	v14 =	vld [tilespmem:s1+$0xFFFFFF30];
	v15 =	vor.u32 s23, v3;
	[tilespmem:v9+s28+$0x0] =	vst.idx.msk $0xffff, v8  }
0x112: {  	[tilespmem:v17+s28+$0x0] =	vst.idx.msk $0xffff, v16;
	v9 =	vor.u32 s29, v4;
	v8 =	vld [tilespmem:s1+$0x1C0]  }
0x113: {  	v16 =	vld [tilespmem:s1+$0xFFFFFFB0];
	v17 =	vor.u32 s2, v3;
	[tilespmem:v19+s28+$0x0] =	vst.idx.msk $0xffff, v18  }
0x114: {  	v18 =	vld [tilespmem:s1+$0x30];
	v19 =	vor.u32 s6, v3;
	[tilespmem:v11+s28+$0x0] =	vst.idx.msk $0xffff, v10  }
0x115: {  	[tilespmem:v13+s28+$0x0] =	vst.idx.msk $0xffff, v12;
	v10 =	vld [tilespmem:s1+$0xB0];
	v11 =	vor.u32 s15, v3  }
0x116: {  	v12 =	vld [tilespmem:s1+$0x130];
	v13 =	vor.u32 s16, v3;
	[tilespmem:v15+s28+$0x0] =	vst.idx.msk $0xffff, v14  }
0x117: {  	v14 =	vld [tilespmem:s1+$0xFFFFFE30];
	v15 =	vor.u32 s0, v3;
	[tilespmem:v9+s28+$0x0] =	vst.idx.msk $0xffff, v8  }
0x118: {  	[tilespmem:v17+s28+$0x0] =	vst.idx.msk $0xffff, v16;
	v9 =	vor.u32 s29, v5;
	v8 =	vld [tilespmem:s1+$0x1D0]  }
0x119: {  	v16 =	vld [tilespmem:s1+$0xFFFFFEC0];
	v17 =	vor.u32 s14, v4;
	[tilespmem:v19+s28+$0x0] =	vst.idx.msk $0xffff, v18  }
0x11a: {  	v18 =	vld [tilespmem:s1+$0xFFFFFF40];
	v19 =	vor.u32 s23, v4;
	[tilespmem:v11+s28+$0x0] =	vst.idx.msk $0xffff, v10  }
0x11b: {  	v10 =	vld [tilespmem:s1+$0xFFFFFFC0];
	v11 =	vor.u32 s2, v4;
	[tilespmem:v13+s28+$0x0] =	vst.idx.msk $0xffff, v12  }
0x11c: {  	v12 =	vld [tilespmem:s1+$0x40];
	v13 =	vor.u32 s6, v4;
	[tilespmem:v15+s28+$0x0] =	vst.idx.msk $0xffff, v14  }
0x11d: {  	v14 =	vld [tilespmem:s1+$0xC0];
	v15 =	vor.u32 s15, v4;
	[tilespmem:v9+s28+$0x0] =	vst.idx.msk $0xffff, v8  }
0x11e: {  	[tilespmem:v17+s28+$0x0] =	vst.idx.msk $0xffff, v16;
	v9 =	vor.u32 s29, v6;
	v8 =	vld [tilespmem:s1+$0x1E0]  }
0x11f: {  	v16 =	vld [tilespmem:s1+$0x140];
	v17 =	vor.u32 s16, v4;
	[tilespmem:v19+s28+$0x0] =	vst.idx.msk $0xffff, v18  }
0x120: {  	v18 =	vld [tilespmem:s1+$0xFFFFFE40];
	v19 =	vor.u32 s0, v4;
	[tilespmem:v11+s28+$0x0] =	vst.idx.msk $0xffff, v10  }
0x121: {  	v10 =	vld [tilespmem:s1+$0xFFFFFED0];
	v11 =	vor.u32 s14, v5;
	[tilespmem:v13+s28+$0x0] =	vst.idx.msk $0xffff, v12  }
0x122: {  	v12 =	vld [tilespmem:s1+$0xFFFFFF50];
	v13 =	vor.u32 s23, v5;
	[tilespmem:v15+s28+$0x0] =	vst.idx.msk $0xffff, v14  }
0x123: {  	v14 =	vld [tilespmem:s1+$0xFFFFFFD0];
	v15 =	vor.u32 s2, v5;
	[tilespmem:v9+s28+$0x0] =	vst.idx.msk $0xffff, v8  }
0x124: {  	[tilespmem:v17+s28+$0x0] =	vst.idx.msk $0xffff, v16;
	v8 =	vor.u32 s29, v7;
	v9 =	vld [tilespmem:s1+$0x1F0]  }
0x125: {  	v16 =	vld [tilespmem:s1+$0x50];
	v17 =	vor.u32 s6, v5;
	[tilespmem:v19+s28+$0x0] =	vst.idx.msk $0xffff, v18  }
0x126: {  	v18 =	vld [tilespmem:s1+$0xD0];
	v19 =	vor.u32 s15, v5;
	[tilespmem:v11+s28+$0x0] =	vst.idx.msk $0xffff, v10  }
0x127: {  	v10 =	vld [tilespmem:s1+$0xFFFFFE50];
	v11 =	vor.u32 s0, v5;
	[tilespmem:v13+s28+$0x0] =	vst.idx.msk $0xffff, v12  }
0x128: {  	v13 =	vor.u32 s14, v6;
	v12 =	vld [tilespmem:s1+$0xFFFFFEE0];
	[tilespmem:v15+s28+$0x0] =	vst.idx.msk $0xffff, v14  }
0x129: {  	[tilespmem:v8+s28+$0x0] =	vst.idx.msk $0xffff, v9;
	v8 =	vld [tilespmem:s1+$0x150];
	v9 =	vor.u32 s16, v5  }
0x12a: {  	v14 =	vld [tilespmem:s1+$0xFFFFFF60];
	v15 =	vor.u32 s23, v6;
	[tilespmem:v17+s28+$0x0] =	vst.idx.msk $0xffff, v16  }
0x12b: {  	v17 =	vor.u32 s2, v6;
	v16 =	vld [tilespmem:s1+$0xFFFFFFE0];
	[tilespmem:v19+s28+$0x0] =	vst.idx.msk $0xffff, v18  }
0x12c: {  	v18 =	vld [tilespmem:s1+$0x60];
	v19 =	vor.u32 s6, v6;
	[tilespmem:v11+s28+$0x0] =	vst.idx.msk $0xffff, v10  }
0x12d: {  	v20 =	vor.u32 s0, v6;
	[tilespmem:v13+s28+$0x0] =	vst.idx.msk $0xffff, v12;
	v13 =	vld [tilespmem:s1+$0xFFFFFE60]  }
0x12e: {  	[tilespmem:v9+s28+$0x0] =	vst.idx.msk $0xffff, v8;
	v8 =	vld [tilespmem:s1+$0xE0];
	v9 =	vor.u32 s15, v6  }
0x12f: {  	v12 =	vor.u32 s16, v6;
	[tilespmem:v15+s28+$0x0] =	vst.idx.msk $0xffff, v14;
	v10 =	vld [tilespmem:s1+$0x160]  }
0x130: {  	v21 =	vor.u32 s14, v7;
	v22 =	vld [tilespmem:s1+$0xFFFFFEF0];
	[tilespmem:v17+s28+$0x0] =	vst.idx.msk $0xffff, v16  }
0x131: {  	v23 =	vor.u32 s23, v7;
	v24 =	vld [tilespmem:s1+$0xFFFFFF70];
	[tilespmem:v19+s28+$0x0] =	vst.idx.msk $0xffff, v18  }
0x132: {  	v17 =	vor.u32 s2, v7;
	v15 =	vld [tilespmem:s1+$0xFFFFFFF0];
	[tilespmem:v20+s28+$0x0] =	vst.idx.msk $0xffff, v13  }
0x133: {  	v16 =	vor.u32 s6, v7;
	v11 =	vld [tilespmem:s1+$0x70];
	[tilespmem:v9+s28+$0x0] =	vst.idx.msk $0xffff, v8  }
0x134: {  	v14 =	vor.u32 s15, v7;
	[tilespmem:v12+s28+$0x0] =	vst.idx.msk $0xffff, v10;
	v9 =	vld [tilespmem:s1+$0xF0]  }
0x135: {  	s30 =	simm.s32 $0xF;
	[tilespmem:v21+s28+$0x0] =	vst.idx.msk $0xffff, v22;
	v12 =	vor.u32 s16, v7;
	v10 =	vld [tilespmem:s1+$0x170]  }
0x136: {  	s31 =	simm.s32 $0x10;
	s23 =	simm.s32 $0x8;
	s29 =	simm.s32 $0x2600;
	v13 =	vor.u32 s0, v7;
	[tilespmem:v23+s28+$0x0] =	vst.idx.msk $0xffff, v24;
	v8 =	vld [tilespmem:s1+$0xFFFFFE70]  }
.LBB2_5:
0x137: {  	p1 =	slt.u32 s31, $0x38;
	s1 =	sadd.s32 $0x1, s23;
	v18 =	vld [tilespmem:s29+$0x180];
	v19 =	vor.u32 s30, v0;
	[tilespmem:v17+s28+$0x0] =	vst.idx.msk $0xffff, v15;
	s0 =	smov.u32 s23  }
0x138: {  	s23 =	smov.u32 s31;
	v15 =	vld [tilespmem:s29+$0xFFFFFE80];
	v17 =	vor.u32 s1, v0;
	s2 =	sadd.s32 $0x2, s0;
	[tilespmem:v16+s28+$0x0] =	vst.idx.msk $0xffff, v11  }
0x139: {  	s6 =	sadd.s32 $0x3, s0;
	v11 =	vld [tilespmem:s29+$0xFFFFFF00];
	v16 =	vor.u32 s2, v0;
	[tilespmem:v14+s28+$0x0] =	vst.idx.msk $0xffff, v9  }
0x13a: {  	s14 =	sadd.s32 $0x4, s0;
	v14 =	vor.u32 s6, v0;
	v9 =	vld [tilespmem:s29+$0xFFFFFF80];
	[tilespmem:v12+s28+$0x0] =	vst.idx.msk $0xffff, v10  }
0x13b: {  	s15 =	sadd.s32 $0x5, s0;
	v12 =	vor.u32 s14, v0;
	v10 =	vld [tilespmem:s29+$0x0];
	[tilespmem:v13+s28+$0x0] =	vst.idx.msk $0xffff, v8  }
0x13c: {  	v13 =	vor.u32 s15, v0;
	v8 =	vld [tilespmem:s29+$0x80];
	[tilespmem:v19+s28+$0x0] =	vst.idx.msk $0xffff, v18  }
0x13d: {  	s16 =	sadd.s32 $0x6, s0;
	[tilespmem:v17+s28+$0x0] =	vst.idx.msk $0xffff, v15;
	v15 =	vld [tilespmem:s29+$0x190];
	v17 =	vor.u32 s30, v1  }
0x13e: {  	[tilespmem:v16+s28+$0x0] =	vst.idx.msk $0xffff, v11;
	v11 =	vld [tilespmem:s29+$0x100];
	v16 =	vor.u32 s16, v0  }
0x13f: {  	v19 =	vor.u32 s0, v0;
	v18 =	vld [tilespmem:s29+$0xFFFFFE00];
	[tilespmem:v14+s28+$0x0] =	vst.idx.msk $0xffff, v9  }
0x140: {  	v14 =	vor.u32 s1, v1;
	v9 =	vld [tilespmem:s29+$0xFFFFFE90];
	[tilespmem:v12+s28+$0x0] =	vst.idx.msk $0xffff, v10  }
0x141: {  	v12 =	vor.u32 s2, v1;
	v10 =	vld [tilespmem:s29+$0xFFFFFF10];
	[tilespmem:v13+s28+$0x0] =	vst.idx.msk $0xffff, v8  }
0x142: {  	v13 =	vor.u32 s6, v1;
	v8 =	vld [tilespmem:s29+$0xFFFFFF90];
	[tilespmem:v17+s28+$0x0] =	vst.idx.msk $0xffff, v15  }
0x143: {  	v15 =	vor.u32 s30, v2;
	[tilespmem:v16+s28+$0x0] =	vst.idx.msk $0xffff, v11;
	v11 =	vld [tilespmem:s29+$0x1A0]  }
0x144: {  	v17 =	vor.u32 s14, v1;
	[tilespmem:v19+s28+$0x0] =	vst.idx.msk $0xffff, v18;
	v16 =	vld [tilespmem:s29+$0x10]  }
0x145: {  	[tilespmem:v14+s28+$0x0] =	vst.idx.msk $0xffff, v9;
	v9 =	vld [tilespmem:s29+$0x90];
	v14 =	vor.u32 s15, v1  }
0x146: {  	[tilespmem:v12+s28+$0x0] =	vst.idx.msk $0xffff, v10;
	v10 =	vld [tilespmem:s29+$0x110];
	v12 =	vor.u32 s16, v1  }
0x147: {  	v19 =	vor.u32 s0, v1;
	v18 =	vld [tilespmem:s29+$0xFFFFFE10];
	[tilespmem:v13+s28+$0x0] =	vst.idx.msk $0xffff, v8  }
0x148: {  	v13 =	vor.u32 s1, v2;
	v8 =	vld [tilespmem:s29+$0xFFFFFEA0];
	[tilespmem:v15+s28+$0x0] =	vst.idx.msk $0xffff, v11  }
0x149: {  	v15 =	vor.u32 s30, v3;
	[tilespmem:v17+s28+$0x0] =	vst.idx.msk $0xffff, v16;
	v11 =	vld [tilespmem:s29+$0x1B0]  }
0x14a: {  	v17 =	vor.u32 s2, v2;
	v16 =	vld [tilespmem:s29+$0xFFFFFF20];
	[tilespmem:v14+s28+$0x0] =	vst.idx.msk $0xffff, v9  }
0x14b: {  	v14 =	vor.u32 s6, v2;
	v9 =	vld [tilespmem:s29+$0xFFFFFFA0];
	[tilespmem:v12+s28+$0x0] =	vst.idx.msk $0xffff, v10  }
0x14c: {  	v12 =	vor.u32 s14, v2;
	[tilespmem:v19+s28+$0x0] =	vst.idx.msk $0xffff, v18;
	v10 =	vld [tilespmem:s29+$0x20]  }
0x14d: {  	[tilespmem:v13+s28+$0x0] =	vst.idx.msk $0xffff, v8;
	v8 =	vld [tilespmem:s29+$0xA0];
	v13 =	vor.u32 s15, v2  }
0x14e: {  	v19 =	vor.u32 s16, v2;
	v18 =	vld [tilespmem:s29+$0x120];
	[tilespmem:v15+s28+$0x0] =	vst.idx.msk $0xffff, v11  }
0x14f: {  	v15 =	vor.u32 s30, v4;
	[tilespmem:v17+s28+$0x0] =	vst.idx.msk $0xffff, v16;
	v11 =	vld [tilespmem:s29+$0x1C0]  }
0x150: {  	v17 =	vor.u32 s0, v2;
	v16 =	vld [tilespmem:s29+$0xFFFFFE20];
	[tilespmem:v14+s28+$0x0] =	vst.idx.msk $0xffff, v9  }
0x151: {  	v14 =	vor.u32 s1, v3;
	v9 =	vld [tilespmem:s29+$0xFFFFFEB0];
	[tilespmem:v12+s28+$0x0] =	vst.idx.msk $0xffff, v10  }
0x152: {  	v12 =	vor.u32 s2, v3;
	v10 =	vld [tilespmem:s29+$0xFFFFFF30];
	[tilespmem:v13+s28+$0x0] =	vst.idx.msk $0xffff, v8  }
0x153: {  	v13 =	vor.u32 s6, v3;
	v8 =	vld [tilespmem:s29+$0xFFFFFFB0];
	[tilespmem:v19+s28+$0x0] =	vst.idx.msk $0xffff, v18  }
0x154: {  	v19 =	vor.u32 s14, v3;
	v18 =	vld [tilespmem:s29+$0x30];
	[tilespmem:v15+s28+$0x0] =	vst.idx.msk $0xffff, v11  }
0x155: {  	v15 =	vor.u32 s30, v5;
	[tilespmem:v17+s28+$0x0] =	vst.idx.msk $0xffff, v16;
	v11 =	vld [tilespmem:s29+$0x1D0]  }
0x156: {  	[tilespmem:v14+s28+$0x0] =	vst.idx.msk $0xffff, v9;
	v9 =	vld [tilespmem:s29+$0xB0];
	v14 =	vor.u32 s15, v3  }
0x157: {  	[tilespmem:v12+s28+$0x0] =	vst.idx.msk $0xffff, v10;
	v10 =	vld [tilespmem:s29+$0x130];
	v12 =	vor.u32 s16, v3  }
0x158: {  	v17 =	vor.u32 s0, v3;
	v16 =	vld [tilespmem:s29+$0xFFFFFE30];
	[tilespmem:v13+s28+$0x0] =	vst.idx.msk $0xffff, v8  }
0x159: {  	v13 =	vor.u32 s1, v4;
	v8 =	vld [tilespmem:s29+$0xFFFFFEC0];
	[tilespmem:v19+s28+$0x0] =	vst.idx.msk $0xffff, v18  }
0x15a: {  	v19 =	vor.u32 s2, v4;
	v18 =	vld [tilespmem:s29+$0xFFFFFF40];
	[tilespmem:v15+s28+$0x0] =	vst.idx.msk $0xffff, v11  }
0x15b: {  	v11 =	vor.u32 s30, v6;
	[tilespmem:v14+s28+$0x0] =	vst.idx.msk $0xffff, v9;
	v9 =	vld [tilespmem:s29+$0x1E0]  }
0x15c: {  	v15 =	vor.u32 s6, v4;
	v14 =	vld [tilespmem:s29+$0xFFFFFFC0];
	[tilespmem:v12+s28+$0x0] =	vst.idx.msk $0xffff, v10  }
0x15d: {  	v12 =	vor.u32 s14, v4;
	[tilespmem:v17+s28+$0x0] =	vst.idx.msk $0xffff, v16;
	v10 =	vld [tilespmem:s29+$0x40]  }
0x15e: {  	[tilespmem:v13+s28+$0x0] =	vst.idx.msk $0xffff, v8;
	v8 =	vld [tilespmem:s29+$0xC0];
	v13 =	vor.u32 s15, v4  }
0x15f: {  	v17 =	vor.u32 s16, v4;
	[tilespmem:v19+s28+$0x0] =	vst.idx.msk $0xffff, v18;
	v16 =	vld [tilespmem:s29+$0x140]  }
0x160: {  	v19 =	vor.u32 s0, v4;
	v18 =	vld [tilespmem:s29+$0xFFFFFE40];
	[tilespmem:v11+s28+$0x0] =	vst.idx.msk $0xffff, v9  }
0x161: {  	v11 =	vor.u32 s30, v7;
	[tilespmem:v15+s28+$0x0] =	vst.idx.msk $0xffff, v14;
	v9 =	vld [tilespmem:s29+$0x1F0]  }
0x162: {  	v15 =	vor.u32 s1, v5;
	v14 =	vld [tilespmem:s29+$0xFFFFFED0];
	[tilespmem:v12+s28+$0x0] =	vst.idx.msk $0xffff, v10  }
0x163: {  	v12 =	vor.u32 s2, v5;
	v10 =	vld [tilespmem:s29+$0xFFFFFF50];
	[tilespmem:v13+s28+$0x0] =	vst.idx.msk $0xffff, v8  }
0x164: {  	v13 =	vor.u32 s6, v5;
	v8 =	vld [tilespmem:s29+$0xFFFFFFD0];
	[tilespmem:v17+s28+$0x0] =	vst.idx.msk $0xffff, v16  }
0x165: {  	v17 =	vor.u32 s14, v5;
	[tilespmem:v19+s28+$0x0] =	vst.idx.msk $0xffff, v18;
	v16 =	vld [tilespmem:s29+$0x50]  }
0x166: {  	v19 =	vor.u32 s15, v5;
	v18 =	vld [tilespmem:s29+$0xD0];
	[tilespmem:v11+s28+$0x0] =	vst.idx.msk $0xffff, v9  }
0x167: {  	v11 =	vor.u32 s16, v5;
	[tilespmem:v15+s28+$0x0] =	vst.idx.msk $0xffff, v14;
	v9 =	vld [tilespmem:s29+$0x150]  }
0x168: {  	v15 =	vor.u32 s0, v5;
	v14 =	vld [tilespmem:s29+$0xFFFFFE50];
	[tilespmem:v12+s28+$0x0] =	vst.idx.msk $0xffff, v10  }
0x169: {  	v12 =	vor.u32 s1, v6;
	v10 =	vld [tilespmem:s29+$0xFFFFFEE0];
	[tilespmem:v13+s28+$0x0] =	vst.idx.msk $0xffff, v8  }
0x16a: {  	v13 =	vor.u32 s2, v6;
	v8 =	vld [tilespmem:s29+$0xFFFFFF60];
	[tilespmem:v17+s28+$0x0] =	vst.idx.msk $0xffff, v16  }
0x16b: {  	v17 =	vor.u32 s6, v6;
	v16 =	vld [tilespmem:s29+$0xFFFFFFE0];
	[tilespmem:v19+s28+$0x0] =	vst.idx.msk $0xffff, v18  }
0x16c: {  	v19 =	vor.u32 s14, v6;
	v18 =	vld [tilespmem:s29+$0x60];
	[tilespmem:v11+s28+$0x0] =	vst.idx.msk $0xffff, v9  }
0x16d: {  	v11 =	vor.u32 s15, v6;
	[tilespmem:v15+s28+$0x0] =	vst.idx.msk $0xffff, v14;
	v9 =	vld [tilespmem:s29+$0xE0]  }
0x16e: {  	[tilespmem:v12+s28+$0x0] =	vst.idx.msk $0xffff, v10;
	v10 =	vld [tilespmem:s29+$0x160];
	v12 =	vor.u32 s16, v6  }
0x16f: {  	v20 =	vor.u32 s0, v6;
	v14 =	vld [tilespmem:s29+$0xFFFFFE60];
	[tilespmem:v13+s28+$0x0] =	vst.idx.msk $0xffff, v8  }
0x170: {  	v13 =	vor.u32 s1, v7;
	v8 =	vld [tilespmem:s29+$0xFFFFFEF0];
	[tilespmem:v17+s28+$0x0] =	vst.idx.msk $0xffff, v16  }
0x171: {  	v22 =	vor.u32 s2, v7;
	v21 =	vld [tilespmem:s29+$0xFFFFFF70];
	[tilespmem:v19+s28+$0x0] =	vst.idx.msk $0xffff, v18  }
.Ltmp1:
0x172: {  	v17 =	vor.u32 s6, v7;
	v15 =	vld [tilespmem:s29+$0xFFFFFFF0];
	[tilespmem:v11+s28+$0x0] =	vst.idx.msk $0xffff, v9;
	(pc) =	sbr.rel @p1 .LBB2_5-.Ltmp1, $4  }
0x173: {  	v16 =	vor.u32 s14, v7;
	v11 =	vld [tilespmem:s29+$0x70];
	[tilespmem:v12+s28+$0x0] =	vst.idx.msk $0xffff, v10  }
0x174: {  	[tilespmem:v20+s28+$0x0] =	vst.idx.msk $0xffff, v14;
	v9 =	vld [tilespmem:s29+$0xF0];
	v14 =	vor.u32 s15, v7  }
0x175: {  	v12 =	vor.u32 s16, v7;
	[tilespmem:v13+s28+$0x0] =	vst.idx.msk $0xffff, v8;
	v10 =	vld [tilespmem:s29+$0x170]  }
0x176: {  	s31 =	sadd.s32 $0x8, s31;
	s30 =	sadd.s32 $0x7, s23;
	v13 =	vor.u32 s0, v7;
	v8 =	vld [tilespmem:s29+$0xFFFFFE70];
	[tilespmem:v22+s28+$0x0] =	vst.idx.msk $0xffff, v21;
	s29 =	sadd.s32 $0x400, s29  }
0x177: {  	_ =	sdelay $0x3  }
0x178: {  	s0 =	sadd.s32 $0x1, s23;
	v18 =	vld [tilespmem:s29+$0x180];
	v19 =	vor.u32 s30, v0;
	[tilespmem:v17+s28+$0x0] =	vst.idx.msk $0xffff, v15  }
0x179: {  	v15 =	vld [tilespmem:s29+$0xFFFFFE80];
	s1 =	sadd.s32 $0x2, s23;
	v17 =	vor.u32 s0, v0;
	[tilespmem:v16+s28+$0x0] =	vst.idx.msk $0xffff, v11  }
0x17a: {  	s2 =	sadd.s32 $0x3, s23;
	v11 =	vld [tilespmem:s29+$0xFFFFFF00];
	v16 =	vor.u32 s1, v0;
	[tilespmem:v14+s28+$0x0] =	vst.idx.msk $0xffff, v9  }
0x17b: {  	s6 =	sadd.s32 $0x4, s23;
	v9 =	vld [tilespmem:s29+$0xFFFFFF80];
	v14 =	vor.u32 s2, v0;
	[tilespmem:v12+s28+$0x0] =	vst.idx.msk $0xffff, v10  }
0x17c: {  	s14 =	sadd.s32 $0x5, s23;
	v10 =	vld [tilespmem:s29+$0x0];
	v12 =	vor.u32 s6, v0;
	[tilespmem:v13+s28+$0x0] =	vst.idx.msk $0xffff, v8  }
0x17d: {  	v8 =	vld [tilespmem:s29+$0x80];
	v13 =	vor.u32 s14, v0;
	[tilespmem:v19+s28+$0x0] =	vst.idx.msk $0xffff, v18  }
0x17e: {  	s15 =	sadd.s32 $0x6, s23;
	[tilespmem:v17+s28+$0x0] =	vst.idx.msk $0xffff, v15;
	v15 =	vld [tilespmem:s29+$0x190];
	v17 =	vor.u32 s30, v1  }
0x17f: {  	[tilespmem:v16+s28+$0x0] =	vst.idx.msk $0xffff, v11;
	v11 =	vld [tilespmem:s29+$0x100];
	v16 =	vor.u32 s15, v0  }
0x180: {  	v18 =	vld [tilespmem:s29+$0xFFFFFE00];
	v19 =	vor.u32 s23, v0;
	[tilespmem:v14+s28+$0x0] =	vst.idx.msk $0xffff, v9  }
0x181: {  	v9 =	vld [tilespmem:s29+$0xFFFFFE90];
	v14 =	vor.u32 s0, v1;
	[tilespmem:v12+s28+$0x0] =	vst.idx.msk $0xffff, v10  }
0x182: {  	v10 =	vld [tilespmem:s29+$0xFFFFFF10];
	v12 =	vor.u32 s1, v1;
	[tilespmem:v13+s28+$0x0] =	vst.idx.msk $0xffff, v8  }
0x183: {  	v8 =	vld [tilespmem:s29+$0xFFFFFF90];
	v13 =	vor.u32 s2, v1;
	[tilespmem:v17+s28+$0x0] =	vst.idx.msk $0xffff, v15  }
0x184: {  	[tilespmem:v16+s28+$0x0] =	vst.idx.msk $0xffff, v11;
	v16 =	vld [tilespmem:s29+$0x10];
	v17 =	vor.u32 s6, v1  }
0x185: {  	[tilespmem:v19+s28+$0x0] =	vst.idx.msk $0xffff, v18;
	v15 =	vor.u32 s30, v2;
	v11 =	vld [tilespmem:s29+$0x1A0]  }
0x186: {  	[tilespmem:v14+s28+$0x0] =	vst.idx.msk $0xffff, v9;
	v9 =	vld [tilespmem:s29+$0x90];
	v14 =	vor.u32 s14, v1  }
0x187: {  	v19 =	vor.u32 s23, v1;
	v18 =	vld [tilespmem:s29+$0xFFFFFE10];
	[tilespmem:v12+s28+$0x0] =	vst.idx.msk $0xffff, v10  }
0x188: {  	v10 =	vld [tilespmem:s29+$0x110];
	v12 =	vor.u32 s15, v1;
	[tilespmem:v13+s28+$0x0] =	vst.idx.msk $0xffff, v8  }
0x189: {  	v8 =	vld [tilespmem:s29+$0xFFFFFEA0];
	v13 =	vor.u32 s0, v2;
	[tilespmem:v17+s28+$0x0] =	vst.idx.msk $0xffff, v16  }
0x18a: {  	v16 =	vld [tilespmem:s29+$0xFFFFFF20];
	v17 =	vor.u32 s1, v2;
	[tilespmem:v15+s28+$0x0] =	vst.idx.msk $0xffff, v11  }
0x18b: {  	[tilespmem:v14+s28+$0x0] =	vst.idx.msk $0xffff, v9;
	v9 =	vld [tilespmem:s29+$0xFFFFFFA0];
	v14 =	vor.u32 s2, v2  }
0x18c: {  	[tilespmem:v19+s28+$0x0] =	vst.idx.msk $0xffff, v18;
	v15 =	vor.u32 s30, v3;
	v11 =	vld [tilespmem:s29+$0x1B0]  }
0x18d: {  	[tilespmem:v12+s28+$0x0] =	vst.idx.msk $0xffff, v10;
	v10 =	vld [tilespmem:s29+$0x20];
	v12 =	vor.u32 s6, v2  }
0x18e: {  	[tilespmem:v13+s28+$0x0] =	vst.idx.msk $0xffff, v8;
	v8 =	vld [tilespmem:s29+$0xA0];
	v13 =	vor.u32 s14, v2  }
0x18f: {  	v19 =	vor.u32 s15, v2;
	v18 =	vld [tilespmem:s29+$0x120];
	[tilespmem:v17+s28+$0x0] =	vst.idx.msk $0xffff, v16  }
0x190: {  	v16 =	vld [tilespmem:s29+$0xFFFFFE20];
	v17 =	vor.u32 s23, v2;
	[tilespmem:v14+s28+$0x0] =	vst.idx.msk $0xffff, v9  }
0x191: {  	v9 =	vld [tilespmem:s29+$0xFFFFFEB0];
	v14 =	vor.u32 s0, v3;
	[tilespmem:v15+s28+$0x0] =	vst.idx.msk $0xffff, v11  }
0x192: {  	[tilespmem:v12+s28+$0x0] =	vst.idx.msk $0xffff, v10;
	v10 =	vld [tilespmem:s29+$0xFFFFFF30];
	v12 =	vor.u32 s1, v3  }
0x193: {  	v15 =	vor.u32 s30, v4;
	v11 =	vld [tilespmem:s29+$0x1C0];
	[tilespmem:v13+s28+$0x0] =	vst.idx.msk $0xffff, v8  }
0x194: {  	v8 =	vld [tilespmem:s29+$0xFFFFFFB0];
	v13 =	vor.u32 s2, v3;
	[tilespmem:v19+s28+$0x0] =	vst.idx.msk $0xffff, v18  }
0x195: {  	v18 =	vld [tilespmem:s29+$0x30];
	v19 =	vor.u32 s6, v3;
	[tilespmem:v17+s28+$0x0] =	vst.idx.msk $0xffff, v16  }
0x196: {  	[tilespmem:v14+s28+$0x0] =	vst.idx.msk $0xffff, v9;
	v9 =	vld [tilespmem:s29+$0xB0];
	v14 =	vor.u32 s14, v3  }
0x197: {  	[tilespmem:v12+s28+$0x0] =	vst.idx.msk $0xffff, v10;
	v10 =	vld [tilespmem:s29+$0x130];
	v12 =	vor.u32 s15, v3  }
0x198: {  	v17 =	vor.u32 s23, v3;
	v16 =	vld [tilespmem:s29+$0xFFFFFE30];
	[tilespmem:v15+s28+$0x0] =	vst.idx.msk $0xffff, v11  }
0x199: {  	v15 =	vor.u32 s30, v5;
	[tilespmem:v13+s28+$0x0] =	vst.idx.msk $0xffff, v8;
	v11 =	vld [tilespmem:s29+$0x1D0]  }
0x19a: {  	v8 =	vld [tilespmem:s29+$0xFFFFFEC0];
	v13 =	vor.u32 s0, v4;
	[tilespmem:v19+s28+$0x0] =	vst.idx.msk $0xffff, v18  }
0x19b: {  	v18 =	vld [tilespmem:s29+$0xFFFFFF40];
	v19 =	vor.u32 s1, v4;
	[tilespmem:v14+s28+$0x0] =	vst.idx.msk $0xffff, v9  }
0x19c: {  	[tilespmem:v12+s28+$0x0] =	vst.idx.msk $0xffff, v10;
	v10 =	vld [tilespmem:s29+$0x40];
	v12 =	vor.u32 s6, v4  }
0x19d: {  	[tilespmem:v17+s28+$0x0] =	vst.idx.msk $0xffff, v16;
	v17 =	vor.u32 s15, v4;
	v16 =	vld [tilespmem:s29+$0x140]  }
0x19e: {  	v14 =	vld [tilespmem:s29+$0xFFFFFFC0];
	[tilespmem:v15+s28+$0x0] =	vst.idx.msk $0xffff, v11;
	v15 =	vor.u32 s2, v4  }
0x19f: {  	[tilespmem:v13+s28+$0x0] =	vst.idx.msk $0xffff, v8;
	v11 =	vor.u32 s30, v6;
	v9 =	vld [tilespmem:s29+$0x1E0]  }
0x1a0: {  	v8 =	vld [tilespmem:s29+$0xC0];
	v13 =	vor.u32 s14, v4;
	[tilespmem:v19+s28+$0x0] =	vst.idx.msk $0xffff, v18  }
0x1a1: {  	v18 =	vld [tilespmem:s29+$0xFFFFFE40];
	v19 =	vor.u32 s23, v4;
	[tilespmem:v12+s28+$0x0] =	vst.idx.msk $0xffff, v10  }
0x1a2: {  	v10 =	vld [tilespmem:s29+$0xFFFFFF50];
	v12 =	vor.u32 s1, v5;
	[tilespmem:v17+s28+$0x0] =	vst.idx.msk $0xffff, v16  }
0x1a3: {  	[tilespmem:v15+s28+$0x0] =	vst.idx.msk $0xffff, v14;
	v14 =	vld [tilespmem:s29+$0xFFFFFED0];
	v15 =	vor.u32 s0, v5  }
0x1a4: {  	v16 =	vld [tilespmem:s29+$0x50];
	v17 =	vor.u32 s6, v5;
	[tilespmem:v11+s28+$0x0] =	vst.idx.msk $0xffff, v9  }
0x1a5: {  	[tilespmem:v13+s28+$0x0] =	vst.idx.msk $0xffff, v8;
	v11 =	vor.u32 s30, v7;
	v9 =	vld [tilespmem:s29+$0x1F0]  }
0x1a6: {  	v13 =	vor.u32 s2, v5;
	[tilespmem:v19+s28+$0x0] =	vst.idx.msk $0xffff, v18;
	v8 =	vld [tilespmem:s29+$0xFFFFFFD0]  }
0x1a7: {  	v19 =	vor.u32 s14, v5;
	v18 =	vld [tilespmem:s29+$0xD0];
	[tilespmem:v12+s28+$0x0] =	vst.idx.msk $0xffff, v10  }
0x1a8: {  	[tilespmem:v15+s28+$0x0] =	vst.idx.msk $0xffff, v14;
	v14 =	vld [tilespmem:s29+$0xFFFFFE50];
	v15 =	vor.u32 s23, v5  }
0x1a9: {  	v12 =	vor.u32 s0, v6;
	[tilespmem:v17+s28+$0x0] =	vst.idx.msk $0xffff, v16;
	v10 =	vld [tilespmem:s29+$0xFFFFFEE0]  }
0x1aa: {  	[tilespmem:v11+s28+$0x0] =	vst.idx.msk $0xffff, v9;
	v9 =	vld [tilespmem:s29+$0x150];
	v11 =	vor.u32 s15, v5  }
0x1ab: {  	[tilespmem:v13+s28+$0x0] =	vst.idx.msk $0xffff, v8;
	v8 =	vld [tilespmem:s29+$0xFFFFFF60];
	v13 =	vor.u32 s1, v6  }
0x1ac: {  	[tilespmem:v19+s28+$0x0] =	vst.idx.msk $0xffff, v18;
	v18 =	vld [tilespmem:s29+$0x60];
	v19 =	vor.u32 s6, v6  }
0x1ad: {  	v17 =	vor.u32 s2, v6;
	v16 =	vld [tilespmem:s29+$0xFFFFFFE0];
	[tilespmem:v15+s28+$0x0] =	vst.idx.msk $0xffff, v14  }
0x1ae: {  	v15 =	vor.u32 s23, v6;
	[tilespmem:v12+s28+$0x0] =	vst.idx.msk $0xffff, v10;
	v14 =	vld [tilespmem:s29+$0xFFFFFE60]  }
0x1af: {  	[tilespmem:v11+s28+$0x0] =	vst.idx.msk $0xffff, v9;
	v9 =	vld [tilespmem:s29+$0xE0];
	v11 =	vor.u32 s14, v6  }
0x1b0: {  	[tilespmem:v13+s28+$0x0] =	vst.idx.msk $0xffff, v8;
	v13 =	vor.u32 s0, v7;
	v8 =	vld [tilespmem:s29+$0xFFFFFEF0]  }
0x1b1: {  	[tilespmem:v19+s28+$0x0] =	vst.idx.msk $0xffff, v18;
	v12 =	vor.u32 s15, v6;
	v10 =	vld [tilespmem:s29+$0x160]  }
0x1b2: {  	[tilespmem:v17+s28+$0x0] =	vst.idx.msk $0xffff, v16;
	v16 =	vld [tilespmem:s29+$0xFFFFFF70];
	v17 =	vor.u32 s1, v7  }
0x1b3: {  	v19 =	vor.u32 s2, v7;
	v18 =	vld [tilespmem:s29+$0xFFFFFFF0];
	[tilespmem:v15+s28+$0x0] =	vst.idx.msk $0xffff, v14  }
0x1b4: {  	[tilespmem:v11+s28+$0x0] =	vst.idx.msk $0xffff, v9;
	v9 =	vld [tilespmem:s29+$0x70];
	v11 =	vor.u32 s6, v7  }
0x1b5: {  	v15 =	vor.u32 s23, v7;
	[tilespmem:v13+s28+$0x0] =	vst.idx.msk $0xffff, v8;
	v14 =	vld [tilespmem:s29+$0xFFFFFE70]  }
0x1b6: {  	[tilespmem:v12+s28+$0x0] =	vst.idx.msk $0xffff, v10;
	v10 =	vld [tilespmem:s29+$0xF0];
	v12 =	vor.u32 s14, v7  }
0x1b7: {  	v13 =	vor.u32 s15, v7;
	[tilespmem:v17+s28+$0x0] =	vst.idx.msk $0xffff, v16;
	v8 =	vld [tilespmem:s29+$0x170]  }
0x1b8: {  	s15 =	sadd.s32 $0x5, s22;
	[tilespmem:v19+s28+$0x0] =	vst.idx.msk $0xffff, v18  }
0x1b9: {  	s0 =	smin.u32 s15, s5;
	[tilespmem:v11+s28+$0x0] =	vst.idx.msk $0xffff, v9  }
0x1ba: {  	s16 =	sor.u32 $0x1, s22;
	s0 =	smin.u32 s0, $0xF7;
	[tilespmem:v15+s28+$0x0] =	vst.idx.msk $0xffff, v14  }
0x1bb: {  	s1 =	smin.u32 s16, s5;
	s0 =	sshll.u32 s0, $0xC;
	[tilespmem:v12+s28+$0x0] =	vst.idx.msk $0xffff, v10  }
0x1bc: {  	s23 =	simm.s32 $0x2000;
	s6 =	sshll.u32 s1, $0xF;
	s0 =	sadd.s32 s0, s4;
	[tilespmem:v13+s28+$0x0] =	vst.idx.msk $0xffff, v8  }
0x1bd: {  	[tilespmem:s23], [sflag:$0x2] =	stream.strided.gather [hbm4b:s0+s12], $0x2000, s13, s12, $0x38;
	[tilespmem:$0x18000] =	vst v63  }
0x1be: {  	s1 =	sadd.s32 s6, s9;
	s0 =	simm.s32 $0x0  }
0x1bf: {  	[hbm4b:s1+s0] =	stream.linear.scatter [tilespmem:s28], [sflag:$0x6], $0x400, $0x38;
	[tilespmem:$0x18000] =	vst v63  }
0x1c0: {  	s15 =	simm.s32 $0xC800;
	s14 =	sadd.s32 $0x80, s1  }
0x1c1: {  	[hbm4b:s14+s0] =	stream.linear.scatter [tilespmem:s15], [sflag:$0x6], $0x400, $0x38;
	[tilespmem:$0x18000] =	vst v63  }
0x1c2: {  	s16 =	sadd.s32 $0x100, s1;
	s23 =	simm.s32 $0xD000  }
0x1c3: {  	[hbm4b:s16+s0] =	stream.linear.scatter [tilespmem:s23], [sflag:$0x6], $0x400, $0x38;
	[tilespmem:$0x18000] =	vst v63  }
0x1c4: {  	s14 =	sadd.s32 $0x180, s1;
	s15 =	simm.s32 $0xD800  }
0x1c5: {  	[hbm4b:s14+s0] =	stream.linear.scatter [tilespmem:s15], [sflag:$0x6], $0x400, $0x38;
	[tilespmem:$0x18000] =	vst v63  }
0x1c6: {  	s16 =	sadd.s32 $0x200, s1;
	s23 =	simm.s32 $0xE000  }
0x1c7: {  	[hbm4b:s16+s0] =	stream.linear.scatter [tilespmem:s23], [sflag:$0x6], $0x400, $0x38;
	[tilespmem:$0x18000] =	vst v63  }
0x1c8: {  	s6 =	sadd.s32 $0x280, s1;
	s14 =	simm.s32 $0xE800  }
0x1c9: {  	[hbm4b:s6+s0] =	stream.linear.scatter [tilespmem:s14], [sflag:$0x6], $0x400, $0x38;
	[tilespmem:$0x18000] =	vst v63  }
0x1ca: {  	s15 =	sadd.s32 $0x300, s1;
	s16 =	simm.s32 $0xF000  }
0x1cb: {  	[hbm4b:s15+s0] =	stream.linear.scatter [tilespmem:s16], [sflag:$0x6], $0x400, $0x38;
	[tilespmem:$0x18000] =	vst v63  }
0x1cc: {  	s1 =	sadd.s32 $0x380, s1;
	s23 =	simm.s32 $0xF800  }
0x1cd: {  	[hbm4b:s1+s0] =	stream.linear.scatter [tilespmem:s23], [sflag:$0x6], $0x400, $0x38;
	[tilespmem:$0x18000] =	vst v63  }
0x1ce: {  	_ =	swait.ge [sflag:s7], $0x2000  }
0x1cf: {  	[sflag:s7] =	ssyncset.done $0x0  }
0x1d0: {  	s29 =	simm.s32 $0x7;
	s1 =	simm.s32 $0x4200;
	[sflag:s7] =	ssyncadd.s32 $0xFFFFE000  }
0x1d1: {  	v9 =	vor.u32 s29, v0;
	s14 =	simm.s32 $0x1;
	v8 =	vld [tilespmem:s1+$0x180]  }
0x1d2: {  	v11 =	vor.u32 s14, v0;
	s23 =	simm.s32 $0x2;
	v10 =	vld [tilespmem:s1+$0xFFFFFE80]  }
0x1d3: {  	s2 =	simm.s32 $0x3;
	v13 =	vor.u32 s23, v0;
	v12 =	vld [tilespmem:s1+$0xFFFFFF00]  }
0x1d4: {  	v15 =	vor.u32 s2, v0;
	s6 =	simm.s32 $0x4;
	v14 =	vld [tilespmem:s1+$0xFFFFFF80]  }
0x1d5: {  	v17 =	vor.u32 s6, v0;
	s15 =	simm.s32 $0x5;
	v16 =	vld [tilespmem:s1+$0x0]  }
0x1d6: {  	s16 =	simm.s32 $0x6;
	v19 =	vor.u32 s15, v0;
	v18 =	vld [tilespmem:s1+$0x80];
	[tilespmem:v9+s8+$0x0] =	vst.idx.msk $0xffff, v8  }
0x1d7: {  	[tilespmem:v11+s8+$0x0] =	vst.idx.msk $0xffff, v10;
	v10 =	vld [tilespmem:s1+$0x100];
	v11 =	vor.u32 s16, v0  }
0x1d8: {  	[tilespmem:v13+s8+$0x0] =	vst.idx.msk $0xffff, v12;
	v12 =	vld [tilespmem:s1+$0xFFFFFE00];
	v13 =	vor.u32 s0, v0  }
0x1d9: {  	v9 =	vor.u32 s29, v1;
	[tilespmem:v15+s8+$0x0] =	vst.idx.msk $0xffff, v14;
	v8 =	vld [tilespmem:s1+$0x190]  }
0x1da: {  	v15 =	vor.u32 s14, v1;
	[tilespmem:v17+s8+$0x0] =	vst.idx.msk $0xffff, v16;
	v14 =	vld [tilespmem:s1+$0xFFFFFE90]  }
0x1db: {  	v17 =	vor.u32 s23, v1;
	[tilespmem:v19+s8+$0x0] =	vst.idx.msk $0xffff, v18;
	v16 =	vld [tilespmem:s1+$0xFFFFFF10]  }
0x1dc: {  	v19 =	vor.u32 s2, v1;
	v18 =	vld [tilespmem:s1+$0xFFFFFF90];
	[tilespmem:v11+s8+$0x0] =	vst.idx.msk $0xffff, v10  }
0x1dd: {  	[tilespmem:v13+s8+$0x0] =	vst.idx.msk $0xffff, v12;
	v10 =	vld [tilespmem:s1+$0x10];
	v11 =	vor.u32 s6, v1  }
0x1de: {  	v12 =	vld [tilespmem:s1+$0x90];
	v13 =	vor.u32 s15, v1;
	[tilespmem:v9+s8+$0x0] =	vst.idx.msk $0xffff, v8  }
0x1df: {  	[tilespmem:v15+s8+$0x0] =	vst.idx.msk $0xffff, v14;
	v14 =	vld [tilespmem:s1+$0x110];
	v15 =	vor.u32 s16, v1  }
0x1e0: {  	v9 =	vor.u32 s29, v2;
	[tilespmem:v17+s8+$0x0] =	vst.idx.msk $0xffff, v16;
	v8 =	vld [tilespmem:s1+$0x1A0]  }
0x1e1: {  	v16 =	vld [tilespmem:s1+$0xFFFFFE10];
	v17 =	vor.u32 s0, v1;
	[tilespmem:v19+s8+$0x0] =	vst.idx.msk $0xffff, v18  }
0x1e2: {  	v19 =	vor.u32 s14, v2;
	v18 =	vld [tilespmem:s1+$0xFFFFFEA0];
	[tilespmem:v11+s8+$0x0] =	vst.idx.msk $0xffff, v10  }
0x1e3: {  	v10 =	vld [tilespmem:s1+$0xFFFFFF20];
	v11 =	vor.u32 s23, v2;
	[tilespmem:v13+s8+$0x0] =	vst.idx.msk $0xffff, v12  }
0x1e4: {  	v12 =	vld [tilespmem:s1+$0xFFFFFFA0];
	v13 =	vor.u32 s2, v2;
	[tilespmem:v15+s8+$0x0] =	vst.idx.msk $0xffff, v14  }
0x1e5: {  	v14 =	vld [tilespmem:s1+$0x20];
	v15 =	vor.u32 s6, v2;
	[tilespmem:v9+s8+$0x0] =	vst.idx.msk $0xffff, v8  }
0x1e6: {  	[tilespmem:v17+s8+$0x0] =	vst.idx.msk $0xffff, v16;
	v9 =	vor.u32 s29, v3;
	v8 =	vld [tilespmem:s1+$0x1B0]  }
0x1e7: {  	v16 =	vld [tilespmem:s1+$0xA0];
	v17 =	vor.u32 s15, v2;
	[tilespmem:v19+s8+$0x0] =	vst.idx.msk $0xffff, v18  }
0x1e8: {  	v18 =	vld [tilespmem:s1+$0x120];
	v19 =	vor.u32 s16, v2;
	[tilespmem:v11+s8+$0x0] =	vst.idx.msk $0xffff, v10  }
0x1e9: {  	v10 =	vld [tilespmem:s1+$0xFFFFFE20];
	v11 =	vor.u32 s0, v2;
	[tilespmem:v13+s8+$0x0] =	vst.idx.msk $0xffff, v12  }
0x1ea: {  	v12 =	vld [tilespmem:s1+$0xFFFFFEB0];
	v13 =	vor.u32 s14, v3;
	[tilespmem:v15+s8+$0x0] =	vst.idx.msk $0xffff, v14  }
0x1eb: {  	v14 =	vld [tilespmem:s1+$0xFFFFFF30];
	v15 =	vor.u32 s23, v3;
	[tilespmem:v9+s8+$0x0] =	vst.idx.msk $0xffff, v8  }
0x1ec: {  	[tilespmem:v17+s8+$0x0] =	vst.idx.msk $0xffff, v16;
	v9 =	vor.u32 s29, v4;
	v8 =	vld [tilespmem:s1+$0x1C0]  }
0x1ed: {  	v16 =	vld [tilespmem:s1+$0xFFFFFFB0];
	v17 =	vor.u32 s2, v3;
	[tilespmem:v19+s8+$0x0] =	vst.idx.msk $0xffff, v18  }
0x1ee: {  	v18 =	vld [tilespmem:s1+$0x30];
	v19 =	vor.u32 s6, v3;
	[tilespmem:v11+s8+$0x0] =	vst.idx.msk $0xffff, v10  }
0x1ef: {  	[tilespmem:v13+s8+$0x0] =	vst.idx.msk $0xffff, v12;
	v10 =	vld [tilespmem:s1+$0xB0];
	v11 =	vor.u32 s15, v3  }
0x1f0: {  	v12 =	vld [tilespmem:s1+$0x130];
	v13 =	vor.u32 s16, v3;
	[tilespmem:v15+s8+$0x0] =	vst.idx.msk $0xffff, v14  }
0x1f1: {  	v14 =	vld [tilespmem:s1+$0xFFFFFE30];
	v15 =	vor.u32 s0, v3;
	[tilespmem:v9+s8+$0x0] =	vst.idx.msk $0xffff, v8  }
0x1f2: {  	[tilespmem:v17+s8+$0x0] =	vst.idx.msk $0xffff, v16;
	v9 =	vor.u32 s29, v5;
	v8 =	vld [tilespmem:s1+$0x1D0]  }
0x1f3: {  	v16 =	vld [tilespmem:s1+$0xFFFFFEC0];
	v17 =	vor.u32 s14, v4;
	[tilespmem:v19+s8+$0x0] =	vst.idx.msk $0xffff, v18  }
0x1f4: {  	v18 =	vld [tilespmem:s1+$0xFFFFFF40];
	v19 =	vor.u32 s23, v4;
	[tilespmem:v11+s8+$0x0] =	vst.idx.msk $0xffff, v10  }
0x1f5: {  	v10 =	vld [tilespmem:s1+$0xFFFFFFC0];
	v11 =	vor.u32 s2, v4;
	[tilespmem:v13+s8+$0x0] =	vst.idx.msk $0xffff, v12  }
0x1f6: {  	v12 =	vld [tilespmem:s1+$0x40];
	v13 =	vor.u32 s6, v4;
	[tilespmem:v15+s8+$0x0] =	vst.idx.msk $0xffff, v14  }
0x1f7: {  	v14 =	vld [tilespmem:s1+$0xC0];
	v15 =	vor.u32 s15, v4;
	[tilespmem:v9+s8+$0x0] =	vst.idx.msk $0xffff, v8  }
0x1f8: {  	[tilespmem:v17+s8+$0x0] =	vst.idx.msk $0xffff, v16;
	v9 =	vor.u32 s29, v6;
	v8 =	vld [tilespmem:s1+$0x1E0]  }
0x1f9: {  	v16 =	vld [tilespmem:s1+$0x140];
	v17 =	vor.u32 s16, v4;
	[tilespmem:v19+s8+$0x0] =	vst.idx.msk $0xffff, v18  }
0x1fa: {  	v18 =	vld [tilespmem:s1+$0xFFFFFE40];
	v19 =	vor.u32 s0, v4;
	[tilespmem:v11+s8+$0x0] =	vst.idx.msk $0xffff, v10  }
0x1fb: {  	v10 =	vld [tilespmem:s1+$0xFFFFFED0];
	v11 =	vor.u32 s14, v5;
	[tilespmem:v13+s8+$0x0] =	vst.idx.msk $0xffff, v12  }
0x1fc: {  	v12 =	vld [tilespmem:s1+$0xFFFFFF50];
	v13 =	vor.u32 s23, v5;
	[tilespmem:v15+s8+$0x0] =	vst.idx.msk $0xffff, v14  }
0x1fd: {  	v14 =	vld [tilespmem:s1+$0xFFFFFFD0];
	v15 =	vor.u32 s2, v5;
	[tilespmem:v9+s8+$0x0] =	vst.idx.msk $0xffff, v8  }
0x1fe: {  	[tilespmem:v17+s8+$0x0] =	vst.idx.msk $0xffff, v16;
	v8 =	vor.u32 s29, v7;
	v9 =	vld [tilespmem:s1+$0x1F0]  }
0x1ff: {  	v16 =	vld [tilespmem:s1+$0x50];
	v17 =	vor.u32 s6, v5;
	[tilespmem:v19+s8+$0x0] =	vst.idx.msk $0xffff, v18  }
0x200: {  	v18 =	vld [tilespmem:s1+$0xD0];
	v19 =	vor.u32 s15, v5;
	[tilespmem:v11+s8+$0x0] =	vst.idx.msk $0xffff, v10  }
0x201: {  	v10 =	vld [tilespmem:s1+$0xFFFFFE50];
	v11 =	vor.u32 s0, v5;
	[tilespmem:v13+s8+$0x0] =	vst.idx.msk $0xffff, v12  }
0x202: {  	v13 =	vor.u32 s14, v6;
	v12 =	vld [tilespmem:s1+$0xFFFFFEE0];
	[tilespmem:v15+s8+$0x0] =	vst.idx.msk $0xffff, v14  }
0x203: {  	[tilespmem:v8+s8+$0x0] =	vst.idx.msk $0xffff, v9;
	v8 =	vld [tilespmem:s1+$0x150];
	v9 =	vor.u32 s16, v5  }
0x204: {  	v14 =	vld [tilespmem:s1+$0xFFFFFF60];
	v15 =	vor.u32 s23, v6;
	[tilespmem:v17+s8+$0x0] =	vst.idx.msk $0xffff, v16  }
0x205: {  	v17 =	vor.u32 s2, v6;
	v16 =	vld [tilespmem:s1+$0xFFFFFFE0];
	[tilespmem:v19+s8+$0x0] =	vst.idx.msk $0xffff, v18  }
0x206: {  	v18 =	vld [tilespmem:s1+$0x60];
	v19 =	vor.u32 s6, v6;
	[tilespmem:v11+s8+$0x0] =	vst.idx.msk $0xffff, v10  }
0x207: {  	v20 =	vor.u32 s0, v6;
	[tilespmem:v13+s8+$0x0] =	vst.idx.msk $0xffff, v12;
	v13 =	vld [tilespmem:s1+$0xFFFFFE60]  }
0x208: {  	[tilespmem:v9+s8+$0x0] =	vst.idx.msk $0xffff, v8;
	v8 =	vld [tilespmem:s1+$0xE0];
	v9 =	vor.u32 s15, v6  }
0x209: {  	v12 =	vor.u32 s16, v6;
	[tilespmem:v15+s8+$0x0] =	vst.idx.msk $0xffff, v14;
	v10 =	vld [tilespmem:s1+$0x160]  }
0x20a: {  	v21 =	vor.u32 s14, v7;
	v22 =	vld [tilespmem:s1+$0xFFFFFEF0];
	[tilespmem:v17+s8+$0x0] =	vst.idx.msk $0xffff, v16  }
0x20b: {  	v23 =	vor.u32 s23, v7;
	v24 =	vld [tilespmem:s1+$0xFFFFFF70];
	[tilespmem:v19+s8+$0x0] =	vst.idx.msk $0xffff, v18  }
0x20c: {  	v17 =	vor.u32 s2, v7;
	v15 =	vld [tilespmem:s1+$0xFFFFFFF0];
	[tilespmem:v20+s8+$0x0] =	vst.idx.msk $0xffff, v13  }
0x20d: {  	v16 =	vor.u32 s6, v7;
	v11 =	vld [tilespmem:s1+$0x70];
	[tilespmem:v9+s8+$0x0] =	vst.idx.msk $0xffff, v8  }
0x20e: {  	v14 =	vor.u32 s15, v7;
	[tilespmem:v12+s8+$0x0] =	vst.idx.msk $0xffff, v10;
	v9 =	vld [tilespmem:s1+$0xF0]  }
0x20f: {  	s31 =	simm.s32 $0x10;
	[tilespmem:v21+s8+$0x0] =	vst.idx.msk $0xffff, v22;
	v12 =	vor.u32 s16, v7;
	v10 =	vld [tilespmem:s1+$0x170]  }
0x210: {  	s30 =	simm.s32 $0xF;
	s23 =	simm.s32 $0x8;
	s29 =	simm.s32 $0x4600;
	v13 =	vor.u32 s0, v7;
	[tilespmem:v23+s8+$0x0] =	vst.idx.msk $0xffff, v24;
	v8 =	vld [tilespmem:s1+$0xFFFFFE70]  }
.LBB2_7:
0x211: {  	p1 =	slt.u32 s31, $0x38;
	s1 =	sadd.s32 $0x1, s23;
	v18 =	vld [tilespmem:s29+$0x180];
	v19 =	vor.u32 s30, v0;
	[tilespmem:v17+s8+$0x0] =	vst.idx.msk $0xffff, v15;
	s0 =	smov.u32 s23  }
0x212: {  	s23 =	smov.u32 s31;
	v15 =	vld [tilespmem:s29+$0xFFFFFE80];
	v17 =	vor.u32 s1, v0;
	s2 =	sadd.s32 $0x2, s0;
	[tilespmem:v16+s8+$0x0] =	vst.idx.msk $0xffff, v11  }
0x213: {  	s6 =	sadd.s32 $0x3, s0;
	v11 =	vld [tilespmem:s29+$0xFFFFFF00];
	v16 =	vor.u32 s2, v0;
	[tilespmem:v14+s8+$0x0] =	vst.idx.msk $0xffff, v9  }
0x214: {  	s14 =	sadd.s32 $0x4, s0;
	v14 =	vor.u32 s6, v0;
	v9 =	vld [tilespmem:s29+$0xFFFFFF80];
	[tilespmem:v12+s8+$0x0] =	vst.idx.msk $0xffff, v10  }
0x215: {  	s15 =	sadd.s32 $0x5, s0;
	v12 =	vor.u32 s14, v0;
	v10 =	vld [tilespmem:s29+$0x0];
	[tilespmem:v13+s8+$0x0] =	vst.idx.msk $0xffff, v8  }
0x216: {  	v13 =	vor.u32 s15, v0;
	v8 =	vld [tilespmem:s29+$0x80];
	[tilespmem:v19+s8+$0x0] =	vst.idx.msk $0xffff, v18  }
0x217: {  	s16 =	sadd.s32 $0x6, s0;
	[tilespmem:v17+s8+$0x0] =	vst.idx.msk $0xffff, v15;
	v15 =	vld [tilespmem:s29+$0x190];
	v17 =	vor.u32 s30, v1  }
0x218: {  	[tilespmem:v16+s8+$0x0] =	vst.idx.msk $0xffff, v11;
	v11 =	vld [tilespmem:s29+$0x100];
	v16 =	vor.u32 s16, v0  }
0x219: {  	v19 =	vor.u32 s0, v0;
	v18 =	vld [tilespmem:s29+$0xFFFFFE00];
	[tilespmem:v14+s8+$0x0] =	vst.idx.msk $0xffff, v9  }
0x21a: {  	v14 =	vor.u32 s1, v1;
	v9 =	vld [tilespmem:s29+$0xFFFFFE90];
	[tilespmem:v12+s8+$0x0] =	vst.idx.msk $0xffff, v10  }
0x21b: {  	v12 =	vor.u32 s2, v1;
	v10 =	vld [tilespmem:s29+$0xFFFFFF10];
	[tilespmem:v13+s8+$0x0] =	vst.idx.msk $0xffff, v8  }
0x21c: {  	v13 =	vor.u32 s6, v1;
	v8 =	vld [tilespmem:s29+$0xFFFFFF90];
	[tilespmem:v17+s8+$0x0] =	vst.idx.msk $0xffff, v15  }
0x21d: {  	v15 =	vor.u32 s30, v2;
	[tilespmem:v16+s8+$0x0] =	vst.idx.msk $0xffff, v11;
	v11 =	vld [tilespmem:s29+$0x1A0]  }
0x21e: {  	v17 =	vor.u32 s14, v1;
	[tilespmem:v19+s8+$0x0] =	vst.idx.msk $0xffff, v18;
	v16 =	vld [tilespmem:s29+$0x10]  }
0x21f: {  	[tilespmem:v14+s8+$0x0] =	vst.idx.msk $0xffff, v9;
	v9 =	vld [tilespmem:s29+$0x90];
	v14 =	vor.u32 s15, v1  }
0x220: {  	[tilespmem:v12+s8+$0x0] =	vst.idx.msk $0xffff, v10;
	v10 =	vld [tilespmem:s29+$0x110];
	v12 =	vor.u32 s16, v1  }
0x221: {  	v19 =	vor.u32 s0, v1;
	v18 =	vld [tilespmem:s29+$0xFFFFFE10];
	[tilespmem:v13+s8+$0x0] =	vst.idx.msk $0xffff, v8  }
0x222: {  	v13 =	vor.u32 s1, v2;
	v8 =	vld [tilespmem:s29+$0xFFFFFEA0];
	[tilespmem:v15+s8+$0x0] =	vst.idx.msk $0xffff, v11  }
0x223: {  	v15 =	vor.u32 s30, v3;
	[tilespmem:v17+s8+$0x0] =	vst.idx.msk $0xffff, v16;
	v11 =	vld [tilespmem:s29+$0x1B0]  }
0x224: {  	v17 =	vor.u32 s2, v2;
	v16 =	vld [tilespmem:s29+$0xFFFFFF20];
	[tilespmem:v14+s8+$0x0] =	vst.idx.msk $0xffff, v9  }
0x225: {  	v14 =	vor.u32 s6, v2;
	v9 =	vld [tilespmem:s29+$0xFFFFFFA0];
	[tilespmem:v12+s8+$0x0] =	vst.idx.msk $0xffff, v10  }
0x226: {  	v12 =	vor.u32 s14, v2;
	[tilespmem:v19+s8+$0x0] =	vst.idx.msk $0xffff, v18;
	v10 =	vld [tilespmem:s29+$0x20]  }
0x227: {  	[tilespmem:v13+s8+$0x0] =	vst.idx.msk $0xffff, v8;
	v8 =	vld [tilespmem:s29+$0xA0];
	v13 =	vor.u32 s15, v2  }
0x228: {  	v19 =	vor.u32 s16, v2;
	v18 =	vld [tilespmem:s29+$0x120];
	[tilespmem:v15+s8+$0x0] =	vst.idx.msk $0xffff, v11  }
0x229: {  	v15 =	vor.u32 s30, v4;
	[tilespmem:v17+s8+$0x0] =	vst.idx.msk $0xffff, v16;
	v11 =	vld [tilespmem:s29+$0x1C0]  }
0x22a: {  	v17 =	vor.u32 s0, v2;
	v16 =	vld [tilespmem:s29+$0xFFFFFE20];
	[tilespmem:v14+s8+$0x0] =	vst.idx.msk $0xffff, v9  }
0x22b: {  	v14 =	vor.u32 s1, v3;
	v9 =	vld [tilespmem:s29+$0xFFFFFEB0];
	[tilespmem:v12+s8+$0x0] =	vst.idx.msk $0xffff, v10  }
0x22c: {  	v12 =	vor.u32 s2, v3;
	v10 =	vld [tilespmem:s29+$0xFFFFFF30];
	[tilespmem:v13+s8+$0x0] =	vst.idx.msk $0xffff, v8  }
0x22d: {  	v13 =	vor.u32 s6, v3;
	v8 =	vld [tilespmem:s29+$0xFFFFFFB0];
	[tilespmem:v19+s8+$0x0] =	vst.idx.msk $0xffff, v18  }
0x22e: {  	v19 =	vor.u32 s14, v3;
	v18 =	vld [tilespmem:s29+$0x30];
	[tilespmem:v15+s8+$0x0] =	vst.idx.msk $0xffff, v11  }
0x22f: {  	v15 =	vor.u32 s30, v5;
	[tilespmem:v17+s8+$0x0] =	vst.idx.msk $0xffff, v16;
	v11 =	vld [tilespmem:s29+$0x1D0]  }
0x230: {  	[tilespmem:v14+s8+$0x0] =	vst.idx.msk $0xffff, v9;
	v9 =	vld [tilespmem:s29+$0xB0];
	v14 =	vor.u32 s15, v3  }
0x231: {  	[tilespmem:v12+s8+$0x0] =	vst.idx.msk $0xffff, v10;
	v10 =	vld [tilespmem:s29+$0x130];
	v12 =	vor.u32 s16, v3  }
0x232: {  	v17 =	vor.u32 s0, v3;
	v16 =	vld [tilespmem:s29+$0xFFFFFE30];
	[tilespmem:v13+s8+$0x0] =	vst.idx.msk $0xffff, v8  }
0x233: {  	v13 =	vor.u32 s1, v4;
	v8 =	vld [tilespmem:s29+$0xFFFFFEC0];
	[tilespmem:v19+s8+$0x0] =	vst.idx.msk $0xffff, v18  }
0x234: {  	v19 =	vor.u32 s2, v4;
	v18 =	vld [tilespmem:s29+$0xFFFFFF40];
	[tilespmem:v15+s8+$0x0] =	vst.idx.msk $0xffff, v11  }
0x235: {  	v11 =	vor.u32 s30, v6;
	[tilespmem:v14+s8+$0x0] =	vst.idx.msk $0xffff, v9;
	v9 =	vld [tilespmem:s29+$0x1E0]  }
0x236: {  	v15 =	vor.u32 s6, v4;
	v14 =	vld [tilespmem:s29+$0xFFFFFFC0];
	[tilespmem:v12+s8+$0x0] =	vst.idx.msk $0xffff, v10  }
0x237: {  	v12 =	vor.u32 s14, v4;
	[tilespmem:v17+s8+$0x0] =	vst.idx.msk $0xffff, v16;
	v10 =	vld [tilespmem:s29+$0x40]  }
0x238: {  	[tilespmem:v13+s8+$0x0] =	vst.idx.msk $0xffff, v8;
	v8 =	vld [tilespmem:s29+$0xC0];
	v13 =	vor.u32 s15, v4  }
0x239: {  	v17 =	vor.u32 s16, v4;
	[tilespmem:v19+s8+$0x0] =	vst.idx.msk $0xffff, v18;
	v16 =	vld [tilespmem:s29+$0x140]  }
0x23a: {  	v19 =	vor.u32 s0, v4;
	v18 =	vld [tilespmem:s29+$0xFFFFFE40];
	[tilespmem:v11+s8+$0x0] =	vst.idx.msk $0xffff, v9  }
0x23b: {  	v11 =	vor.u32 s30, v7;
	[tilespmem:v15+s8+$0x0] =	vst.idx.msk $0xffff, v14;
	v9 =	vld [tilespmem:s29+$0x1F0]  }
0x23c: {  	v15 =	vor.u32 s1, v5;
	v14 =	vld [tilespmem:s29+$0xFFFFFED0];
	[tilespmem:v12+s8+$0x0] =	vst.idx.msk $0xffff, v10  }
0x23d: {  	v12 =	vor.u32 s2, v5;
	v10 =	vld [tilespmem:s29+$0xFFFFFF50];
	[tilespmem:v13+s8+$0x0] =	vst.idx.msk $0xffff, v8  }
0x23e: {  	v13 =	vor.u32 s6, v5;
	v8 =	vld [tilespmem:s29+$0xFFFFFFD0];
	[tilespmem:v17+s8+$0x0] =	vst.idx.msk $0xffff, v16  }
0x23f: {  	v17 =	vor.u32 s14, v5;
	[tilespmem:v19+s8+$0x0] =	vst.idx.msk $0xffff, v18;
	v16 =	vld [tilespmem:s29+$0x50]  }
0x240: {  	v19 =	vor.u32 s15, v5;
	v18 =	vld [tilespmem:s29+$0xD0];
	[tilespmem:v11+s8+$0x0] =	vst.idx.msk $0xffff, v9  }
0x241: {  	v11 =	vor.u32 s16, v5;
	[tilespmem:v15+s8+$0x0] =	vst.idx.msk $0xffff, v14;
	v9 =	vld [tilespmem:s29+$0x150]  }
0x242: {  	v15 =	vor.u32 s0, v5;
	v14 =	vld [tilespmem:s29+$0xFFFFFE50];
	[tilespmem:v12+s8+$0x0] =	vst.idx.msk $0xffff, v10  }
0x243: {  	v12 =	vor.u32 s1, v6;
	v10 =	vld [tilespmem:s29+$0xFFFFFEE0];
	[tilespmem:v13+s8+$0x0] =	vst.idx.msk $0xffff, v8  }
0x244: {  	v13 =	vor.u32 s2, v6;
	v8 =	vld [tilespmem:s29+$0xFFFFFF60];
	[tilespmem:v17+s8+$0x0] =	vst.idx.msk $0xffff, v16  }
0x245: {  	v17 =	vor.u32 s6, v6;
	v16 =	vld [tilespmem:s29+$0xFFFFFFE0];
	[tilespmem:v19+s8+$0x0] =	vst.idx.msk $0xffff, v18  }
0x246: {  	v19 =	vor.u32 s14, v6;
	v18 =	vld [tilespmem:s29+$0x60];
	[tilespmem:v11+s8+$0x0] =	vst.idx.msk $0xffff, v9  }
0x247: {  	v11 =	vor.u32 s15, v6;
	[tilespmem:v15+s8+$0x0] =	vst.idx.msk $0xffff, v14;
	v9 =	vld [tilespmem:s29+$0xE0]  }
0x248: {  	[tilespmem:v12+s8+$0x0] =	vst.idx.msk $0xffff, v10;
	v10 =	vld [tilespmem:s29+$0x160];
	v12 =	vor.u32 s16, v6  }
0x249: {  	v20 =	vor.u32 s0, v6;
	v14 =	vld [tilespmem:s29+$0xFFFFFE60];
	[tilespmem:v13+s8+$0x0] =	vst.idx.msk $0xffff, v8  }
0x24a: {  	v13 =	vor.u32 s1, v7;
	v8 =	vld [tilespmem:s29+$0xFFFFFEF0];
	[tilespmem:v17+s8+$0x0] =	vst.idx.msk $0xffff, v16  }
0x24b: {  	v22 =	vor.u32 s2, v7;
	v21 =	vld [tilespmem:s29+$0xFFFFFF70];
	[tilespmem:v19+s8+$0x0] =	vst.idx.msk $0xffff, v18  }
.Ltmp2:
0x24c: {  	v17 =	vor.u32 s6, v7;
	v15 =	vld [tilespmem:s29+$0xFFFFFFF0];
	[tilespmem:v11+s8+$0x0] =	vst.idx.msk $0xffff, v9;
	(pc) =	sbr.rel @p1 .LBB2_7-.Ltmp2, $4  }
0x24d: {  	v16 =	vor.u32 s14, v7;
	v11 =	vld [tilespmem:s29+$0x70];
	[tilespmem:v12+s8+$0x0] =	vst.idx.msk $0xffff, v10  }
0x24e: {  	[tilespmem:v20+s8+$0x0] =	vst.idx.msk $0xffff, v14;
	v9 =	vld [tilespmem:s29+$0xF0];
	v14 =	vor.u32 s15, v7  }
0x24f: {  	v12 =	vor.u32 s16, v7;
	[tilespmem:v13+s8+$0x0] =	vst.idx.msk $0xffff, v8;
	v10 =	vld [tilespmem:s29+$0x170]  }
0x250: {  	s31 =	sadd.s32 $0x8, s31;
	s30 =	sadd.s32 $0x7, s23;
	v13 =	vor.u32 s0, v7;
	v8 =	vld [tilespmem:s29+$0xFFFFFE70];
	[tilespmem:v22+s8+$0x0] =	vst.idx.msk $0xffff, v21;
	s29 =	sadd.s32 $0x400, s29  }
0x251: {  	_ =	sdelay $0x3  }
0x252: {  	s0 =	sadd.s32 $0x1, s23;
	v18 =	vld [tilespmem:s29+$0x180];
	v19 =	vor.u32 s30, v0;
	[tilespmem:v17+s8+$0x0] =	vst.idx.msk $0xffff, v15  }
0x253: {  	v15 =	vld [tilespmem:s29+$0xFFFFFE80];
	s1 =	sadd.s32 $0x2, s23;
	v17 =	vor.u32 s0, v0;
	[tilespmem:v16+s8+$0x0] =	vst.idx.msk $0xffff, v11  }
0x254: {  	s2 =	sadd.s32 $0x3, s23;
	v11 =	vld [tilespmem:s29+$0xFFFFFF00];
	v16 =	vor.u32 s1, v0;
	[tilespmem:v14+s8+$0x0] =	vst.idx.msk $0xffff, v9  }
0x255: {  	s6 =	sadd.s32 $0x4, s23;
	v9 =	vld [tilespmem:s29+$0xFFFFFF80];
	v14 =	vor.u32 s2, v0;
	[tilespmem:v12+s8+$0x0] =	vst.idx.msk $0xffff, v10  }
0x256: {  	s14 =	sadd.s32 $0x5, s23;
	v10 =	vld [tilespmem:s29+$0x0];
	v12 =	vor.u32 s6, v0;
	[tilespmem:v13+s8+$0x0] =	vst.idx.msk $0xffff, v8  }
0x257: {  	v8 =	vld [tilespmem:s29+$0x80];
	v13 =	vor.u32 s14, v0;
	[tilespmem:v19+s8+$0x0] =	vst.idx.msk $0xffff, v18  }
0x258: {  	s15 =	sadd.s32 $0x6, s23;
	[tilespmem:v17+s8+$0x0] =	vst.idx.msk $0xffff, v15;
	v15 =	vld [tilespmem:s29+$0x190];
	v17 =	vor.u32 s30, v1  }
0x259: {  	[tilespmem:v16+s8+$0x0] =	vst.idx.msk $0xffff, v11;
	v11 =	vld [tilespmem:s29+$0x100];
	v16 =	vor.u32 s15, v0  }
0x25a: {  	v18 =	vld [tilespmem:s29+$0xFFFFFE00];
	v19 =	vor.u32 s23, v0;
	[tilespmem:v14+s8+$0x0] =	vst.idx.msk $0xffff, v9  }
0x25b: {  	v9 =	vld [tilespmem:s29+$0xFFFFFE90];
	v14 =	vor.u32 s0, v1;
	[tilespmem:v12+s8+$0x0] =	vst.idx.msk $0xffff, v10  }
0x25c: {  	v10 =	vld [tilespmem:s29+$0xFFFFFF10];
	v12 =	vor.u32 s1, v1;
	[tilespmem:v13+s8+$0x0] =	vst.idx.msk $0xffff, v8  }
0x25d: {  	v8 =	vld [tilespmem:s29+$0xFFFFFF90];
	v13 =	vor.u32 s2, v1;
	[tilespmem:v17+s8+$0x0] =	vst.idx.msk $0xffff, v15  }
0x25e: {  	[tilespmem:v16+s8+$0x0] =	vst.idx.msk $0xffff, v11;
	v16 =	vld [tilespmem:s29+$0x10];
	v17 =	vor.u32 s6, v1  }
0x25f: {  	[tilespmem:v19+s8+$0x0] =	vst.idx.msk $0xffff, v18;
	v15 =	vor.u32 s30, v2;
	v11 =	vld [tilespmem:s29+$0x1A0]  }
0x260: {  	[tilespmem:v14+s8+$0x0] =	vst.idx.msk $0xffff, v9;
	v9 =	vld [tilespmem:s29+$0x90];
	v14 =	vor.u32 s14, v1  }
0x261: {  	v19 =	vor.u32 s23, v1;
	v18 =	vld [tilespmem:s29+$0xFFFFFE10];
	[tilespmem:v12+s8+$0x0] =	vst.idx.msk $0xffff, v10  }
0x262: {  	v10 =	vld [tilespmem:s29+$0x110];
	v12 =	vor.u32 s15, v1;
	[tilespmem:v13+s8+$0x0] =	vst.idx.msk $0xffff, v8  }
0x263: {  	v8 =	vld [tilespmem:s29+$0xFFFFFEA0];
	v13 =	vor.u32 s0, v2;
	[tilespmem:v17+s8+$0x0] =	vst.idx.msk $0xffff, v16  }
0x264: {  	v16 =	vld [tilespmem:s29+$0xFFFFFF20];
	v17 =	vor.u32 s1, v2;
	[tilespmem:v15+s8+$0x0] =	vst.idx.msk $0xffff, v11  }
0x265: {  	[tilespmem:v14+s8+$0x0] =	vst.idx.msk $0xffff, v9;
	v9 =	vld [tilespmem:s29+$0xFFFFFFA0];
	v14 =	vor.u32 s2, v2  }
0x266: {  	[tilespmem:v19+s8+$0x0] =	vst.idx.msk $0xffff, v18;
	v15 =	vor.u32 s30, v3;
	v11 =	vld [tilespmem:s29+$0x1B0]  }
0x267: {  	[tilespmem:v12+s8+$0x0] =	vst.idx.msk $0xffff, v10;
	v10 =	vld [tilespmem:s29+$0x20];
	v12 =	vor.u32 s6, v2  }
0x268: {  	[tilespmem:v13+s8+$0x0] =	vst.idx.msk $0xffff, v8;
	v8 =	vld [tilespmem:s29+$0xA0];
	v13 =	vor.u32 s14, v2  }
0x269: {  	v19 =	vor.u32 s15, v2;
	v18 =	vld [tilespmem:s29+$0x120];
	[tilespmem:v17+s8+$0x0] =	vst.idx.msk $0xffff, v16  }
0x26a: {  	v16 =	vld [tilespmem:s29+$0xFFFFFE20];
	v17 =	vor.u32 s23, v2;
	[tilespmem:v14+s8+$0x0] =	vst.idx.msk $0xffff, v9  }
0x26b: {  	v9 =	vld [tilespmem:s29+$0xFFFFFEB0];
	v14 =	vor.u32 s0, v3;
	[tilespmem:v15+s8+$0x0] =	vst.idx.msk $0xffff, v11  }
0x26c: {  	[tilespmem:v12+s8+$0x0] =	vst.idx.msk $0xffff, v10;
	v10 =	vld [tilespmem:s29+$0xFFFFFF30];
	v12 =	vor.u32 s1, v3  }
0x26d: {  	v15 =	vor.u32 s30, v4;
	v11 =	vld [tilespmem:s29+$0x1C0];
	[tilespmem:v13+s8+$0x0] =	vst.idx.msk $0xffff, v8  }
0x26e: {  	v8 =	vld [tilespmem:s29+$0xFFFFFFB0];
	v13 =	vor.u32 s2, v3;
	[tilespmem:v19+s8+$0x0] =	vst.idx.msk $0xffff, v18  }
0x26f: {  	v18 =	vld [tilespmem:s29+$0x30];
	v19 =	vor.u32 s6, v3;
	[tilespmem:v17+s8+$0x0] =	vst.idx.msk $0xffff, v16  }
0x270: {  	[tilespmem:v14+s8+$0x0] =	vst.idx.msk $0xffff, v9;
	v9 =	vld [tilespmem:s29+$0xB0];
	v14 =	vor.u32 s14, v3  }
0x271: {  	[tilespmem:v12+s8+$0x0] =	vst.idx.msk $0xffff, v10;
	v10 =	vld [tilespmem:s29+$0x130];
	v12 =	vor.u32 s15, v3  }
0x272: {  	v17 =	vor.u32 s23, v3;
	v16 =	vld [tilespmem:s29+$0xFFFFFE30];
	[tilespmem:v15+s8+$0x0] =	vst.idx.msk $0xffff, v11  }
0x273: {  	v15 =	vor.u32 s30, v5;
	[tilespmem:v13+s8+$0x0] =	vst.idx.msk $0xffff, v8;
	v11 =	vld [tilespmem:s29+$0x1D0]  }
0x274: {  	v8 =	vld [tilespmem:s29+$0xFFFFFEC0];
	v13 =	vor.u32 s0, v4;
	[tilespmem:v19+s8+$0x0] =	vst.idx.msk $0xffff, v18  }
0x275: {  	v18 =	vld [tilespmem:s29+$0xFFFFFF40];
	v19 =	vor.u32 s1, v4;
	[tilespmem:v14+s8+$0x0] =	vst.idx.msk $0xffff, v9  }
0x276: {  	[tilespmem:v12+s8+$0x0] =	vst.idx.msk $0xffff, v10;
	v10 =	vld [tilespmem:s29+$0x40];
	v12 =	vor.u32 s6, v4  }
0x277: {  	[tilespmem:v17+s8+$0x0] =	vst.idx.msk $0xffff, v16;
	v17 =	vor.u32 s15, v4;
	v16 =	vld [tilespmem:s29+$0x140]  }
0x278: {  	v14 =	vld [tilespmem:s29+$0xFFFFFFC0];
	[tilespmem:v15+s8+$0x0] =	vst.idx.msk $0xffff, v11;
	v15 =	vor.u32 s2, v4  }
0x279: {  	[tilespmem:v13+s8+$0x0] =	vst.idx.msk $0xffff, v8;
	v11 =	vor.u32 s30, v6;
	v9 =	vld [tilespmem:s29+$0x1E0]  }
0x27a: {  	v8 =	vld [tilespmem:s29+$0xC0];
	v13 =	vor.u32 s14, v4;
	[tilespmem:v19+s8+$0x0] =	vst.idx.msk $0xffff, v18  }
0x27b: {  	v18 =	vld [tilespmem:s29+$0xFFFFFE40];
	v19 =	vor.u32 s23, v4;
	[tilespmem:v12+s8+$0x0] =	vst.idx.msk $0xffff, v10  }
0x27c: {  	v10 =	vld [tilespmem:s29+$0xFFFFFF50];
	v12 =	vor.u32 s1, v5;
	[tilespmem:v17+s8+$0x0] =	vst.idx.msk $0xffff, v16  }
0x27d: {  	[tilespmem:v15+s8+$0x0] =	vst.idx.msk $0xffff, v14;
	v14 =	vld [tilespmem:s29+$0xFFFFFED0];
	v15 =	vor.u32 s0, v5  }
0x27e: {  	v16 =	vld [tilespmem:s29+$0x50];
	v17 =	vor.u32 s6, v5;
	[tilespmem:v11+s8+$0x0] =	vst.idx.msk $0xffff, v9  }
0x27f: {  	[tilespmem:v13+s8+$0x0] =	vst.idx.msk $0xffff, v8;
	v11 =	vor.u32 s30, v7;
	v9 =	vld [tilespmem:s29+$0x1F0]  }
0x280: {  	v13 =	vor.u32 s2, v5;
	[tilespmem:v19+s8+$0x0] =	vst.idx.msk $0xffff, v18;
	v8 =	vld [tilespmem:s29+$0xFFFFFFD0]  }
0x281: {  	v19 =	vor.u32 s14, v5;
	v18 =	vld [tilespmem:s29+$0xD0];
	[tilespmem:v12+s8+$0x0] =	vst.idx.msk $0xffff, v10  }
0x282: {  	[tilespmem:v15+s8+$0x0] =	vst.idx.msk $0xffff, v14;
	v14 =	vld [tilespmem:s29+$0xFFFFFE50];
	v15 =	vor.u32 s23, v5  }
0x283: {  	v12 =	vor.u32 s0, v6;
	[tilespmem:v17+s8+$0x0] =	vst.idx.msk $0xffff, v16;
	v10 =	vld [tilespmem:s29+$0xFFFFFEE0]  }
0x284: {  	[tilespmem:v11+s8+$0x0] =	vst.idx.msk $0xffff, v9;
	v9 =	vld [tilespmem:s29+$0x150];
	v11 =	vor.u32 s15, v5  }
0x285: {  	[tilespmem:v13+s8+$0x0] =	vst.idx.msk $0xffff, v8;
	v8 =	vld [tilespmem:s29+$0xFFFFFF60];
	v13 =	vor.u32 s1, v6  }
0x286: {  	[tilespmem:v19+s8+$0x0] =	vst.idx.msk $0xffff, v18;
	v18 =	vld [tilespmem:s29+$0x60];
	v19 =	vor.u32 s6, v6  }
0x287: {  	v17 =	vor.u32 s2, v6;
	v16 =	vld [tilespmem:s29+$0xFFFFFFE0];
	[tilespmem:v15+s8+$0x0] =	vst.idx.msk $0xffff, v14  }
0x288: {  	v15 =	vor.u32 s23, v6;
	[tilespmem:v12+s8+$0x0] =	vst.idx.msk $0xffff, v10;
	v14 =	vld [tilespmem:s29+$0xFFFFFE60]  }
0x289: {  	[tilespmem:v11+s8+$0x0] =	vst.idx.msk $0xffff, v9;
	v9 =	vld [tilespmem:s29+$0xE0];
	v11 =	vor.u32 s14, v6  }
0x28a: {  	[tilespmem:v13+s8+$0x0] =	vst.idx.msk $0xffff, v8;
	v13 =	vor.u32 s0, v7;
	v8 =	vld [tilespmem:s29+$0xFFFFFEF0]  }
0x28b: {  	[tilespmem:v19+s8+$0x0] =	vst.idx.msk $0xffff, v18;
	v12 =	vor.u32 s15, v6;
	v10 =	vld [tilespmem:s29+$0x160]  }
0x28c: {  	[tilespmem:v17+s8+$0x0] =	vst.idx.msk $0xffff, v16;
	v16 =	vld [tilespmem:s29+$0xFFFFFF70];
	v17 =	vor.u32 s1, v7  }
0x28d: {  	v19 =	vor.u32 s2, v7;
	v18 =	vld [tilespmem:s29+$0xFFFFFFF0];
	[tilespmem:v15+s8+$0x0] =	vst.idx.msk $0xffff, v14  }
0x28e: {  	[tilespmem:v11+s8+$0x0] =	vst.idx.msk $0xffff, v9;
	v9 =	vld [tilespmem:s29+$0x70];
	v11 =	vor.u32 s6, v7  }
0x28f: {  	v15 =	vor.u32 s23, v7;
	[tilespmem:v13+s8+$0x0] =	vst.idx.msk $0xffff, v8;
	v14 =	vld [tilespmem:s29+$0xFFFFFE70]  }
0x290: {  	[tilespmem:v12+s8+$0x0] =	vst.idx.msk $0xffff, v10;
	v10 =	vld [tilespmem:s29+$0xF0];
	v12 =	vor.u32 s14, v7  }
0x291: {  	v13 =	vor.u32 s15, v7;
	[tilespmem:v17+s8+$0x0] =	vst.idx.msk $0xffff, v16;
	v8 =	vld [tilespmem:s29+$0x170]  }
0x292: {  	s15 =	sadd.s32 $0x6, s22;
	[tilespmem:v19+s8+$0x0] =	vst.idx.msk $0xffff, v18  }
0x293: {  	s0 =	smin.u32 s15, s5;
	[tilespmem:v11+s8+$0x0] =	vst.idx.msk $0xffff, v9  }
0x294: {  	s16 =	sor.u32 $0x2, s22;
	s0 =	smin.u32 s0, $0xF7;
	[tilespmem:v15+s8+$0x0] =	vst.idx.msk $0xffff, v14  }
0x295: {  	s1 =	smin.u32 s16, s5;
	s0 =	sshll.u32 s0, $0xC;
	[tilespmem:v12+s8+$0x0] =	vst.idx.msk $0xffff, v10  }
0x296: {  	s23 =	simm.s32 $0x4000;
	s6 =	sshll.u32 s1, $0xF;
	s0 =	sadd.s32 s0, s4;
	[tilespmem:v13+s8+$0x0] =	vst.idx.msk $0xffff, v8  }
0x297: {  	[tilespmem:s23], [sflag:$0x3] =	stream.strided.gather [hbm4b:s0+s12], $0x2000, s13, s12, $0x38;
	[tilespmem:$0x18000] =	vst v63  }
0x298: {  	s1 =	sadd.s32 s6, s9;
	s0 =	simm.s32 $0x0  }
0x299: {  	[hbm4b:s1+s0] =	stream.linear.scatter [tilespmem:s8], [sflag:$0x7], $0x400, $0x38;
	[tilespmem:$0x18000] =	vst v63  }
0x29a: {  	s15 =	simm.s32 $0x10800;
	s14 =	sadd.s32 $0x80, s1  }
0x29b: {  	[hbm4b:s14+s0] =	stream.linear.scatter [tilespmem:s15], [sflag:$0x7], $0x400, $0x38;
	[tilespmem:$0x18000] =	vst v63  }
0x29c: {  	s16 =	sadd.s32 $0x100, s1;
	s23 =	simm.s32 $0x11000  }
0x29d: {  	[hbm4b:s16+s0] =	stream.linear.scatter [tilespmem:s23], [sflag:$0x7], $0x400, $0x38;
	[tilespmem:$0x18000] =	vst v63  }
0x29e: {  	s14 =	sadd.s32 $0x180, s1;
	s15 =	simm.s32 $0x11800  }
0x29f: {  	[hbm4b:s14+s0] =	stream.linear.scatter [tilespmem:s15], [sflag:$0x7], $0x400, $0x38;
	[tilespmem:$0x18000] =	vst v63  }
0x2a0: {  	s16 =	sadd.s32 $0x200, s1;
	s23 =	simm.s32 $0x12000  }
0x2a1: {  	[hbm4b:s16+s0] =	stream.linear.scatter [tilespmem:s23], [sflag:$0x7], $0x400, $0x38;
	[tilespmem:$0x18000] =	vst v63  }
0x2a2: {  	s6 =	sadd.s32 $0x280, s1;
	s14 =	simm.s32 $0x12800  }
0x2a3: {  	[hbm4b:s6+s0] =	stream.linear.scatter [tilespmem:s14], [sflag:$0x7], $0x400, $0x38;
	[tilespmem:$0x18000] =	vst v63  }
0x2a4: {  	s15 =	sadd.s32 $0x300, s1;
	s16 =	simm.s32 $0x13000  }
0x2a5: {  	[hbm4b:s15+s0] =	stream.linear.scatter [tilespmem:s16], [sflag:$0x7], $0x400, $0x38;
	[tilespmem:$0x18000] =	vst v63  }
0x2a6: {  	s1 =	sadd.s32 $0x380, s1;
	s23 =	simm.s32 $0x13800  }
0x2a7: {  	[hbm4b:s1+s0] =	stream.linear.scatter [tilespmem:s23], [sflag:$0x7], $0x400, $0x38;
	[tilespmem:$0x18000] =	vst v63  }
0x2a8: {  	_ =	swait.ge [sflag:s24], $0x2000  }
0x2a9: {  	[sflag:s24] =	ssyncset.done $0x0  }
0x2aa: {  	s29 =	simm.s32 $0x7;
	s1 =	simm.s32 $0x6200;
	[sflag:s24] =	ssyncadd.s32 $0xFFFFE000  }
0x2ab: {  	v9 =	vor.u32 s29, v0;
	s14 =	simm.s32 $0x1;
	v8 =	vld [tilespmem:s1+$0x180]  }
0x2ac: {  	v11 =	vor.u32 s14, v0;
	s23 =	simm.s32 $0x2;
	v10 =	vld [tilespmem:s1+$0xFFFFFE80]  }
0x2ad: {  	s2 =	simm.s32 $0x3;
	v13 =	vor.u32 s23, v0;
	v12 =	vld [tilespmem:s1+$0xFFFFFF00]  }
0x2ae: {  	v15 =	vor.u32 s2, v0;
	s6 =	simm.s32 $0x4;
	v14 =	vld [tilespmem:s1+$0xFFFFFF80]  }
0x2af: {  	v17 =	vor.u32 s6, v0;
	s15 =	simm.s32 $0x5;
	v16 =	vld [tilespmem:s1+$0x0]  }
0x2b0: {  	s16 =	simm.s32 $0x6;
	v19 =	vor.u32 s15, v0;
	v18 =	vld [tilespmem:s1+$0x80];
	[tilespmem:v9+s25+$0x0] =	vst.idx.msk $0xffff, v8  }
0x2b1: {  	[tilespmem:v11+s25+$0x0] =	vst.idx.msk $0xffff, v10;
	v10 =	vld [tilespmem:s1+$0x100];
	v11 =	vor.u32 s16, v0  }
0x2b2: {  	[tilespmem:v13+s25+$0x0] =	vst.idx.msk $0xffff, v12;
	v12 =	vld [tilespmem:s1+$0xFFFFFE00];
	v13 =	vor.u32 s0, v0  }
0x2b3: {  	v9 =	vor.u32 s29, v1;
	[tilespmem:v15+s25+$0x0] =	vst.idx.msk $0xffff, v14;
	v8 =	vld [tilespmem:s1+$0x190]  }
0x2b4: {  	v15 =	vor.u32 s14, v1;
	[tilespmem:v17+s25+$0x0] =	vst.idx.msk $0xffff, v16;
	v14 =	vld [tilespmem:s1+$0xFFFFFE90]  }
0x2b5: {  	v17 =	vor.u32 s23, v1;
	[tilespmem:v19+s25+$0x0] =	vst.idx.msk $0xffff, v18;
	v16 =	vld [tilespmem:s1+$0xFFFFFF10]  }
0x2b6: {  	v19 =	vor.u32 s2, v1;
	v18 =	vld [tilespmem:s1+$0xFFFFFF90];
	[tilespmem:v11+s25+$0x0] =	vst.idx.msk $0xffff, v10  }
0x2b7: {  	[tilespmem:v13+s25+$0x0] =	vst.idx.msk $0xffff, v12;
	v10 =	vld [tilespmem:s1+$0x10];
	v11 =	vor.u32 s6, v1  }
0x2b8: {  	v12 =	vld [tilespmem:s1+$0x90];
	v13 =	vor.u32 s15, v1;
	[tilespmem:v9+s25+$0x0] =	vst.idx.msk $0xffff, v8  }
0x2b9: {  	[tilespmem:v15+s25+$0x0] =	vst.idx.msk $0xffff, v14;
	v14 =	vld [tilespmem:s1+$0x110];
	v15 =	vor.u32 s16, v1  }
0x2ba: {  	v9 =	vor.u32 s29, v2;
	[tilespmem:v17+s25+$0x0] =	vst.idx.msk $0xffff, v16;
	v8 =	vld [tilespmem:s1+$0x1A0]  }
0x2bb: {  	v16 =	vld [tilespmem:s1+$0xFFFFFE10];
	v17 =	vor.u32 s0, v1;
	[tilespmem:v19+s25+$0x0] =	vst.idx.msk $0xffff, v18  }
0x2bc: {  	v19 =	vor.u32 s14, v2;
	v18 =	vld [tilespmem:s1+$0xFFFFFEA0];
	[tilespmem:v11+s25+$0x0] =	vst.idx.msk $0xffff, v10  }
0x2bd: {  	v10 =	vld [tilespmem:s1+$0xFFFFFF20];
	v11 =	vor.u32 s23, v2;
	[tilespmem:v13+s25+$0x0] =	vst.idx.msk $0xffff, v12  }
0x2be: {  	v12 =	vld [tilespmem:s1+$0xFFFFFFA0];
	v13 =	vor.u32 s2, v2;
	[tilespmem:v15+s25+$0x0] =	vst.idx.msk $0xffff, v14  }
0x2bf: {  	v14 =	vld [tilespmem:s1+$0x20];
	v15 =	vor.u32 s6, v2;
	[tilespmem:v9+s25+$0x0] =	vst.idx.msk $0xffff, v8  }
0x2c0: {  	[tilespmem:v17+s25+$0x0] =	vst.idx.msk $0xffff, v16;
	v9 =	vor.u32 s29, v3;
	v8 =	vld [tilespmem:s1+$0x1B0]  }
0x2c1: {  	v16 =	vld [tilespmem:s1+$0xA0];
	v17 =	vor.u32 s15, v2;
	[tilespmem:v19+s25+$0x0] =	vst.idx.msk $0xffff, v18  }
0x2c2: {  	v18 =	vld [tilespmem:s1+$0x120];
	v19 =	vor.u32 s16, v2;
	[tilespmem:v11+s25+$0x0] =	vst.idx.msk $0xffff, v10  }
0x2c3: {  	v10 =	vld [tilespmem:s1+$0xFFFFFE20];
	v11 =	vor.u32 s0, v2;
	[tilespmem:v13+s25+$0x0] =	vst.idx.msk $0xffff, v12  }
0x2c4: {  	v12 =	vld [tilespmem:s1+$0xFFFFFEB0];
	v13 =	vor.u32 s14, v3;
	[tilespmem:v15+s25+$0x0] =	vst.idx.msk $0xffff, v14  }
0x2c5: {  	v14 =	vld [tilespmem:s1+$0xFFFFFF30];
	v15 =	vor.u32 s23, v3;
	[tilespmem:v9+s25+$0x0] =	vst.idx.msk $0xffff, v8  }
0x2c6: {  	[tilespmem:v17+s25+$0x0] =	vst.idx.msk $0xffff, v16;
	v9 =	vor.u32 s29, v4;
	v8 =	vld [tilespmem:s1+$0x1C0]  }
0x2c7: {  	v16 =	vld [tilespmem:s1+$0xFFFFFFB0];
	v17 =	vor.u32 s2, v3;
	[tilespmem:v19+s25+$0x0] =	vst.idx.msk $0xffff, v18  }
0x2c8: {  	v18 =	vld [tilespmem:s1+$0x30];
	v19 =	vor.u32 s6, v3;
	[tilespmem:v11+s25+$0x0] =	vst.idx.msk $0xffff, v10  }
0x2c9: {  	[tilespmem:v13+s25+$0x0] =	vst.idx.msk $0xffff, v12;
	v10 =	vld [tilespmem:s1+$0xB0];
	v11 =	vor.u32 s15, v3  }
0x2ca: {  	v12 =	vld [tilespmem:s1+$0x130];
	v13 =	vor.u32 s16, v3;
	[tilespmem:v15+s25+$0x0] =	vst.idx.msk $0xffff, v14  }
0x2cb: {  	v14 =	vld [tilespmem:s1+$0xFFFFFE30];
	v15 =	vor.u32 s0, v3;
	[tilespmem:v9+s25+$0x0] =	vst.idx.msk $0xffff, v8  }
0x2cc: {  	[tilespmem:v17+s25+$0x0] =	vst.idx.msk $0xffff, v16;
	v9 =	vor.u32 s29, v5;
	v8 =	vld [tilespmem:s1+$0x1D0]  }
0x2cd: {  	v16 =	vld [tilespmem:s1+$0xFFFFFEC0];
	v17 =	vor.u32 s14, v4;
	[tilespmem:v19+s25+$0x0] =	vst.idx.msk $0xffff, v18  }
0x2ce: {  	v18 =	vld [tilespmem:s1+$0xFFFFFF40];
	v19 =	vor.u32 s23, v4;
	[tilespmem:v11+s25+$0x0] =	vst.idx.msk $0xffff, v10  }
0x2cf: {  	v10 =	vld [tilespmem:s1+$0xFFFFFFC0];
	v11 =	vor.u32 s2, v4;
	[tilespmem:v13+s25+$0x0] =	vst.idx.msk $0xffff, v12  }
0x2d0: {  	v12 =	vld [tilespmem:s1+$0x40];
	v13 =	vor.u32 s6, v4;
	[tilespmem:v15+s25+$0x0] =	vst.idx.msk $0xffff, v14  }
0x2d1: {  	v14 =	vld [tilespmem:s1+$0xC0];
	v15 =	vor.u32 s15, v4;
	[tilespmem:v9+s25+$0x0] =	vst.idx.msk $0xffff, v8  }
0x2d2: {  	[tilespmem:v17+s25+$0x0] =	vst.idx.msk $0xffff, v16;
	v9 =	vor.u32 s29, v6;
	v8 =	vld [tilespmem:s1+$0x1E0]  }
0x2d3: {  	v16 =	vld [tilespmem:s1+$0x140];
	v17 =	vor.u32 s16, v4;
	[tilespmem:v19+s25+$0x0] =	vst.idx.msk $0xffff, v18  }
0x2d4: {  	v18 =	vld [tilespmem:s1+$0xFFFFFE40];
	v19 =	vor.u32 s0, v4;
	[tilespmem:v11+s25+$0x0] =	vst.idx.msk $0xffff, v10  }
0x2d5: {  	v10 =	vld [tilespmem:s1+$0xFFFFFED0];
	v11 =	vor.u32 s14, v5;
	[tilespmem:v13+s25+$0x0] =	vst.idx.msk $0xffff, v12  }
0x2d6: {  	v12 =	vld [tilespmem:s1+$0xFFFFFF50];
	v13 =	vor.u32 s23, v5;
	[tilespmem:v15+s25+$0x0] =	vst.idx.msk $0xffff, v14  }
0x2d7: {  	v14 =	vld [tilespmem:s1+$0xFFFFFFD0];
	v15 =	vor.u32 s2, v5;
	[tilespmem:v9+s25+$0x0] =	vst.idx.msk $0xffff, v8  }
0x2d8: {  	[tilespmem:v17+s25+$0x0] =	vst.idx.msk $0xffff, v16;
	v8 =	vor.u32 s29, v7;
	v9 =	vld [tilespmem:s1+$0x1F0]  }
0x2d9: {  	v16 =	vld [tilespmem:s1+$0x50];
	v17 =	vor.u32 s6, v5;
	[tilespmem:v19+s25+$0x0] =	vst.idx.msk $0xffff, v18  }
0x2da: {  	v18 =	vld [tilespmem:s1+$0xD0];
	v19 =	vor.u32 s15, v5;
	[tilespmem:v11+s25+$0x0] =	vst.idx.msk $0xffff, v10  }
0x2db: {  	v10 =	vld [tilespmem:s1+$0xFFFFFE50];
	v11 =	vor.u32 s0, v5;
	[tilespmem:v13+s25+$0x0] =	vst.idx.msk $0xffff, v12  }
0x2dc: {  	v13 =	vor.u32 s14, v6;
	v12 =	vld [tilespmem:s1+$0xFFFFFEE0];
	[tilespmem:v15+s25+$0x0] =	vst.idx.msk $0xffff, v14  }
0x2dd: {  	[tilespmem:v8+s25+$0x0] =	vst.idx.msk $0xffff, v9;
	v8 =	vld [tilespmem:s1+$0x150];
	v9 =	vor.u32 s16, v5  }
0x2de: {  	v14 =	vld [tilespmem:s1+$0xFFFFFF60];
	v15 =	vor.u32 s23, v6;
	[tilespmem:v17+s25+$0x0] =	vst.idx.msk $0xffff, v16  }
0x2df: {  	v17 =	vor.u32 s2, v6;
	v16 =	vld [tilespmem:s1+$0xFFFFFFE0];
	[tilespmem:v19+s25+$0x0] =	vst.idx.msk $0xffff, v18  }
0x2e0: {  	v18 =	vld [tilespmem:s1+$0x60];
	v19 =	vor.u32 s6, v6;
	[tilespmem:v11+s25+$0x0] =	vst.idx.msk $0xffff, v10  }
0x2e1: {  	v20 =	vor.u32 s0, v6;
	[tilespmem:v13+s25+$0x0] =	vst.idx.msk $0xffff, v12;
	v13 =	vld [tilespmem:s1+$0xFFFFFE60]  }
0x2e2: {  	[tilespmem:v9+s25+$0x0] =	vst.idx.msk $0xffff, v8;
	v8 =	vld [tilespmem:s1+$0xE0];
	v9 =	vor.u32 s15, v6  }
0x2e3: {  	v12 =	vor.u32 s16, v6;
	[tilespmem:v15+s25+$0x0] =	vst.idx.msk $0xffff, v14;
	v10 =	vld [tilespmem:s1+$0x160]  }
0x2e4: {  	v21 =	vor.u32 s14, v7;
	v22 =	vld [tilespmem:s1+$0xFFFFFEF0];
	[tilespmem:v17+s25+$0x0] =	vst.idx.msk $0xffff, v16  }
0x2e5: {  	v23 =	vor.u32 s23, v7;
	v24 =	vld [tilespmem:s1+$0xFFFFFF70];
	[tilespmem:v19+s25+$0x0] =	vst.idx.msk $0xffff, v18  }
0x2e6: {  	v17 =	vor.u32 s2, v7;
	v15 =	vld [tilespmem:s1+$0xFFFFFFF0];
	[tilespmem:v20+s25+$0x0] =	vst.idx.msk $0xffff, v13  }
0x2e7: {  	v16 =	vor.u32 s6, v7;
	v11 =	vld [tilespmem:s1+$0x70];
	[tilespmem:v9+s25+$0x0] =	vst.idx.msk $0xffff, v8  }
0x2e8: {  	v14 =	vor.u32 s15, v7;
	[tilespmem:v12+s25+$0x0] =	vst.idx.msk $0xffff, v10;
	v9 =	vld [tilespmem:s1+$0xF0]  }
0x2e9: {  	s31 =	simm.s32 $0x10;
	[tilespmem:v21+s25+$0x0] =	vst.idx.msk $0xffff, v22;
	v12 =	vor.u32 s16, v7;
	v10 =	vld [tilespmem:s1+$0x170]  }
0x2ea: {  	s30 =	simm.s32 $0xF;
	s23 =	simm.s32 $0x8;
	s29 =	simm.s32 $0x6600;
	v13 =	vor.u32 s0, v7;
	[tilespmem:v23+s25+$0x0] =	vst.idx.msk $0xffff, v24;
	v8 =	vld [tilespmem:s1+$0xFFFFFE70]  }
.LBB2_9:
0x2eb: {  	p1 =	slt.u32 s31, $0x38;
	s1 =	sadd.s32 $0x1, s23;
	v18 =	vld [tilespmem:s29+$0x180];
	v19 =	vor.u32 s30, v0;
	[tilespmem:v17+s25+$0x0] =	vst.idx.msk $0xffff, v15;
	s0 =	smov.u32 s23  }
0x2ec: {  	s23 =	smov.u32 s31;
	v15 =	vld [tilespmem:s29+$0xFFFFFE80];
	v17 =	vor.u32 s1, v0;
	s2 =	sadd.s32 $0x2, s0;
	[tilespmem:v16+s25+$0x0] =	vst.idx.msk $0xffff, v11  }
0x2ed: {  	s6 =	sadd.s32 $0x3, s0;
	v11 =	vld [tilespmem:s29+$0xFFFFFF00];
	v16 =	vor.u32 s2, v0;
	[tilespmem:v14+s25+$0x0] =	vst.idx.msk $0xffff, v9  }
0x2ee: {  	s14 =	sadd.s32 $0x4, s0;
	v14 =	vor.u32 s6, v0;
	v9 =	vld [tilespmem:s29+$0xFFFFFF80];
	[tilespmem:v12+s25+$0x0] =	vst.idx.msk $0xffff, v10  }
0x2ef: {  	s15 =	sadd.s32 $0x5, s0;
	v12 =	vor.u32 s14, v0;
	v10 =	vld [tilespmem:s29+$0x0];
	[tilespmem:v13+s25+$0x0] =	vst.idx.msk $0xffff, v8  }
0x2f0: {  	v13 =	vor.u32 s15, v0;
	v8 =	vld [tilespmem:s29+$0x80];
	[tilespmem:v19+s25+$0x0] =	vst.idx.msk $0xffff, v18  }
0x2f1: {  	s16 =	sadd.s32 $0x6, s0;
	[tilespmem:v17+s25+$0x0] =	vst.idx.msk $0xffff, v15;
	v15 =	vld [tilespmem:s29+$0x190];
	v17 =	vor.u32 s30, v1  }
0x2f2: {  	[tilespmem:v16+s25+$0x0] =	vst.idx.msk $0xffff, v11;
	v11 =	vld [tilespmem:s29+$0x100];
	v16 =	vor.u32 s16, v0  }
0x2f3: {  	v19 =	vor.u32 s0, v0;
	v18 =	vld [tilespmem:s29+$0xFFFFFE00];
	[tilespmem:v14+s25+$0x0] =	vst.idx.msk $0xffff, v9  }
0x2f4: {  	v14 =	vor.u32 s1, v1;
	v9 =	vld [tilespmem:s29+$0xFFFFFE90];
	[tilespmem:v12+s25+$0x0] =	vst.idx.msk $0xffff, v10  }
0x2f5: {  	v12 =	vor.u32 s2, v1;
	v10 =	vld [tilespmem:s29+$0xFFFFFF10];
	[tilespmem:v13+s25+$0x0] =	vst.idx.msk $0xffff, v8  }
0x2f6: {  	v13 =	vor.u32 s6, v1;
	v8 =	vld [tilespmem:s29+$0xFFFFFF90];
	[tilespmem:v17+s25+$0x0] =	vst.idx.msk $0xffff, v15  }
0x2f7: {  	v15 =	vor.u32 s30, v2;
	[tilespmem:v16+s25+$0x0] =	vst.idx.msk $0xffff, v11;
	v11 =	vld [tilespmem:s29+$0x1A0]  }
0x2f8: {  	v17 =	vor.u32 s14, v1;
	[tilespmem:v19+s25+$0x0] =	vst.idx.msk $0xffff, v18;
	v16 =	vld [tilespmem:s29+$0x10]  }
0x2f9: {  	[tilespmem:v14+s25+$0x0] =	vst.idx.msk $0xffff, v9;
	v9 =	vld [tilespmem:s29+$0x90];
	v14 =	vor.u32 s15, v1  }
0x2fa: {  	[tilespmem:v12+s25+$0x0] =	vst.idx.msk $0xffff, v10;
	v10 =	vld [tilespmem:s29+$0x110];
	v12 =	vor.u32 s16, v1  }
0x2fb: {  	v19 =	vor.u32 s0, v1;
	v18 =	vld [tilespmem:s29+$0xFFFFFE10];
	[tilespmem:v13+s25+$0x0] =	vst.idx.msk $0xffff, v8  }
0x2fc: {  	v13 =	vor.u32 s1, v2;
	v8 =	vld [tilespmem:s29+$0xFFFFFEA0];
	[tilespmem:v15+s25+$0x0] =	vst.idx.msk $0xffff, v11  }
0x2fd: {  	v15 =	vor.u32 s30, v3;
	[tilespmem:v17+s25+$0x0] =	vst.idx.msk $0xffff, v16;
	v11 =	vld [tilespmem:s29+$0x1B0]  }
0x2fe: {  	v17 =	vor.u32 s2, v2;
	v16 =	vld [tilespmem:s29+$0xFFFFFF20];
	[tilespmem:v14+s25+$0x0] =	vst.idx.msk $0xffff, v9  }
0x2ff: {  	v14 =	vor.u32 s6, v2;
	v9 =	vld [tilespmem:s29+$0xFFFFFFA0];
	[tilespmem:v12+s25+$0x0] =	vst.idx.msk $0xffff, v10  }
0x300: {  	v12 =	vor.u32 s14, v2;
	[tilespmem:v19+s25+$0x0] =	vst.idx.msk $0xffff, v18;
	v10 =	vld [tilespmem:s29+$0x20]  }
0x301: {  	[tilespmem:v13+s25+$0x0] =	vst.idx.msk $0xffff, v8;
	v8 =	vld [tilespmem:s29+$0xA0];
	v13 =	vor.u32 s15, v2  }
0x302: {  	v19 =	vor.u32 s16, v2;
	v18 =	vld [tilespmem:s29+$0x120];
	[tilespmem:v15+s25+$0x0] =	vst.idx.msk $0xffff, v11  }
0x303: {  	v15 =	vor.u32 s30, v4;
	[tilespmem:v17+s25+$0x0] =	vst.idx.msk $0xffff, v16;
	v11 =	vld [tilespmem:s29+$0x1C0]  }
0x304: {  	v17 =	vor.u32 s0, v2;
	v16 =	vld [tilespmem:s29+$0xFFFFFE20];
	[tilespmem:v14+s25+$0x0] =	vst.idx.msk $0xffff, v9  }
0x305: {  	v14 =	vor.u32 s1, v3;
	v9 =	vld [tilespmem:s29+$0xFFFFFEB0];
	[tilespmem:v12+s25+$0x0] =	vst.idx.msk $0xffff, v10  }
0x306: {  	v12 =	vor.u32 s2, v3;
	v10 =	vld [tilespmem:s29+$0xFFFFFF30];
	[tilespmem:v13+s25+$0x0] =	vst.idx.msk $0xffff, v8  }
0x307: {  	v13 =	vor.u32 s6, v3;
	v8 =	vld [tilespmem:s29+$0xFFFFFFB0];
	[tilespmem:v19+s25+$0x0] =	vst.idx.msk $0xffff, v18  }
0x308: {  	v19 =	vor.u32 s14, v3;
	v18 =	vld [tilespmem:s29+$0x30];
	[tilespmem:v15+s25+$0x0] =	vst.idx.msk $0xffff, v11  }
0x309: {  	v15 =	vor.u32 s30, v5;
	[tilespmem:v17+s25+$0x0] =	vst.idx.msk $0xffff, v16;
	v11 =	vld [tilespmem:s29+$0x1D0]  }
0x30a: {  	[tilespmem:v14+s25+$0x0] =	vst.idx.msk $0xffff, v9;
	v9 =	vld [tilespmem:s29+$0xB0];
	v14 =	vor.u32 s15, v3  }
0x30b: {  	[tilespmem:v12+s25+$0x0] =	vst.idx.msk $0xffff, v10;
	v10 =	vld [tilespmem:s29+$0x130];
	v12 =	vor.u32 s16, v3  }
0x30c: {  	v17 =	vor.u32 s0, v3;
	v16 =	vld [tilespmem:s29+$0xFFFFFE30];
	[tilespmem:v13+s25+$0x0] =	vst.idx.msk $0xffff, v8  }
0x30d: {  	v13 =	vor.u32 s1, v4;
	v8 =	vld [tilespmem:s29+$0xFFFFFEC0];
	[tilespmem:v19+s25+$0x0] =	vst.idx.msk $0xffff, v18  }
0x30e: {  	v19 =	vor.u32 s2, v4;
	v18 =	vld [tilespmem:s29+$0xFFFFFF40];
	[tilespmem:v15+s25+$0x0] =	vst.idx.msk $0xffff, v11  }
0x30f: {  	v11 =	vor.u32 s30, v6;
	[tilespmem:v14+s25+$0x0] =	vst.idx.msk $0xffff, v9;
	v9 =	vld [tilespmem:s29+$0x1E0]  }
0x310: {  	v15 =	vor.u32 s6, v4;
	v14 =	vld [tilespmem:s29+$0xFFFFFFC0];
	[tilespmem:v12+s25+$0x0] =	vst.idx.msk $0xffff, v10  }
0x311: {  	v12 =	vor.u32 s14, v4;
	[tilespmem:v17+s25+$0x0] =	vst.idx.msk $0xffff, v16;
	v10 =	vld [tilespmem:s29+$0x40]  }
0x312: {  	[tilespmem:v13+s25+$0x0] =	vst.idx.msk $0xffff, v8;
	v8 =	vld [tilespmem:s29+$0xC0];
	v13 =	vor.u32 s15, v4  }
0x313: {  	v17 =	vor.u32 s16, v4;
	[tilespmem:v19+s25+$0x0] =	vst.idx.msk $0xffff, v18;
	v16 =	vld [tilespmem:s29+$0x140]  }
0x314: {  	v19 =	vor.u32 s0, v4;
	v18 =	vld [tilespmem:s29+$0xFFFFFE40];
	[tilespmem:v11+s25+$0x0] =	vst.idx.msk $0xffff, v9  }
0x315: {  	v11 =	vor.u32 s30, v7;
	[tilespmem:v15+s25+$0x0] =	vst.idx.msk $0xffff, v14;
	v9 =	vld [tilespmem:s29+$0x1F0]  }
0x316: {  	v15 =	vor.u32 s1, v5;
	v14 =	vld [tilespmem:s29+$0xFFFFFED0];
	[tilespmem:v12+s25+$0x0] =	vst.idx.msk $0xffff, v10  }
0x317: {  	v12 =	vor.u32 s2, v5;
	v10 =	vld [tilespmem:s29+$0xFFFFFF50];
	[tilespmem:v13+s25+$0x0] =	vst.idx.msk $0xffff, v8  }
0x318: {  	v13 =	vor.u32 s6, v5;
	v8 =	vld [tilespmem:s29+$0xFFFFFFD0];
	[tilespmem:v17+s25+$0x0] =	vst.idx.msk $0xffff, v16  }
0x319: {  	v17 =	vor.u32 s14, v5;
	[tilespmem:v19+s25+$0x0] =	vst.idx.msk $0xffff, v18;
	v16 =	vld [tilespmem:s29+$0x50]  }
0x31a: {  	v19 =	vor.u32 s15, v5;
	v18 =	vld [tilespmem:s29+$0xD0];
	[tilespmem:v11+s25+$0x0] =	vst.idx.msk $0xffff, v9  }
0x31b: {  	v11 =	vor.u32 s16, v5;
	[tilespmem:v15+s25+$0x0] =	vst.idx.msk $0xffff, v14;
	v9 =	vld [tilespmem:s29+$0x150]  }
0x31c: {  	v15 =	vor.u32 s0, v5;
	v14 =	vld [tilespmem:s29+$0xFFFFFE50];
	[tilespmem:v12+s25+$0x0] =	vst.idx.msk $0xffff, v10  }
0x31d: {  	v12 =	vor.u32 s1, v6;
	v10 =	vld [tilespmem:s29+$0xFFFFFEE0];
	[tilespmem:v13+s25+$0x0] =	vst.idx.msk $0xffff, v8  }
0x31e: {  	v13 =	vor.u32 s2, v6;
	v8 =	vld [tilespmem:s29+$0xFFFFFF60];
	[tilespmem:v17+s25+$0x0] =	vst.idx.msk $0xffff, v16  }
0x31f: {  	v17 =	vor.u32 s6, v6;
	v16 =	vld [tilespmem:s29+$0xFFFFFFE0];
	[tilespmem:v19+s25+$0x0] =	vst.idx.msk $0xffff, v18  }
0x320: {  	v19 =	vor.u32 s14, v6;
	v18 =	vld [tilespmem:s29+$0x60];
	[tilespmem:v11+s25+$0x0] =	vst.idx.msk $0xffff, v9  }
0x321: {  	v11 =	vor.u32 s15, v6;
	[tilespmem:v15+s25+$0x0] =	vst.idx.msk $0xffff, v14;
	v9 =	vld [tilespmem:s29+$0xE0]  }
0x322: {  	[tilespmem:v12+s25+$0x0] =	vst.idx.msk $0xffff, v10;
	v10 =	vld [tilespmem:s29+$0x160];
	v12 =	vor.u32 s16, v6  }
0x323: {  	v20 =	vor.u32 s0, v6;
	v14 =	vld [tilespmem:s29+$0xFFFFFE60];
	[tilespmem:v13+s25+$0x0] =	vst.idx.msk $0xffff, v8  }
0x324: {  	v13 =	vor.u32 s1, v7;
	v8 =	vld [tilespmem:s29+$0xFFFFFEF0];
	[tilespmem:v17+s25+$0x0] =	vst.idx.msk $0xffff, v16  }
0x325: {  	v22 =	vor.u32 s2, v7;
	v21 =	vld [tilespmem:s29+$0xFFFFFF70];
	[tilespmem:v19+s25+$0x0] =	vst.idx.msk $0xffff, v18  }
.Ltmp3:
0x326: {  	v17 =	vor.u32 s6, v7;
	v15 =	vld [tilespmem:s29+$0xFFFFFFF0];
	[tilespmem:v11+s25+$0x0] =	vst.idx.msk $0xffff, v9;
	(pc) =	sbr.rel @p1 .LBB2_9-.Ltmp3, $4  }
0x327: {  	v16 =	vor.u32 s14, v7;
	v11 =	vld [tilespmem:s29+$0x70];
	[tilespmem:v12+s25+$0x0] =	vst.idx.msk $0xffff, v10  }
0x328: {  	[tilespmem:v20+s25+$0x0] =	vst.idx.msk $0xffff, v14;
	v9 =	vld [tilespmem:s29+$0xF0];
	v14 =	vor.u32 s15, v7  }
0x329: {  	v12 =	vor.u32 s16, v7;
	[tilespmem:v13+s25+$0x0] =	vst.idx.msk $0xffff, v8;
	v10 =	vld [tilespmem:s29+$0x170]  }
0x32a: {  	s31 =	sadd.s32 $0x8, s31;
	s30 =	sadd.s32 $0x7, s23;
	v13 =	vor.u32 s0, v7;
	v8 =	vld [tilespmem:s29+$0xFFFFFE70];
	[tilespmem:v22+s25+$0x0] =	vst.idx.msk $0xffff, v21;
	s29 =	sadd.s32 $0x400, s29  }
0x32b: {  	_ =	sdelay $0x3  }
0x32c: {  	v18 =	vld [tilespmem:s29+$0x180];
	v19 =	vor.u32 s30, v0;
	[tilespmem:v17+s25+$0x0] =	vst.idx.msk $0xffff, v15  }
0x32d: {  	s0 =	sadd.s32 $0x1, s23;
	v55 =	vld [tilespmem:s29+$0xFFFFFE00];
	v56 =	vor.u32 s23, v0;
	[tilespmem:v16+s25+$0x0] =	vst.idx.msk $0xffff, v11  }
0x32e: {  	v42 =	vld [tilespmem:s29+$0xFFFFFE80];
	s1 =	sadd.s32 $0x2, s23;
	v43 =	vor.u32 s0, v0;
	[tilespmem:v14+s25+$0x0] =	vst.idx.msk $0xffff, v9  }
0x32f: {  	v44 =	vld [tilespmem:s29+$0xFFFFFF00];
	s2 =	sadd.s32 $0x3, s23;
	v45 =	vor.u32 s1, v0;
	[tilespmem:v12+s25+$0x0] =	vst.idx.msk $0xffff, v10  }
0x330: {  	v46 =	vld [tilespmem:s29+$0xFFFFFF80];
	s6 =	sadd.s32 $0x4, s23;
	v47 =	vor.u32 s2, v0;
	[tilespmem:v13+s25+$0x0] =	vst.idx.msk $0xffff, v8  }
0x331: {  	v48 =	vld [tilespmem:s29+$0x0];
	s15 =	sadd.s32 $0x6, s23;
	v49 =	vor.u32 s6, v0;
	[tilespmem:v19+s25+$0x0] =	vst.idx.msk $0xffff, v18  }
0x332: {  	s14 =	sadd.s32 $0x5, s23;
	v53 =	vld [tilespmem:s29+$0x100];
	v54 =	vor.u32 s15, v0;
	[tilespmem:v56+s25+$0x0] =	vst.idx.msk $0xffff, v55  }
0x333: {  	v50 =	vor.u32 s14, v0;
	v8 =	vld [tilespmem:s29+$0x80];
	[tilespmem:v43+s25+$0x0] =	vst.idx.msk $0xffff, v42  }
0x334: {  	v52 =	vor.u32 s30, v1;
	v51 =	vld [tilespmem:s29+$0x190];
	[tilespmem:v45+s25+$0x0] =	vst.idx.msk $0xffff, v44  }
0x335: {  	v27 =	vor.u32 s23, v1;
	[tilespmem:v47+s25+$0x0] =	vst.idx.msk $0xffff, v46;
	v18 =	vld [tilespmem:s29+$0xFFFFFE10]  }
0x336: {  	v58 =	vor.u32 s0, v1;
	[tilespmem:v49+s25+$0x0] =	vst.idx.msk $0xffff, v48;
	v57 =	vld [tilespmem:s29+$0xFFFFFE90]  }
0x337: {  	v60 =	vor.u32 s1, v1;
	[tilespmem:v54+s25+$0x0] =	vst.idx.msk $0xffff, v53;
	v59 =	vld [tilespmem:s29+$0xFFFFFF10]  }
0x338: {  	v22 =	vor.u32 s6, v1;
	v21 =	vld [tilespmem:s29+$0x10];
	[tilespmem:v50+s25+$0x0] =	vst.idx.msk $0xffff, v8  }
0x339: {  	v26 =	vor.u32 s15, v1;
	v25 =	vld [tilespmem:s29+$0x110];
	[tilespmem:v52+s25+$0x0] =	vst.idx.msk $0xffff, v51  }
0x33a: {  	v61 =	vor.u32 s2, v1;
	v8 =	vld [tilespmem:s29+$0xFFFFFF90];
	[tilespmem:v27+s25+$0x0] =	vst.idx.msk $0xffff, v18  }
0x33b: {  	v24 =	vor.u32 s14, v1;
	v23 =	vld [tilespmem:s29+$0x90];
	[tilespmem:v58+s25+$0x0] =	vst.idx.msk $0xffff, v57  }
0x33c: {  	v63 =	vor.u32 s30, v2;
	v62 =	vld [tilespmem:s29+$0x1A0];
	[tilespmem:v60+s25+$0x0] =	vst.idx.msk $0xffff, v59  }
0x33d: {  	v41 =	vor.u32 s23, v2;
	[tilespmem:v22+s25+$0x0] =	vst.idx.msk $0xffff, v21;
	v40 =	vld [tilespmem:s29+$0xFFFFFE20]  }
0x33e: {  	v31 =	vor.u32 s1, v2;
	[tilespmem:v26+s25+$0x0] =	vst.idx.msk $0xffff, v25;
	v30 =	vld [tilespmem:s29+$0xFFFFFF20]  }
0x33f: {  	v35 =	vor.u32 s6, v2;
	v34 =	vld [tilespmem:s29+$0x20];
	[tilespmem:v61+s25+$0x0] =	vst.idx.msk $0xffff, v8  }
0x340: {  	v28 =	vor.u32 s0, v2;
	v8 =	vld [tilespmem:s29+$0xFFFFFEA0];
	[tilespmem:v24+s25+$0x0] =	vst.idx.msk $0xffff, v23  }
0x341: {  	v38 =	vor.u32 s15, v2;
	v37 =	vld [tilespmem:s29+$0x120];
	[tilespmem:v63+s25+$0x0] =	vst.idx.msk $0xffff, v62  }
0x342: {  	v33 =	vor.u32 s2, v2;
	v32 =	vld [tilespmem:s29+$0xFFFFFFA0];
	[tilespmem:v41+s25+$0x0] =	vst.idx.msk $0xffff, v40  }
0x343: {  	v29 =	vor.u32 s30, v3;
	v11 =	vld [tilespmem:s29+$0x1B0];
	[tilespmem:v31+s25+$0x0] =	vst.idx.msk $0xffff, v30  }
0x344: {  	v54 =	vor.u32 s23, v3;
	[tilespmem:v35+s25+$0x0] =	vst.idx.msk $0xffff, v34;
	v16 =	vld [tilespmem:s29+$0xFFFFFE30]  }
0x345: {  	v36 =	vor.u32 s14, v2;
	[tilespmem:v28+s25+$0x0] =	vst.idx.msk $0xffff, v8;
	v8 =	vld [tilespmem:s29+$0xA0]  }
0x346: {  	v45 =	vor.u32 s1, v3;
	[tilespmem:v38+s25+$0x0] =	vst.idx.msk $0xffff, v37;
	v44 =	vld [tilespmem:s29+$0xFFFFFF30]  }
0x347: {  	v48 =	vor.u32 s6, v3;
	v47 =	vld [tilespmem:s29+$0x30];
	[tilespmem:v33+s25+$0x0] =	vst.idx.msk $0xffff, v32  }
0x348: {  	v53 =	vor.u32 s15, v3;
	v52 =	vld [tilespmem:s29+$0x130];
	[tilespmem:v29+s25+$0x0] =	vst.idx.msk $0xffff, v11  }
0x349: {  	v43 =	vor.u32 s0, v3;
	v42 =	vld [tilespmem:s29+$0xFFFFFEB0];
	[tilespmem:v54+s25+$0x0] =	vst.idx.msk $0xffff, v16  }
0x34a: {  	v39 =	vor.u32 s30, v4;
	v11 =	vld [tilespmem:s29+$0x1C0];
	[tilespmem:v36+s25+$0x0] =	vst.idx.msk $0xffff, v8  }
0x34b: {  	v46 =	vor.u32 s2, v3;
	v8 =	vld [tilespmem:s29+$0xFFFFFFB0];
	[tilespmem:v45+s25+$0x0] =	vst.idx.msk $0xffff, v44  }
0x34c: {  	v25 =	vor.u32 s23, v4;
	[tilespmem:v48+s25+$0x0] =	vst.idx.msk $0xffff, v47;
	v24 =	vld [tilespmem:s29+$0xFFFFFE40]  }
0x34d: {  	v51 =	vor.u32 s14, v3;
	[tilespmem:v53+s25+$0x0] =	vst.idx.msk $0xffff, v52;
	v50 =	vld [tilespmem:s29+$0xB0]  }
0x34e: {  	v57 =	vor.u32 s1, v4;
	[tilespmem:v43+s25+$0x0] =	vst.idx.msk $0xffff, v42;
	v56 =	vld [tilespmem:s29+$0xFFFFFF40]  }
0x34f: {  	v63 =	vor.u32 s6, v4;
	v62 =	vld [tilespmem:s29+$0x40];
	[tilespmem:v39+s25+$0x0] =	vst.idx.msk $0xffff, v11  }
0x350: {  	v23 =	vor.u32 s15, v4;
	v22 =	vld [tilespmem:s29+$0x140];
	[tilespmem:v46+s25+$0x0] =	vst.idx.msk $0xffff, v8  }
0x351: {  	v55 =	vor.u32 s0, v4;
	v8 =	vld [tilespmem:s29+$0xFFFFFEC0];
	[tilespmem:v25+s25+$0x0] =	vst.idx.msk $0xffff, v24  }
0x352: {  	v49 =	vor.u32 s30, v5;
	v11 =	vld [tilespmem:s29+$0x1D0];
	[tilespmem:v51+s25+$0x0] =	vst.idx.msk $0xffff, v50  }
0x353: {  	v61 =	vor.u32 s2, v4;
	v60 =	vld [tilespmem:s29+$0xFFFFFFC0];
	[tilespmem:v57+s25+$0x0] =	vst.idx.msk $0xffff, v56  }
0x354: {  	v39 =	vor.u32 s23, v5;
	[tilespmem:v63+s25+$0x0] =	vst.idx.msk $0xffff, v62;
	v38 =	vld [tilespmem:s29+$0xFFFFFE50]  }
0x355: {  	v30 =	vor.u32 s1, v5;
	[tilespmem:v23+s25+$0x0] =	vst.idx.msk $0xffff, v22;
	v29 =	vld [tilespmem:s29+$0xFFFFFF50]  }
0x356: {  	v33 =	vor.u32 s6, v5;
	v32 =	vld [tilespmem:s29+$0x50];
	[tilespmem:v55+s25+$0x0] =	vst.idx.msk $0xffff, v8  }
0x357: {  	v21 =	vor.u32 s14, v4;
	v8 =	vld [tilespmem:s29+$0xC0];
	[tilespmem:v49+s25+$0x0] =	vst.idx.msk $0xffff, v11  }
0x358: {  	v37 =	vor.u32 s15, v5;
	v36 =	vld [tilespmem:s29+$0x150];
	[tilespmem:v61+s25+$0x0] =	vst.idx.msk $0xffff, v60  }
0x359: {  	v28 =	vor.u32 s0, v5;
	v27 =	vld [tilespmem:s29+$0xFFFFFED0];
	[tilespmem:v39+s25+$0x0] =	vst.idx.msk $0xffff, v38  }
0x35a: {  	v59 =	vor.u32 s30, v6;
	v58 =	vld [tilespmem:s29+$0x1E0];
	[tilespmem:v30+s25+$0x0] =	vst.idx.msk $0xffff, v29  }
0x35b: {  	v51 =	vor.u32 s23, v6;
	[tilespmem:v33+s25+$0x0] =	vst.idx.msk $0xffff, v32;
	v14 =	vld [tilespmem:s29+$0xFFFFFE60]  }
0x35c: {  	v31 =	vor.u32 s2, v5;
	[tilespmem:v21+s25+$0x0] =	vst.idx.msk $0xffff, v8;
	v8 =	vld [tilespmem:s29+$0xFFFFFFD0]  }
0x35d: {  	v46 =	vor.u32 s6, v6;
	[tilespmem:v37+s25+$0x0] =	vst.idx.msk $0xffff, v36;
	v45 =	vld [tilespmem:s29+$0x60]  }
0x35e: {  	v35 =	vor.u32 s14, v5;
	v34 =	vld [tilespmem:s29+$0xD0];
	[tilespmem:v28+s25+$0x0] =	vst.idx.msk $0xffff, v27  }
0x35f: {  	v50 =	vor.u32 s15, v6;
	v49 =	vld [tilespmem:s29+$0x160];
	[tilespmem:v59+s25+$0x0] =	vst.idx.msk $0xffff, v58  }
0x360: {  	v41 =	vor.u32 s0, v6;
	v40 =	vld [tilespmem:s29+$0xFFFFFEE0];
	[tilespmem:v51+s25+$0x0] =	vst.idx.msk $0xffff, v14  }
0x361: {  	v42 =	vor.u32 s1, v6;
	[tilespmem:v31+s25+$0x0] =	vst.idx.msk $0xffff, v8;
	v8 =	vld [tilespmem:s29+$0xFFFFFF60]  }
0x362: {  	v26 =	vor.u32 s30, v7;
	v11 =	vld [tilespmem:s29+$0x1F0];
	[tilespmem:v46+s25+$0x0] =	vst.idx.msk $0xffff, v45  }
0x363: {  	v44 =	vor.u32 s2, v6;
	v43 =	vld [tilespmem:s29+$0xFFFFFFE0];
	[tilespmem:v35+s25+$0x0] =	vst.idx.msk $0xffff, v34  }
0x364: {  	v48 =	vor.u32 s14, v6;
	[tilespmem:v50+s25+$0x0] =	vst.idx.msk $0xffff, v49;
	v47 =	vld [tilespmem:s29+$0xE0]  }
0x365: {  	v63 =	vor.u32 s23, v7;
	v62 =	vld [tilespmem:s29+$0xFFFFFE70];
	[tilespmem:v41+s25+$0x0] =	vst.idx.msk $0xffff, v40  }
0x366: {  	v52 =	vld [tilespmem:s29+$0xFFFFFEF0];
	[tilespmem:v42+s25+$0x0] =	vst.idx.msk $0xffff, v8;
	v8 =	vor.u32 s0, v7  }
0x367: {  	v57 =	vor.u32 s6, v7;
	v58 =	vld [tilespmem:s29+$0x70];
	[tilespmem:v26+s25+$0x0] =	vst.idx.msk $0xffff, v11  }
0x368: {  	v53 =	vor.u32 s1, v7;
	[tilespmem:v44+s25+$0x0] =	vst.idx.msk $0xffff, v43;
	v54 =	vld [tilespmem:s29+$0xFFFFFF70]  }
0x369: {  	v55 =	vor.u32 s2, v7;
	v56 =	vld [tilespmem:s29+$0xFFFFFFF0];
	[tilespmem:v48+s25+$0x0] =	vst.idx.msk $0xffff, v47  }
0x36a: {  	v59 =	vor.u32 s14, v7;
	[tilespmem:v63+s25+$0x0] =	vst.idx.msk $0xffff, v62;
	v60 =	vld [tilespmem:s29+$0xF0]  }
0x36b: {  	v61 =	vor.u32 s15, v7;
	[tilespmem:v8+s25+$0x0] =	vst.idx.msk $0xffff, v52;
	v8 =	vld [tilespmem:s29+$0x170]  }
0x36c: {  	s14 =	sadd.s32 $0x7, s22;
	[tilespmem:v57+s25+$0x0] =	vst.idx.msk $0xffff, v58  }
0x36d: {  	s0 =	smin.u32 s14, s5;
	[tilespmem:v53+s25+$0x0] =	vst.idx.msk $0xffff, v54  }
0x36e: {  	s15 =	sor.u32 $0x3, s22;
	s0 =	smin.u32 s0, $0xF7;
	[tilespmem:v55+s25+$0x0] =	vst.idx.msk $0xffff, v56  }
0x36f: {  	s1 =	smin.u32 s15, s5;
	s0 =	sshll.u32 s0, $0xC;
	[tilespmem:v59+s25+$0x0] =	vst.idx.msk $0xffff, v60  }
0x370: {  	s16 =	simm.s32 $0x6000;
	s22 =	sshll.u32 s1, $0xF;
	s0 =	sadd.s32 s0, s4;
	[tilespmem:v61+s25+$0x0] =	vst.idx.msk $0xffff, v8  }
0x371: {  	[tilespmem:s16], [sflag:$0x4] =	stream.strided.gather [hbm4b:s0+s12], $0x2000, s13, s12, $0x38;
	[tilespmem:$0x18000] =	vst v63  }
0x372: {  	s0 =	sadd.s32 s22, s9  }
0x373: {  	[hbm4b:s0+s3] =	stream.linear.scatter [tilespmem:s25], [sflag:$0x8], $0x400, $0x38;
	[tilespmem:$0x18000] =	vst v63  }
0x374: {  	s29 =	simm.s32 $0x14800;
	s23 =	sadd.s32 $0x80, s0  }
0x375: {  	[hbm4b:s23+s3] =	stream.linear.scatter [tilespmem:s29], [sflag:$0x8], $0x400, $0x38;
	[tilespmem:$0x18000] =	vst v63  }
0x376: {  	s31 =	simm.s32 $0x15000;
	s30 =	sadd.s32 $0x100, s0  }
0x377: {  	[hbm4b:s30+s3] =	stream.linear.scatter [tilespmem:s31], [sflag:$0x8], $0x400, $0x38;
	[tilespmem:$0x18000] =	vst v63  }
0x378: {  	s14 =	simm.s32 $0x15800;
	s6 =	sadd.s32 $0x180, s0  }
0x379: {  	[hbm4b:s6+s3] =	stream.linear.scatter [tilespmem:s14], [sflag:$0x8], $0x400, $0x38;
	[tilespmem:$0x18000] =	vst v63  }
0x37a: {  	s16 =	simm.s32 $0x16000;
	s15 =	sadd.s32 $0x200, s0  }
0x37b: {  	[hbm4b:s15+s3] =	stream.linear.scatter [tilespmem:s16], [sflag:$0x8], $0x400, $0x38;
	[tilespmem:$0x18000] =	vst v63  }
0x37c: {  	s22 =	sadd.s32 $0x280, s0;
	s23 =	simm.s32 $0x16800  }
0x37d: {  	[hbm4b:s22+s3] =	stream.linear.scatter [tilespmem:s23], [sflag:$0x8], $0x400, $0x38;
	[tilespmem:$0x18000] =	vst v63  }
0x37e: {  	s29 =	sadd.s32 $0x300, s0;
	s30 =	simm.s32 $0x17000  }
0x37f: {  	[hbm4b:s29+s3] =	stream.linear.scatter [tilespmem:s30], [sflag:$0x8], $0x400, $0x38;
	[tilespmem:$0x18000] =	vst v63  }
0x380: {  	s0 =	sadd.s32 $0x380, s0;
	s31 =	simm.s32 $0x17800  }
0x381: {  	[hbm4b:s0+s3] =	stream.linear.scatter [tilespmem:s31], [sflag:$0x8], $0x400, $0x38;
	[tilespmem:$0x18000] =	vst v63  }
0x382: {  	_ =	swait.ge [sflag:s10], $0x2000  }
0x383: {  	[sflag:s10] =	ssyncset.done $0x0  }
0x384: {  	[sflag:s10] =	ssyncadd.s32 $0xFFFFE000  }
0x385: {  	_ =	swait.ge [sflag:s11], $0x2000  }
0x386: {  	[sflag:s11] =	ssyncset.done $0x0  }
0x387: {  	s21 =	sadd.s32 $0x1, s21;
	[sflag:s11] =	ssyncadd.s32 $0xFFFFE000  }
0x388: {  	p1 =	sne.s32 s21, $0x3E;
	_ =	swait.ge [sflag:s19], $0x2000  }
.Ltmp4:
0x389: {  	[sflag:s19] =	ssyncset.done $0x0;
	(pc) =	sbr.rel @p1 .LBB2_2-.Ltmp4, $4  }
0x38a: {  	[sflag:s19] =	ssyncadd.s32 $0xFFFFE000  }
0x38b: {  	_ =	swait.ge [sflag:s20], $0x2000  }
0x38c: {  	[sflag:s20] =	ssyncset.done $0x0  }
0x38d: {  	[sflag:s20] =	ssyncadd.s32 $0xFFFFE000  }
0x38e: {  	_ =	swait.ge [sflag:s17], $0x2000  }
0x38f: {  	[sflag:s17] =	ssyncset.done $0x0  }
0x390: {  	[sflag:s17] =	ssyncadd.s32 $0xFFFFE000  }
0x391: {  	_ =	swait.ge [sflag:s26], $0x2000  }
0x392: {  	[sflag:s26] =	ssyncset.done $0x0  }
0x393: {  	[sflag:s26] =	ssyncadd.s32 $0xFFFFE000  }
0x394: {  	_ =	swait.ge [sflag:s7], $0x2000  }
0x395: {  	[sflag:s7] =	ssyncset.done $0x0  }
0x396: {  	[sflag:s7] =	ssyncadd.s32 $0xFFFFE000  }
0x397: {  	_ =	swait.ge [sflag:s24], $0x2000  }
0x398: {  	[sflag:s24] =	ssyncset.done $0x0  }
0x399: {  	[sflag:s24] =	ssyncadd.s32 $0xFFFFE000  }
0x39a: {  	s0 =	simm.s32 @!p0 $0x0;
	s1 =	rddreg [dreg:$0x1]  }
0x39b: {  	[tilespmem:s0], [sflag:$0x9] =	stream.linear.gather @!p0 [hbm4b:s1+s0], $0x1000, $0x38;
	[tilespmem:$0x18000] =	vst v63  }
0x39c: {  	s1 =	simm.s32 @!p0 $0x9  }
0x39d: {  	_ =	swait.ge @!p0 [sflag:s1], $0x1000  }
0x39e: {  	[sflag:s1] =	ssyncset.done @!p0 $0x0  }
0x39f: {  	s2 =	rddreg [dreg:$0x7];
	[sflag:s1] =	ssyncadd.s32 @!p0 $0xFFFFF000  }
0x3a0: {  	[hbm4b:s2+s0] =	stream.linear.scatter @!p0 [tilespmem:s0], [sflag:$0x9], $0x1000, $0x38;
	[tilespmem:$0x18000] =	vst v63  }
0x3a1: {  	_ =	swait.ge @!p0 [sflag:s1], $0x1000  }
0x3a2: {  	s30 =	rddreg [dreg:$0x9]  }
0x3a3: {  	s31 =	rddreg [dreg:$0x8];
	s2 =	sadd.s32 $0x1, s30  }
0x3a4: {  	p1 =	sne.s32 s2, s31  }
.Ltmp5:
0x3a5: {  	_ = 	snop;
	(pc) =	sbr.rel @p1 .LBB2_1-.Ltmp5, $3  }
0x3a6: {  	_ =	sdelay $0x1  }
0x3a7: {  	[sflag:s1] =	ssyncset.done @!p0 $0x0  }
0x3a8: {  	[sflag:s1] =	ssyncadd.s32 @!p0 $0xFFFFF000  }
0x3a9: {  	_ =	sfence.sel $0x180000  }
0x3aa: {  	[bflag:$0x0] =	sbarrier.arrive $0xFFFF  }
0x3ab: {  	_ =	strace $0x90000047  }
0x3ac: {  	s0 =	stileid.u32;
	[bflag:$0x2] =	sbarrier.arrive $0xFFFF  }
0x3ad: {  	p0 =	sne.s32 s0, $0x0;
	s0 =	rddreg [dreg:$0x3]  }
0x3ae: {  	s0 =	sadd.s32 @!p0 $0x100000, s0  }
0x3af: {  	[sflag:s0] =	ssyncadd.tile.s32 @!p0 $0x1;
	_ =	shalt  }
.Lfunc_end2:
_tile_overlayer_lowered:
.L_overlay_start_2:
0x3b0: {  	(tag) =	ssettag $0x2  }
0x3b1: {  	s0 =	rddreg [dreg:$0x0];
	s2 =	stileid.u32  }
0x3b2: {  	s1 =	rddreg [dreg:$0x1];
	p0 =	sne.s32 s2, $0x0  }
0x3b3: {  	s3 =	rddreg [dreg:$0x2];
	[bflag:$0x3] =	sbarrier.arrive $0xFFFF;
	s2 =	simm.s32 @!p0 $0x1C09  }
0x3b4: {  	[timem:s3], [sflag:s2] =	dma.local @!p0 [hbm:s0], s1  }
0x3b5: {  	s0 =	simm.s32 @!p0 $0x9  }
0x3b6: {  	_ =	swait.ge @!p0 [sflag:s0], s1  }
0x3b7: {  	s1 =	ssub.s32 @!p0 $0x0, s1;
	[sflag:s0] =	ssyncset.done @!p0 $0x0  }
0x3b8: {  	[sflag:s0] =	ssyncadd.s32 @!p0 s1  }
0x3b9: {  	[bflag:$0x3] =	sbarrier.arrive $0xFFFF  }
0x3ba: {  	_ =	shalt  }

// kernel: kernel.7.cloned.1.call-start
scs
__scs_entry_jumppad:
0x0: {  	(pc) =	sbr.rel $0x88, $3  }
0x1: {  	(tag) =	ssettag $0x0;
	lr =	simm.s32 $0x1  }
0x2: {  	[smem:$0x3F9F] =	sst lr;
	_ =	strace $0xD0000000  }
0x3: {  	_ = 	snop  }
0x4: {  	_ = 	snop  }
0x5: {  	_ = 	snop  }
0x6: {  	_ = 	snop  }
0x7: {  	_ = 	snop  }
__scs_overlays_trampoline_lowered:
0x8: {  	[smem:$0x3FAE] =	sst s0  }
0x9: {  	[smem:$0x3FAF] =	sst s1  }
0xa: {  	[smem:$0x3FB0] =	sst s2  }
0xb: {  	[smem:$0x3FB1] =	sst s3  }
0xc: {  	[smem:$0x3FB2] =	sst s4  }
0xd: {  	[smem:$0x3FB3] =	sst s5  }
0xe: {  	[smem:$0x3FB4] =	sst s6  }
0xf: {  	[smem:$0x3FB5] =	sst s7  }
0x10: {  	[smem:$0x3FB6] =	sst s8  }
0x11: {  	[smem:$0x3FB7] =	sst s9;
	s0 =	simm.s32 @!p0 $0x0  }
0x12: {  	s1 =	sld [smem:$0x3F9D];
	s0 =	simm.s32 @p0 $0x1  }
0x13: {  	[smem:$0x3FB8] =	sst s0;
	s0 =	simm.s32 @!p1 $0x0  }
0x14: {  	s2 =	sld [smem:$0x3F9C];
	s0 =	simm.s32 @p1 $0x1  }
0x15: {  	[smem:$0x3FB9] =	sst s0;
	s0 =	simm.s32 @!p2 $0x0  }
0x16: {  	s3 =	sld [smem:$0x3FDB];
	s0 =	simm.s32 @p2 $0x1  }
0x17: {  	s4 =	simm.s32 $0x1BF5;
	[smem:$0x3FBB] =	sst s0  }
0x18: {  	s0 =	sld [smem:$0x3F9E];
	_ =	swait.ge [sflag:s4], $0x0  }
0x19: {  	s7 =	sld [smem:$0x3F9F]  }
0x1a: {  	s8 =	sadd.s32 $0xFFFFE003, lr  }
0x1b: {  	s9 =	sadd.s32 $0xFFFFFEF7, lr;
	s5 =	simm.s32 $0xFFFFFFFF;
	p2 =	slt.u32 s8, $0xFFFFF086  }
0x1c: {  	p1 =	slt.u32 s9, $0xF7A;
	s5 =	simm.s32 @!p2 $0x0  }
0x1d: {  	s5 =	simm.s32 @p1 $0x1;
	p0 =	seq.s32 s7, s2  }
0x1e: {  	s7 =	smul.u32 @!p0 $0xF7A, s2;
	p2 =	seq.s32 @!p0 s5, $0x0  }
0x1f: {  	s9 =	smul.u32 $0xF7A, s1;
	s8 =	simm.s32 @!p0 $0x1BF5;
	p2 =	por !p2, p0  }
0x20: {  	[sflag:s8] =	ssyncset.s32 @!p0 $0xFFFFF086;
	s6 =	sadd.s32 @!p0 s3, s7;
	s7 =	simm.s32 @!p0 $0x108  }
0x21: {  	s3 =	sadd.s32 s3, s9;
	s6 =	sadd.s32 @!p0 $0x88, s6;
	s7 =	simm.s32 @p2 $0x1082  }
0x22: {  	[simem:s7], [sflag:s8] =	dma.local @!p0 [hbm:s6], $0xF7A  }
0x23: {  	s9 =	sor.u32 $0xD0000000, s2;
	s6 =	simm.s32 $0x108;
	_ =	swait.ge @!p0 [sflag:s8], $0x0  }
0x24: {  	s3 =	sadd.s32 $0x88, s3;
	s6 =	simm.s32 @!p1 $0x1082;
	[sflag:s4] =	ssyncset.s32 $0xFFFFF086  }
0x25: {  	[simem:s6], [sflag:s4] =	dma.local [hbm:s3], $0xF7A  }
0x26: {  	[smem:$0x3F9F] =	sst s1;
	(tag) =	ssettag s2;
	_ =	strace s9  }
0x27: {  	s1 =	sld [smem:$0x3FAF]  }
0x28: {  	s2 =	sld [smem:$0x3FB0]  }
0x29: {  	s4 =	sld [smem:$0x3FB2]  }
0x2a: {  	p0 =	seq.s32 s5, $0x0;
	s5 =	sld [smem:$0x3FB3]  }
0x2b: {  	s6 =	sld [smem:$0x3FB4]  }
0x2c: {  	s7 =	sld [smem:$0x3FB5]  }
0x2d: {  	s3 =	simm.s32 $0x108;
	s8 =	sld [smem:$0x3FB6]  }
0x2e: {  	s3 =	simm.s32 @!p0 $0x1082;
	s9 =	sld [smem:$0x3FB7]  }
0x2f: {  	lr =	sadd.s32 s0, s3;
	s0 =	sld [smem:$0x3FAE]  }
0x30: {  	s3 =	sld [smem:$0x3FB1]  }
0x31: {  	[smem:$0x3FBA] =	sst s10  }
0x32: {  	s10 =	sld [smem:$0x3FB8];
	_ =	sdelay $0x3  }
0x33: {  	p0 =	seq.s32 s10, $0x1;
	s10 =	sld [smem:$0x3FBA];
	_ =	sdelay $0x3  }
0x34: {  	[smem:$0x3FBA] =	sst s10  }
0x35: {  	s10 =	sld [smem:$0x3FB9];
	_ =	sdelay $0x3  }
0x36: {  	p1 =	seq.s32 s10, $0x1;
	s10 =	sld [smem:$0x3FBA];
	_ =	sdelay $0x3  }
0x37: {  	[smem:$0x3FBA] =	sst s10  }
0x38: {  	s10 =	sld [smem:$0x3FBB]  }
0x39: {  	_ = 	snop;
	(pc) =	sbr.ind lr, $3  }
0x3a: {  	_ = 	snop  }
0x3b: {  	_ = 	snop  }
0x3c: {  	p2 =	seq.s32 s10, $0x1;
	s10 =	sld [smem:$0x3FBA]  }
0x3d: {  	_ =	shalt  }
0x3e: {  	_ =	shalt  }
0x3f: {  	_ =	shalt  }
0x40: {  	_ =	shalt  }
0x41: {  	_ =	shalt  }
0x42: {  	_ =	shalt  }
0x43: {  	_ =	shalt  }
0x44: {  	_ =	shalt  }
0x45: {  	_ =	shalt  }
0x46: {  	_ =	shalt  }
0x47: {  	_ =	shalt  }
0x48: {  	_ =	shalt  }
0x49: {  	_ =	shalt  }
0x4a: {  	_ =	shalt  }
0x4b: {  	_ =	shalt  }
0x4c: {  	_ =	shalt  }
0x4d: {  	_ =	shalt  }
0x4e: {  	_ =	shalt  }
0x4f: {  	_ =	shalt  }
0x50: {  	_ =	shalt  }
0x51: {  	_ =	shalt  }
0x52: {  	_ =	shalt  }
0x53: {  	_ =	shalt  }
0x54: {  	_ =	shalt  }
0x55: {  	_ =	shalt  }
0x56: {  	_ =	shalt  }
0x57: {  	_ =	shalt  }
0x58: {  	_ =	shalt  }
0x59: {  	_ =	shalt  }
0x5a: {  	_ =	shalt  }
0x5b: {  	_ =	shalt  }
0x5c: {  	_ =	shalt  }
0x5d: {  	_ =	shalt  }
0x5e: {  	_ =	shalt  }
0x5f: {  	_ =	shalt  }
0x60: {  	_ =	shalt  }
0x61: {  	_ =	shalt  }
0x62: {  	_ =	shalt  }
0x63: {  	_ =	shalt  }
0x64: {  	_ =	shalt  }
0x65: {  	_ =	shalt  }
0x66: {  	_ =	shalt  }
0x67: {  	_ =	shalt  }
0x68: {  	_ =	shalt  }
0x69: {  	_ =	shalt  }
0x6a: {  	_ =	shalt  }
0x6b: {  	_ =	shalt  }
0x6c: {  	_ =	shalt  }
0x6d: {  	_ =	shalt  }
0x6e: {  	_ =	shalt  }
0x6f: {  	_ =	shalt  }
0x70: {  	_ =	shalt  }
0x71: {  	_ =	shalt  }
0x72: {  	_ =	shalt  }
0x73: {  	_ =	shalt  }
0x74: {  	_ =	shalt  }
0x75: {  	_ =	shalt  }
0x76: {  	_ =	shalt  }
0x77: {  	_ =	shalt  }
0x78: {  	_ =	shalt  }
0x79: {  	_ =	shalt  }
0x7a: {  	_ =	shalt  }
0x7b: {  	_ =	shalt  }
0x7c: {  	_ =	shalt  }
0x7d: {  	_ =	shalt  }
0x7e: {  	_ =	shalt  }
0x7f: {  	_ =	shalt  }
0x80: {  	_ =	shalt  }
0x81: {  	_ =	shalt  }
0x82: {  	_ =	shalt  }
0x83: {  	_ =	shalt  }
0x84: {  	_ =	shalt  }
0x85: {  	_ =	shalt  }
0x86: {  	_ =	shalt  }
0x87: {  	_ =	shalt  }
.Lfunc_end0:
.L_simem_size_0:
called_computation.1_lowered:
.L_overlay_start_0:
0x88: {  	s2 =	sld [smem:$0x3FD9]  }
0x89: {  	s3 =	sld [smem:$0x3FFE];
	_ =	sdelay $0x1  }
0x8a: {  	s1 =	srdreg.scid  }
0x8b: {  	s0 =	sand.u32 $0x1, s1  }
0x8c: {  	s17 =	sshll.u32 s0, $0xA;
	s2 =	sadd.s32 s3, s2  }
0x8d: {  	s2 =	sadd.s32 s2, s17  }
0x8e: {  	[smem:$0x3FC6] =	sst s2  }
0x8f: {  	_ = 	snop  }
0x90: {  	s2 =	sld [smem:$0x3FD0];
	(tm) =	ssettm $0x1  }
0x91: {  	s18 =	sld [smem:$0x3FFB];
	_ =	sdelay $0x3  }
0x92: {  	_ =	strace s18  }
0x93: {  	s3 =	sld [smem:$0x3FFC];
	_ =	sdelay $0x3  }
0x94: {  	_ =	strace s3  }
0x95: {  	s3 =	sld [smem:$0x3FFD];
	_ =	sdelay $0x3  }
0x96: {  	_ =	strace s3  }
0x97: {  	_ =	strace $0x8FFFFFFF  }
0x98: {  	s19 =	sld [smem:$0x3FDB];
	_ =	sdelay $0x1  }
0x99: {  	s4 =	simm.s32 $_scs_section_size  }
0x9a: {  	s5 =	simm.s32 $_size__tile_overlayer_lowered;
	s6 =	simm.s32 $_tile_overlayer_lowered  }
0x9b: {  	s22 =	simm.s32 $0x1BFF;
	s21 =	sshll.u32 s6, $0x1;
	s3 =	sadd.s32 s4, s19  }
0x9c: {  	s7 =	simm.s32 $0x0;
	s20 =	sshll.u32 s5, $0x1;
	s5 =	sadd.s32 s21, s3  }
0x9d: {  	[timem:s7], [sflag:s22] =	dma.local [hbm:s5], s20  }
0x9e: {  	_ =	swait.ge [sflag:s22], s20  }
0x9f: {  	s4 =	ssub.s32 $0x0, s20;
	[sflag:s22] =	ssyncset.done $0x0  }
0xa0: {  	[sflag:s22] =	ssyncadd.s32 s4;
	_ =	sdelay $0x1  }
0xa1: {  	s23 =	simm.s32 $0x1B8B  }
0xa2: {  	_ =	swait.ge [sflag:s23], $0x1  }
0xa3: {  	[sflag:s23] =	ssyncset.done $0x0  }
0xa4: {  	s25 =	simm.s32 $0x1B8E;
	s24 =	sld [smem:$0x3FFE];
	[sflag:s23] =	ssyncadd.s32 $0xFFFFFFFF  }
0xa5: {  	s26 =	simm.s32 $execute0_lowered;
	[smem:$0x3FD2] =	sst s25  }
0xa6: {  	s5 =	sshll.u32 s26, $0x1;
	_ =	strace $0x80000049;
	[dreg:$0x1] =	wrdreg $0xFFFFFFFF  }
0xa7: {  	s28 =	simm.s32 $_size_execute0_lowered;
	s3 =	sadd.s32 s3, s5;
	[dreg:$0x0] =	wrdreg $0x0  }
0xa8: {  	s5 =	sshll.u32 s28, $0x1;
	[dreg:$0x2] =	wrdreg s3  }
0xa9: {  	[dreg:$0x3] =	wrdreg s5  }
0xaa: {  	[dreg:$0x4] =	wrdreg $0xC0  }
0xab: {  	_ =	task [dreg:s7], $0x5FFFF  }
0xac: {  	[dreg:$0x1] =	wrdreg $0xFFFFFFFF  }
0xad: {  	[dreg:$0x0] =	wrdreg $0x60  }
0xae: {  	[dreg:$0x2] =	wrdreg s24  }
0xaf: {  	[dreg:$0x3] =	wrdreg s2  }
0xb0: {  	[dreg:$0x4] =	wrdreg $0x9  }
0xb1: {  	_ =	task.clear_ibuf [dreg:s7], $0x5FFFF;
	_ =	strace $0x90000049  }
0xb2: {  	s29 =	simm.s32 $0x9;
	_ =	strace $0x8000004B  }
0xb3: {  	_ =	swait.ge [sflag:s29], $0x1  }
0xb4: {  	[sflag:s29] =	ssyncadd.s32 $0xFFFFFFFF  }
0xb5: {  	_ =	strace $0x9000004B  }
0xb6: {  	_ =	sfence  }
0xb7: {  	s30 =	sld [smem:$0x0];
	_ =	sdelay $0x2  }
0xb8: {  	s31 =	sshll.u32 s1, $0xD;
	s1 =	sshrl.u32 s1, $0x2  }
0xb9: {  	s3 =	sand.u32 $0x4000, s31;
	s1 =	sadd.s32 s1, s30  }
0xba: {  	s0 =	sor.u32 s3, s0;
	s1 =	sshll.u32 s1, $0x11  }
0xbb: {  	s0 =	sor.u32 s1, s0  }
0xbc: {  	s0 =	sadd.s32 $0x8F2B, s0  }
0xbd: {  	[sflag:s0] =	ssyncadd.remote.s32 $0x1  }
0xbe: {  	_ =	sfence.sel $0xFFFF  }
0xbf: {  	[dreg:$0x0] =	wrdreg $0xFFFFFFFF;
	(pc) =	sbr.abs _section_cstart, $3  }
0xc0: {  	[dreg:$0x1] =	wrdreg $0xFFFFFFFF  }
0xc1: {  	_ =	task.clear_ibuf [dreg:s7], $0x2FFFF;
	_ =	strace $0x9FFFFFFF  }
0xc2: {  	(tm) =	ssettm $0x7FFFFFFF  }
0xc3: {  	_ =	shalt  }
tec
execute0_lowered:
.L_overlay_start_1:
0x0: {  	(tag) =	ssettag $0x1  }
0x1: {  	s0 =	srdreg.scid;
	s1 =	rddreg [dreg:$0x0]  }
0x2: {  	s2 =	stileid.u32;
	s5 =	rddreg [dreg:$0x1];
	s9 =	simm.s32 $0x80  }
0x3: {  	s10 =	simm.s32 $0x6410;
	s11 =	simm.s32 $0x48;
	s12 =	simm.s32 $0x8410  }
0x4: {  	s14 =	simm.s32 $0x9610;
	s16 =	simm.s32 $0xB610;
	s17 =	simm.s32 $0x190  }
0x5: {  	s18 =	simm.s32 $0xC810;
	s19 =	simm.s32 $0x210;
	s20 =	simm.s32 $0xE810  }
0x6: {  	s21 =	simm.s32 $0x258;
	s22 =	simm.s32 $0xFA10;
	s23 =	simm.s32 $0x2D8  }
0x7: {  	s24 =	simm.s32 $0x11A10;
	s25 =	simm.s32 $0x1;
	s28 =	simm.s32 $0x3  }
0x8: {  	s29 =	simm.s32 $0x4;
	s0 =	sand.u32 $0x1, s0;
	s2 =	sshll.u32 s2, $0x1  }
0x9: {  	s30 =	simm.s32 $0x12C50;
	s31 =	simm.s32 $0x0;
	s4 =	sor.u32 s0, s2  }
0xa: {  	s2 =	simm.s32 $0x0;
	s0 =	ssub.s32 $0x2, s0;
	s3 =	smul.u32 $0xC80, s4  }
0xb: {  	[smem:$0x7FF] =	sst s2;
	s7 =	sshrl.u32 s0, $0x1;
	s26 =	sshll.u32 s4, $0xA  }
0xc: {  	_ =	strace $0x8000004A;
	s0 =	ssub.s32 s0, s7;
	s5 =	sadd.s32 s5, s26  }
0xd: {  	s7 =	simm.s32 $0x5;
	s26 =	simm.s32 $0x2;
	s6 =	sadd.s32 s3, s1  }
0xe: {  	vm0 =	vmmov $0xff;
	s3 =	sadd.s32 $0xA00, s1;
	s4 =	sadd.s32 $0x7A1C00, s6;
	s6 =	smax.u32 s0, $0x1  }
.LBB2_1:
0xf: {  	[tilespmem:s2], [sflag:$0x5] =	stream.linear.gather [hbm4b:s4+s2], $0x6400, $0x38;
	[tilespmem:$0x14C50] =	vst v63  }
0x10: {  	_ =	swait.ge [sflag:s7], $0x6400  }
0x11: {  	[sflag:s7] =	ssyncset.done $0x0  }
0x12: {  	s0 =	simm.s32 $0x12C10;
	[sflag:s7] =	ssyncadd.s32 $0xFFFF9C00  }
0x13: {  	[tilespmem:s0], [sflag:$0x5] =	stream.linear.gather [hbm4b:s3+s2], $0x40, $0x38;
	[tilespmem:$0x14C50] =	vst v63  }
0x14: {  	_ =	swait.ge [sflag:s7], $0x40  }
0x15: {  	[sflag:s7] =	ssyncset.done $0x0  }
0x16: {  	[sflag:s7] =	ssyncadd.s32 $0xFFFFFFC0  }
0x17: {  	v0 =	vld [tilespmem:$0x12C10]  }
0x18: {  	v1 =	vld [tilespmem:$0x12C20]  }
0x19: {  	v2 =	vld [tilespmem:$0x12C30]  }
0x1a: {  	v3 =	vld [tilespmem:$0x12C40];
	[tilespmem:s10], [sflag:$0x1] =	stream.indirect.gather [hbm4b:s3+s9], $0x40, s2, s9, $0xb8  }
0x1b: {  	_ = 	snop  }
0x1c: {  	[tilespmem:s12], [sflag:$0x1] =	stream.indirect.gather [hbm4b:s3+s11], $0x40, s9, s11, $0xb8;
	[tilespmem:$0x14C50] =	vst v63  }
0x1d: {  	s13 =	simm.s32 $0xC8  }
0x1e: {  	[tilespmem:s14], [sflag:$0x2] =	stream.indirect.gather [hbm4b:s3+s9], $0x40, s13, s9, $0xb8;
	[tilespmem:$0x14C50] =	vst v63  }
0x1f: {  	s15 =	simm.s32 $0x148  }
0x20: {  	[tilespmem:s16], [sflag:$0x2] =	stream.indirect.gather [hbm4b:s3+s11], $0x40, s15, s11, $0xb8;
	[tilespmem:$0x14C50] =	vst v63  }
0x21: {  	_ = 	snop  }
0x22: {  	[tilespmem:s18], [sflag:$0x3] =	stream.indirect.gather [hbm4b:s3+s9], $0x40, s17, s9, $0xb8;
	[tilespmem:$0x14C50] =	vst v63  }
0x23: {  	_ = 	snop  }
0x24: {  	[tilespmem:s20], [sflag:$0x3] =	stream.indirect.gather [hbm4b:s3+s11], $0x40, s19, s11, $0xb8;
	[tilespmem:$0x14C50] =	vst v63  }
0x25: {  	_ = 	snop  }
0x26: {  	[tilespmem:s22], [sflag:$0x4] =	stream.indirect.gather [hbm4b:s3+s9], $0x40, s21, s9, $0xb8;
	[tilespmem:$0x14C50] =	vst v63  }
0x27: {  	s1 =	simm.s32 $0x0  }
0x28: {  	[tilespmem:s24], [sflag:$0x4] =	stream.indirect.gather [hbm4b:s3+s11], $0x40, s23, s11, $0xb8;
	[tilespmem:$0x14C50] =	vst v63  }
.LBB2_2:
0x29: {  	s0 =	smul.u32 $0xC80, s1;
	_ =	sdelay $0x1  }
0x2a: {  	s0 =	sshra.s32 s0, $0x2  }
0x2b: {  	v8 =	vld [tilespmem:s0+$0x0]  }
0x2c: {  	v9 =	vld [tilespmem:s0+$0x10]  }
0x2d: {  	v10 =	vld [tilespmem:s0+$0x20]  }
0x2e: {  	v11 =	vld [tilespmem:s0+$0x30]  }
0x2f: {  	v12 =	vld [tilespmem:s0+$0x40]  }
0x30: {  	v13 =	vld [tilespmem:s0+$0x50]  }
0x31: {  	v14 =	vld [tilespmem:s0+$0x60]  }
0x32: {  	v15 =	vld [tilespmem:s0+$0x70]  }
0x33: {  	v16 =	vld [tilespmem:s0+$0x80]  }
0x34: {  	v17 =	vld [tilespmem:s0+$0x90]  }
0x35: {  	v18 =	vld [tilespmem:s0+$0xA0]  }
0x36: {  	v19 =	vld [tilespmem:s0+$0xB0]  }
0x37: {  	v20 =	vld [tilespmem:s0+$0xC0];
	_ =	swait.ge [sflag:s25], $0x2000  }
0x38: {  	[sflag:s25] =	ssyncset.done $0x0  }
0x39: {  	[sflag:s25] =	ssyncadd.s32 $0xFFFFE000  }
0x3a: {  	_ =	swait.ge [sflag:s25], $0x1200  }
0x3b: {  	[sflag:s25] =	ssyncset.done $0x0  }
0x3c: {  	s8 =	simm.s32 $0x6510;
	[sflag:s25] =	ssyncadd.s32 $0xFFFFEE00  }
0x3d: {  	v4 =	vld [tilespmem:s8+$0xC0]  }
0x3e: {  	v5 =	vld [tilespmem:s8+$0xD0]  }
0x3f: {  	v6 =	vld [tilespmem:s8+$0x80]  }
0x40: {  	v7 =	vld [tilespmem:s8+$0x90]  }
0x41: {  	v26 =	vld [tilespmem:s8+$0x40]  }
0x42: {  	v30 =	vld [tilespmem:s8+$0x50]  }
0x43: {  	v23 =	vld [tilespmem:s8+$0x0]  }
0x44: {  	v25 =	vld [tilespmem:s8+$0x10]  }
0x45: {  	v22 =	vld [tilespmem:s8+$0xFFFFFFC0]  }
0x46: {  	v24 =	vld [tilespmem:s8+$0xFFFFFFD0]  }
0x47: {  	v21 =	vld [tilespmem:s8+$0xFFFFFF80]  }
0x48: {  	v27 =	vld [tilespmem:s8+$0xFFFFFF90]  }
0x49: {  	v28 =	vld [tilespmem:s8+$0xFFFFFF40]  }
0x4a: {  	v29 =	vld [tilespmem:s8+$0xFFFFFF50]  }
0x4b: {  	v31 =	vld [tilespmem:s8+$0xFFFFFF00]  }
0x4c: {  	vm1 =	veq.s32 v8, $0x0;
	vm2 =	veq.s32 v9, $0x0;
	v32 =	vld [tilespmem:s8+$0xFFFFFF10]  }
0x4d: {  	v8 =	vmpcnt.ones.xlane vm1;
	v9 =	vmpcnt.ones.xlane vm2;
	vm1 =	veq.s32 v10, $0x0;
	v33 =	vld [tilespmem:s8+$0xFFFFFF20]  }
0x4e: {  	vm2 =	veq.s32 v12, $0x0;
	v34 =	vld [tilespmem:s8+$0xFFFFFF30];
	v10 =	vmpcnt.ones.xlane vm1;
	vm1 =	veq.s32 v11, $0x0  }
0x4f: {  	v35 =	vld [tilespmem:s8+$0xFFFFFF60];
	v12 =	vmpcnt.ones.xlane vm2;
	v11 =	vmpcnt.ones.xlane vm1;
	vm1 =	veq.s32 v13, $0x0  }
0x50: {  	v36 =	vld [tilespmem:s8+$0xFFFFFF70];
	vm2 =	veq.s32 v15, $0x0;
	v13 =	vmpcnt.ones.xlane vm1;
	vm1 =	veq.s32 v14, $0x0  }
0x51: {  	v37 =	vimm.f32 $0.0e+00;
	v38 =	vld [tilespmem:s8+$0xFFFFFFA0];
	v15 =	vmpcnt.ones.xlane vm2;
	v14 =	vmpcnt.ones.xlane vm1  }
0x52: {  	v39 =	vld [tilespmem:s8+$0xFFFFFFB0];
	vm1 =	veq.s32 v16, $0x0;
	v31 =	vadd.f32 v31, v37;
	v32 =	vadd.f32 v32, v37  }
0x53: {  	v58 =	vld [tilespmem:s8+$0xFFFFFFE0];
	v16 =	vmpcnt.ones.xlane vm1;
	v33 =	vadd.f32 v33, v37;
	v34 =	vadd.f32 v34, v37  }
0x54: {  	vm1 =	veq.s32 v17, $0x0;
	v28 =	vadd.f32 v28, v31;
	v29 =	vadd.f32 v29, v32;
	v31 =	vld [tilespmem:s8+$0xFFFFFFF0]  }
0x55: {  	v61 =	vld [tilespmem:s8+$0x20];
	v17 =	vmpcnt.ones.xlane vm1;
	v59 =	vadd.f32 v35, v33;
	v60 =	vadd.f32 v36, v34  }
0x56: {  	vm1 =	veq.s32 v18, $0x0;
	v28 =	vadd.f32 v21, v28;
	v27 =	vadd.f32 v27, v29;
	v29 =	vld [tilespmem:s8+$0x30]  }
0x57: {  	v18 =	vmpcnt.ones.xlane vm1;
	v32 =	vadd.f32 v38, v59;
	v33 =	vadd.f32 v39, v60;
	v21 =	vld [tilespmem:s8+$0x60]  }
0x58: {  	vm1 =	veq.s32 v19, $0x0;
	v28 =	vadd.f32 v22, v28;
	v27 =	vadd.f32 v24, v27;
	v24 =	vld [tilespmem:s8+$0x70]  }
0x59: {  	v19 =	vmpcnt.ones.xlane vm1;
	v32 =	vadd.f32 v58, v32;
	v22 =	vld [tilespmem:s8+$0xA0];
	v31 =	vadd.f32 v31, v33  }
0x5a: {  	vm1 =	veq.s32 v20, $0x0;
	v62 =	vadd.f32 v23, v28;
	v63 =	vadd.f32 v25, v27;
	v25 =	vld [tilespmem:s8+$0xB0]  }
0x5b: {  	vm1 =	vmand vm1, vm0;
	v27 =	vadd.f32 v61, v32;
	v23 =	vld [tilespmem:s8+$0xE0];
	v28 =	vadd.f32 v29, v31  }
0x5c: {  	s0 =	simm.s32 $0x0;
	v20 =	vmpcnt.ones.xlane vm1;
	v29 =	vadd.f32 v26, v62;
	v30 =	vadd.f32 v30, v63;
	v26 =	vld [tilespmem:s8+$0xF0];
	s8 =	simm.s32 $0x6710  }
.LBB2_3:
0x5d: {  	v31 =	vld [tilespmem:s8+$0xC0];
	v21 =	vadd.f32 v21, v27;
	v24 =	vadd.f32 v24, v28  }
0x5e: {  	v27 =	vld [tilespmem:s8+$0xD0];
	v28 =	vadd.f32 v6, v29;
	v29 =	vadd.f32 v7, v30  }
0x5f: {  	v6 =	vld [tilespmem:s8+$0x80];
	v21 =	vadd.f32 v22, v21;
	v22 =	vadd.f32 v25, v24  }
0x60: {  	v7 =	vld [tilespmem:s8+$0x90];
	v24 =	vadd.f32 v4, v28;
	v25 =	vadd.f32 v5, v29  }
0x61: {  	v29 =	vld [tilespmem:s8+$0x40];
	v21 =	vadd.f32 v23, v21;
	v22 =	vadd.f32 v26, v22  }
0x62: {  	v26 =	vld [tilespmem:s8+$0x50];
	v4 =	vmov v31  }
0x63: {  	v23 =	vld [tilespmem:s8+$0x0];
	v5 =	vmov v27  }
0x64: {  	v27 =	vld [tilespmem:s8+$0x10]  }
0x65: {  	v28 =	vld [tilespmem:s8+$0xFFFFFFC0]  }
0x66: {  	v30 =	vld [tilespmem:s8+$0xFFFFFFD0]  }
0x67: {  	v31 =	vld [tilespmem:s8+$0xFFFFFF80]  }
0x68: {  	v32 =	vld [tilespmem:s8+$0xFFFFFF90]  }
0x69: {  	v33 =	vld [tilespmem:s8+$0xFFFFFF40]  }
0x6a: {  	v34 =	vld [tilespmem:s8+$0xFFFFFF50]  }
0x6b: {  	v35 =	vld [tilespmem:s8+$0xFFFFFF00]  }
0x6c: {  	v36 =	vld [tilespmem:s8+$0xFFFFFF10]  }
0x6d: {  	v37 =	vld [tilespmem:s8+$0xFFFFFF20]  }
0x6e: {  	s0 =	sadd.s32 $0x8, s0;
	v38 =	vld [tilespmem:s8+$0xFFFFFF30]  }
0x6f: {  	p0 =	slt.u32 s0, $0xC0;
	v39 =	vld [tilespmem:s8+$0xFFFFFF60]  }
0x70: {  	v40 =	vld [tilespmem:s8+$0xFFFFFF70]  }
0x71: {  	v41 =	vld [tilespmem:s8+$0xFFFFFFA0]  }
0x72: {  	v24 =	vadd.f32 v35, v24;
	v25 =	vadd.f32 v36, v25;
	v35 =	vld [tilespmem:s8+$0xFFFFFFB0]  }
0x73: {  	v21 =	vadd.f32 v37, v21;
	v22 =	vadd.f32 v38, v22;
	v36 =	vld [tilespmem:s8+$0xFFFFFFE0]  }
0x74: {  	v24 =	vadd.f32 v33, v24;
	v25 =	vadd.f32 v34, v25;
	v33 =	vld [tilespmem:s8+$0xFFFFFFF0]  }
0x75: {  	v21 =	vadd.f32 v39, v21;
	v22 =	vadd.f32 v40, v22;
	v34 =	vld [tilespmem:s8+$0x20]  }
0x76: {  	v24 =	vadd.f32 v31, v24;
	v25 =	vadd.f32 v32, v25;
	v31 =	vld [tilespmem:s8+$0x30]  }
0x77: {  	v32 =	vadd.f32 v41, v21;
	v22 =	vadd.f32 v35, v22;
	v21 =	vld [tilespmem:s8+$0x60]  }
.Ltmp0:
0x78: {  	v28 =	vadd.f32 v28, v24;
	v25 =	vadd.f32 v30, v25;
	v24 =	vld [tilespmem:s8+$0x70];
	(pc) =	sbr.rel @p0 .LBB2_3-.Ltmp0, $4  }
0x79: {  	v30 =	vadd.f32 v36, v32;
	v32 =	vadd.f32 v33, v22;
	v22 =	vld [tilespmem:s8+$0xA0]  }
0x7a: {  	v33 =	vadd.f32 v23, v28;
	v35 =	vadd.f32 v27, v25;
	v25 =	vld [tilespmem:s8+$0xB0]  }
0x7b: {  	v27 =	vadd.f32 v34, v30;
	v28 =	vadd.f32 v31, v32;
	v23 =	vld [tilespmem:s8+$0xE0]  }
0x7c: {  	v29 =	vadd.f32 v29, v33;
	v30 =	vadd.f32 v26, v35;
	v26 =	vld [tilespmem:s8+$0xF0];
	s8 =	sadd.s32 $0x200, s8  }
0x7d: {  	v8 =	vadd.s32 v8, v9  }
0x7e: {  	v8 =	vadd.s32 v10, v8  }
0x7f: {  	v8 =	vadd.s32 v11, v8  }
0x80: {  	v8 =	vadd.s32 v12, v8  }
0x81: {  	v8 =	vadd.s32 v13, v8  }
0x82: {  	v8 =	vadd.s32 v14, v8  }
0x83: {  	v8 =	vadd.s32 v15, v8  }
0x84: {  	v8 =	vadd.s32 v16, v8  }
0x85: {  	v8 =	vadd.s32 v17, v8  }
0x86: {  	v8 =	vadd.s32 v18, v8  }
0x87: {  	v8 =	vadd.s32 v19, v8  }
0x88: {  	v8 =	vadd.s32 v20, v8  }
0x89: {  	v8 =	vcvt.s32.f32 v8;
	_ =	sdelay $0x1  }
0x8a: {  	v9 =	vsub.f32 $2.000000000e+02, v8;
	_ =	sdelay $0x1  }
0x8b: {  	v10 =	vmax.f32 v9, $1.000000000e+00  }
0x8c: {  	(erf) = vrcp.f32 v10;
	_ =	sdelay $0x2  }
0x8d: {  	s0 =	sshll.u32 s1, $0x2  }
0x8e: {  	s8 =	smin.u32 s0, $0x7B;
	v11 =	vadd.f32 v24, v28;
	v10 =	vadd.f32 v21, v27  }
0x8f: {  	v6 =	vadd.f32 v6, v29;
	v7 =	vadd.f32 v7, v30;
	s8 =	smul.u32 $0x320, s8  }
0x90: {  	v11 =	vadd.f32 v25, v11;
	v10 =	vadd.f32 v22, v10  }
0x91: {  	v4 =	vadd.f32 v4, v6;
	v5 =	vadd.f32 v5, v7;
	s8 =	sshrl.u32 s8, $0x2;
	v6 =	vmul.f32 v8, v0  }
0x92: {  	s13 =	sadd.s32 $0x320, s8;
	v7 =	vadd.f32 v23, v10;
	v10 =	vadd.f32 v26, v11;
	v11 =	vmul.f32 v8, v1  }
0x93: {  	[tilespmem:s10], [sflag:$0x1] =	stream.indirect.gather [hbm4b:s3+s9], $0x40, s13, s9, $0xb8;
	vm1 =	vgt.f32 v9, $0.0e+00;
	v4 =	vsub.f32 v4, v6;
	v6 =	vmul.f32 v8, v2;
	v9 =	vpop (erf);
	[tilespmem:$0x14C50] =	vst v63  }
0x94: {  	s13 =	sshll.u32 s1, $0x8;
	v8 =	vmul.f32 v8, v3;
	v5 =	vsub.f32 v5, v11;
	v9 =	vnsel vm1, $0x0, v9  }
0x95: {  	s8 =	sadd.s32 $0x3A0, s8;
	s13 =	sand.u32 $0x3FFFFF00, s13;
	v6 =	vsub.f32 v7, v6;
	v4 =	vmul.f32 v4, v9  }
0x96: {  	[tilespmem:s12], [sflag:$0x1] =	stream.indirect.gather [hbm4b:s3+s11], $0x40, s8, s11, $0xb8;
	v7 =	vsub.f32 v10, v8;
	v5 =	vmul.f32 v5, v9;
	[tilespmem:$0x14C50] =	vst v63  }
0x97: {  	s8 =	sor.u32 $0x1, s0;
	[tilespmem:s13+$0x12C50] =	vst v4;
	v4 =	vmul.f32 v6, v9  }
0x98: {  	s15 =	smul.u32 $0x320, s8;
	[tilespmem:s13+$0x12C60] =	vst v5;
	v5 =	vmul.f32 v7, v9  }
0x99: {  	[tilespmem:s13+$0x12C70] =	vst v4  }
0x9a: {  	s15 =	sshra.s32 s15, $0x2;
	[tilespmem:s13+$0x12C80] =	vst v5  }
0x9b: {  	v8 =	vld [tilespmem:s15+$0x0]  }
0x9c: {  	v9 =	vld [tilespmem:s15+$0x10]  }
0x9d: {  	v10 =	vld [tilespmem:s15+$0x20]  }
0x9e: {  	v11 =	vld [tilespmem:s15+$0x30]  }
0x9f: {  	v12 =	vld [tilespmem:s15+$0x40]  }
0xa0: {  	v13 =	vld [tilespmem:s15+$0x50]  }
0xa1: {  	v14 =	vld [tilespmem:s15+$0x60]  }
0xa2: {  	v15 =	vld [tilespmem:s15+$0x70]  }
0xa3: {  	v16 =	vld [tilespmem:s15+$0x80]  }
0xa4: {  	v17 =	vld [tilespmem:s15+$0x90]  }
0xa5: {  	v18 =	vld [tilespmem:s15+$0xA0]  }
0xa6: {  	v19 =	vld [tilespmem:s15+$0xB0]  }
0xa7: {  	v20 =	vld [tilespmem:s15+$0xC0];
	_ =	swait.ge [sflag:s26], $0x2000  }
0xa8: {  	[sflag:s26] =	ssyncset.done $0x0  }
0xa9: {  	[sflag:s26] =	ssyncadd.s32 $0xFFFFE000  }
0xaa: {  	_ =	swait.ge [sflag:s26], $0x1200  }
0xab: {  	[sflag:s26] =	ssyncset.done $0x0  }
0xac: {  	s15 =	simm.s32 $0x9710;
	[sflag:s26] =	ssyncadd.s32 $0xFFFFEE00  }
0xad: {  	v4 =	vld [tilespmem:s15+$0xC0]  }
0xae: {  	v5 =	vld [tilespmem:s15+$0xD0]  }
0xaf: {  	v6 =	vld [tilespmem:s15+$0x80]  }
0xb0: {  	v7 =	vld [tilespmem:s15+$0x90]  }
0xb1: {  	v26 =	vld [tilespmem:s15+$0x40]  }
0xb2: {  	v30 =	vld [tilespmem:s15+$0x50]  }
0xb3: {  	v23 =	vld [tilespmem:s15+$0x0]  }
0xb4: {  	v25 =	vld [tilespmem:s15+$0x10]  }
0xb5: {  	v22 =	vld [tilespmem:s15+$0xFFFFFFC0]  }
0xb6: {  	v24 =	vld [tilespmem:s15+$0xFFFFFFD0]  }
0xb7: {  	v21 =	vld [tilespmem:s15+$0xFFFFFF80]  }
0xb8: {  	v27 =	vld [tilespmem:s15+$0xFFFFFF90]  }
0xb9: {  	v28 =	vld [tilespmem:s15+$0xFFFFFF40]  }
0xba: {  	v29 =	vld [tilespmem:s15+$0xFFFFFF50]  }
0xbb: {  	v31 =	vld [tilespmem:s15+$0xFFFFFF00]  }
0xbc: {  	vm1 =	veq.s32 v8, $0x0;
	vm2 =	veq.s32 v9, $0x0;
	v32 =	vld [tilespmem:s15+$0xFFFFFF10]  }
0xbd: {  	v8 =	vmpcnt.ones.xlane vm1;
	v9 =	vmpcnt.ones.xlane vm2;
	vm1 =	veq.s32 v10, $0x0;
	v33 =	vld [tilespmem:s15+$0xFFFFFF20]  }
0xbe: {  	vm2 =	veq.s32 v12, $0x0;
	v34 =	vld [tilespmem:s15+$0xFFFFFF30];
	v10 =	vmpcnt.ones.xlane vm1;
	vm1 =	veq.s32 v11, $0x0  }
0xbf: {  	v35 =	vld [tilespmem:s15+$0xFFFFFF60];
	v12 =	vmpcnt.ones.xlane vm2;
	v11 =	vmpcnt.ones.xlane vm1;
	vm1 =	veq.s32 v13, $0x0  }
0xc0: {  	v36 =	vld [tilespmem:s15+$0xFFFFFF70];
	vm2 =	veq.s32 v15, $0x0;
	v13 =	vmpcnt.ones.xlane vm1;
	vm1 =	veq.s32 v14, $0x0  }
0xc1: {  	v37 =	vimm.f32 $0.0e+00;
	v38 =	vld [tilespmem:s15+$0xFFFFFFA0];
	v15 =	vmpcnt.ones.xlane vm2;
	v14 =	vmpcnt.ones.xlane vm1  }
0xc2: {  	v39 =	vld [tilespmem:s15+$0xFFFFFFB0];
	vm1 =	veq.s32 v16, $0x0;
	v31 =	vadd.f32 v31, v37;
	v32 =	vadd.f32 v32, v37  }
0xc3: {  	v58 =	vld [tilespmem:s15+$0xFFFFFFE0];
	v16 =	vmpcnt.ones.xlane vm1;
	v33 =	vadd.f32 v33, v37;
	v34 =	vadd.f32 v34, v37  }
0xc4: {  	vm1 =	veq.s32 v17, $0x0;
	v28 =	vadd.f32 v28, v31;
	v29 =	vadd.f32 v29, v32;
	v31 =	vld [tilespmem:s15+$0xFFFFFFF0]  }
0xc5: {  	v61 =	vld [tilespmem:s15+$0x20];
	v17 =	vmpcnt.ones.xlane vm1;
	v59 =	vadd.f32 v35, v33;
	v60 =	vadd.f32 v36, v34  }
0xc6: {  	vm1 =	veq.s32 v18, $0x0;
	v28 =	vadd.f32 v21, v28;
	v27 =	vadd.f32 v27, v29;
	v29 =	vld [tilespmem:s15+$0x30]  }
0xc7: {  	v18 =	vmpcnt.ones.xlane vm1;
	v32 =	vadd.f32 v38, v59;
	v33 =	vadd.f32 v39, v60;
	v21 =	vld [tilespmem:s15+$0x60]  }
0xc8: {  	vm1 =	veq.s32 v19, $0x0;
	v28 =	vadd.f32 v22, v28;
	v27 =	vadd.f32 v24, v27;
	v24 =	vld [tilespmem:s15+$0x70]  }
0xc9: {  	v19 =	vmpcnt.ones.xlane vm1;
	v32 =	vadd.f32 v58, v32;
	v22 =	vld [tilespmem:s15+$0xA0];
	v31 =	vadd.f32 v31, v33  }
0xca: {  	vm1 =	veq.s32 v20, $0x0;
	v62 =	vadd.f32 v23, v28;
	v63 =	vadd.f32 v25, v27;
	v25 =	vld [tilespmem:s15+$0xB0]  }
0xcb: {  	vm1 =	vmand vm1, vm0;
	v27 =	vadd.f32 v61, v32;
	v23 =	vld [tilespmem:s15+$0xE0];
	v28 =	vadd.f32 v29, v31  }
0xcc: {  	s13 =	simm.s32 $0x0;
	v20 =	vmpcnt.ones.xlane vm1;
	v29 =	vadd.f32 v26, v62;
	v30 =	vadd.f32 v30, v63;
	v26 =	vld [tilespmem:s15+$0xF0];
	s15 =	simm.s32 $0x9910  }
.LBB2_5:
0xcd: {  	v31 =	vld [tilespmem:s15+$0xC0];
	v21 =	vadd.f32 v21, v27;
	v24 =	vadd.f32 v24, v28  }
0xce: {  	v27 =	vld [tilespmem:s15+$0xD0];
	v28 =	vadd.f32 v6, v29;
	v29 =	vadd.f32 v7, v30  }
0xcf: {  	v6 =	vld [tilespmem:s15+$0x80];
	v21 =	vadd.f32 v22, v21;
	v22 =	vadd.f32 v25, v24  }
0xd0: {  	v7 =	vld [tilespmem:s15+$0x90];
	v24 =	vadd.f32 v4, v28;
	v25 =	vadd.f32 v5, v29  }
0xd1: {  	v29 =	vld [tilespmem:s15+$0x40];
	v21 =	vadd.f32 v23, v21;
	v22 =	vadd.f32 v26, v22  }
0xd2: {  	v26 =	vld [tilespmem:s15+$0x50];
	v4 =	vmov v31  }
0xd3: {  	v23 =	vld [tilespmem:s15+$0x0];
	v5 =	vmov v27  }
0xd4: {  	v27 =	vld [tilespmem:s15+$0x10]  }
0xd5: {  	v28 =	vld [tilespmem:s15+$0xFFFFFFC0]  }
0xd6: {  	v30 =	vld [tilespmem:s15+$0xFFFFFFD0]  }
0xd7: {  	v31 =	vld [tilespmem:s15+$0xFFFFFF80]  }
0xd8: {  	v32 =	vld [tilespmem:s15+$0xFFFFFF90]  }
0xd9: {  	v33 =	vld [tilespmem:s15+$0xFFFFFF40]  }
0xda: {  	v34 =	vld [tilespmem:s15+$0xFFFFFF50]  }
0xdb: {  	v35 =	vld [tilespmem:s15+$0xFFFFFF00]  }
0xdc: {  	v36 =	vld [tilespmem:s15+$0xFFFFFF10]  }
0xdd: {  	v37 =	vld [tilespmem:s15+$0xFFFFFF20]  }
0xde: {  	s13 =	sadd.s32 $0x8, s13;
	v38 =	vld [tilespmem:s15+$0xFFFFFF30]  }
0xdf: {  	p0 =	slt.u32 s13, $0xC0;
	v39 =	vld [tilespmem:s15+$0xFFFFFF60]  }
0xe0: {  	v40 =	vld [tilespmem:s15+$0xFFFFFF70]  }
0xe1: {  	v41 =	vld [tilespmem:s15+$0xFFFFFFA0]  }
0xe2: {  	v24 =	vadd.f32 v35, v24;
	v25 =	vadd.f32 v36, v25;
	v35 =	vld [tilespmem:s15+$0xFFFFFFB0]  }
0xe3: {  	v21 =	vadd.f32 v37, v21;
	v22 =	vadd.f32 v38, v22;
	v36 =	vld [tilespmem:s15+$0xFFFFFFE0]  }
0xe4: {  	v24 =	vadd.f32 v33, v24;
	v25 =	vadd.f32 v34, v25;
	v33 =	vld [tilespmem:s15+$0xFFFFFFF0]  }
0xe5: {  	v21 =	vadd.f32 v39, v21;
	v22 =	vadd.f32 v40, v22;
	v34 =	vld [tilespmem:s15+$0x20]  }
0xe6: {  	v24 =	vadd.f32 v31, v24;
	v25 =	vadd.f32 v32, v25;
	v31 =	vld [tilespmem:s15+$0x30]  }
0xe7: {  	v32 =	vadd.f32 v41, v21;
	v22 =	vadd.f32 v35, v22;
	v21 =	vld [tilespmem:s15+$0x60]  }
.Ltmp1:
0xe8: {  	v28 =	vadd.f32 v28, v24;
	v25 =	vadd.f32 v30, v25;
	v24 =	vld [tilespmem:s15+$0x70];
	(pc) =	sbr.rel @p0 .LBB2_5-.Ltmp1, $4  }
0xe9: {  	v30 =	vadd.f32 v36, v32;
	v32 =	vadd.f32 v33, v22;
	v22 =	vld [tilespmem:s15+$0xA0]  }
0xea: {  	v33 =	vadd.f32 v23, v28;
	v35 =	vadd.f32 v27, v25;
	v25 =	vld [tilespmem:s15+$0xB0]  }
0xeb: {  	v27 =	vadd.f32 v34, v30;
	v28 =	vadd.f32 v31, v32;
	v23 =	vld [tilespmem:s15+$0xE0]  }
0xec: {  	v29 =	vadd.f32 v29, v33;
	v30 =	vadd.f32 v26, v35;
	v26 =	vld [tilespmem:s15+$0xF0];
	s15 =	sadd.s32 $0x200, s15  }
0xed: {  	v8 =	vadd.s32 v8, v9  }
0xee: {  	v8 =	vadd.s32 v10, v8  }
0xef: {  	v8 =	vadd.s32 v11, v8  }
0xf0: {  	v8 =	vadd.s32 v12, v8  }
0xf1: {  	v8 =	vadd.s32 v13, v8  }
0xf2: {  	v8 =	vadd.s32 v14, v8  }
0xf3: {  	v8 =	vadd.s32 v15, v8  }
0xf4: {  	v8 =	vadd.s32 v16, v8  }
0xf5: {  	v8 =	vadd.s32 v17, v8  }
0xf6: {  	v8 =	vadd.s32 v18, v8  }
0xf7: {  	v8 =	vadd.s32 v19, v8  }
0xf8: {  	v8 =	vadd.s32 v20, v8  }
0xf9: {  	v8 =	vcvt.s32.f32 v8;
	_ =	sdelay $0x1  }
0xfa: {  	v9 =	vsub.f32 $2.000000000e+02, v8;
	_ =	sdelay $0x1  }
0xfb: {  	v10 =	vmax.f32 v9, $1.000000000e+00  }
0xfc: {  	(erf) = vrcp.f32 v10;
	_ =	sdelay $0x3  }
0xfd: {  	s13 =	smin.u32 s0, $0x7A;
	v11 =	vadd.f32 v24, v28;
	v10 =	vadd.f32 v21, v27  }
0xfe: {  	s13 =	smul.u32 $0x320, s13;
	v6 =	vadd.f32 v6, v29;
	v7 =	vadd.f32 v7, v30  }
0xff: {  	v11 =	vadd.f32 v25, v11;
	v10 =	vadd.f32 v22, v10  }
0x100: {  	s13 =	sshrl.u32 s13, $0x2;
	v4 =	vadd.f32 v4, v6;
	v5 =	vadd.f32 v5, v7;
	v6 =	vmul.f32 v8, v0  }
0x101: {  	s15 =	sadd.s32 $0x3E8, s13;
	v7 =	vadd.f32 v23, v10;
	v10 =	vadd.f32 v26, v11;
	v11 =	vmul.f32 v8, v1  }
0x102: {  	[tilespmem:s14], [sflag:$0x2] =	stream.indirect.gather [hbm4b:s3+s9], $0x40, s15, s9, $0xb8;
	vm1 =	vgt.f32 v9, $0.0e+00;
	v4 =	vsub.f32 v4, v6;
	v6 =	vmul.f32 v8, v2;
	v9 =	vpop (erf);
	[tilespmem:$0x14C50] =	vst v63  }
0x103: {  	s8 =	sshll.u32 s8, $0x6;
	s13 =	sadd.s32 $0x468, s13;
	v8 =	vmul.f32 v8, v3;
	v5 =	vsub.f32 v5, v11;
	v9 =	vnsel vm1, $0x0, v9  }
0x104: {  	[tilespmem:s16], [sflag:$0x2] =	stream.indirect.gather [hbm4b:s3+s11], $0x40, s13, s11, $0xb8;
	v6 =	vsub.f32 v7, v6;
	v4 =	vmul.f32 v4, v9;
	[tilespmem:$0x14C50] =	vst v63  }
0x105: {  	s13 =	sand.u32 $0x3FFFFFC0, s8;
	v7 =	vsub.f32 v10, v8;
	v5 =	vmul.f32 v5, v9  }
0x106: {  	s8 =	sor.u32 $0x2, s0;
	[tilespmem:s13+$0x12C50] =	vst v4;
	v4 =	vmul.f32 v6, v9  }
0x107: {  	s15 =	smul.u32 $0x320, s8;
	[tilespmem:s13+$0x12C60] =	vst v5;
	v5 =	vmul.f32 v7, v9  }
0x108: {  	[tilespmem:s13+$0x12C70] =	vst v4  }
0x109: {  	s15 =	sshra.s32 s15, $0x2;
	[tilespmem:s13+$0x12C80] =	vst v5  }
0x10a: {  	v8 =	vld [tilespmem:s15+$0x0]  }
0x10b: {  	v9 =	vld [tilespmem:s15+$0x10]  }
0x10c: {  	v10 =	vld [tilespmem:s15+$0x20]  }
0x10d: {  	v11 =	vld [tilespmem:s15+$0x30]  }
0x10e: {  	v12 =	vld [tilespmem:s15+$0x40]  }
0x10f: {  	v13 =	vld [tilespmem:s15+$0x50]  }
0x110: {  	v14 =	vld [tilespmem:s15+$0x60]  }
0x111: {  	v15 =	vld [tilespmem:s15+$0x70]  }
0x112: {  	v16 =	vld [tilespmem:s15+$0x80]  }
0x113: {  	v17 =	vld [tilespmem:s15+$0x90]  }
0x114: {  	v18 =	vld [tilespmem:s15+$0xA0]  }
0x115: {  	v19 =	vld [tilespmem:s15+$0xB0]  }
0x116: {  	v20 =	vld [tilespmem:s15+$0xC0];
	_ =	swait.ge [sflag:s28], $0x2000  }
0x117: {  	[sflag:s28] =	ssyncset.done $0x0  }
0x118: {  	[sflag:s28] =	ssyncadd.s32 $0xFFFFE000  }
0x119: {  	_ =	swait.ge [sflag:s28], $0x1200  }
0x11a: {  	[sflag:s28] =	ssyncset.done $0x0  }
0x11b: {  	s15 =	simm.s32 $0xC910;
	[sflag:s28] =	ssyncadd.s32 $0xFFFFEE00  }
0x11c: {  	v4 =	vld [tilespmem:s15+$0xC0]  }
0x11d: {  	v5 =	vld [tilespmem:s15+$0xD0]  }
0x11e: {  	v6 =	vld [tilespmem:s15+$0x80]  }
0x11f: {  	v7 =	vld [tilespmem:s15+$0x90]  }
0x120: {  	v26 =	vld [tilespmem:s15+$0x40]  }
0x121: {  	v30 =	vld [tilespmem:s15+$0x50]  }
0x122: {  	v23 =	vld [tilespmem:s15+$0x0]  }
0x123: {  	v25 =	vld [tilespmem:s15+$0x10]  }
0x124: {  	v22 =	vld [tilespmem:s15+$0xFFFFFFC0]  }
0x125: {  	v24 =	vld [tilespmem:s15+$0xFFFFFFD0]  }
0x126: {  	v21 =	vld [tilespmem:s15+$0xFFFFFF80]  }
0x127: {  	v27 =	vld [tilespmem:s15+$0xFFFFFF90]  }
0x128: {  	v28 =	vld [tilespmem:s15+$0xFFFFFF40]  }
0x129: {  	v29 =	vld [tilespmem:s15+$0xFFFFFF50]  }
0x12a: {  	v31 =	vld [tilespmem:s15+$0xFFFFFF00]  }
0x12b: {  	vm1 =	veq.s32 v8, $0x0;
	vm2 =	veq.s32 v9, $0x0;
	v32 =	vld [tilespmem:s15+$0xFFFFFF10]  }
0x12c: {  	v8 =	vmpcnt.ones.xlane vm1;
	v9 =	vmpcnt.ones.xlane vm2;
	vm1 =	veq.s32 v10, $0x0;
	v33 =	vld [tilespmem:s15+$0xFFFFFF20]  }
0x12d: {  	vm2 =	veq.s32 v12, $0x0;
	v34 =	vld [tilespmem:s15+$0xFFFFFF30];
	v10 =	vmpcnt.ones.xlane vm1;
	vm1 =	veq.s32 v11, $0x0  }
0x12e: {  	v35 =	vld [tilespmem:s15+$0xFFFFFF60];
	v12 =	vmpcnt.ones.xlane vm2;
	v11 =	vmpcnt.ones.xlane vm1;
	vm1 =	veq.s32 v13, $0x0  }
0x12f: {  	v36 =	vld [tilespmem:s15+$0xFFFFFF70];
	vm2 =	veq.s32 v15, $0x0;
	v13 =	vmpcnt.ones.xlane vm1;
	vm1 =	veq.s32 v14, $0x0  }
0x130: {  	v37 =	vimm.f32 $0.0e+00;
	v38 =	vld [tilespmem:s15+$0xFFFFFFA0];
	v15 =	vmpcnt.ones.xlane vm2;
	v14 =	vmpcnt.ones.xlane vm1  }
0x131: {  	v39 =	vld [tilespmem:s15+$0xFFFFFFB0];
	vm1 =	veq.s32 v16, $0x0;
	v31 =	vadd.f32 v31, v37;
	v32 =	vadd.f32 v32, v37  }
0x132: {  	v58 =	vld [tilespmem:s15+$0xFFFFFFE0];
	v16 =	vmpcnt.ones.xlane vm1;
	v33 =	vadd.f32 v33, v37;
	v34 =	vadd.f32 v34, v37  }
0x133: {  	vm1 =	veq.s32 v17, $0x0;
	v28 =	vadd.f32 v28, v31;
	v29 =	vadd.f32 v29, v32;
	v31 =	vld [tilespmem:s15+$0xFFFFFFF0]  }
0x134: {  	v61 =	vld [tilespmem:s15+$0x20];
	v17 =	vmpcnt.ones.xlane vm1;
	v59 =	vadd.f32 v35, v33;
	v60 =	vadd.f32 v36, v34  }
0x135: {  	vm1 =	veq.s32 v18, $0x0;
	v28 =	vadd.f32 v21, v28;
	v27 =	vadd.f32 v27, v29;
	v29 =	vld [tilespmem:s15+$0x30]  }
0x136: {  	v18 =	vmpcnt.ones.xlane vm1;
	v32 =	vadd.f32 v38, v59;
	v33 =	vadd.f32 v39, v60;
	v21 =	vld [tilespmem:s15+$0x60]  }
0x137: {  	vm1 =	veq.s32 v19, $0x0;
	v28 =	vadd.f32 v22, v28;
	v27 =	vadd.f32 v24, v27;
	v24 =	vld [tilespmem:s15+$0x70]  }
0x138: {  	v19 =	vmpcnt.ones.xlane vm1;
	v32 =	vadd.f32 v58, v32;
	v22 =	vld [tilespmem:s15+$0xA0];
	v31 =	vadd.f32 v31, v33  }
0x139: {  	vm1 =	veq.s32 v20, $0x0;
	v62 =	vadd.f32 v23, v28;
	v63 =	vadd.f32 v25, v27;
	v25 =	vld [tilespmem:s15+$0xB0]  }
0x13a: {  	vm1 =	vmand vm1, vm0;
	v27 =	vadd.f32 v61, v32;
	v23 =	vld [tilespmem:s15+$0xE0];
	v28 =	vadd.f32 v29, v31  }
0x13b: {  	s13 =	simm.s32 $0x0;
	v20 =	vmpcnt.ones.xlane vm1;
	v29 =	vadd.f32 v26, v62;
	v30 =	vadd.f32 v30, v63;
	v26 =	vld [tilespmem:s15+$0xF0];
	s15 =	simm.s32 $0xCB10  }
.LBB2_7:
0x13c: {  	v31 =	vld [tilespmem:s15+$0xC0];
	v21 =	vadd.f32 v21, v27;
	v24 =	vadd.f32 v24, v28  }
0x13d: {  	v27 =	vld [tilespmem:s15+$0xD0];
	v28 =	vadd.f32 v6, v29;
	v29 =	vadd.f32 v7, v30  }
0x13e: {  	v6 =	vld [tilespmem:s15+$0x80];
	v21 =	vadd.f32 v22, v21;
	v22 =	vadd.f32 v25, v24  }
0x13f: {  	v7 =	vld [tilespmem:s15+$0x90];
	v24 =	vadd.f32 v4, v28;
	v25 =	vadd.f32 v5, v29  }
0x140: {  	v29 =	vld [tilespmem:s15+$0x40];
	v21 =	vadd.f32 v23, v21;
	v22 =	vadd.f32 v26, v22  }
0x141: {  	v26 =	vld [tilespmem:s15+$0x50];
	v4 =	vmov v31  }
0x142: {  	v23 =	vld [tilespmem:s15+$0x0];
	v5 =	vmov v27  }
0x143: {  	v27 =	vld [tilespmem:s15+$0x10]  }
0x144: {  	v28 =	vld [tilespmem:s15+$0xFFFFFFC0]  }
0x145: {  	v30 =	vld [tilespmem:s15+$0xFFFFFFD0]  }
0x146: {  	v31 =	vld [tilespmem:s15+$0xFFFFFF80]  }
0x147: {  	v32 =	vld [tilespmem:s15+$0xFFFFFF90]  }
0x148: {  	v33 =	vld [tilespmem:s15+$0xFFFFFF40]  }
0x149: {  	v34 =	vld [tilespmem:s15+$0xFFFFFF50]  }
0x14a: {  	v35 =	vld [tilespmem:s15+$0xFFFFFF00]  }
0x14b: {  	v36 =	vld [tilespmem:s15+$0xFFFFFF10]  }
0x14c: {  	v37 =	vld [tilespmem:s15+$0xFFFFFF20]  }
0x14d: {  	s13 =	sadd.s32 $0x8, s13;
	v38 =	vld [tilespmem:s15+$0xFFFFFF30]  }
0x14e: {  	p0 =	slt.u32 s13, $0xC0;
	v39 =	vld [tilespmem:s15+$0xFFFFFF60]  }
0x14f: {  	v40 =	vld [tilespmem:s15+$0xFFFFFF70]  }
0x150: {  	v41 =	vld [tilespmem:s15+$0xFFFFFFA0]  }
0x151: {  	v24 =	vadd.f32 v35, v24;
	v25 =	vadd.f32 v36, v25;
	v35 =	vld [tilespmem:s15+$0xFFFFFFB0]  }
0x152: {  	v21 =	vadd.f32 v37, v21;
	v22 =	vadd.f32 v38, v22;
	v36 =	vld [tilespmem:s15+$0xFFFFFFE0]  }
0x153: {  	v24 =	vadd.f32 v33, v24;
	v25 =	vadd.f32 v34, v25;
	v33 =	vld [tilespmem:s15+$0xFFFFFFF0]  }
0x154: {  	v21 =	vadd.f32 v39, v21;
	v22 =	vadd.f32 v40, v22;
	v34 =	vld [tilespmem:s15+$0x20]  }
0x155: {  	v24 =	vadd.f32 v31, v24;
	v25 =	vadd.f32 v32, v25;
	v31 =	vld [tilespmem:s15+$0x30]  }
0x156: {  	v32 =	vadd.f32 v41, v21;
	v22 =	vadd.f32 v35, v22;
	v21 =	vld [tilespmem:s15+$0x60]  }
.Ltmp2:
0x157: {  	v28 =	vadd.f32 v28, v24;
	v25 =	vadd.f32 v30, v25;
	v24 =	vld [tilespmem:s15+$0x70];
	(pc) =	sbr.rel @p0 .LBB2_7-.Ltmp2, $4  }
0x158: {  	v30 =	vadd.f32 v36, v32;
	v32 =	vadd.f32 v33, v22;
	v22 =	vld [tilespmem:s15+$0xA0]  }
0x159: {  	v33 =	vadd.f32 v23, v28;
	v35 =	vadd.f32 v27, v25;
	v25 =	vld [tilespmem:s15+$0xB0]  }
0x15a: {  	v27 =	vadd.f32 v34, v30;
	v28 =	vadd.f32 v31, v32;
	v23 =	vld [tilespmem:s15+$0xE0]  }
0x15b: {  	v29 =	vadd.f32 v29, v33;
	v30 =	vadd.f32 v26, v35;
	v26 =	vld [tilespmem:s15+$0xF0];
	s15 =	sadd.s32 $0x200, s15  }
0x15c: {  	v8 =	vadd.s32 v8, v9  }
0x15d: {  	v8 =	vadd.s32 v10, v8  }
0x15e: {  	v8 =	vadd.s32 v11, v8  }
0x15f: {  	v8 =	vadd.s32 v12, v8  }
0x160: {  	v8 =	vadd.s32 v13, v8  }
0x161: {  	v8 =	vadd.s32 v14, v8  }
0x162: {  	v8 =	vadd.s32 v15, v8  }
0x163: {  	v8 =	vadd.s32 v16, v8  }
0x164: {  	v8 =	vadd.s32 v17, v8  }
0x165: {  	v8 =	vadd.s32 v18, v8  }
0x166: {  	v8 =	vadd.s32 v19, v8  }
0x167: {  	v8 =	vadd.s32 v20, v8  }
0x168: {  	v8 =	vcvt.s32.f32 v8;
	_ =	sdelay $0x1  }
0x169: {  	v9 =	vsub.f32 $2.000000000e+02, v8;
	_ =	sdelay $0x1  }
0x16a: {  	v10 =	vmax.f32 v9, $1.000000000e+00  }
0x16b: {  	(erf) = vrcp.f32 v10;
	_ =	sdelay $0x3  }
0x16c: {  	s13 =	smin.u32 s0, $0x79;
	v11 =	vadd.f32 v24, v28;
	v10 =	vadd.f32 v21, v27  }
0x16d: {  	s13 =	smul.u32 $0x320, s13;
	v6 =	vadd.f32 v6, v29;
	v7 =	vadd.f32 v7, v30  }
0x16e: {  	v11 =	vadd.f32 v25, v11;
	v10 =	vadd.f32 v22, v10  }
0x16f: {  	s13 =	sshrl.u32 s13, $0x2;
	v4 =	vadd.f32 v4, v6;
	v5 =	vadd.f32 v5, v7;
	v6 =	vmul.f32 v8, v0  }
0x170: {  	s15 =	sadd.s32 $0x4B0, s13;
	v7 =	vadd.f32 v23, v10;
	v10 =	vadd.f32 v26, v11;
	v11 =	vmul.f32 v8, v1  }
0x171: {  	[tilespmem:s18], [sflag:$0x3] =	stream.indirect.gather [hbm4b:s3+s9], $0x40, s15, s9, $0xb8;
	vm1 =	vgt.f32 v9, $0.0e+00;
	v4 =	vsub.f32 v4, v6;
	v6 =	vmul.f32 v8, v2;
	v9 =	vpop (erf);
	[tilespmem:$0x14C50] =	vst v63  }
0x172: {  	s8 =	sshll.u32 s8, $0x6;
	s13 =	sadd.s32 $0x530, s13;
	v8 =	vmul.f32 v8, v3;
	v5 =	vsub.f32 v5, v11;
	v9 =	vnsel vm1, $0x0, v9  }
0x173: {  	[tilespmem:s20], [sflag:$0x3] =	stream.indirect.gather [hbm4b:s3+s11], $0x40, s13, s11, $0xb8;
	v6 =	vsub.f32 v7, v6;
	v4 =	vmul.f32 v4, v9;
	[tilespmem:$0x14C50] =	vst v63  }
0x174: {  	s13 =	sand.u32 $0x3FFFFFC0, s8;
	v7 =	vsub.f32 v10, v8;
	v5 =	vmul.f32 v5, v9  }
0x175: {  	s8 =	sor.u32 $0x3, s0;
	[tilespmem:s13+$0x12C50] =	vst v4;
	v4 =	vmul.f32 v6, v9  }
0x176: {  	s15 =	smul.u32 $0x320, s8;
	[tilespmem:s13+$0x12C60] =	vst v5;
	v5 =	vmul.f32 v7, v9  }
0x177: {  	[tilespmem:s13+$0x12C70] =	vst v4  }
0x178: {  	s15 =	sshra.s32 s15, $0x2;
	[tilespmem:s13+$0x12C80] =	vst v5  }
0x179: {  	v8 =	vld [tilespmem:s15+$0x0]  }
0x17a: {  	v9 =	vld [tilespmem:s15+$0x10]  }
0x17b: {  	v10 =	vld [tilespmem:s15+$0x20]  }
0x17c: {  	v11 =	vld [tilespmem:s15+$0x30]  }
0x17d: {  	v12 =	vld [tilespmem:s15+$0x40]  }
0x17e: {  	v13 =	vld [tilespmem:s15+$0x50]  }
0x17f: {  	v14 =	vld [tilespmem:s15+$0x60]  }
0x180: {  	v15 =	vld [tilespmem:s15+$0x70]  }
0x181: {  	v16 =	vld [tilespmem:s15+$0x80]  }
0x182: {  	v17 =	vld [tilespmem:s15+$0x90]  }
0x183: {  	v18 =	vld [tilespmem:s15+$0xA0]  }
0x184: {  	v19 =	vld [tilespmem:s15+$0xB0]  }
0x185: {  	v20 =	vld [tilespmem:s15+$0xC0];
	_ =	swait.ge [sflag:s29], $0x2000  }
0x186: {  	[sflag:s29] =	ssyncset.done $0x0  }
0x187: {  	[sflag:s29] =	ssyncadd.s32 $0xFFFFE000  }
0x188: {  	_ =	swait.ge [sflag:s29], $0x1200  }
0x189: {  	[sflag:s29] =	ssyncset.done $0x0  }
0x18a: {  	s15 =	simm.s32 $0xFB10;
	[sflag:s29] =	ssyncadd.s32 $0xFFFFEE00  }
0x18b: {  	v4 =	vld [tilespmem:s15+$0xC0]  }
0x18c: {  	v5 =	vld [tilespmem:s15+$0xD0]  }
0x18d: {  	v6 =	vld [tilespmem:s15+$0x80]  }
0x18e: {  	v7 =	vld [tilespmem:s15+$0x90]  }
0x18f: {  	v26 =	vld [tilespmem:s15+$0x40]  }
0x190: {  	v30 =	vld [tilespmem:s15+$0x50]  }
0x191: {  	v23 =	vld [tilespmem:s15+$0x0]  }
0x192: {  	v25 =	vld [tilespmem:s15+$0x10]  }
0x193: {  	v22 =	vld [tilespmem:s15+$0xFFFFFFC0]  }
0x194: {  	v24 =	vld [tilespmem:s15+$0xFFFFFFD0]  }
0x195: {  	v21 =	vld [tilespmem:s15+$0xFFFFFF80]  }
0x196: {  	v27 =	vld [tilespmem:s15+$0xFFFFFF90]  }
0x197: {  	v28 =	vld [tilespmem:s15+$0xFFFFFF40]  }
0x198: {  	v29 =	vld [tilespmem:s15+$0xFFFFFF50]  }
0x199: {  	v31 =	vld [tilespmem:s15+$0xFFFFFF00]  }
0x19a: {  	vm1 =	veq.s32 v8, $0x0;
	vm2 =	veq.s32 v9, $0x0;
	v32 =	vld [tilespmem:s15+$0xFFFFFF10]  }
0x19b: {  	v8 =	vmpcnt.ones.xlane vm1;
	v9 =	vmpcnt.ones.xlane vm2;
	vm1 =	veq.s32 v10, $0x0;
	v33 =	vld [tilespmem:s15+$0xFFFFFF20]  }
0x19c: {  	vm2 =	veq.s32 v12, $0x0;
	v34 =	vld [tilespmem:s15+$0xFFFFFF30];
	v10 =	vmpcnt.ones.xlane vm1;
	vm1 =	veq.s32 v11, $0x0  }
0x19d: {  	v35 =	vld [tilespmem:s15+$0xFFFFFF60];
	v12 =	vmpcnt.ones.xlane vm2;
	v11 =	vmpcnt.ones.xlane vm1;
	vm1 =	veq.s32 v13, $0x0  }
0x19e: {  	v36 =	vld [tilespmem:s15+$0xFFFFFF70];
	vm2 =	veq.s32 v15, $0x0;
	v13 =	vmpcnt.ones.xlane vm1;
	vm1 =	veq.s32 v14, $0x0  }
0x19f: {  	v37 =	vimm.f32 $0.0e+00;
	v38 =	vld [tilespmem:s15+$0xFFFFFFA0];
	v15 =	vmpcnt.ones.xlane vm2;
	v14 =	vmpcnt.ones.xlane vm1  }
0x1a0: {  	v39 =	vld [tilespmem:s15+$0xFFFFFFB0];
	vm1 =	veq.s32 v16, $0x0;
	v31 =	vadd.f32 v31, v37;
	v32 =	vadd.f32 v32, v37  }
0x1a1: {  	v58 =	vld [tilespmem:s15+$0xFFFFFFE0];
	v16 =	vmpcnt.ones.xlane vm1;
	v33 =	vadd.f32 v33, v37;
	v34 =	vadd.f32 v34, v37  }
0x1a2: {  	vm1 =	veq.s32 v17, $0x0;
	v28 =	vadd.f32 v28, v31;
	v29 =	vadd.f32 v29, v32;
	v31 =	vld [tilespmem:s15+$0xFFFFFFF0]  }
0x1a3: {  	v61 =	vld [tilespmem:s15+$0x20];
	v17 =	vmpcnt.ones.xlane vm1;
	v59 =	vadd.f32 v35, v33;
	v60 =	vadd.f32 v36, v34  }
0x1a4: {  	vm1 =	veq.s32 v18, $0x0;
	v28 =	vadd.f32 v21, v28;
	v27 =	vadd.f32 v27, v29;
	v29 =	vld [tilespmem:s15+$0x30]  }
0x1a5: {  	v18 =	vmpcnt.ones.xlane vm1;
	v32 =	vadd.f32 v38, v59;
	v33 =	vadd.f32 v39, v60;
	v21 =	vld [tilespmem:s15+$0x60]  }
0x1a6: {  	vm1 =	veq.s32 v19, $0x0;
	v28 =	vadd.f32 v22, v28;
	v27 =	vadd.f32 v24, v27;
	v24 =	vld [tilespmem:s15+$0x70]  }
0x1a7: {  	v19 =	vmpcnt.ones.xlane vm1;
	v32 =	vadd.f32 v58, v32;
	v22 =	vld [tilespmem:s15+$0xA0];
	v31 =	vadd.f32 v31, v33  }
0x1a8: {  	vm1 =	veq.s32 v20, $0x0;
	v62 =	vadd.f32 v23, v28;
	v63 =	vadd.f32 v25, v27;
	v25 =	vld [tilespmem:s15+$0xB0]  }
0x1a9: {  	vm1 =	vmand vm1, vm0;
	v27 =	vadd.f32 v61, v32;
	v23 =	vld [tilespmem:s15+$0xE0];
	v28 =	vadd.f32 v29, v31  }
0x1aa: {  	s13 =	simm.s32 $0x0;
	v20 =	vmpcnt.ones.xlane vm1;
	v29 =	vadd.f32 v26, v62;
	v30 =	vadd.f32 v30, v63;
	v26 =	vld [tilespmem:s15+$0xF0];
	s15 =	simm.s32 $0xFD10  }
.LBB2_9:
0x1ab: {  	v31 =	vld [tilespmem:s15+$0xC0];
	v21 =	vadd.f32 v21, v27;
	v24 =	vadd.f32 v24, v28  }
0x1ac: {  	v27 =	vld [tilespmem:s15+$0xD0];
	v28 =	vadd.f32 v6, v29;
	v29 =	vadd.f32 v7, v30  }
0x1ad: {  	v6 =	vld [tilespmem:s15+$0x80];
	v21 =	vadd.f32 v22, v21;
	v22 =	vadd.f32 v25, v24  }
0x1ae: {  	v7 =	vld [tilespmem:s15+$0x90];
	v24 =	vadd.f32 v4, v28;
	v25 =	vadd.f32 v5, v29  }
0x1af: {  	v29 =	vld [tilespmem:s15+$0x40];
	v21 =	vadd.f32 v23, v21;
	v22 =	vadd.f32 v26, v22  }
0x1b0: {  	v26 =	vld [tilespmem:s15+$0x50];
	v4 =	vmov v31  }
0x1b1: {  	v23 =	vld [tilespmem:s15+$0x0];
	v5 =	vmov v27  }
0x1b2: {  	v27 =	vld [tilespmem:s15+$0x10]  }
0x1b3: {  	v28 =	vld [tilespmem:s15+$0xFFFFFFC0]  }
0x1b4: {  	v30 =	vld [tilespmem:s15+$0xFFFFFFD0]  }
0x1b5: {  	v31 =	vld [tilespmem:s15+$0xFFFFFF80]  }
0x1b6: {  	v32 =	vld [tilespmem:s15+$0xFFFFFF90]  }
0x1b7: {  	v33 =	vld [tilespmem:s15+$0xFFFFFF40]  }
0x1b8: {  	v34 =	vld [tilespmem:s15+$0xFFFFFF50]  }
0x1b9: {  	v35 =	vld [tilespmem:s15+$0xFFFFFF00]  }
0x1ba: {  	v36 =	vld [tilespmem:s15+$0xFFFFFF10]  }
0x1bb: {  	v37 =	vld [tilespmem:s15+$0xFFFFFF20]  }
0x1bc: {  	s13 =	sadd.s32 $0x8, s13;
	v38 =	vld [tilespmem:s15+$0xFFFFFF30]  }
0x1bd: {  	p0 =	slt.u32 s13, $0xC0;
	v39 =	vld [tilespmem:s15+$0xFFFFFF60]  }
0x1be: {  	v40 =	vld [tilespmem:s15+$0xFFFFFF70]  }
0x1bf: {  	v41 =	vld [tilespmem:s15+$0xFFFFFFA0]  }
0x1c0: {  	v24 =	vadd.f32 v35, v24;
	v25 =	vadd.f32 v36, v25;
	v35 =	vld [tilespmem:s15+$0xFFFFFFB0]  }
0x1c1: {  	v21 =	vadd.f32 v37, v21;
	v22 =	vadd.f32 v38, v22;
	v36 =	vld [tilespmem:s15+$0xFFFFFFE0]  }
0x1c2: {  	v24 =	vadd.f32 v33, v24;
	v25 =	vadd.f32 v34, v25;
	v33 =	vld [tilespmem:s15+$0xFFFFFFF0]  }
0x1c3: {  	v21 =	vadd.f32 v39, v21;
	v22 =	vadd.f32 v40, v22;
	v34 =	vld [tilespmem:s15+$0x20]  }
0x1c4: {  	v24 =	vadd.f32 v31, v24;
	v25 =	vadd.f32 v32, v25;
	v31 =	vld [tilespmem:s15+$0x30]  }
0x1c5: {  	v32 =	vadd.f32 v41, v21;
	v22 =	vadd.f32 v35, v22;
	v21 =	vld [tilespmem:s15+$0x60]  }
.Ltmp3:
0x1c6: {  	v28 =	vadd.f32 v28, v24;
	v25 =	vadd.f32 v30, v25;
	v24 =	vld [tilespmem:s15+$0x70];
	(pc) =	sbr.rel @p0 .LBB2_9-.Ltmp3, $4  }
0x1c7: {  	v30 =	vadd.f32 v36, v32;
	v32 =	vadd.f32 v33, v22;
	v22 =	vld [tilespmem:s15+$0xA0]  }
0x1c8: {  	v33 =	vadd.f32 v23, v28;
	v35 =	vadd.f32 v27, v25;
	v25 =	vld [tilespmem:s15+$0xB0]  }
0x1c9: {  	v27 =	vadd.f32 v34, v30;
	v28 =	vadd.f32 v31, v32;
	v23 =	vld [tilespmem:s15+$0xE0]  }
0x1ca: {  	v29 =	vadd.f32 v29, v33;
	v30 =	vadd.f32 v26, v35;
	v26 =	vld [tilespmem:s15+$0xF0];
	s15 =	sadd.s32 $0x200, s15  }
0x1cb: {  	v8 =	vadd.s32 v8, v9  }
0x1cc: {  	v8 =	vadd.s32 v10, v8  }
0x1cd: {  	v8 =	vadd.s32 v11, v8  }
0x1ce: {  	v8 =	vadd.s32 v12, v8  }
0x1cf: {  	v8 =	vadd.s32 v13, v8  }
0x1d0: {  	v8 =	vadd.s32 v14, v8  }
0x1d1: {  	v8 =	vadd.s32 v15, v8  }
0x1d2: {  	v8 =	vadd.s32 v16, v8  }
0x1d3: {  	v8 =	vadd.s32 v17, v8  }
0x1d4: {  	v8 =	vadd.s32 v18, v8  }
0x1d5: {  	v8 =	vadd.s32 v19, v8  }
0x1d6: {  	v8 =	vadd.s32 v20, v8  }
0x1d7: {  	v8 =	vcvt.s32.f32 v8;
	_ =	sdelay $0x1  }
0x1d8: {  	v53 =	vsub.f32 $2.000000000e+02, v8;
	_ =	sdelay $0x1  }
0x1d9: {  	v54 =	vmax.f32 v53, $1.000000000e+00  }
0x1da: {  	(erf) = vrcp.f32 v54;
	_ =	sdelay $0x3  }
0x1db: {  	s0 =	smin.u32 s0, $0x78;
	v55 =	vadd.f32 v21, v27;
	v56 =	vadd.f32 v24, v28  }
0x1dc: {  	s0 =	smul.u32 $0x320, s0;
	v6 =	vadd.f32 v6, v29;
	v7 =	vadd.f32 v7, v30  }
0x1dd: {  	v10 =	vadd.f32 v22, v55;
	v11 =	vadd.f32 v25, v56  }
0x1de: {  	s0 =	sshrl.u32 s0, $0x2;
	v4 =	vadd.f32 v4, v6;
	v5 =	vadd.f32 v5, v7;
	v57 =	vmul.f32 v8, v0  }
0x1df: {  	s1 =	sadd.s32 $0x1, s1;
	s13 =	sadd.s32 $0x578, s0;
	v58 =	vadd.f32 v23, v10;
	v59 =	vadd.f32 v26, v11;
	v60 =	vmul.f32 v8, v1  }
0x1e0: {  	[tilespmem:s22], [sflag:$0x4] =	stream.indirect.gather [hbm4b:s3+s9], $0x40, s13, s9, $0xb8;
	v62 =	vmul.f32 v8, v2;
	vm1 =	vgt.f32 v53, $0.0e+00;
	v4 =	vsub.f32 v4, v57;
	v61 =	vpop (erf);
	[tilespmem:$0x14C50] =	vst v63  }
0x1e1: {  	s15 =	sshll.u32 s8, $0x6;
	p0 =	sne.s32 s1, $0x20;
	s0 =	sadd.s32 $0x5F8, s0;
	v8 =	vmul.f32 v8, v3;
	v5 =	vsub.f32 v5, v60;
	v9 =	vnsel vm1, $0x0, v61  }
0x1e2: {  	[tilespmem:s24], [sflag:$0x4] =	stream.indirect.gather [hbm4b:s3+s11], $0x40, s0, s11, $0xb8;
	v6 =	vsub.f32 v58, v62;
	v4 =	vmul.f32 v4, v9;
	[tilespmem:$0x14C50] =	vst v63  }
.Ltmp4:
0x1e3: {  	s0 =	sand.u32 $0x3FFFFFC0, s15;
	v63 =	vsub.f32 v59, v8;
	v5 =	vmul.f32 v5, v9;
	(pc) =	sbr.rel @p0 .LBB2_2-.Ltmp4, $4  }
0x1e4: {  	[tilespmem:s0+$0x12C50] =	vst v4;
	v4 =	vmul.f32 v6, v9  }
0x1e5: {  	[tilespmem:s0+$0x12C60] =	vst v5;
	v5 =	vmul.f32 v63, v9  }
0x1e6: {  	[tilespmem:s0+$0x12C70] =	vst v4  }
0x1e7: {  	[tilespmem:s0+$0x12C80] =	vst v5  }
0x1e8: {  	_ =	swait.ge [sflag:s25], $0x2000  }
0x1e9: {  	[sflag:s25] =	ssyncset.done $0x0  }
0x1ea: {  	[sflag:s25] =	ssyncadd.s32 $0xFFFFE000  }
0x1eb: {  	_ =	swait.ge [sflag:s25], $0x1200  }
0x1ec: {  	[sflag:s25] =	ssyncset.done $0x0  }
0x1ed: {  	[sflag:s25] =	ssyncadd.s32 $0xFFFFEE00  }
0x1ee: {  	_ =	swait.ge [sflag:s26], $0x2000  }
0x1ef: {  	[sflag:s26] =	ssyncset.done $0x0  }
0x1f0: {  	[sflag:s26] =	ssyncadd.s32 $0xFFFFE000  }
0x1f1: {  	_ =	swait.ge [sflag:s26], $0x1200  }
0x1f2: {  	[sflag:s26] =	ssyncset.done $0x0  }
0x1f3: {  	[sflag:s26] =	ssyncadd.s32 $0xFFFFEE00  }
0x1f4: {  	_ =	swait.ge [sflag:s28], $0x2000  }
0x1f5: {  	[sflag:s28] =	ssyncset.done $0x0  }
0x1f6: {  	[sflag:s28] =	ssyncadd.s32 $0xFFFFE000  }
0x1f7: {  	_ =	swait.ge [sflag:s28], $0x1200  }
0x1f8: {  	[sflag:s28] =	ssyncset.done $0x0  }
0x1f9: {  	[sflag:s28] =	ssyncadd.s32 $0xFFFFEE00  }
0x1fa: {  	_ =	swait.ge [sflag:s29], $0x2000  }
0x1fb: {  	[sflag:s29] =	ssyncset.done $0x0  }
0x1fc: {  	[sflag:s29] =	ssyncadd.s32 $0xFFFFE000  }
0x1fd: {  	s31 =	sadd.s32 $0x1, s31;
	_ =	swait.ge [sflag:s29], $0x1200  }
0x1fe: {  	p0 =	sne.s32 s31, s6;
	[sflag:s29] =	ssyncset.done $0x0  }
.Ltmp5:
0x1ff: {  	[sflag:s29] =	ssyncadd.s32 $0xFFFFEE00;
	(pc) =	sbr.rel @p0 .LBB2_1-.Ltmp5, $4  }
0x200: {  	[hbm4b:s5+s2] =	stream.linear.scatter [tilespmem:s30], [sflag:$0x5], $0x2000, $0x38;
	[tilespmem:$0x14C50] =	vst v63  }
0x201: {  	_ =	swait.ge [sflag:s7], $0x2000  }
0x202: {  	[sflag:s7] =	ssyncset.done $0x0  }
0x203: {  	[sflag:s7] =	ssyncadd.s32 $0xFFFFE000  }
0x204: {  	_ =	sfence.sel $0x180000  }
0x205: {  	[bflag:$0x0] =	sbarrier.arrive $0xFFFF  }
0x206: {  	_ =	strace $0x9000004A  }
0x207: {  	s0 =	stileid.u32;
	[bflag:$0x2] =	sbarrier.arrive $0xFFFF  }
0x208: {  	p0 =	sne.s32 s0, $0x0;
	s0 =	rddreg [dreg:$0x2]  }
0x209: {  	s0 =	sadd.s32 @!p0 $0x100000, s0  }
0x20a: {  	[sflag:s0] =	ssyncadd.tile.s32 @!p0 $0x1;
	_ =	shalt  }
.Lfunc_end2:
_tile_overlayer_lowered:
.L_overlay_start_2:
0x20b: {  	(tag) =	ssettag $0x2  }
0x20c: {  	s0 =	rddreg [dreg:$0x0];
	s2 =	stileid.u32  }
0x20d: {  	s1 =	rddreg [dreg:$0x1];
	p0 =	sne.s32 s2, $0x0  }
0x20e: {  	s3 =	rddreg [dreg:$0x2];
	[bflag:$0x3] =	sbarrier.arrive $0xFFFF;
	s2 =	simm.s32 @!p0 $0x1C05  }
0x20f: {  	[timem:s3], [sflag:s2] =	dma.local @!p0 [hbm:s0], s1  }
0x210: {  	s0 =	simm.s32 @!p0 $0x5  }
0x211: {  	_ =	swait.ge @!p0 [sflag:s0], s1  }
0x212: {  	s1 =	ssub.s32 @!p0 $0x0, s1;
	[sflag:s0] =	ssyncset.done @!p0 $0x0  }
0x213: {  	[sflag:s0] =	ssyncadd.s32 @!p0 s1  }
0x214: {  	[bflag:$0x3] =	sbarrier.arrive $0xFFFF  }
0x215: {  	_ =	shalt  }

</sc_bundles>
